<compile_context>
chip_gen: v7x
topology: tpu7x:2x2x1
jax: 0.10.2.dev20260603
libtpu: 0.0.44.dev20260713+nightly
codegen_flags: <defaults>
</compile_context>

<pallas_src>
import functools

import jax
import jax.numpy as jnp
from jax import lax
from jax.experimental import pallas as pl
from jax.experimental.pallas import tpu as pltpu
from jax.experimental.pallas import tpu_sc as plsc

NUM_USERS = 25000
NUM_ITEMS = 25000
N = NUM_USERS + NUM_ITEMS
D = 64
E = 800000
N_LAYERS = 3
B = 1024

NC = 2
NS = 16
L = 16

HALF = N // NC
ACC_R = 25088
DUMMY = HALF
ZROWS = 224
CH = 80
EDGES_PER_TILE = E // NS
N_CHUNKS = EDGES_PER_TILE // CH


def _layer_body(emb_hbm, dst_hbm, src_hbm, w_hbm, out_hbm,
                dstv, srcv, wv, liv, rows, zbuf, acc, gsem):
  c = lax.axis_index("c")
  s = lax.axis_index("s")
  lo = c * HALF

  def _zero_zbuf(i, _):
    for k in range(D // L):
      zbuf[i, pl.ds(k * L, L)] = jnp.zeros((L,), jnp.float32)
    return 0
  lax.fori_loop(0, ZROWS, _zero_zbuf, 0)
  zbase = s * (ACC_R // NS)
  for j in range(ACC_R // NS // ZROWS):
    pltpu.sync_copy(zbuf, acc.at[pl.ds(zbase + j * ZROWS, ZROWS)])
  plsc.subcore_barrier()

  def _chunk(g, _):
    base = s * EDGES_PER_TILE + g * CH
    pltpu.sync_copy(dst_hbm.at[pl.ds(base, CH)], dstv)
    pltpu.sync_copy(src_hbm.at[pl.ds(base, CH)], srcv)
    pltpu.sync_copy(w_hbm.at[pl.ds(base, CH)], wv)

    for j in range(CH // L):
      d = dstv[pl.ds(j * L, L)]
      inr = (d >= lo) & (d < lo + HALF)
      liv[pl.ds(j * L, L)] = jnp.where(inr, d - lo, DUMMY)

    pltpu.async_copy(emb_hbm.at[srcv], rows, gsem).wait()

    def _scale(j, _):
      wall = wv[pl.ds(j * L, L)]
      for e16 in range(L):
        wvec = jnp.full((L,), wall[e16], jnp.float32)
        e = j * L + e16
        for k in range(D // L):
          sl = pl.ds(k * L, L)
          rows[e, sl] = rows[e, sl] * wvec
      return 0
    lax.fori_loop(0, CH // L, _scale, 0)

    pltpu.sync_copy(rows, acc.at[liv], add=True)
    return 0
  lax.fori_loop(0, N_CHUNKS, _chunk, 0)
  plsc.subcore_barrier()

  WR = 1560
  pltpu.sync_copy(acc.at[pl.ds(s * WR, WR)], out_hbm.at[pl.ds(lo + s * WR, WR)])

  @pl.when(s == 0)
  def _():
    pltpu.sync_copy(acc.at[pl.ds(NS * WR, HALF - NS * WR)],
                    out_hbm.at[pl.ds(lo + NS * WR, HALF - NS * WR)])


@functools.partial(
    pl.kernel,
    out_type=jax.ShapeDtypeStruct((N, D), jnp.float32),
    mesh=plsc.VectorSubcoreMesh(core_axis_name="c", subcore_axis_name="s"),
    scratch_types=[
        pltpu.VMEM((CH,), jnp.int32),
        pltpu.VMEM((CH,), jnp.int32),
        pltpu.VMEM((CH,), jnp.float32),
        pltpu.VMEM((CH,), jnp.int32),
        pltpu.VMEM((CH, D), jnp.float32),
        pltpu.VMEM((ZROWS, D), jnp.float32),
        pltpu.VMEM_SHARED((ACC_R, D), jnp.float32),
        pltpu.SemaphoreType.DMA,
    ],
    compiler_params=pltpu.CompilerParams(use_tc_tiling_on_sc=False),
    name="lightgcn_layer",
)
def _layer(emb_hbm, dst_hbm, src_hbm, w_hbm, out_hbm, *scratch):
  _layer_body(emb_hbm, dst_hbm, src_hbm, w_hbm, out_hbm, *scratch)


ROWS_PER_TILE_G = B // (NC * NS)


def _gather_body(e0, e1, e2, e3, users_hbm, out_hbm, idxv, b0, b1, obuf, gsem):
  c = lax.axis_index("c")
  s = lax.axis_index("s")
  wid = s * NC + c
  base = wid * ROWS_PER_TILE_G
  pltpu.sync_copy(users_hbm.at[pl.ds(base, ROWS_PER_TILE_G)], idxv)
  pltpu.async_copy(e0.at[idxv], obuf, gsem).wait()
  pltpu.async_copy(e1.at[idxv], b0, gsem).wait()
  pltpu.async_copy(e2.at[idxv], b1, gsem).wait()

  def _addrow(r, _):
    for k in range(D // L):
      sl = pl.ds(k * L, L)
      obuf[r, sl] = obuf[r, sl] + b0[r, sl] + b1[r, sl]
    return 0
  lax.fori_loop(0, ROWS_PER_TILE_G, _addrow, 0)

  pltpu.async_copy(e3.at[idxv], b0, gsem).wait()

  def _addrow2(r, _):
    for k in range(D // L):
      sl = pl.ds(k * L, L)
      obuf[r, sl] = obuf[r, sl] + b0[r, sl]
    return 0
  lax.fori_loop(0, ROWS_PER_TILE_G, _addrow2, 0)

  pltpu.sync_copy(obuf, out_hbm.at[pl.ds(base, ROWS_PER_TILE_G)])


@functools.partial(
    pl.kernel,
    out_type=jax.ShapeDtypeStruct((B, D), jnp.float32),
    mesh=plsc.VectorSubcoreMesh(core_axis_name="c", subcore_axis_name="s"),
    scratch_types=[
        pltpu.VMEM((ROWS_PER_TILE_G,), jnp.int32),
        pltpu.VMEM((ROWS_PER_TILE_G, D), jnp.float32),
        pltpu.VMEM((ROWS_PER_TILE_G, D), jnp.float32),
        pltpu.VMEM((ROWS_PER_TILE_G, D), jnp.float32),
        pltpu.SemaphoreType.DMA,
    ],
    compiler_params=pltpu.CompilerParams(use_tc_tiling_on_sc=False),
    name="lightgcn_user_gather",
)
def _user_gather(e0, e1, e2, e3, users_hbm, out_hbm, *scratch):
  _gather_body(e0, e1, e2, e3, users_hbm, out_hbm, *scratch)


IB = 512


def _rating_kernel(u_ref, i0_ref, i1_ref, i2_ref, i3_ref, o_ref):
  isum = i0_ref[...] + i1_ref[...] + i2_ref[...] + i3_ref[...]
  acc = lax.dot_general(u_ref[...], isum, (((1,), (1,)), ((), ())),
                        preferred_element_type=jnp.float32)
  o_ref[...] = jax.nn.sigmoid(acc * (1.0 / (N_LAYERS + 1) ** 2))


def _rating(u_sum, i0, i1, i2, i3):
  grid = (pl.cdiv(NUM_ITEMS, IB),)
  ispec = pl.BlockSpec((IB, D), lambda n: (n, 0))
  return pl.pallas_call(
      _rating_kernel,
      grid=grid,
      in_specs=[pl.BlockSpec((B, D), lambda n: (0, 0)),
                ispec, ispec, ispec, ispec],
      out_specs=pl.BlockSpec((B, IB), lambda n: (0, n)),
      out_shape=jax.ShapeDtypeStruct((B, NUM_ITEMS), jnp.float32),
      name="lightgcn_rating",
  )(u_sum, i0, i1, i2, i3)


def kernel(user_emb, item_emb, edge_index, edge_weight, users):
  e0 = jnp.concatenate([user_emb, item_emb], axis=0)
  dst = edge_index[0].astype(jnp.int32)
  src = edge_index[1].astype(jnp.int32)
  w = edge_weight.astype(jnp.float32)
  users = users.astype(jnp.int32)

  e1 = _layer(e0, dst, src, w)
  e2 = _layer(e1, dst, src, w)
  e3 = _layer(e2, dst, src, w)

  u_sum = _user_gather(e0, e1, e2, e3, users)
  return _rating(u_sum, e0[NUM_USERS:], e1[NUM_USERS:],
                 e2[NUM_USERS:], e3[NUM_USERS:])

# --- scband reference (transcript-rebuilt; emitter-appended) ---
"""Pipeline reference for scband-light-gcn-25434796327148 (READ-ONLY COPY).

The authoritative reference and input builder live on the scoring server;
editing this copy changes nothing except your own understanding.
"""

import jax, jax.numpy as jnp
import numpy as np

NUM_USERS = 25000
NUM_ITEMS = 25000
D = 64
E = 800000
N_LAYERS = 3
B = 1024


def setup_inputs(seed: int = 0) -> dict:
    key = jax.random.key(seed)
    k1, k2, k3, k4, k5 = jax.random.split(key, 5)
    user_emb = jax.random.normal(k1, (NUM_USERS, D), dtype=jnp.float32) * 0.1
    item_emb = jax.random.normal(k2, (NUM_ITEMS, D), dtype=jnp.float32) * 0.1
    edge_index = jax.random.randint(k3, (2, E), 0, NUM_USERS + NUM_ITEMS, dtype=jnp.int64 if jax.config.jax_enable_x64 else jnp.int32)
    edge_weight = jax.random.uniform(k4, (E,), dtype=jnp.float32)
    users = jax.random.randint(k5, (B,), 0, NUM_USERS, dtype=jnp.int64 if jax.config.jax_enable_x64 else jnp.int32)
    return {"user_emb": user_emb, "item_emb": item_emb, "edge_index": edge_index, "edge_weight": edge_weight, "users": users}


def reference(user_emb, item_emb, edge_index, edge_weight, users):
    # LightGCN.computer(): layer-wise sparse propagation all_emb = A @ all_emb,
    # then mean over layer outputs (including layer 0).
    all_emb = jnp.concatenate([user_emb, item_emb], axis=0)
    n = all_emb.shape[0]
    dst = edge_index[0]
    src = edge_index[1]
    embs = [all_emb]
    for _ in range(N_LAYERS):
        # sparse mm: out[dst] += w * all_emb[src]  (gather + scatter-add)
        msg = jnp.take(all_emb, src, axis=0) * edge_weight[:, None]
        all_emb = jax.ops.segment_sum(msg, dst, num_segments=n)
        embs.append(all_emb)
    embs = jnp.stack(embs, axis=1)
    light_out = jnp.mean(embs, axis=1)
    all_users = light_out[:NUM_USERS]
    all_items = light_out[NUM_USERS:]
    # getUsersRating(users): sigmoid(users_emb @ items_emb.T)
    users_emb = jnp.take(all_users, users, axis=0)
    rating = jax.nn.sigmoid(users_emb @ all_items.T)
    return rating

if __name__ == "__main__":
    import jax
    _d = setup_inputs()
    print(jax.jit(kernel)(*tuple(_d.values())))

</pallas_src>

<mosaic_0001>
#map = affine_map<(d0, d1) -> (0, 0)>
#map1 = affine_map<(d0, d1) -> (0)>
module attributes {stable_mosaic.version = 14 : i64} {
  func.func @lightgcn_layer(%arg0: i32, %arg1: i32, %arg2: memref<50000x64xf32, #tpu.memory_space<hbm>>, %arg3: memref<800000xi32, #tpu.memory_space<hbm>>, %arg4: memref<800000xi32, #tpu.memory_space<hbm>>, %arg5: memref<800000xf32, #tpu.memory_space<hbm>>, %arg6: memref<50000x64xf32, #tpu.memory_space<hbm>>, %arg7: memref<80xi32, #tpu.memory_space<vmem>>, %arg8: memref<80xi32, #tpu.memory_space<vmem>>, %arg9: memref<80xf32, #tpu.memory_space<vmem>>, %arg10: memref<80xi32, #tpu.memory_space<vmem>>, %arg11: memref<80x64xf32, #tpu.memory_space<vmem>>, %arg12: memref<224x64xf32, #tpu.memory_space<vmem>>, %arg13: memref<25088x64xf32, #tpu.memory_space<vmem_shared>>, %arg14: memref<!tpu.dma_semaphore, #tpu.memory_space<semaphore_mem>>) attributes {dimension_semantics = [#tpu.dimension_semantics<core_parallel>, #tpu.dimension_semantics<subcore_parallel>], iteration_bounds = array<i64: 2, 16>, scalar_prefetch = 0 : i64, scratch_operands = 8 : i64, tpu.core_type = #tpu.core_type<sc_vector_subcore>, window_params = [{transform_indices = #map}, {transform_indices = #map1}, {transform_indices = #map1}, {transform_indices = #map1}, {transform_indices = #map}]} {
    %mul3A = arith.constant 25000 : i32
    %mul3A_0 = arith.muli %arg0, %mul3A : i32
    %scan3A = arith.constant 0 : i32
    %scan3A_1 = arith.constant 0 : i32
    %scan3A_2 = arith.constant 224 : i32
    %scan3A_3 = arith.addi %scan3A_1, %scan3A_2 : i32
    %scan3A_4 = arith.constant 1 : i32
    %scan3A_5 = scf.for %scan3A_37 = %scan3A_1 to %scan3A_3 step %scan3A_4 iter_args(%scan3A_38 = %scan3A) -> (i32)  : i32 {
      %broadcast_in_dim3A = arith.constant 0.000000e+00 : f32
      %broadcast_in_dim3A_39 = vector.broadcast %broadcast_in_dim3A : f32 to vector<16xf32>
      %swap3A = arith.index_cast %scan3A_37 : i32 to index
      %swap3A_40 = arith.constant 0 : index
      %swap3A_41 = tpu.vector_load %arg12[%swap3A, %swap3A_40] {strides = array<i32>} : memref<224x64xf32, #tpu.memory_space<vmem>>, vector<1x16xf32>,
      %swap3A_42 = vector.shape_cast %swap3A_41 : vector<1x16xf32> to vector<16xf32>
      %swap3A_43 = vector.shape_cast %broadcast_in_dim3A_39 : vector<16xf32> to vector<1x16xf32>
      tpu.vector_store %arg12[%swap3A, %swap3A_40], %swap3A_43 {strides = array<i32>} : memref<224x64xf32, #tpu.memory_space<vmem>>, vector<1x16xf32>,
      %broadcast_in_dim3A_44 = arith.constant 0.000000e+00 : f32
      %broadcast_in_dim3A_45 = vector.broadcast %broadcast_in_dim3A_44 : f32 to vector<16xf32>
      %swap3A_46 = arith.index_cast %scan3A_37 : i32 to index
      %swap3A_47 = arith.constant 16 : index
      %swap3A_48 = tpu.vector_load %arg12[%swap3A_46, %swap3A_47] {strides = array<i32>} : memref<224x64xf32, #tpu.memory_space<vmem>>, vector<1x16xf32>,
      %swap3A_49 = vector.shape_cast %swap3A_48 : vector<1x16xf32> to vector<16xf32>
      %swap3A_50 = vector.shape_cast %broadcast_in_dim3A_45 : vector<16xf32> to vector<1x16xf32>
      tpu.vector_store %arg12[%swap3A_46, %swap3A_47], %swap3A_50 {strides = array<i32>} : memref<224x64xf32, #tpu.memory_space<vmem>>, vector<1x16xf32>,
      %broadcast_in_dim3A_51 = arith.constant 0.000000e+00 : f32
      %broadcast_in_dim3A_52 = vector.broadcast %broadcast_in_dim3A_51 : f32 to vector<16xf32>
      %swap3A_53 = arith.index_cast %scan3A_37 : i32 to index
      %swap3A_54 = arith.constant 32 : index
      %swap3A_55 = tpu.vector_load %arg12[%swap3A_53, %swap3A_54] {strides = array<i32>} : memref<224x64xf32, #tpu.memory_space<vmem>>, vector<1x16xf32>,
      %swap3A_56 = vector.shape_cast %swap3A_55 : vector<1x16xf32> to vector<16xf32>
      %swap3A_57 = vector.shape_cast %broadcast_in_dim3A_52 : vector<16xf32> to vector<1x16xf32>
      tpu.vector_store %arg12[%swap3A_53, %swap3A_54], %swap3A_57 {strides = array<i32>} : memref<224x64xf32, #tpu.memory_space<vmem>>, vector<1x16xf32>,
      %broadcast_in_dim3A_58 = arith.constant 0.000000e+00 : f32
      %broadcast_in_dim3A_59 = vector.broadcast %broadcast_in_dim3A_58 : f32 to vector<16xf32>
      %swap3A_60 = arith.index_cast %scan3A_37 : i32 to index
      %swap3A_61 = arith.constant 48 : index
      %swap3A_62 = tpu.vector_load %arg12[%swap3A_60, %swap3A_61] {strides = array<i32>} : memref<224x64xf32, #tpu.memory_space<vmem>>, vector<1x16xf32>,
      %swap3A_63 = vector.shape_cast %swap3A_62 : vector<1x16xf32> to vector<16xf32>
      %swap3A_64 = vector.shape_cast %broadcast_in_dim3A_59 : vector<16xf32> to vector<1x16xf32>
      tpu.vector_store %arg12[%swap3A_60, %swap3A_61], %swap3A_64 {strides = array<i32>} : memref<224x64xf32, #tpu.memory_space<vmem>>, vector<1x16xf32>,
      %scan3A_65 = arith.constant 0 : i32
      scf.yield %scan3A_65 : i32
    }
    %scan3A_6 = arith.constant 224 : i32
    %mul3A_7 = arith.constant 1568 : i32
    %mul3A_8 = arith.muli %arg1, %mul3A_7 : i32
    %add3A = arith.constant 0 : i32
    %add3A_9 = arith.addi %mul3A_8, %add3A : i32
    "tpu.region"() ({
      %run_scoped3A = tpu.sem_alloc : memref<!tpu.dma_semaphore, #tpu.memory_space<semaphore_mem>>
      %dma_start3A = arith.constant 0 : i32
      %dma_start3A_37 = tpu.memref_slice %arg13[%add3A_9, %dma_start3A] : memref<25088x64xf32, #tpu.memory_space<vmem_shared>> -> memref<224x64xf32, #tpu.memory_space<vmem_shared>>
      %dma_start3A_38 = arith.constant 0 : i32
      %dma_start3A_39 = tpu.memref_slice %arg13[%add3A_9, %dma_start3A_38] : memref<25088x64xf32, #tpu.memory_space<vmem_shared>> -> memref<224x64xf32, #tpu.memory_space<vmem_shared>>
      tpu.enqueue_dma source(%arg12 : memref<224x64xf32, #tpu.memory_space<vmem>>) target(%dma_start3A_39 : memref<224x64xf32, #tpu.memory_space<vmem_shared>>) target_semaphore(%run_scoped3A : memref<!tpu.dma_semaphore, #tpu.memory_space<semaphore_mem>>)
      %dma_wait3A = arith.constant 0 : i32
      %dma_wait3A_40 = tpu.memref_slice %arg13[%add3A_9, %dma_wait3A] : memref<25088x64xf32, #tpu.memory_space<vmem_shared>> -> memref<224x64xf32, #tpu.memory_space<vmem_shared>>
      %dma_wait3A_41 = arith.constant 0 : i32
      %dma_wait3A_42 = tpu.memref_slice %arg13[%add3A_9, %dma_wait3A_41] : memref<25088x64xf32, #tpu.memory_space<vmem_shared>> -> memref<224x64xf32, #tpu.memory_space<vmem_shared>>
      tpu.wait_dma2 semaphore(%run_scoped3A : memref<!tpu.dma_semaphore, #tpu.memory_space<semaphore_mem>>) src(%arg12 : memref<224x64xf32, #tpu.memory_space<vmem>>) dst(%dma_wait3A_42 : memref<224x64xf32, #tpu.memory_space<vmem_shared>>)
      tpu.yield
    }) : () -> ()
    %add3A_10 = arith.constant 224 : i32
    %add3A_11 = arith.addi %mul3A_8, %add3A_10 : i32
    "tpu.region"() ({
      %run_scoped3A = tpu.sem_alloc : memref<!tpu.dma_semaphore, #tpu.memory_space<semaphore_mem>>
      %dma_start3A = arith.constant 0 : i32
      %dma_start3A_37 = tpu.memref_slice %arg13[%add3A_11, %dma_start3A] : memref<25088x64xf32, #tpu.memory_space<vmem_shared>> -> memref<224x64xf32, #tpu.memory_space<vmem_shared>>
      %dma_start3A_38 = arith.constant 0 : i32
      %dma_start3A_39 = tpu.memref_slice %arg13[%add3A_11, %dma_start3A_38] : memref<25088x64xf32, #tpu.memory_space<vmem_shared>> -> memref<224x64xf32, #tpu.memory_space<vmem_shared>>
      tpu.enqueue_dma source(%arg12 : memref<224x64xf32, #tpu.memory_space<vmem>>) target(%dma_start3A_39 : memref<224x64xf32, #tpu.memory_space<vmem_shared>>) target_semaphore(%run_scoped3A : memref<!tpu.dma_semaphore, #tpu.memory_space<semaphore_mem>>)
      %dma_wait3A = arith.constant 0 : i32
      %dma_wait3A_40 = tpu.memref_slice %arg13[%add3A_11, %dma_wait3A] : memref<25088x64xf32, #tpu.memory_space<vmem_shared>> -> memref<224x64xf32, #tpu.memory_space<vmem_shared>>
      %dma_wait3A_41 = arith.constant 0 : i32
      %dma_wait3A_42 = tpu.memref_slice %arg13[%add3A_11, %dma_wait3A_41] : memref<25088x64xf32, #tpu.memory_space<vmem_shared>> -> memref<224x64xf32, #tpu.memory_space<vmem_shared>>
      tpu.wait_dma2 semaphore(%run_scoped3A : memref<!tpu.dma_semaphore, #tpu.memory_space<semaphore_mem>>) src(%arg12 : memref<224x64xf32, #tpu.memory_space<vmem>>) dst(%dma_wait3A_42 : memref<224x64xf32, #tpu.memory_space<vmem_shared>>)
      tpu.yield
    }) : () -> ()
    %add3A_12 = arith.constant 448 : i32
    %add3A_13 = arith.addi %mul3A_8, %add3A_12 : i32
    "tpu.region"() ({
      %run_scoped3A = tpu.sem_alloc : memref<!tpu.dma_semaphore, #tpu.memory_space<semaphore_mem>>
      %dma_start3A = arith.constant 0 : i32
      %dma_start3A_37 = tpu.memref_slice %arg13[%add3A_13, %dma_start3A] : memref<25088x64xf32, #tpu.memory_space<vmem_shared>> -> memref<224x64xf32, #tpu.memory_space<vmem_shared>>
      %dma_start3A_38 = arith.constant 0 : i32
      %dma_start3A_39 = tpu.memref_slice %arg13[%add3A_13, %dma_start3A_38] : memref<25088x64xf32, #tpu.memory_space<vmem_shared>> -> memref<224x64xf32, #tpu.memory_space<vmem_shared>>
      tpu.enqueue_dma source(%arg12 : memref<224x64xf32, #tpu.memory_space<vmem>>) target(%dma_start3A_39 : memref<224x64xf32, #tpu.memory_space<vmem_shared>>) target_semaphore(%run_scoped3A : memref<!tpu.dma_semaphore, #tpu.memory_space<semaphore_mem>>)
      %dma_wait3A = arith.constant 0 : i32
      %dma_wait3A_40 = tpu.memref_slice %arg13[%add3A_13, %dma_wait3A] : memref<25088x64xf32, #tpu.memory_space<vmem_shared>> -> memref<224x64xf32, #tpu.memory_space<vmem_shared>>
      %dma_wait3A_41 = arith.constant 0 : i32
      %dma_wait3A_42 = tpu.memref_slice %arg13[%add3A_13, %dma_wait3A_41] : memref<25088x64xf32, #tpu.memory_space<vmem_shared>> -> memref<224x64xf32, #tpu.memory_space<vmem_shared>>
      tpu.wait_dma2 semaphore(%run_scoped3A : memref<!tpu.dma_semaphore, #tpu.memory_space<semaphore_mem>>) src(%arg12 : memref<224x64xf32, #tpu.memory_space<vmem>>) dst(%dma_wait3A_42 : memref<224x64xf32, #tpu.memory_space<vmem_shared>>)
      tpu.yield
    }) : () -> ()
    %add3A_14 = arith.constant 672 : i32
    %add3A_15 = arith.addi %mul3A_8, %add3A_14 : i32
    "tpu.region"() ({
      %run_scoped3A = tpu.sem_alloc : memref<!tpu.dma_semaphore, #tpu.memory_space<semaphore_mem>>
      %dma_start3A = arith.constant 0 : i32
      %dma_start3A_37 = tpu.memref_slice %arg13[%add3A_15, %dma_start3A] : memref<25088x64xf32, #tpu.memory_space<vmem_shared>> -> memref<224x64xf32, #tpu.memory_space<vmem_shared>>
      %dma_start3A_38 = arith.constant 0 : i32
      %dma_start3A_39 = tpu.memref_slice %arg13[%add3A_15, %dma_start3A_38] : memref<25088x64xf32, #tpu.memory_space<vmem_shared>> -> memref<224x64xf32, #tpu.memory_space<vmem_shared>>
      tpu.enqueue_dma source(%arg12 : memref<224x64xf32, #tpu.memory_space<vmem>>) target(%dma_start3A_39 : memref<224x64xf32, #tpu.memory_space<vmem_shared>>) target_semaphore(%run_scoped3A : memref<!tpu.dma_semaphore, #tpu.memory_space<semaphore_mem>>)
      %dma_wait3A = arith.constant 0 : i32
      %dma_wait3A_40 = tpu.memref_slice %arg13[%add3A_15, %dma_wait3A] : memref<25088x64xf32, #tpu.memory_space<vmem_shared>> -> memref<224x64xf32, #tpu.memory_space<vmem_shared>>
      %dma_wait3A_41 = arith.constant 0 : i32
      %dma_wait3A_42 = tpu.memref_slice %arg13[%add3A_15, %dma_wait3A_41] : memref<25088x64xf32, #tpu.memory_space<vmem_shared>> -> memref<224x64xf32, #tpu.memory_space<vmem_shared>>
      tpu.wait_dma2 semaphore(%run_scoped3A : memref<!tpu.dma_semaphore, #tpu.memory_space<semaphore_mem>>) src(%arg12 : memref<224x64xf32, #tpu.memory_space<vmem>>) dst(%dma_wait3A_42 : memref<224x64xf32, #tpu.memory_space<vmem_shared>>)
      tpu.yield
    }) : () -> ()
    %add3A_16 = arith.constant 896 : i32
    %add3A_17 = arith.addi %mul3A_8, %add3A_16 : i32
    "tpu.region"() ({
      %run_scoped3A = tpu.sem_alloc : memref<!tpu.dma_semaphore, #tpu.memory_space<semaphore_mem>>
      %dma_start3A = arith.constant 0 : i32
      %dma_start3A_37 = tpu.memref_slice %arg13[%add3A_17, %dma_start3A] : memref<25088x64xf32, #tpu.memory_space<vmem_shared>> -> memref<224x64xf32, #tpu.memory_space<vmem_shared>>
      %dma_start3A_38 = arith.constant 0 : i32
      %dma_start3A_39 = tpu.memref_slice %arg13[%add3A_17, %dma_start3A_38] : memref<25088x64xf32, #tpu.memory_space<vmem_shared>> -> memref<224x64xf32, #tpu.memory_space<vmem_shared>>
      tpu.enqueue_dma source(%arg12 : memref<224x64xf32, #tpu.memory_space<vmem>>) target(%dma_start3A_39 : memref<224x64xf32, #tpu.memory_space<vmem_shared>>) target_semaphore(%run_scoped3A : memref<!tpu.dma_semaphore, #tpu.memory_space<semaphore_mem>>)
      %dma_wait3A = arith.constant 0 : i32
      %dma_wait3A_40 = tpu.memref_slice %arg13[%add3A_17, %dma_wait3A] : memref<25088x64xf32, #tpu.memory_space<vmem_shared>> -> memref<224x64xf32, #tpu.memory_space<vmem_shared>>
      %dma_wait3A_41 = arith.constant 0 : i32
      %dma_wait3A_42 = tpu.memref_slice %arg13[%add3A_17, %dma_wait3A_41] : memref<25088x64xf32, #tpu.memory_space<vmem_shared>> -> memref<224x64xf32, #tpu.memory_space<vmem_shared>>
      tpu.wait_dma2 semaphore(%run_scoped3A : memref<!tpu.dma_semaphore, #tpu.memory_space<semaphore_mem>>) src(%arg12 : memref<224x64xf32, #tpu.memory_space<vmem>>) dst(%dma_wait3A_42 : memref<224x64xf32, #tpu.memory_space<vmem_shared>>)
      tpu.yield
    }) : () -> ()
    %add3A_18 = arith.constant 1120 : i32
    %add3A_19 = arith.addi %mul3A_8, %add3A_18 : i32
    "tpu.region"() ({
      %run_scoped3A = tpu.sem_alloc : memref<!tpu.dma_semaphore, #tpu.memory_space<semaphore_mem>>
      %dma_start3A = arith.constant 0 : i32
      %dma_start3A_37 = tpu.memref_slice %arg13[%add3A_19, %dma_start3A] : memref<25088x64xf32, #tpu.memory_space<vmem_shared>> -> memref<224x64xf32, #tpu.memory_space<vmem_shared>>
      %dma_start3A_38 = arith.constant 0 : i32
      %dma_start3A_39 = tpu.memref_slice %arg13[%add3A_19, %dma_start3A_38] : memref<25088x64xf32, #tpu.memory_space<vmem_shared>> -> memref<224x64xf32, #tpu.memory_space<vmem_shared>>
      tpu.enqueue_dma source(%arg12 : memref<224x64xf32, #tpu.memory_space<vmem>>) target(%dma_start3A_39 : memref<224x64xf32, #tpu.memory_space<vmem_shared>>) target_semaphore(%run_scoped3A : memref<!tpu.dma_semaphore, #tpu.memory_space<semaphore_mem>>)
      %dma_wait3A = arith.constant 0 : i32
      %dma_wait3A_40 = tpu.memref_slice %arg13[%add3A_19, %dma_wait3A] : memref<25088x64xf32, #tpu.memory_space<vmem_shared>> -> memref<224x64xf32, #tpu.memory_space<vmem_shared>>
      %dma_wait3A_41 = arith.constant 0 : i32
      %dma_wait3A_42 = tpu.memref_slice %arg13[%add3A_19, %dma_wait3A_41] : memref<25088x64xf32, #tpu.memory_space<vmem_shared>> -> memref<224x64xf32, #tpu.memory_space<vmem_shared>>
      tpu.wait_dma2 semaphore(%run_scoped3A : memref<!tpu.dma_semaphore, #tpu.memory_space<semaphore_mem>>) src(%arg12 : memref<224x64xf32, #tpu.memory_space<vmem>>) dst(%dma_wait3A_42 : memref<224x64xf32, #tpu.memory_space<vmem_shared>>)
      tpu.yield
    }) : () -> ()
    %add3A_20 = arith.constant 1344 : i32
    %add3A_21 = arith.addi %mul3A_8, %add3A_20 : i32
    "tpu.region"() ({
      %run_scoped3A = tpu.sem_alloc : memref<!tpu.dma_semaphore, #tpu.memory_space<semaphore_mem>>
      %dma_start3A = arith.constant 0 : i32
      %dma_start3A_37 = tpu.memref_slice %arg13[%add3A_21, %dma_start3A] : memref<25088x64xf32, #tpu.memory_space<vmem_shared>> -> memref<224x64xf32, #tpu.memory_space<vmem_shared>>
      %dma_start3A_38 = arith.constant 0 : i32
      %dma_start3A_39 = tpu.memref_slice %arg13[%add3A_21, %dma_start3A_38] : memref<25088x64xf32, #tpu.memory_space<vmem_shared>> -> memref<224x64xf32, #tpu.memory_space<vmem_shared>>
      tpu.enqueue_dma source(%arg12 : memref<224x64xf32, #tpu.memory_space<vmem>>) target(%dma_start3A_39 : memref<224x64xf32, #tpu.memory_space<vmem_shared>>) target_semaphore(%run_scoped3A : memref<!tpu.dma_semaphore, #tpu.memory_space<semaphore_mem>>)
      %dma_wait3A = arith.constant 0 : i32
      %dma_wait3A_40 = tpu.memref_slice %arg13[%add3A_21, %dma_wait3A] : memref<25088x64xf32, #tpu.memory_space<vmem_shared>> -> memref<224x64xf32, #tpu.memory_space<vmem_shared>>
      %dma_wait3A_41 = arith.constant 0 : i32
      %dma_wait3A_42 = tpu.memref_slice %arg13[%add3A_21, %dma_wait3A_41] : memref<25088x64xf32, #tpu.memory_space<vmem_shared>> -> memref<224x64xf32, #tpu.memory_space<vmem_shared>>
      tpu.wait_dma2 semaphore(%run_scoped3A : memref<!tpu.dma_semaphore, #tpu.memory_space<semaphore_mem>>) src(%arg12 : memref<224x64xf32, #tpu.memory_space<vmem>>) dst(%dma_wait3A_42 : memref<224x64xf32, #tpu.memory_space<vmem_shared>>)
      tpu.yield
    }) : () -> ()
    %barrier3A = arith.constant 0 : index
    tpu.barrier barrier_id(%barrier3A)
    %scan3A_22 = arith.constant 0 : i32
    %scan3A_23 = arith.constant 0 : i32
    %scan3A_24 = arith.constant 625 : i32
    %scan3A_25 = arith.addi %scan3A_23, %scan3A_24 : i32
    %scan3A_26 = arith.constant 1 : i32
    %scan3A_27 = scf.for %scan3A_37 = %scan3A_23 to %scan3A_25 step %scan3A_26 iter_args(%scan3A_38 = %scan3A_22) -> (i32)  : i32 {
      %mul3A_39 = arith.constant 50000 : i32
      %mul3A_40 = arith.muli %arg1, %mul3A_39 : i32
      %mul3A_41 = arith.constant 80 : i32
      %mul3A_42 = arith.muli %scan3A_37, %mul3A_41 : i32
      %add3A_43 = arith.addi %mul3A_40, %mul3A_42 : i32
      "tpu.region"() ({
        %run_scoped3A = tpu.sem_alloc : memref<!tpu.dma_semaphore, #tpu.memory_space<semaphore_mem>>
        %dma_start3A_142 = tpu.memref_slice %arg3[%add3A_43] : memref<800000xi32, #tpu.memory_space<hbm>> -> memref<80xi32, #tpu.memory_space<hbm>>
        %dma_start3A_143 = tpu.memref_slice %arg3[%add3A_43] : memref<800000xi32, #tpu.memory_space<hbm>> -> memref<80xi32, #tpu.memory_space<hbm>>
        tpu.enqueue_dma source(%dma_start3A_143 : memref<80xi32, #tpu.memory_space<hbm>>) target(%arg7 : memref<80xi32, #tpu.memory_space<vmem>>) target_semaphore(%run_scoped3A : memref<!tpu.dma_semaphore, #tpu.memory_space<semaphore_mem>>)
        %dma_wait3A_144 = tpu.memref_slice %arg3[%add3A_43] : memref<800000xi32, #tpu.memory_space<hbm>> -> memref<80xi32, #tpu.memory_space<hbm>>
        %dma_wait3A_145 = tpu.memref_slice %arg3[%add3A_43] : memref<800000xi32, #tpu.memory_space<hbm>> -> memref<80xi32, #tpu.memory_space<hbm>>
        tpu.wait_dma2 semaphore(%run_scoped3A : memref<!tpu.dma_semaphore, #tpu.memory_space<semaphore_mem>>) src(%dma_wait3A_145 : memref<80xi32, #tpu.memory_space<hbm>>) dst(%arg7 : memref<80xi32, #tpu.memory_space<vmem>>)
        tpu.yield
      }) : () -> ()
      "tpu.region"() ({
        %run_scoped3A = tpu.sem_alloc : memref<!tpu.dma_semaphore, #tpu.memory_space<semaphore_mem>>
        %dma_start3A_142 = tpu.memref_slice %arg4[%add3A_43] : memref<800000xi32, #tpu.memory_space<hbm>> -> memref<80xi32, #tpu.memory_space<hbm>>
        %dma_start3A_143 = tpu.memref_slice %arg4[%add3A_43] : memref<800000xi32, #tpu.memory_space<hbm>> -> memref<80xi32, #tpu.memory_space<hbm>>
        tpu.enqueue_dma source(%dma_start3A_143 : memref<80xi32, #tpu.memory_space<hbm>>) target(%arg8 : memref<80xi32, #tpu.memory_space<vmem>>) target_semaphore(%run_scoped3A : memref<!tpu.dma_semaphore, #tpu.memory_space<semaphore_mem>>)
        %dma_wait3A_144 = tpu.memref_slice %arg4[%add3A_43] : memref<800000xi32, #tpu.memory_space<hbm>> -> memref<80xi32, #tpu.memory_space<hbm>>
        %dma_wait3A_145 = tpu.memref_slice %arg4[%add3A_43] : memref<800000xi32, #tpu.memory_space<hbm>> -> memref<80xi32, #tpu.memory_space<hbm>>
        tpu.wait_dma2 semaphore(%run_scoped3A : memref<!tpu.dma_semaphore, #tpu.memory_space<semaphore_mem>>) src(%dma_wait3A_145 : memref<80xi32, #tpu.memory_space<hbm>>) dst(%arg8 : memref<80xi32, #tpu.memory_space<vmem>>)
        tpu.yield
      }) : () -> ()
      "tpu.region"() ({
        %run_scoped3A = tpu.sem_alloc : memref<!tpu.dma_semaphore, #tpu.memory_space<semaphore_mem>>
        %dma_start3A_142 = tpu.memref_slice %arg5[%add3A_43] : memref<800000xf32, #tpu.memory_space<hbm>> -> memref<80xf32, #tpu.memory_space<hbm>>
        %dma_start3A_143 = tpu.memref_slice %arg5[%add3A_43] : memref<800000xf32, #tpu.memory_space<hbm>> -> memref<80xf32, #tpu.memory_space<hbm>>
        tpu.enqueue_dma source(%dma_start3A_143 : memref<80xf32, #tpu.memory_space<hbm>>) target(%arg9 : memref<80xf32, #tpu.memory_space<vmem>>) target_semaphore(%run_scoped3A : memref<!tpu.dma_semaphore, #tpu.memory_space<semaphore_mem>>)
        %dma_wait3A_144 = tpu.memref_slice %arg5[%add3A_43] : memref<800000xf32, #tpu.memory_space<hbm>> -> memref<80xf32, #tpu.memory_space<hbm>>
        %dma_wait3A_145 = tpu.memref_slice %arg5[%add3A_43] : memref<800000xf32, #tpu.memory_space<hbm>> -> memref<80xf32, #tpu.memory_space<hbm>>
        tpu.wait_dma2 semaphore(%run_scoped3A : memref<!tpu.dma_semaphore, #tpu.memory_space<semaphore_mem>>) src(%dma_wait3A_145 : memref<80xf32, #tpu.memory_space<hbm>>) dst(%arg9 : memref<80xf32, #tpu.memory_space<vmem>>)
        tpu.yield
      }) : () -> ()
      %get3A = arith.constant 0 : index
      %get3A_44 = tpu.vector_load %arg7[%get3A] {strides = array<i32>} : memref<80xi32, #tpu.memory_space<vmem>>, vector<16xi32>,
      %get3A_45 = vector.shape_cast %get3A_44 : vector<16xi32> to vector<16xi32>
      %ge3A = vector.broadcast %mul3A_0 : i32 to vector<16xi32>
      %ge3A_46 = arith.cmpi sge, %get3A_45, %ge3A : vector<16xi32>
      %add3A_47 = arith.constant 25000 : i32
      %add3A_48 = arith.addi %mul3A_0, %add3A_47 : i32
      %lt3A = vector.broadcast %add3A_48 : i32 to vector<16xi32>
      %lt3A_49 = arith.cmpi slt, %get3A_45, %lt3A : vector<16xi32>
      %and3A = arith.andi %ge3A_46, %lt3A_49 : vector<16xi1>
      %sub3A = vector.broadcast %mul3A_0 : i32 to vector<16xi32>
      %sub3A_50 = arith.subi %get3A_45, %sub3A : vector<16xi32>
      %jit3A = arith.constant 25000 : i32
      %broadcast_in_dim3A = vector.broadcast %jit3A : i32 to vector<16xi32>
      %select_n3A = arith.select %and3A, %sub3A_50, %broadcast_in_dim3A : vector<16xi1>, vector<16xi32>
      %swap3A = arith.constant 0 : index
      %swap3A_51 = tpu.vector_load %arg10[%swap3A] {strides = array<i32>} : memref<80xi32, #tpu.memory_space<vmem>>, vector<16xi32>,
      %swap3A_52 = vector.shape_cast %swap3A_51 : vector<16xi32> to vector<16xi32>
      %swap3A_53 = vector.shape_cast %select_n3A : vector<16xi32> to vector<16xi32>
      tpu.vector_store %arg10[%swap3A], %swap3A_53 {strides = array<i32>} : memref<80xi32, #tpu.memory_space<vmem>>, vector<16xi32>,
      %get3A_54 = arith.constant 16 : index
      %get3A_55 = tpu.vector_load %arg7[%get3A_54] {strides = array<i32>} : memref<80xi32, #tpu.memory_space<vmem>>, vector<16xi32>,
      %get3A_56 = vector.shape_cast %get3A_55 : vector<16xi32> to vector<16xi32>
      %ge3A_57 = vector.broadcast %mul3A_0 : i32 to vector<16xi32>
      %ge3A_58 = arith.cmpi sge, %get3A_56, %ge3A_57 : vector<16xi32>
      %add3A_59 = arith.constant 25000 : i32
      %add3A_60 = arith.addi %mul3A_0, %add3A_59 : i32
      %lt3A_61 = vector.broadcast %add3A_60 : i32 to vector<16xi32>
      %lt3A_62 = arith.cmpi slt, %get3A_56, %lt3A_61 : vector<16xi32>
      %and3A_63 = arith.andi %ge3A_58, %lt3A_62 : vector<16xi1>
      %sub3A_64 = vector.broadcast %mul3A_0 : i32 to vector<16xi32>
      %sub3A_65 = arith.subi %get3A_56, %sub3A_64 : vector<16xi32>
      %jit3A_66 = arith.constant 25000 : i32
      %broadcast_in_dim3A_67 = vector.broadcast %jit3A_66 : i32 to vector<16xi32>
      %select_n3A_68 = arith.select %and3A_63, %sub3A_65, %broadcast_in_dim3A_67 : vector<16xi1>, vector<16xi32>
      %swap3A_69 = arith.constant 16 : index
      %swap3A_70 = tpu.vector_load %arg10[%swap3A_69] {strides = array<i32>} : memref<80xi32, #tpu.memory_space<vmem>>, vector<16xi32>,
      %swap3A_71 = vector.shape_cast %swap3A_70 : vector<16xi32> to vector<16xi32>
      %swap3A_72 = vector.shape_cast %select_n3A_68 : vector<16xi32> to vector<16xi32>
      tpu.vector_store %arg10[%swap3A_69], %swap3A_72 {strides = array<i32>} : memref<80xi32, #tpu.memory_space<vmem>>, vector<16xi32>,
      %get3A_73 = arith.constant 32 : index
      %get3A_74 = tpu.vector_load %arg7[%get3A_73] {strides = array<i32>} : memref<80xi32, #tpu.memory_space<vmem>>, vector<16xi32>,
      %get3A_75 = vector.shape_cast %get3A_74 : vector<16xi32> to vector<16xi32>
      %ge3A_76 = vector.broadcast %mul3A_0 : i32 to vector<16xi32>
      %ge3A_77 = arith.cmpi sge, %get3A_75, %ge3A_76 : vector<16xi32>
      %add3A_78 = arith.constant 25000 : i32
      %add3A_79 = arith.addi %mul3A_0, %add3A_78 : i32
      %lt3A_80 = vector.broadcast %add3A_79 : i32 to vector<16xi32>
      %lt3A_81 = arith.cmpi slt, %get3A_75, %lt3A_80 : vector<16xi32>
      %and3A_82 = arith.andi %ge3A_77, %lt3A_81 : vector<16xi1>
      %sub3A_83 = vector.broadcast %mul3A_0 : i32 to vector<16xi32>
      %sub3A_84 = arith.subi %get3A_75, %sub3A_83 : vector<16xi32>
      %jit3A_85 = arith.constant 25000 : i32
      %broadcast_in_dim3A_86 = vector.broadcast %jit3A_85 : i32 to vector<16xi32>
      %select_n3A_87 = arith.select %and3A_82, %sub3A_84, %broadcast_in_dim3A_86 : vector<16xi1>, vector<16xi32>
      %swap3A_88 = arith.constant 32 : index
      %swap3A_89 = tpu.vector_load %arg10[%swap3A_88] {strides = array<i32>} : memref<80xi32, #tpu.memory_space<vmem>>, vector<16xi32>,
      %swap3A_90 = vector.shape_cast %swap3A_89 : vector<16xi32> to vector<16xi32>
      %swap3A_91 = vector.shape_cast %select_n3A_87 : vector<16xi32> to vector<16xi32>
      tpu.vector_store %arg10[%swap3A_88], %swap3A_91 {strides = array<i32>} : memref<80xi32, #tpu.memory_space<vmem>>, vector<16xi32>,
      %get3A_92 = arith.constant 48 : index
      %get3A_93 = tpu.vector_load %arg7[%get3A_92] {strides = array<i32>} : memref<80xi32, #tpu.memory_space<vmem>>, vector<16xi32>,
      %get3A_94 = vector.shape_cast %get3A_93 : vector<16xi32> to vector<16xi32>
      %ge3A_95 = vector.broadcast %mul3A_0 : i32 to vector<16xi32>
      %ge3A_96 = arith.cmpi sge, %get3A_94, %ge3A_95 : vector<16xi32>
      %add3A_97 = arith.constant 25000 : i32
      %add3A_98 = arith.addi %mul3A_0, %add3A_97 : i32
      %lt3A_99 = vector.broadcast %add3A_98 : i32 to vector<16xi32>
      %lt3A_100 = arith.cmpi slt, %get3A_94, %lt3A_99 : vector<16xi32>
      %and3A_101 = arith.andi %ge3A_96, %lt3A_100 : vector<16xi1>
      %sub3A_102 = vector.broadcast %mul3A_0 : i32 to vector<16xi32>
      %sub3A_103 = arith.subi %get3A_94, %sub3A_102 : vector<16xi32>
      %jit3A_104 = arith.constant 25000 : i32
      %broadcast_in_dim3A_105 = vector.broadcast %jit3A_104 : i32 to vector<16xi32>
      %select_n3A_106 = arith.select %and3A_101, %sub3A_103, %broadcast_in_dim3A_105 : vector<16xi1>, vector<16xi32>
      %swap3A_107 = arith.constant 48 : index
      %swap3A_108 = tpu.vector_load %arg10[%swap3A_107] {strides = array<i32>} : memref<80xi32, #tpu.memory_space<vmem>>, vector<16xi32>,
      %swap3A_109 = vector.shape_cast %swap3A_108 : vector<16xi32> to vector<16xi32>
      %swap3A_110 = vector.shape_cast %select_n3A_106 : vector<16xi32> to vector<16xi32>
      tpu.vector_store %arg10[%swap3A_107], %swap3A_110 {strides = array<i32>} : memref<80xi32, #tpu.memory_space<vmem>>, vector<16xi32>,
      %get3A_111 = arith.constant 64 : index
      %get3A_112 = tpu.vector_load %arg7[%get3A_111] {strides = array<i32>} : memref<80xi32, #tpu.memory_space<vmem>>, vector<16xi32>,
      %get3A_113 = vector.shape_cast %get3A_112 : vector<16xi32> to vector<16xi32>
      %ge3A_114 = vector.broadcast %mul3A_0 : i32 to vector<16xi32>
      %ge3A_115 = arith.cmpi sge, %get3A_113, %ge3A_114 : vector<16xi32>
      %add3A_116 = arith.constant 25000 : i32
      %add3A_117 = arith.addi %mul3A_0, %add3A_116 : i32
      %lt3A_118 = vector.broadcast %add3A_117 : i32 to vector<16xi32>
      %lt3A_119 = arith.cmpi slt, %get3A_113, %lt3A_118 : vector<16xi32>
      %and3A_120 = arith.andi %ge3A_115, %lt3A_119 : vector<16xi1>
      %sub3A_121 = vector.broadcast %mul3A_0 : i32 to vector<16xi32>
      %sub3A_122 = arith.subi %get3A_113, %sub3A_121 : vector<16xi32>
      %jit3A_123 = arith.constant 25000 : i32
      %broadcast_in_dim3A_124 = vector.broadcast %jit3A_123 : i32 to vector<16xi32>
      %select_n3A_125 = arith.select %and3A_120, %sub3A_122, %broadcast_in_dim3A_124 : vector<16xi1>, vector<16xi32>
      %swap3A_126 = arith.constant 64 : index
      %swap3A_127 = tpu.vector_load %arg10[%swap3A_126] {strides = array<i32>} : memref<80xi32, #tpu.memory_space<vmem>>, vector<16xi32>,
      %swap3A_128 = vector.shape_cast %swap3A_127 : vector<16xi32> to vector<16xi32>
      %swap3A_129 = vector.shape_cast %select_n3A_125 : vector<16xi32> to vector<16xi32>
      tpu.vector_store %arg10[%swap3A_126], %swap3A_129 {strides = array<i32>} : memref<80xi32, #tpu.memory_space<vmem>>, vector<16xi32>,
      %dma_start3A = arith.constant 0 : i32
      %dma_start3A_130 = arith.constant 0 : i32
      %dma_start3A_131 = tpu.memref_slice %arg2[%dma_start3A, %dma_start3A_130] : memref<50000x64xf32, #tpu.memory_space<hbm>> -> memref<50000x64xf32, #tpu.memory_space<hbm>>
      tpu.enqueue_indirect_dma source(%dma_start3A_131 : memref<50000x64xf32, #tpu.memory_space<hbm>>) target(%arg11 : memref<80x64xf32, #tpu.memory_space<vmem>>) offsets(%arg8 : memref<80xi32, #tpu.memory_space<vmem>>) semaphore(%arg14 : memref<!tpu.dma_semaphore, #tpu.memory_space<semaphore_mem>>)
      %dma_wait3A = arith.constant 0 : i32
      %dma_wait3A_132 = arith.constant 0 : i32
      %dma_wait3A_133 = tpu.memref_slice %arg2[%dma_wait3A, %dma_wait3A_132] : memref<50000x64xf32, #tpu.memory_space<hbm>> -> memref<50000x64xf32, #tpu.memory_space<hbm>>
      tpu.wait_indirect_dma semaphore(%arg14 : memref<!tpu.dma_semaphore, #tpu.memory_space<semaphore_mem>>) src(%dma_wait3A_133 : memref<50000x64xf32, #tpu.memory_space<hbm>>) dst(%arg11 : memref<80x64xf32, #tpu.memory_space<vmem>>)
      %scan3A_134 = arith.constant 0 : i32
      %scan3A_135 = arith.constant 0 : i32
      %scan3A_136 = arith.constant 5 : i32
      %scan3A_137 = arith.addi %scan3A_135, %scan3A_136 : i32
      %scan3A_138 = arith.constant 1 : i32
      %scan3A_139 = scf.for %scan3A_142 = %scan3A_135 to %scan3A_137 step %scan3A_138 iter_args(%scan3A_143 = %scan3A_134) -> (i32)  : i32 {
        %mul3A_144 = arith.constant 16 : i32
        %mul3A_145 = arith.muli %scan3A_142, %mul3A_144 : i32
        %get3A_146 = arith.index_cast %mul3A_145 : i32 to index
        %get3A_147 = tpu.vector_load %arg9[%get3A_146] {strides = array<i32>} : memref<80xf32, #tpu.memory_space<vmem>>, vector<16xf32>,
        %get3A_148 = vector.shape_cast %get3A_147 : vector<16xf32> to vector<16xf32>
        %slice3A = vector.extract_strided_slice %get3A_148 {offsets = [0], sizes = [1], strides = [1]} : vector<16xf32> to vector<1xf32>
        %squeeze3A = vector.extract %slice3A[0] : f32 from vector<1xf32>
        %broadcast_in_dim3A_149 = vector.broadcast %squeeze3A : f32 to vector<16xf32>
        %mul3A_150 = arith.constant 16 : i32
        %mul3A_151 = arith.muli %scan3A_142, %mul3A_150 : i32
        %add3A_152 = arith.constant 0 : i32
        %add3A_153 = arith.addi %mul3A_151, %add3A_152 : i32
        %get3A_154 = arith.index_cast %add3A_153 : i32 to index
        %get3A_155 = arith.constant 0 : index
        %get3A_156 = tpu.vector_load %arg11[%get3A_154, %get3A_155] {strides = array<i32>} : memref<80x64xf32, #tpu.memory_space<vmem>>, vector<1x16xf32>,
        %get3A_157 = vector.shape_cast %get3A_156 : vector<1x16xf32> to vector<16xf32>
        %mul3A_158 = arith.mulf %get3A_157, %broadcast_in_dim3A_149 : vector<16xf32>
        %swap3A_159 = arith.index_cast %add3A_153 : i32 to index
        %swap3A_160 = arith.constant 0 : index
        %swap3A_161 = tpu.vector_load %arg11[%swap3A_159, %swap3A_160] {strides = array<i32>} : memref<80x64xf32, #tpu.memory_space<vmem>>, vector<1x16xf32>,
        %swap3A_162 = vector.shape_cast %swap3A_161 : vector<1x16xf32> to vector<16xf32>
        %swap3A_163 = vector.shape_cast %mul3A_158 : vector<16xf32> to vector<1x16xf32>
        tpu.vector_store %arg11[%swap3A_159, %swap3A_160], %swap3A_163 {strides = array<i32>} : memref<80x64xf32, #tpu.memory_space<vmem>>, vector<1x16xf32>,
        %get3A_164 = arith.index_cast %add3A_153 : i32 to index
        %get3A_165 = arith.constant 16 : index
        %get3A_166 = tpu.vector_load %arg11[%get3A_164, %get3A_165] {strides = array<i32>} : memref<80x64xf32, #tpu.memory_space<vmem>>, vector<1x16xf32>,
        %get3A_167 = vector.shape_cast %get3A_166 : vector<1x16xf32> to vector<16xf32>
        %mul3A_168 = arith.mulf %get3A_167, %broadcast_in_dim3A_149 : vector<16xf32>
        %swap3A_169 = arith.index_cast %add3A_153 : i32 to index
        %swap3A_170 = arith.constant 16 : index
        %swap3A_171 = tpu.vector_load %arg11[%swap3A_169, %swap3A_170] {strides = array<i32>} : memref<80x64xf32, #tpu.memory_space<vmem>>, vector<1x16xf32>,
        %swap3A_172 = vector.shape_cast %swap3A_171 : vector<1x16xf32> to vector<16xf32>
        %swap3A_173 = vector.shape_cast %mul3A_168 : vector<16xf32> to vector<1x16xf32>
        tpu.vector_store %arg11[%swap3A_169, %swap3A_170], %swap3A_173 {strides = array<i32>} : memref<80x64xf32, #tpu.memory_space<vmem>>, vector<1x16xf32>,
        %get3A_174 = arith.index_cast %add3A_153 : i32 to index
        %get3A_175 = arith.constant 32 : index
        %get3A_176 = tpu.vector_load %arg11[%get3A_174, %get3A_175] {strides = array<i32>} : memref<80x64xf32, #tpu.memory_space<vmem>>, vector<1x16xf32>,
        %get3A_177 = vector.shape_cast %get3A_176 : vector<1x16xf32> to vector<16xf32>
        %mul3A_178 = arith.mulf %get3A_177, %broadcast_in_dim3A_149 : vector<16xf32>
        %swap3A_179 = arith.index_cast %add3A_153 : i32 to index
        %swap3A_180 = arith.constant 32 : index
        %swap3A_181 = tpu.vector_load %arg11[%swap3A_179, %swap3A_180] {strides = array<i32>} : memref<80x64xf32, #tpu.memory_space<vmem>>, vector<1x16xf32>,
        %swap3A_182 = vector.shape_cast %swap3A_181 : vector<1x16xf32> to vector<16xf32>
        %swap3A_183 = vector.shape_cast %mul3A_178 : vector<16xf32> to vector<1x16xf32>
        tpu.vector_store %arg11[%swap3A_179, %swap3A_180], %swap3A_183 {strides = array<i32>} : memref<80x64xf32, #tpu.memory_space<vmem>>, vector<1x16xf32>,
        %get3A_184 = arith.index_cast %add3A_153 : i32 to index
        %get3A_185 = arith.constant 48 : index
        %get3A_186 = tpu.vector_load %arg11[%get3A_184, %get3A_185] {strides = array<i32>} : memref<80x64xf32, #tpu.memory_space<vmem>>, vector<1x16xf32>,
        %get3A_187 = vector.shape_cast %get3A_186 : vector<1x16xf32> to vector<16xf32>
        %mul3A_188 = arith.mulf %get3A_187, %broadcast_in_dim3A_149 : vector<16xf32>
        %swap3A_189 = arith.index_cast %add3A_153 : i32 to index
        %swap3A_190 = arith.constant 48 : index
        %swap3A_191 = tpu.vector_load %arg11[%swap3A_189, %swap3A_190] {strides = array<i32>} : memref<80x64xf32, #tpu.memory_space<vmem>>, vector<1x16xf32>,
        %swap3A_192 = vector.shape_cast %swap3A_191 : vector<1x16xf32> to vector<16xf32>
        %swap3A_193 = vector.shape_cast %mul3A_188 : vector<16xf32> to vector<1x16xf32>
        tpu.vector_store %arg11[%swap3A_189, %swap3A_190], %swap3A_193 {strides = array<i32>} : memref<80x64xf32, #tpu.memory_space<vmem>>, vector<1x16xf32>,
        %slice3A_194 = vector.extract_strided_slice %get3A_148 {offsets = [1], sizes = [1], strides = [1]} : vector<16xf32> to vector<1xf32>
        %squeeze3A_195 = vector.extract %slice3A_194[0] : f32 from vector<1xf32>
        %broadcast_in_dim3A_196 = vector.broadcast %squeeze3A_195 : f32 to vector<16xf32>
        %mul3A_197 = arith.constant 16 : i32
        %mul3A_198 = arith.muli %scan3A_142, %mul3A_197 : i32
        %add3A_199 = arith.constant 1 : i32
        %add3A_200 = arith.addi %mul3A_198, %add3A_199 : i32
        %get3A_201 = arith.index_cast %add3A_200 : i32 to index
        %get3A_202 = arith.constant 0 : index
        %get3A_203 = tpu.vector_load %arg11[%get3A_201, %get3A_202] {strides = array<i32>} : memref<80x64xf32, #tpu.memory_space<vmem>>, vector<1x16xf32>,
        %get3A_204 = vector.shape_cast %get3A_203 : vector<1x16xf32> to vector<16xf32>
        %mul3A_205 = arith.mulf %get3A_204, %broadcast_in_dim3A_196 : vector<16xf32>
        %swap3A_206 = arith.index_cast %add3A_200 : i32 to index
        %swap3A_207 = arith.constant 0 : index
        %swap3A_208 = tpu.vector_load %arg11[%swap3A_206, %swap3A_207] {strides = array<i32>} : memref<80x64xf32, #tpu.memory_space<vmem>>, vector<1x16xf32>,
        %swap3A_209 = vector.shape_cast %swap3A_208 : vector<1x16xf32> to vector<16xf32>
        %swap3A_210 = vector.shape_cast %mul3A_205 : vector<16xf32> to vector<1x16xf32>
        tpu.vector_store %arg11[%swap3A_206, %swap3A_207], %swap3A_210 {strides = array<i32>} : memref<80x64xf32, #tpu.memory_space<vmem>>, vector<1x16xf32>,
        %get3A_211 = arith.index_cast %add3A_200 : i32 to index
        %get3A_212 = arith.constant 16 : index
        %get3A_213 = tpu.vector_load %arg11[%get3A_211, %get3A_212] {strides = array<i32>} : memref<80x64xf32, #tpu.memory_space<vmem>>, vector<1x16xf32>,
        %get3A_214 = vector.shape_cast %get3A_213 : vector<1x16xf32> to vector<16xf32>
        %mul3A_215 = arith.mulf %get3A_214, %broadcast_in_dim3A_196 : vector<16xf32>
        %swap3A_216 = arith.index_cast %add3A_200 : i32 to index
        %swap3A_217 = arith.constant 16 : index
        %swap3A_218 = tpu.vector_load %arg11[%swap3A_216, %swap3A_217] {strides = array<i32>} : memref<80x64xf32, #tpu.memory_space<vmem>>, vector<1x16xf32>,
        %swap3A_219 = vector.shape_cast %swap3A_218 : vector<1x16xf32> to vector<16xf32>
        %swap3A_220 = vector.shape_cast %mul3A_215 : vector<16xf32> to vector<1x16xf32>
        tpu.vector_store %arg11[%swap3A_216, %swap3A_217], %swap3A_220 {strides = array<i32>} : memref<80x64xf32, #tpu.memory_space<vmem>>, vector<1x16xf32>,
        %get3A_221 = arith.index_cast %add3A_200 : i32 to index
        %get3A_222 = arith.constant 32 : index
        %get3A_223 = tpu.vector_load %arg11[%get3A_221, %get3A_222] {strides = array<i32>} : memref<80x64xf32, #tpu.memory_space<vmem>>, vector<1x16xf32>,
        %get3A_224 = vector.shape_cast %get3A_223 : vector<1x16xf32> to vector<16xf32>
        %mul3A_225 = arith.mulf %get3A_224, %broadcast_in_dim3A_196 : vector<16xf32>
        %swap3A_226 = arith.index_cast %add3A_200 : i32 to index
        %swap3A_227 = arith.constant 32 : index
        %swap3A_228 = tpu.vector_load %arg11[%swap3A_226, %swap3A_227] {strides = array<i32>} : memref<80x64xf32, #tpu.memory_space<vmem>>, vector<1x16xf32>,
        %swap3A_229 = vector.shape_cast %swap3A_228 : vector<1x16xf32> to vector<16xf32>
        %swap3A_230 = vector.shape_cast %mul3A_225 : vector<16xf32> to vector<1x16xf32>
        tpu.vector_store %arg11[%swap3A_226, %swap3A_227], %swap3A_230 {strides = array<i32>} : memref<80x64xf32, #tpu.memory_space<vmem>>, vector<1x16xf32>,
        %get3A_231 = arith.index_cast %add3A_200 : i32 to index
        %get3A_232 = arith.constant 48 : index
        %get3A_233 = tpu.vector_load %arg11[%get3A_231, %get3A_232] {strides = array<i32>} : memref<80x64xf32, #tpu.memory_space<vmem>>, vector<1x16xf32>,
        %get3A_234 = vector.shape_cast %get3A_233 : vector<1x16xf32> to vector<16xf32>
        %mul3A_235 = arith.mulf %get3A_234, %broadcast_in_dim3A_196 : vector<16xf32>
        %swap3A_236 = arith.index_cast %add3A_200 : i32 to index
        %swap3A_237 = arith.constant 48 : index
        %swap3A_238 = tpu.vector_load %arg11[%swap3A_236, %swap3A_237] {strides = array<i32>} : memref<80x64xf32, #tpu.memory_space<vmem>>, vector<1x16xf32>,
        %swap3A_239 = vector.shape_cast %swap3A_238 : vector<1x16xf32> to vector<16xf32>
        %swap3A_240 = vector.shape_cast %mul3A_235 : vector<16xf32> to vector<1x16xf32>
        tpu.vector_store %arg11[%swap3A_236, %swap3A_237], %swap3A_240 {strides = array<i32>} : memref<80x64xf32, #tpu.memory_space<vmem>>, vector<1x16xf32>,
        %slice3A_241 = vector.extract_strided_slice %get3A_148 {offsets = [2], sizes = [1], strides = [1]} : vector<16xf32> to vector<1xf32>
        %squeeze3A_242 = vector.extract %slice3A_241[0] : f32 from vector<1xf32>
        %broadcast_in_dim3A_243 = vector.broadcast %squeeze3A_242 : f32 to vector<16xf32>
        %mul3A_244 = arith.constant 16 : i32
        %mul3A_245 = arith.muli %scan3A_142, %mul3A_244 : i32
        %add3A_246 = arith.constant 2 : i32
        %add3A_247 = arith.addi %mul3A_245, %add3A_246 : i32
        %get3A_248 = arith.index_cast %add3A_247 : i32 to index
        %get3A_249 = arith.constant 0 : index
        %get3A_250 = tpu.vector_load %arg11[%get3A_248, %get3A_249] {strides = array<i32>} : memref<80x64xf32, #tpu.memory_space<vmem>>, vector<1x16xf32>,
        %get3A_251 = vector.shape_cast %get3A_250 : vector<1x16xf32> to vector<16xf32>
        %mul3A_252 = arith.mulf %get3A_251, %broadcast_in_dim3A_243 : vector<16xf32>
        %swap3A_253 = arith.index_cast %add3A_247 : i32 to index
        %swap3A_254 = arith.constant 0 : index
        %swap3A_255 = tpu.vector_load %arg11[%swap3A_253, %swap3A_254] {strides = array<i32>} : memref<80x64xf32, #tpu.memory_space<vmem>>, vector<1x16xf32>,
        %swap3A_256 = vector.shape_cast %swap3A_255 : vector<1x16xf32> to vector<16xf32>
        %swap3A_257 = vector.shape_cast %mul3A_252 : vector<16xf32> to vector<1x16xf32>
        tpu.vector_store %arg11[%swap3A_253, %swap3A_254], %swap3A_257 {strides = array<i32>} : memref<80x64xf32, #tpu.memory_space<vmem>>, vector<1x16xf32>,
        %get3A_258 = arith.index_cast %add3A_247 : i32 to index
        %get3A_259 = arith.constant 16 : index
        %get3A_260 = tpu.vector_load %arg11[%get3A_258, %get3A_259] {strides = array<i32>} : memref<80x64xf32, #tpu.memory_space<vmem>>, vector<1x16xf32>,
        %get3A_261 = vector.shape_cast %get3A_260 : vector<1x16xf32> to vector<16xf32>
        %mul3A_262 = arith.mulf %get3A_261, %broadcast_in_dim3A_243 : vector<16xf32>
        %swap3A_263 = arith.index_cast %add3A_247 : i32 to index
        %swap3A_264 = arith.constant 16 : index
        %swap3A_265 = tpu.vector_load %arg11[%swap3A_263, %swap3A_264] {strides = array<i32>} : memref<80x64xf32, #tpu.memory_space<vmem>>, vector<1x16xf32>,
        %swap3A_266 = vector.shape_cast %swap3A_265 : vector<1x16xf32> to vector<16xf32>
        %swap3A_267 = vector.shape_cast %mul3A_262 : vector<16xf32> to vector<1x16xf32>
        tpu.vector_store %arg11[%swap3A_263, %swap3A_264], %swap3A_267 {strides = array<i32>} : memref<80x64xf32, #tpu.memory_space<vmem>>, vector<1x16xf32>,
        %get3A_268 = arith.index_cast %add3A_247 : i32 to index
        %get3A_269 = arith.constant 32 : index
        %get3A_270 = tpu.vector_load %arg11[%get3A_268, %get3A_269] {strides = array<i32>} : memref<80x64xf32, #tpu.memory_space<vmem>>, vector<1x16xf32>,
        %get3A_271 = vector.shape_cast %get3A_270 : vector<1x16xf32> to vector<16xf32>
        %mul3A_272 = arith.mulf %get3A_271, %broadcast_in_dim3A_243 : vector<16xf32>
        %swap3A_273 = arith.index_cast %add3A_247 : i32 to index
        %swap3A_274 = arith.constant 32 : index
        %swap3A_275 = tpu.vector_load %arg11[%swap3A_273, %swap3A_274] {strides = array<i32>} : memref<80x64xf32, #tpu.memory_space<vmem>>, vector<1x16xf32>,
        %swap3A_276 = vector.shape_cast %swap3A_275 : vector<1x16xf32> to vector<16xf32>
        %swap3A_277 = vector.shape_cast %mul3A_272 : vector<16xf32> to vector<1x16xf32>
        tpu.vector_store %arg11[%swap3A_273, %swap3A_274], %swap3A_277 {strides = array<i32>} : memref<80x64xf32, #tpu.memory_space<vmem>>, vector<1x16xf32>,
        %get3A_278 = arith.index_cast %add3A_247 : i32 to index
        %get3A_279 = arith.constant 48 : index
        %get3A_280 = tpu.vector_load %arg11[%get3A_278, %get3A_279] {strides = array<i32>} : memref<80x64xf32, #tpu.memory_space<vmem>>, vector<1x16xf32>,
        %get3A_281 = vector.shape_cast %get3A_280 : vector<1x16xf32> to vector<16xf32>
        %mul3A_282 = arith.mulf %get3A_281, %broadcast_in_dim3A_243 : vector<16xf32>
        %swap3A_283 = arith.index_cast %add3A_247 : i32 to index
        %swap3A_284 = arith.constant 48 : index
        %swap3A_285 = tpu.vector_load %arg11[%swap3A_283, %swap3A_284] {strides = array<i32>} : memref<80x64xf32, #tpu.memory_space<vmem>>, vector<1x16xf32>,
        %swap3A_286 = vector.shape_cast %swap3A_285 : vector<1x16xf32> to vector<16xf32>
        %swap3A_287 = vector.shape_cast %mul3A_282 : vector<16xf32> to vector<1x16xf32>
        tpu.vector_store %arg11[%swap3A_283, %swap3A_284], %swap3A_287 {strides = array<i32>} : memref<80x64xf32, #tpu.memory_space<vmem>>, vector<1x16xf32>,
        %slice3A_288 = vector.extract_strided_slice %get3A_148 {offsets = [3], sizes = [1], strides = [1]} : vector<16xf32> to vector<1xf32>
        %squeeze3A_289 = vector.extract %slice3A_288[0] : f32 from vector<1xf32>
        %broadcast_in_dim3A_290 = vector.broadcast %squeeze3A_289 : f32 to vector<16xf32>
        %mul3A_291 = arith.constant 16 : i32
        %mul3A_292 = arith.muli %scan3A_142, %mul3A_291 : i32
        %add3A_293 = arith.constant 3 : i32
        %add3A_294 = arith.addi %mul3A_292, %add3A_293 : i32
        %get3A_295 = arith.index_cast %add3A_294 : i32 to index
        %get3A_296 = arith.constant 0 : index
        %get3A_297 = tpu.vector_load %arg11[%get3A_295, %get3A_296] {strides = array<i32>} : memref<80x64xf32, #tpu.memory_space<vmem>>, vector<1x16xf32>,
        %get3A_298 = vector.shape_cast %get3A_297 : vector<1x16xf32> to vector<16xf32>
        %mul3A_299 = arith.mulf %get3A_298, %broadcast_in_dim3A_290 : vector<16xf32>
        %swap3A_300 = arith.index_cast %add3A_294 : i32 to index
        %swap3A_301 = arith.constant 0 : index
        %swap3A_302 = tpu.vector_load %arg11[%swap3A_300, %swap3A_301] {strides = array<i32>} : memref<80x64xf32, #tpu.memory_space<vmem>>, vector<1x16xf32>,
        %swap3A_303 = vector.shape_cast %swap3A_302 : vector<1x16xf32> to vector<16xf32>
        %swap3A_304 = vector.shape_cast %mul3A_299 : vector<16xf32> to vector<1x16xf32>
        tpu.vector_store %arg11[%swap3A_300, %swap3A_301], %swap3A_304 {strides = array<i32>} : memref<80x64xf32, #tpu.memory_space<vmem>>, vector<1x16xf32>,
        %get3A_305 = arith.index_cast %add3A_294 : i32 to index
        %get3A_306 = arith.constant 16 : index
        %get3A_307 = tpu.vector_load %arg11[%get3A_305, %get3A_306] {strides = array<i32>} : memref<80x64xf32, #tpu.memory_space<vmem>>, vector<1x16xf32>,
        %get3A_308 = vector.shape_cast %get3A_307 : vector<1x16xf32> to vector<16xf32>
        %mul3A_309 = arith.mulf %get3A_308, %broadcast_in_dim3A_290 : vector<16xf32>
        %swap3A_310 = arith.index_cast %add3A_294 : i32 to index
        %swap3A_311 = arith.constant 16 : index
        %swap3A_312 = tpu.vector_load %arg11[%swap3A_310, %swap3A_311] {strides = array<i32>} : memref<80x64xf32, #tpu.memory_space<vmem>>, vector<1x16xf32>,
        %swap3A_313 = vector.shape_cast %swap3A_312 : vector<1x16xf32> to vector<16xf32>
        %swap3A_314 = vector.shape_cast %mul3A_309 : vector<16xf32> to vector<1x16xf32>
        tpu.vector_store %arg11[%swap3A_310, %swap3A_311], %swap3A_314 {strides = array<i32>} : memref<80x64xf32, #tpu.memory_space<vmem>>, vector<1x16xf32>,
        %get3A_315 = arith.index_cast %add3A_294 : i32 to index
        %get3A_316 = arith.constant 32 : index
        %get3A_317 = tpu.vector_load %arg11[%get3A_315, %get3A_316] {strides = array<i32>} : memref<80x64xf32, #tpu.memory_space<vmem>>, vector<1x16xf32>,
        %get3A_318 = vector.shape_cast %get3A_317 : vector<1x16xf32> to vector<16xf32>
        %mul3A_319 = arith.mulf %get3A_318, %broadcast_in_dim3A_290 : vector<16xf32>
        %swap3A_320 = arith.index_cast %add3A_294 : i32 to index
        %swap3A_321 = arith.constant 32 : index
        %swap3A_322 = tpu.vector_load %arg11[%swap3A_320, %swap3A_321] {strides = array<i32>} : memref<80x64xf32, #tpu.memory_space<vmem>>, vector<1x16xf32>,
        %swap3A_323 = vector.shape_cast %swap3A_322 : vector<1x16xf32> to vector<16xf32>
        %swap3A_324 = vector.shape_cast %mul3A_319 : vector<16xf32> to vector<1x16xf32>
        tpu.vector_store %arg11[%swap3A_320, %swap3A_321], %swap3A_324 {strides = array<i32>} : memref<80x64xf32, #tpu.memory_space<vmem>>, vector<1x16xf32>,
        %get3A_325 = arith.index_cast %add3A_294 : i32 to index
        %get3A_326 = arith.constant 48 : index
        %get3A_327 = tpu.vector_load %arg11[%get3A_325, %get3A_326] {strides = array<i32>} : memref<80x64xf32, #tpu.memory_space<vmem>>, vector<1x16xf32>,
        %get3A_328 = vector.shape_cast %get3A_327 : vector<1x16xf32> to vector<16xf32>
        %mul3A_329 = arith.mulf %get3A_328, %broadcast_in_dim3A_290 : vector<16xf32>
        %swap3A_330 = arith.index_cast %add3A_294 : i32 to index
        %swap3A_331 = arith.constant 48 : index
        %swap3A_332 = tpu.vector_load %arg11[%swap3A_330, %swap3A_331] {strides = array<i32>} : memref<80x64xf32, #tpu.memory_space<vmem>>, vector<1x16xf32>,
        %swap3A_333 = vector.shape_cast %swap3A_332 : vector<1x16xf32> to vector<16xf32>
        %swap3A_334 = vector.shape_cast %mul3A_329 : vector<16xf32> to vector<1x16xf32>
        tpu.vector_store %arg11[%swap3A_330, %swap3A_331], %swap3A_334 {strides = array<i32>} : memref<80x64xf32, #tpu.memory_space<vmem>>, vector<1x16xf32>,
        %slice3A_335 = vector.extract_strided_slice %get3A_148 {offsets = [4], sizes = [1], strides = [1]} : vector<16xf32> to vector<1xf32>
        %squeeze3A_336 = vector.extract %slice3A_335[0] : f32 from vector<1xf32>
        %broadcast_in_dim3A_337 = vector.broadcast %squeeze3A_336 : f32 to vector<16xf32>
        %mul3A_338 = arith.constant 16 : i32
        %mul3A_339 = arith.muli %scan3A_142, %mul3A_338 : i32
        %add3A_340 = arith.constant 4 : i32
        %add3A_341 = arith.addi %mul3A_339, %add3A_340 : i32
        %get3A_342 = arith.index_cast %add3A_341 : i32 to index
        %get3A_343 = arith.constant 0 : index
        %get3A_344 = tpu.vector_load %arg11[%get3A_342, %get3A_343] {strides = array<i32>} : memref<80x64xf32, #tpu.memory_space<vmem>>, vector<1x16xf32>,
        %get3A_345 = vector.shape_cast %get3A_344 : vector<1x16xf32> to vector<16xf32>
        %mul3A_346 = arith.mulf %get3A_345, %broadcast_in_dim3A_337 : vector<16xf32>
        %swap3A_347 = arith.index_cast %add3A_341 : i32 to index
        %swap3A_348 = arith.constant 0 : index
        %swap3A_349 = tpu.vector_load %arg11[%swap3A_347, %swap3A_348] {strides = array<i32>} : memref<80x64xf32, #tpu.memory_space<vmem>>, vector<1x16xf32>,
        %swap3A_350 = vector.shape_cast %swap3A_349 : vector<1x16xf32> to vector<16xf32>
        %swap3A_351 = vector.shape_cast %mul3A_346 : vector<16xf32> to vector<1x16xf32>
        tpu.vector_store %arg11[%swap3A_347, %swap3A_348], %swap3A_351 {strides = array<i32>} : memref<80x64xf32, #tpu.memory_space<vmem>>, vector<1x16xf32>,
        %get3A_352 = arith.index_cast %add3A_341 : i32 to index
        %get3A_353 = arith.constant 16 : index
        %get3A_354 = tpu.vector_load %arg11[%get3A_352, %get3A_353] {strides = array<i32>} : memref<80x64xf32, #tpu.memory_space<vmem>>, vector<1x16xf32>,
        %get3A_355 = vector.shape_cast %get3A_354 : vector<1x16xf32> to vector<16xf32>
        %mul3A_356 = arith.mulf %get3A_355, %broadcast_in_dim3A_337 : vector<16xf32>
        %swap3A_357 = arith.index_cast %add3A_341 : i32 to index
        %swap3A_358 = arith.constant 16 : index
        %swap3A_359 = tpu.vector_load %arg11[%swap3A_357, %swap3A_358] {strides = array<i32>} : memref<80x64xf32, #tpu.memory_space<vmem>>, vector<1x16xf32>,
        %swap3A_360 = vector.shape_cast %swap3A_359 : vector<1x16xf32> to vector<16xf32>
        %swap3A_361 = vector.shape_cast %mul3A_356 : vector<16xf32> to vector<1x16xf32>
        tpu.vector_store %arg11[%swap3A_357, %swap3A_358], %swap3A_361 {strides = array<i32>} : memref<80x64xf32, #tpu.memory_space<vmem>>, vector<1x16xf32>,
        %get3A_362 = arith.index_cast %add3A_341 : i32 to index
        %get3A_363 = arith.constant 32 : index
        %get3A_364 = tpu.vector_load %arg11[%get3A_362, %get3A_363] {strides = array<i32>} : memref<80x64xf32, #tpu.memory_space<vmem>>, vector<1x16xf32>,
        %get3A_365 = vector.shape_cast %get3A_364 : vector<1x16xf32> to vector<16xf32>
        %mul3A_366 = arith.mulf %get3A_365, %broadcast_in_dim3A_337 : vector<16xf32>
        %swap3A_367 = arith.index_cast %add3A_341 : i32 to index
        %swap3A_368 = arith.constant 32 : index
        %swap3A_369 = tpu.vector_load %arg11[%swap3A_367, %swap3A_368] {strides = array<i32>} : memref<80x64xf32, #tpu.memory_space<vmem>>, vector<1x16xf32>,
        %swap3A_370 = vector.shape_cast %swap3A_369 : vector<1x16xf32> to vector<16xf32>
        %swap3A_371 = vector.shape_cast %mul3A_366 : vector<16xf32> to vector<1x16xf32>
        tpu.vector_store %arg11[%swap3A_367, %swap3A_368], %swap3A_371 {strides = array<i32>} : memref<80x64xf32, #tpu.memory_space<vmem>>, vector<1x16xf32>,
        %get3A_372 = arith.index_cast %add3A_341 : i32 to index
        %get3A_373 = arith.constant 48 : index
        %get3A_374 = tpu.vector_load %arg11[%get3A_372, %get3A_373] {strides = array<i32>} : memref<80x64xf32, #tpu.memory_space<vmem>>, vector<1x16xf32>,
        %get3A_375 = vector.shape_cast %get3A_374 : vector<1x16xf32> to vector<16xf32>
        %mul3A_376 = arith.mulf %get3A_375, %broadcast_in_dim3A_337 : vector<16xf32>
        %swap3A_377 = arith.index_cast %add3A_341 : i32 to index
        %swap3A_378 = arith.constant 48 : index
        %swap3A_379 = tpu.vector_load %arg11[%swap3A_377, %swap3A_378] {strides = array<i32>} : memref<80x64xf32, #tpu.memory_space<vmem>>, vector<1x16xf32>,
        %swap3A_380 = vector.shape_cast %swap3A_379 : vector<1x16xf32> to vector<16xf32>
        %swap3A_381 = vector.shape_cast %mul3A_376 : vector<16xf32> to vector<1x16xf32>
        tpu.vector_store %arg11[%swap3A_377, %swap3A_378], %swap3A_381 {strides = array<i32>} : memref<80x64xf32, #tpu.memory_space<vmem>>, vector<1x16xf32>,
        %slice3A_382 = vector.extract_strided_slice %get3A_148 {offsets = [5], sizes = [1], strides = [1]} : vector<16xf32> to vector<1xf32>
        %squeeze3A_383 = vector.extract %slice3A_382[0] : f32 from vector<1xf32>
        %broadcast_in_dim3A_384 = vector.broadcast %squeeze3A_383 : f32 to vector<16xf32>
        %mul3A_385 = arith.constant 16 : i32
        %mul3A_386 = arith.muli %scan3A_142, %mul3A_385 : i32
        %add3A_387 = arith.constant 5 : i32
        %add3A_388 = arith.addi %mul3A_386, %add3A_387 : i32
        %get3A_389 = arith.index_cast %add3A_388 : i32 to index
        %get3A_390 = arith.constant 0 : index
        %get3A_391 = tpu.vector_load %arg11[%get3A_389, %get3A_390] {strides = array<i32>} : memref<80x64xf32, #tpu.memory_space<vmem>>, vector<1x16xf32>,
        %get3A_392 = vector.shape_cast %get3A_391 : vector<1x16xf32> to vector<16xf32>
        %mul3A_393 = arith.mulf %get3A_392, %broadcast_in_dim3A_384 : vector<16xf32>
        %swap3A_394 = arith.index_cast %add3A_388 : i32 to index
        %swap3A_395 = arith.constant 0 : index
        %swap3A_396 = tpu.vector_load %arg11[%swap3A_394, %swap3A_395] {strides = array<i32>} : memref<80x64xf32, #tpu.memory_space<vmem>>, vector<1x16xf32>,
        %swap3A_397 = vector.shape_cast %swap3A_396 : vector<1x16xf32> to vector<16xf32>
        %swap3A_398 = vector.shape_cast %mul3A_393 : vector<16xf32> to vector<1x16xf32>
        tpu.vector_store %arg11[%swap3A_394, %swap3A_395], %swap3A_398 {strides = array<i32>} : memref<80x64xf32, #tpu.memory_space<vmem>>, vector<1x16xf32>,
        %get3A_399 = arith.index_cast %add3A_388 : i32 to index
        %get3A_400 = arith.constant 16 : index
        %get3A_401 = tpu.vector_load %arg11[%get3A_399, %get3A_400] {strides = array<i32>} : memref<80x64xf32, #tpu.memory_space<vmem>>, vector<1x16xf32>,
        %get3A_402 = vector.shape_cast %get3A_401 : vector<1x16xf32> to vector<16xf32>
        %mul3A_403 = arith.mulf %get3A_402, %broadcast_in_dim3A_384 : vector<16xf32>
        %swap3A_404 = arith.index_cast %add3A_388 : i32 to index
        %swap3A_405 = arith.constant 16 : index
        %swap3A_406 = tpu.vector_load %arg11[%swap3A_404, %swap3A_405] {strides = array<i32>} : memref<80x64xf32, #tpu.memory_space<vmem>>, vector<1x16xf32>,
        %swap3A_407 = vector.shape_cast %swap3A_406 : vector<1x16xf32> to vector<16xf32>
        %swap3A_408 = vector.shape_cast %mul3A_403 : vector<16xf32> to vector<1x16xf32>
        tpu.vector_store %arg11[%swap3A_404, %swap3A_405], %swap3A_408 {strides = array<i32>} : memref<80x64xf32, #tpu.memory_space<vmem>>, vector<1x16xf32>,
        %get3A_409 = arith.index_cast %add3A_388 : i32 to index
        %get3A_410 = arith.constant 32 : index
        %get3A_411 = tpu.vector_load %arg11[%get3A_409, %get3A_410] {strides = array<i32>} : memref<80x64xf32, #tpu.memory_space<vmem>>, vector<1x16xf32>,
        %get3A_412 = vector.shape_cast %get3A_411 : vector<1x16xf32> to vector<16xf32>
        %mul3A_413 = arith.mulf %get3A_412, %broadcast_in_dim3A_384 : vector<16xf32>
        %swap3A_414 = arith.index_cast %add3A_388 : i32 to index
        %swap3A_415 = arith.constant 32 : index
        %swap3A_416 = tpu.vector_load %arg11[%swap3A_414, %swap3A_415] {strides = array<i32>} : memref<80x64xf32, #tpu.memory_space<vmem>>, vector<1x16xf32>,
        %swap3A_417 = vector.shape_cast %swap3A_416 : vector<1x16xf32> to vector<16xf32>
        %swap3A_418 = vector.shape_cast %mul3A_413 : vector<16xf32> to vector<1x16xf32>
        tpu.vector_store %arg11[%swap3A_414, %swap3A_415], %swap3A_418 {strides = array<i32>} : memref<80x64xf32, #tpu.memory_space<vmem>>, vector<1x16xf32>,
        %get3A_419 = arith.index_cast %add3A_388 : i32 to index
        %get3A_420 = arith.constant 48 : index
        %get3A_421 = tpu.vector_load %arg11[%get3A_419, %get3A_420] {strides = array<i32>} : memref<80x64xf32, #tpu.memory_space<vmem>>, vector<1x16xf32>,
        %get3A_422 = vector.shape_cast %get3A_421 : vector<1x16xf32> to vector<16xf32>
        %mul3A_423 = arith.mulf %get3A_422, %broadcast_in_dim3A_384 : vector<16xf32>
        %swap3A_424 = arith.index_cast %add3A_388 : i32 to index
        %swap3A_425 = arith.constant 48 : index
        %swap3A_426 = tpu.vector_load %arg11[%swap3A_424, %swap3A_425] {strides = array<i32>} : memref<80x64xf32, #tpu.memory_space<vmem>>, vector<1x16xf32>,
        %swap3A_427 = vector.shape_cast %swap3A_426 : vector<1x16xf32> to vector<16xf32>
        %swap3A_428 = vector.shape_cast %mul3A_423 : vector<16xf32> to vector<1x16xf32>
        tpu.vector_store %arg11[%swap3A_424, %swap3A_425], %swap3A_428 {strides = array<i32>} : memref<80x64xf32, #tpu.memory_space<vmem>>, vector<1x16xf32>,
        %slice3A_429 = vector.extract_strided_slice %get3A_148 {offsets = [6], sizes = [1], strides = [1]} : vector<16xf32> to vector<1xf32>
        %squeeze3A_430 = vector.extract %slice3A_429[0] : f32 from vector<1xf32>
        %broadcast_in_dim3A_431 = vector.broadcast %squeeze3A_430 : f32 to vector<16xf32>
        %mul3A_432 = arith.constant 16 : i32
        %mul3A_433 = arith.muli %scan3A_142, %mul3A_432 : i32
        %add3A_434 = arith.constant 6 : i32
        %add3A_435 = arith.addi %mul3A_433, %add3A_434 : i32
        %get3A_436 = arith.index_cast %add3A_435 : i32 to index
        %get3A_437 = arith.constant 0 : index
        %get3A_438 = tpu.vector_load %arg11[%get3A_436, %get3A_437] {strides = array<i32>} : memref<80x64xf32, #tpu.memory_space<vmem>>, vector<1x16xf32>,
        %get3A_439 = vector.shape_cast %get3A_438 : vector<1x16xf32> to vector<16xf32>
        %mul3A_440 = arith.mulf %get3A_439, %broadcast_in_dim3A_431 : vector<16xf32>
        %swap3A_441 = arith.index_cast %add3A_435 : i32 to index
        %swap3A_442 = arith.constant 0 : index
        %swap3A_443 = tpu.vector_load %arg11[%swap3A_441, %swap3A_442] {strides = array<i32>} : memref<80x64xf32, #tpu.memory_space<vmem>>, vector<1x16xf32>,
        %swap3A_444 = vector.shape_cast %swap3A_443 : vector<1x16xf32> to vector<16xf32>
        %swap3A_445 = vector.shape_cast %mul3A_440 : vector<16xf32> to vector<1x16xf32>
        tpu.vector_store %arg11[%swap3A_441, %swap3A_442], %swap3A_445 {strides = array<i32>} : memref<80x64xf32, #tpu.memory_space<vmem>>, vector<1x16xf32>,
        %get3A_446 = arith.index_cast %add3A_435 : i32 to index
        %get3A_447 = arith.constant 16 : index
        %get3A_448 = tpu.vector_load %arg11[%get3A_446, %get3A_447] {strides = array<i32>} : memref<80x64xf32, #tpu.memory_space<vmem>>, vector<1x16xf32>,
        %get3A_449 = vector.shape_cast %get3A_448 : vector<1x16xf32> to vector<16xf32>
        %mul3A_450 = arith.mulf %get3A_449, %broadcast_in_dim3A_431 : vector<16xf32>
        %swap3A_451 = arith.index_cast %add3A_435 : i32 to index
        %swap3A_452 = arith.constant 16 : index
        %swap3A_453 = tpu.vector_load %arg11[%swap3A_451, %swap3A_452] {strides = array<i32>} : memref<80x64xf32, #tpu.memory_space<vmem>>, vector<1x16xf32>,
        %swap3A_454 = vector.shape_cast %swap3A_453 : vector<1x16xf32> to vector<16xf32>
        %swap3A_455 = vector.shape_cast %mul3A_450 : vector<16xf32> to vector<1x16xf32>
        tpu.vector_store %arg11[%swap3A_451, %swap3A_452], %swap3A_455 {strides = array<i32>} : memref<80x64xf32, #tpu.memory_space<vmem>>, vector<1x16xf32>,
        %get3A_456 = arith.index_cast %add3A_435 : i32 to index
        %get3A_457 = arith.constant 32 : index
        %get3A_458 = tpu.vector_load %arg11[%get3A_456, %get3A_457] {strides = array<i32>} : memref<80x64xf32, #tpu.memory_space<vmem>>, vector<1x16xf32>,
        %get3A_459 = vector.shape_cast %get3A_458 : vector<1x16xf32> to vector<16xf32>
        %mul3A_460 = arith.mulf %get3A_459, %broadcast_in_dim3A_431 : vector<16xf32>
        %swap3A_461 = arith.index_cast %add3A_435 : i32 to index
        %swap3A_462 = arith.constant 32 : index
        %swap3A_463 = tpu.vector_load %arg11[%swap3A_461, %swap3A_462] {strides = array<i32>} : memref<80x64xf32, #tpu.memory_space<vmem>>, vector<1x16xf32>,
        %swap3A_464 = vector.shape_cast %swap3A_463 : vector<1x16xf32> to vector<16xf32>
        %swap3A_465 = vector.shape_cast %mul3A_460 : vector<16xf32> to vector<1x16xf32>
        tpu.vector_store %arg11[%swap3A_461, %swap3A_462], %swap3A_465 {strides = array<i32>} : memref<80x64xf32, #tpu.memory_space<vmem>>, vector<1x16xf32>,
        %get3A_466 = arith.index_cast %add3A_435 : i32 to index
        %get3A_467 = arith.constant 48 : index
        %get3A_468 = tpu.vector_load %arg11[%get3A_466, %get3A_467] {strides = array<i32>} : memref<80x64xf32, #tpu.memory_space<vmem>>, vector<1x16xf32>,
        %get3A_469 = vector.shape_cast %get3A_468 : vector<1x16xf32> to vector<16xf32>
        %mul3A_470 = arith.mulf %get3A_469, %broadcast_in_dim3A_431 : vector<16xf32>
        %swap3A_471 = arith.index_cast %add3A_435 : i32 to index
        %swap3A_472 = arith.constant 48 : index
        %swap3A_473 = tpu.vector_load %arg11[%swap3A_471, %swap3A_472] {strides = array<i32>} : memref<80x64xf32, #tpu.memory_space<vmem>>, vector<1x16xf32>,
        %swap3A_474 = vector.shape_cast %swap3A_473 : vector<1x16xf32> to vector<16xf32>
        %swap3A_475 = vector.shape_cast %mul3A_470 : vector<16xf32> to vector<1x16xf32>
        tpu.vector_store %arg11[%swap3A_471, %swap3A_472], %swap3A_475 {strides = array<i32>} : memref<80x64xf32, #tpu.memory_space<vmem>>, vector<1x16xf32>,
        %slice3A_476 = vector.extract_strided_slice %get3A_148 {offsets = [7], sizes = [1], strides = [1]} : vector<16xf32> to vector<1xf32>
        %squeeze3A_477 = vector.extract %slice3A_476[0] : f32 from vector<1xf32>
        %broadcast_in_dim3A_478 = vector.broadcast %squeeze3A_477 : f32 to vector<16xf32>
        %mul3A_479 = arith.constant 16 : i32
        %mul3A_480 = arith.muli %scan3A_142, %mul3A_479 : i32
        %add3A_481 = arith.constant 7 : i32
        %add3A_482 = arith.addi %mul3A_480, %add3A_481 : i32
        %get3A_483 = arith.index_cast %add3A_482 : i32 to index
        %get3A_484 = arith.constant 0 : index
        %get3A_485 = tpu.vector_load %arg11[%get3A_483, %get3A_484] {strides = array<i32>} : memref<80x64xf32, #tpu.memory_space<vmem>>, vector<1x16xf32>,
        %get3A_486 = vector.shape_cast %get3A_485 : vector<1x16xf32> to vector<16xf32>
        %mul3A_487 = arith.mulf %get3A_486, %broadcast_in_dim3A_478 : vector<16xf32>
        %swap3A_488 = arith.index_cast %add3A_482 : i32 to index
        %swap3A_489 = arith.constant 0 : index
        %swap3A_490 = tpu.vector_load %arg11[%swap3A_488, %swap3A_489] {strides = array<i32>} : memref<80x64xf32, #tpu.memory_space<vmem>>, vector<1x16xf32>,
        %swap3A_491 = vector.shape_cast %swap3A_490 : vector<1x16xf32> to vector<16xf32>
        %swap3A_492 = vector.shape_cast %mul3A_487 : vector<16xf32> to vector<1x16xf32>
        tpu.vector_store %arg11[%swap3A_488, %swap3A_489], %swap3A_492 {strides = array<i32>} : memref<80x64xf32, #tpu.memory_space<vmem>>, vector<1x16xf32>,
        %get3A_493 = arith.index_cast %add3A_482 : i32 to index
        %get3A_494 = arith.constant 16 : index
        %get3A_495 = tpu.vector_load %arg11[%get3A_493, %get3A_494] {strides = array<i32>} : memref<80x64xf32, #tpu.memory_space<vmem>>, vector<1x16xf32>,
        %get3A_496 = vector.shape_cast %get3A_495 : vector<1x16xf32> to vector<16xf32>
        %mul3A_497 = arith.mulf %get3A_496, %broadcast_in_dim3A_478 : vector<16xf32>
        %swap3A_498 = arith.index_cast %add3A_482 : i32 to index
        %swap3A_499 = arith.constant 16 : index
        %swap3A_500 = tpu.vector_load %arg11[%swap3A_498, %swap3A_499] {strides = array<i32>} : memref<80x64xf32, #tpu.memory_space<vmem>>, vector<1x16xf32>,
        %swap3A_501 = vector.shape_cast %swap3A_500 : vector<1x16xf32> to vector<16xf32>
        %swap3A_502 = vector.shape_cast %mul3A_497 : vector<16xf32> to vector<1x16xf32>
        tpu.vector_store %arg11[%swap3A_498, %swap3A_499], %swap3A_502 {strides = array<i32>} : memref<80x64xf32, #tpu.memory_space<vmem>>, vector<1x16xf32>,
        %get3A_503 = arith.index_cast %add3A_482 : i32 to index
        %get3A_504 = arith.constant 32 : index
        %get3A_505 = tpu.vector_load %arg11[%get3A_503, %get3A_504] {strides = array<i32>} : memref<80x64xf32, #tpu.memory_space<vmem>>, vector<1x16xf32>,
        %get3A_506 = vector.shape_cast %get3A_505 : vector<1x16xf32> to vector<16xf32>
        %mul3A_507 = arith.mulf %get3A_506, %broadcast_in_dim3A_478 : vector<16xf32>
        %swap3A_508 = arith.index_cast %add3A_482 : i32 to index
        %swap3A_509 = arith.constant 32 : index
        %swap3A_510 = tpu.vector_load %arg11[%swap3A_508, %swap3A_509] {strides = array<i32>} : memref<80x64xf32, #tpu.memory_space<vmem>>, vector<1x16xf32>,
        %swap3A_511 = vector.shape_cast %swap3A_510 : vector<1x16xf32> to vector<16xf32>
        %swap3A_512 = vector.shape_cast %mul3A_507 : vector<16xf32> to vector<1x16xf32>
        tpu.vector_store %arg11[%swap3A_508, %swap3A_509], %swap3A_512 {strides = array<i32>} : memref<80x64xf32, #tpu.memory_space<vmem>>, vector<1x16xf32>,
        %get3A_513 = arith.index_cast %add3A_482 : i32 to index
        %get3A_514 = arith.constant 48 : index
        %get3A_515 = tpu.vector_load %arg11[%get3A_513, %get3A_514] {strides = array<i32>} : memref<80x64xf32, #tpu.memory_space<vmem>>, vector<1x16xf32>,
        %get3A_516 = vector.shape_cast %get3A_515 : vector<1x16xf32> to vector<16xf32>
        %mul3A_517 = arith.mulf %get3A_516, %broadcast_in_dim3A_478 : vector<16xf32>
        %swap3A_518 = arith.index_cast %add3A_482 : i32 to index
        %swap3A_519 = arith.constant 48 : index
        %swap3A_520 = tpu.vector_load %arg11[%swap3A_518, %swap3A_519] {strides = array<i32>} : memref<80x64xf32, #tpu.memory_space<vmem>>, vector<1x16xf32>,
        %swap3A_521 = vector.shape_cast %swap3A_520 : vector<1x16xf32> to vector<16xf32>
        %swap3A_522 = vector.shape_cast %mul3A_517 : vector<16xf32> to vector<1x16xf32>
        tpu.vector_store %arg11[%swap3A_518, %swap3A_519], %swap3A_522 {strides = array<i32>} : memref<80x64xf32, #tpu.memory_space<vmem>>, vector<1x16xf32>,
        %slice3A_523 = vector.extract_strided_slice %get3A_148 {offsets = [8], sizes = [1], strides = [1]} : vector<16xf32> to vector<1xf32>
        %squeeze3A_524 = vector.extract %slice3A_523[0] : f32 from vector<1xf32>
        %broadcast_in_dim3A_525 = vector.broadcast %squeeze3A_524 : f32 to vector<16xf32>
        %mul3A_526 = arith.constant 16 : i32
        %mul3A_527 = arith.muli %scan3A_142, %mul3A_526 : i32
        %add3A_528 = arith.constant 8 : i32
        %add3A_529 = arith.addi %mul3A_527, %add3A_528 : i32
        %get3A_530 = arith.index_cast %add3A_529 : i32 to index
        %get3A_531 = arith.constant 0 : index
        %get3A_532 = tpu.vector_load %arg11[%get3A_530, %get3A_531] {strides = array<i32>} : memref<80x64xf32, #tpu.memory_space<vmem>>, vector<1x16xf32>,
        %get3A_533 = vector.shape_cast %get3A_532 : vector<1x16xf32> to vector<16xf32>
        %mul3A_534 = arith.mulf %get3A_533, %broadcast_in_dim3A_525 : vector<16xf32>
        %swap3A_535 = arith.index_cast %add3A_529 : i32 to index
        %swap3A_536 = arith.constant 0 : index
        %swap3A_537 = tpu.vector_load %arg11[%swap3A_535, %swap3A_536] {strides = array<i32>} : memref<80x64xf32, #tpu.memory_space<vmem>>, vector<1x16xf32>,
        %swap3A_538 = vector.shape_cast %swap3A_537 : vector<1x16xf32> to vector<16xf32>
        %swap3A_539 = vector.shape_cast %mul3A_534 : vector<16xf32> to vector<1x16xf32>
        tpu.vector_store %arg11[%swap3A_535, %swap3A_536], %swap3A_539 {strides = array<i32>} : memref<80x64xf32, #tpu.memory_space<vmem>>, vector<1x16xf32>,
        %get3A_540 = arith.index_cast %add3A_529 : i32 to index
        %get3A_541 = arith.constant 16 : index
        %get3A_542 = tpu.vector_load %arg11[%get3A_540, %get3A_541] {strides = array<i32>} : memref<80x64xf32, #tpu.memory_space<vmem>>, vector<1x16xf32>,
        %get3A_543 = vector.shape_cast %get3A_542 : vector<1x16xf32> to vector<16xf32>
        %mul3A_544 = arith.mulf %get3A_543, %broadcast_in_dim3A_525 : vector<16xf32>
        %swap3A_545 = arith.index_cast %add3A_529 : i32 to index
        %swap3A_546 = arith.constant 16 : index
        %swap3A_547 = tpu.vector_load %arg11[%swap3A_545, %swap3A_546] {strides = array<i32>} : memref<80x64xf32, #tpu.memory_space<vmem>>, vector<1x16xf32>,
        %swap3A_548 = vector.shape_cast %swap3A_547 : vector<1x16xf32> to vector<16xf32>
        %swap3A_549 = vector.shape_cast %mul3A_544 : vector<16xf32> to vector<1x16xf32>
        tpu.vector_store %arg11[%swap3A_545, %swap3A_546], %swap3A_549 {strides = array<i32>} : memref<80x64xf32, #tpu.memory_space<vmem>>, vector<1x16xf32>,
        %get3A_550 = arith.index_cast %add3A_529 : i32 to index
        %get3A_551 = arith.constant 32 : index
        %get3A_552 = tpu.vector_load %arg11[%get3A_550, %get3A_551] {strides = array<i32>} : memref<80x64xf32, #tpu.memory_space<vmem>>, vector<1x16xf32>,
        %get3A_553 = vector.shape_cast %get3A_552 : vector<1x16xf32> to vector<16xf32>
        %mul3A_554 = arith.mulf %get3A_553, %broadcast_in_dim3A_525 : vector<16xf32>
        %swap3A_555 = arith.index_cast %add3A_529 : i32 to index
        %swap3A_556 = arith.constant 32 : index
        %swap3A_557 = tpu.vector_load %arg11[%swap3A_555, %swap3A_556] {strides = array<i32>} : memref<80x64xf32, #tpu.memory_space<vmem>>, vector<1x16xf32>,
        %swap3A_558 = vector.shape_cast %swap3A_557 : vector<1x16xf32> to vector<16xf32>
        %swap3A_559 = vector.shape_cast %mul3A_554 : vector<16xf32> to vector<1x16xf32>
        tpu.vector_store %arg11[%swap3A_555, %swap3A_556], %swap3A_559 {strides = array<i32>} : memref<80x64xf32, #tpu.memory_space<vmem>>, vector<1x16xf32>,
        %get3A_560 = arith.index_cast %add3A_529 : i32 to index
        %get3A_561 = arith.constant 48 : index
        %get3A_562 = tpu.vector_load %arg11[%get3A_560, %get3A_561] {strides = array<i32>} : memref<80x64xf32, #tpu.memory_space<vmem>>, vector<1x16xf32>,
        %get3A_563 = vector.shape_cast %get3A_562 : vector<1x16xf32> to vector<16xf32>
        %mul3A_564 = arith.mulf %get3A_563, %broadcast_in_dim3A_525 : vector<16xf32>
        %swap3A_565 = arith.index_cast %add3A_529 : i32 to index
        %swap3A_566 = arith.constant 48 : index
        %swap3A_567 = tpu.vector_load %arg11[%swap3A_565, %swap3A_566] {strides = array<i32>} : memref<80x64xf32, #tpu.memory_space<vmem>>, vector<1x16xf32>,
        %swap3A_568 = vector.shape_cast %swap3A_567 : vector<1x16xf32> to vector<16xf32>
        %swap3A_569 = vector.shape_cast %mul3A_564 : vector<16xf32> to vector<1x16xf32>
        tpu.vector_store %arg11[%swap3A_565, %swap3A_566], %swap3A_569 {strides = array<i32>} : memref<80x64xf32, #tpu.memory_space<vmem>>, vector<1x16xf32>,
        %slice3A_570 = vector.extract_strided_slice %get3A_148 {offsets = [9], sizes = [1], strides = [1]} : vector<16xf32> to vector<1xf32>
        %squeeze3A_571 = vector.extract %slice3A_570[0] : f32 from vector<1xf32>
        %broadcast_in_dim3A_572 = vector.broadcast %squeeze3A_571 : f32 to vector<16xf32>
        %mul3A_573 = arith.constant 16 : i32
        %mul3A_574 = arith.muli %scan3A_142, %mul3A_573 : i32
        %add3A_575 = arith.constant 9 : i32
        %add3A_576 = arith.addi %mul3A_574, %add3A_575 : i32
        %get3A_577 = arith.index_cast %add3A_576 : i32 to index
        %get3A_578 = arith.constant 0 : index
        %get3A_579 = tpu.vector_load %arg11[%get3A_577, %get3A_578] {strides = array<i32>} : memref<80x64xf32, #tpu.memory_space<vmem>>, vector<1x16xf32>,
        %get3A_580 = vector.shape_cast %get3A_579 : vector<1x16xf32> to vector<16xf32>
        %mul3A_581 = arith.mulf %get3A_580, %broadcast_in_dim3A_572 : vector<16xf32>
        %swap3A_582 = arith.index_cast %add3A_576 : i32 to index
        %swap3A_583 = arith.constant 0 : index
        %swap3A_584 = tpu.vector_load %arg11[%swap3A_582, %swap3A_583] {strides = array<i32>} : memref<80x64xf32, #tpu.memory_space<vmem>>, vector<1x16xf32>,
        %swap3A_585 = vector.shape_cast %swap3A_584 : vector<1x16xf32> to vector<16xf32>
        %swap3A_586 = vector.shape_cast %mul3A_581 : vector<16xf32> to vector<1x16xf32>
        tpu.vector_store %arg11[%swap3A_582, %swap3A_583], %swap3A_586 {strides = array<i32>} : memref<80x64xf32, #tpu.memory_space<vmem>>, vector<1x16xf32>,
        %get3A_587 = arith.index_cast %add3A_576 : i32 to index
        %get3A_588 = arith.constant 16 : index
        %get3A_589 = tpu.vector_load %arg11[%get3A_587, %get3A_588] {strides = array<i32>} : memref<80x64xf32, #tpu.memory_space<vmem>>, vector<1x16xf32>,
        %get3A_590 = vector.shape_cast %get3A_589 : vector<1x16xf32> to vector<16xf32>
        %mul3A_591 = arith.mulf %get3A_590, %broadcast_in_dim3A_572 : vector<16xf32>
        %swap3A_592 = arith.index_cast %add3A_576 : i32 to index
        %swap3A_593 = arith.constant 16 : index
        %swap3A_594 = tpu.vector_load %arg11[%swap3A_592, %swap3A_593] {strides = array<i32>} : memref<80x64xf32, #tpu.memory_space<vmem>>, vector<1x16xf32>,
        %swap3A_595 = vector.shape_cast %swap3A_594 : vector<1x16xf32> to vector<16xf32>
        %swap3A_596 = vector.shape_cast %mul3A_591 : vector<16xf32> to vector<1x16xf32>
        tpu.vector_store %arg11[%swap3A_592, %swap3A_593], %swap3A_596 {strides = array<i32>} : memref<80x64xf32, #tpu.memory_space<vmem>>, vector<1x16xf32>,
        %get3A_597 = arith.index_cast %add3A_576 : i32 to index
        %get3A_598 = arith.constant 32 : index
        %get3A_599 = tpu.vector_load %arg11[%get3A_597, %get3A_598] {strides = array<i32>} : memref<80x64xf32, #tpu.memory_space<vmem>>, vector<1x16xf32>,
        %get3A_600 = vector.shape_cast %get3A_599 : vector<1x16xf32> to vector<16xf32>
        %mul3A_601 = arith.mulf %get3A_600, %broadcast_in_dim3A_572 : vector<16xf32>
        %swap3A_602 = arith.index_cast %add3A_576 : i32 to index
        %swap3A_603 = arith.constant 32 : index
        %swap3A_604 = tpu.vector_load %arg11[%swap3A_602, %swap3A_603] {strides = array<i32>} : memref<80x64xf32, #tpu.memory_space<vmem>>, vector<1x16xf32>,
        %swap3A_605 = vector.shape_cast %swap3A_604 : vector<1x16xf32> to vector<16xf32>
        %swap3A_606 = vector.shape_cast %mul3A_601 : vector<16xf32> to vector<1x16xf32>
        tpu.vector_store %arg11[%swap3A_602, %swap3A_603], %swap3A_606 {strides = array<i32>} : memref<80x64xf32, #tpu.memory_space<vmem>>, vector<1x16xf32>,
        %get3A_607 = arith.index_cast %add3A_576 : i32 to index
        %get3A_608 = arith.constant 48 : index
        %get3A_609 = tpu.vector_load %arg11[%get3A_607, %get3A_608] {strides = array<i32>} : memref<80x64xf32, #tpu.memory_space<vmem>>, vector<1x16xf32>,
        %get3A_610 = vector.shape_cast %get3A_609 : vector<1x16xf32> to vector<16xf32>
        %mul3A_611 = arith.mulf %get3A_610, %broadcast_in_dim3A_572 : vector<16xf32>
        %swap3A_612 = arith.index_cast %add3A_576 : i32 to index
        %swap3A_613 = arith.constant 48 : index
        %swap3A_614 = tpu.vector_load %arg11[%swap3A_612, %swap3A_613] {strides = array<i32>} : memref<80x64xf32, #tpu.memory_space<vmem>>, vector<1x16xf32>,
        %swap3A_615 = vector.shape_cast %swap3A_614 : vector<1x16xf32> to vector<16xf32>
        %swap3A_616 = vector.shape_cast %mul3A_611 : vector<16xf32> to vector<1x16xf32>
        tpu.vector_store %arg11[%swap3A_612, %swap3A_613], %swap3A_616 {strides = array<i32>} : memref<80x64xf32, #tpu.memory_space<vmem>>, vector<1x16xf32>,
        %slice3A_617 = vector.extract_strided_slice %get3A_148 {offsets = [10], sizes = [1], strides = [1]} : vector<16xf32> to vector<1xf32>
        %squeeze3A_618 = vector.extract %slice3A_617[0] : f32 from vector<1xf32>
        %broadcast_in_dim3A_619 = vector.broadcast %squeeze3A_618 : f32 to vector<16xf32>
        %mul3A_620 = arith.constant 16 : i32
        %mul3A_621 = arith.muli %scan3A_142, %mul3A_620 : i32
        %add3A_622 = arith.constant 10 : i32
        %add3A_623 = arith.addi %mul3A_621, %add3A_622 : i32
        %get3A_624 = arith.index_cast %add3A_623 : i32 to index
        %get3A_625 = arith.constant 0 : index
        %get3A_626 = tpu.vector_load %arg11[%get3A_624, %get3A_625] {strides = array<i32>} : memref<80x64xf32, #tpu.memory_space<vmem>>, vector<1x16xf32>,
        %get3A_627 = vector.shape_cast %get3A_626 : vector<1x16xf32> to vector<16xf32>
        %mul3A_628 = arith.mulf %get3A_627, %broadcast_in_dim3A_619 : vector<16xf32>
        %swap3A_629 = arith.index_cast %add3A_623 : i32 to index
        %swap3A_630 = arith.constant 0 : index
        %swap3A_631 = tpu.vector_load %arg11[%swap3A_629, %swap3A_630] {strides = array<i32>} : memref<80x64xf32, #tpu.memory_space<vmem>>, vector<1x16xf32>,
        %swap3A_632 = vector.shape_cast %swap3A_631 : vector<1x16xf32> to vector<16xf32>
        %swap3A_633 = vector.shape_cast %mul3A_628 : vector<16xf32> to vector<1x16xf32>
        tpu.vector_store %arg11[%swap3A_629, %swap3A_630], %swap3A_633 {strides = array<i32>} : memref<80x64xf32, #tpu.memory_space<vmem>>, vector<1x16xf32>,
        %get3A_634 = arith.index_cast %add3A_623 : i32 to index
        %get3A_635 = arith.constant 16 : index
        %get3A_636 = tpu.vector_load %arg11[%get3A_634, %get3A_635] {strides = array<i32>} : memref<80x64xf32, #tpu.memory_space<vmem>>, vector<1x16xf32>,
        %get3A_637 = vector.shape_cast %get3A_636 : vector<1x16xf32> to vector<16xf32>
        %mul3A_638 = arith.mulf %get3A_637, %broadcast_in_dim3A_619 : vector<16xf32>
        %swap3A_639 = arith.index_cast %add3A_623 : i32 to index
        %swap3A_640 = arith.constant 16 : index
        %swap3A_641 = tpu.vector_load %arg11[%swap3A_639, %swap3A_640] {strides = array<i32>} : memref<80x64xf32, #tpu.memory_space<vmem>>, vector<1x16xf32>,
        %swap3A_642 = vector.shape_cast %swap3A_641 : vector<1x16xf32> to vector<16xf32>
        %swap3A_643 = vector.shape_cast %mul3A_638 : vector<16xf32> to vector<1x16xf32>
        tpu.vector_store %arg11[%swap3A_639, %swap3A_640], %swap3A_643 {strides = array<i32>} : memref<80x64xf32, #tpu.memory_space<vmem>>, vector<1x16xf32>,
        %get3A_644 = arith.index_cast %add3A_623 : i32 to index
        %get3A_645 = arith.constant 32 : index
        %get3A_646 = tpu.vector_load %arg11[%get3A_644, %get3A_645] {strides = array<i32>} : memref<80x64xf32, #tpu.memory_space<vmem>>, vector<1x16xf32>,
        %get3A_647 = vector.shape_cast %get3A_646 : vector<1x16xf32> to vector<16xf32>
        %mul3A_648 = arith.mulf %get3A_647, %broadcast_in_dim3A_619 : vector<16xf32>
        %swap3A_649 = arith.index_cast %add3A_623 : i32 to index
        %swap3A_650 = arith.constant 32 : index
        %swap3A_651 = tpu.vector_load %arg11[%swap3A_649, %swap3A_650] {strides = array<i32>} : memref<80x64xf32, #tpu.memory_space<vmem>>, vector<1x16xf32>,
        %swap3A_652 = vector.shape_cast %swap3A_651 : vector<1x16xf32> to vector<16xf32>
        %swap3A_653 = vector.shape_cast %mul3A_648 : vector<16xf32> to vector<1x16xf32>
        tpu.vector_store %arg11[%swap3A_649, %swap3A_650], %swap3A_653 {strides = array<i32>} : memref<80x64xf32, #tpu.memory_space<vmem>>, vector<1x16xf32>,
        %get3A_654 = arith.index_cast %add3A_623 : i32 to index
        %get3A_655 = arith.constant 48 : index
        %get3A_656 = tpu.vector_load %arg11[%get3A_654, %get3A_655] {strides = array<i32>} : memref<80x64xf32, #tpu.memory_space<vmem>>, vector<1x16xf32>,
        %get3A_657 = vector.shape_cast %get3A_656 : vector<1x16xf32> to vector<16xf32>
        %mul3A_658 = arith.mulf %get3A_657, %broadcast_in_dim3A_619 : vector<16xf32>
        %swap3A_659 = arith.index_cast %add3A_623 : i32 to index
        %swap3A_660 = arith.constant 48 : index
        %swap3A_661 = tpu.vector_load %arg11[%swap3A_659, %swap3A_660] {strides = array<i32>} : memref<80x64xf32, #tpu.memory_space<vmem>>, vector<1x16xf32>,
        %swap3A_662 = vector.shape_cast %swap3A_661 : vector<1x16xf32> to vector<16xf32>
        %swap3A_663 = vector.shape_cast %mul3A_658 : vector<16xf32> to vector<1x16xf32>
        tpu.vector_store %arg11[%swap3A_659, %swap3A_660], %swap3A_663 {strides = array<i32>} : memref<80x64xf32, #tpu.memory_space<vmem>>, vector<1x16xf32>,
        %slice3A_664 = vector.extract_strided_slice %get3A_148 {offsets = [11], sizes = [1], strides = [1]} : vector<16xf32> to vector<1xf32>
        %squeeze3A_665 = vector.extract %slice3A_664[0] : f32 from vector<1xf32>
        %broadcast_in_dim3A_666 = vector.broadcast %squeeze3A_665 : f32 to vector<16xf32>
        %mul3A_667 = arith.constant 16 : i32
        %mul3A_668 = arith.muli %scan3A_142, %mul3A_667 : i32
        %add3A_669 = arith.constant 11 : i32
        %add3A_670 = arith.addi %mul3A_668, %add3A_669 : i32
        %get3A_671 = arith.index_cast %add3A_670 : i32 to index
        %get3A_672 = arith.constant 0 : index
        %get3A_673 = tpu.vector_load %arg11[%get3A_671, %get3A_672] {strides = array<i32>} : memref<80x64xf32, #tpu.memory_space<vmem>>, vector<1x16xf32>,
        %get3A_674 = vector.shape_cast %get3A_673 : vector<1x16xf32> to vector<16xf32>
        %mul3A_675 = arith.mulf %get3A_674, %broadcast_in_dim3A_666 : vector<16xf32>
        %swap3A_676 = arith.index_cast %add3A_670 : i32 to index
        %swap3A_677 = arith.constant 0 : index
        %swap3A_678 = tpu.vector_load %arg11[%swap3A_676, %swap3A_677] {strides = array<i32>} : memref<80x64xf32, #tpu.memory_space<vmem>>, vector<1x16xf32>,
        %swap3A_679 = vector.shape_cast %swap3A_678 : vector<1x16xf32> to vector<16xf32>
        %swap3A_680 = vector.shape_cast %mul3A_675 : vector<16xf32> to vector<1x16xf32>
        tpu.vector_store %arg11[%swap3A_676, %swap3A_677], %swap3A_680 {strides = array<i32>} : memref<80x64xf32, #tpu.memory_space<vmem>>, vector<1x16xf32>,
        %get3A_681 = arith.index_cast %add3A_670 : i32 to index
        %get3A_682 = arith.constant 16 : index
        %get3A_683 = tpu.vector_load %arg11[%get3A_681, %get3A_682] {strides = array<i32>} : memref<80x64xf32, #tpu.memory_space<vmem>>, vector<1x16xf32>,
        %get3A_684 = vector.shape_cast %get3A_683 : vector<1x16xf32> to vector<16xf32>
        %mul3A_685 = arith.mulf %get3A_684, %broadcast_in_dim3A_666 : vector<16xf32>
        %swap3A_686 = arith.index_cast %add3A_670 : i32 to index
        %swap3A_687 = arith.constant 16 : index
        %swap3A_688 = tpu.vector_load %arg11[%swap3A_686, %swap3A_687] {strides = array<i32>} : memref<80x64xf32, #tpu.memory_space<vmem>>, vector<1x16xf32>,
        %swap3A_689 = vector.shape_cast %swap3A_688 : vector<1x16xf32> to vector<16xf32>
        %swap3A_690 = vector.shape_cast %mul3A_685 : vector<16xf32> to vector<1x16xf32>
        tpu.vector_store %arg11[%swap3A_686, %swap3A_687], %swap3A_690 {strides = array<i32>} : memref<80x64xf32, #tpu.memory_space<vmem>>, vector<1x16xf32>,
        %get3A_691 = arith.index_cast %add3A_670 : i32 to index
        %get3A_692 = arith.constant 32 : index
        %get3A_693 = tpu.vector_load %arg11[%get3A_691, %get3A_692] {strides = array<i32>} : memref<80x64xf32, #tpu.memory_space<vmem>>, vector<1x16xf32>,
        %get3A_694 = vector.shape_cast %get3A_693 : vector<1x16xf32> to vector<16xf32>
        %mul3A_695 = arith.mulf %get3A_694, %broadcast_in_dim3A_666 : vector<16xf32>
        %swap3A_696 = arith.index_cast %add3A_670 : i32 to index
        %swap3A_697 = arith.constant 32 : index
        %swap3A_698 = tpu.vector_load %arg11[%swap3A_696, %swap3A_697] {strides = array<i32>} : memref<80x64xf32, #tpu.memory_space<vmem>>, vector<1x16xf32>,
        %swap3A_699 = vector.shape_cast %swap3A_698 : vector<1x16xf32> to vector<16xf32>
        %swap3A_700 = vector.shape_cast %mul3A_695 : vector<16xf32> to vector<1x16xf32>
        tpu.vector_store %arg11[%swap3A_696, %swap3A_697], %swap3A_700 {strides = array<i32>} : memref<80x64xf32, #tpu.memory_space<vmem>>, vector<1x16xf32>,
        %get3A_701 = arith.index_cast %add3A_670 : i32 to index
        %get3A_702 = arith.constant 48 : index
        %get3A_703 = tpu.vector_load %arg11[%get3A_701, %get3A_702] {strides = array<i32>} : memref<80x64xf32, #tpu.memory_space<vmem>>, vector<1x16xf32>,
        %get3A_704 = vector.shape_cast %get3A_703 : vector<1x16xf32> to vector<16xf32>
        %mul3A_705 = arith.mulf %get3A_704, %broadcast_in_dim3A_666 : vector<16xf32>
        %swap3A_706 = arith.index_cast %add3A_670 : i32 to index
        %swap3A_707 = arith.constant 48 : index
        %swap3A_708 = tpu.vector_load %arg11[%swap3A_706, %swap3A_707] {strides = array<i32>} : memref<80x64xf32, #tpu.memory_space<vmem>>, vector<1x16xf32>,
        %swap3A_709 = vector.shape_cast %swap3A_708 : vector<1x16xf32> to vector<16xf32>
        %swap3A_710 = vector.shape_cast %mul3A_705 : vector<16xf32> to vector<1x16xf32>
        tpu.vector_store %arg11[%swap3A_706, %swap3A_707], %swap3A_710 {strides = array<i32>} : memref<80x64xf32, #tpu.memory_space<vmem>>, vector<1x16xf32>,
        %slice3A_711 = vector.extract_strided_slice %get3A_148 {offsets = [12], sizes = [1], strides = [1]} : vector<16xf32> to vector<1xf32>
        %squeeze3A_712 = vector.extract %slice3A_711[0] : f32 from vector<1xf32>
        %broadcast_in_dim3A_713 = vector.broadcast %squeeze3A_712 : f32 to vector<16xf32>
        %mul3A_714 = arith.constant 16 : i32
        %mul3A_715 = arith.muli %scan3A_142, %mul3A_714 : i32
        %add3A_716 = arith.constant 12 : i32
        %add3A_717 = arith.addi %mul3A_715, %add3A_716 : i32
        %get3A_718 = arith.index_cast %add3A_717 : i32 to index
        %get3A_719 = arith.constant 0 : index
        %get3A_720 = tpu.vector_load %arg11[%get3A_718, %get3A_719] {strides = array<i32>} : memref<80x64xf32, #tpu.memory_space<vmem>>, vector<1x16xf32>,
        %get3A_721 = vector.shape_cast %get3A_720 : vector<1x16xf32> to vector<16xf32>
        %mul3A_722 = arith.mulf %get3A_721, %broadcast_in_dim3A_713 : vector<16xf32>
        %swap3A_723 = arith.index_cast %add3A_717 : i32 to index
        %swap3A_724 = arith.constant 0 : index
        %swap3A_725 = tpu.vector_load %arg11[%swap3A_723, %swap3A_724] {strides = array<i32>} : memref<80x64xf32, #tpu.memory_space<vmem>>, vector<1x16xf32>,
        %swap3A_726 = vector.shape_cast %swap3A_725 : vector<1x16xf32> to vector<16xf32>
        %swap3A_727 = vector.shape_cast %mul3A_722 : vector<16xf32> to vector<1x16xf32>
        tpu.vector_store %arg11[%swap3A_723, %swap3A_724], %swap3A_727 {strides = array<i32>} : memref<80x64xf32, #tpu.memory_space<vmem>>, vector<1x16xf32>,
        %get3A_728 = arith.index_cast %add3A_717 : i32 to index
        %get3A_729 = arith.constant 16 : index
        %get3A_730 = tpu.vector_load %arg11[%get3A_728, %get3A_729] {strides = array<i32>} : memref<80x64xf32, #tpu.memory_space<vmem>>, vector<1x16xf32>,
        %get3A_731 = vector.shape_cast %get3A_730 : vector<1x16xf32> to vector<16xf32>
        %mul3A_732 = arith.mulf %get3A_731, %broadcast_in_dim3A_713 : vector<16xf32>
        %swap3A_733 = arith.index_cast %add3A_717 : i32 to index
        %swap3A_734 = arith.constant 16 : index
        %swap3A_735 = tpu.vector_load %arg11[%swap3A_733, %swap3A_734] {strides = array<i32>} : memref<80x64xf32, #tpu.memory_space<vmem>>, vector<1x16xf32>,
        %swap3A_736 = vector.shape_cast %swap3A_735 : vector<1x16xf32> to vector<16xf32>
        %swap3A_737 = vector.shape_cast %mul3A_732 : vector<16xf32> to vector<1x16xf32>
        tpu.vector_store %arg11[%swap3A_733, %swap3A_734], %swap3A_737 {strides = array<i32>} : memref<80x64xf32, #tpu.memory_space<vmem>>, vector<1x16xf32>,
        %get3A_738 = arith.index_cast %add3A_717 : i32 to index
        %get3A_739 = arith.constant 32 : index
        %get3A_740 = tpu.vector_load %arg11[%get3A_738, %get3A_739] {strides = array<i32>} : memref<80x64xf32, #tpu.memory_space<vmem>>, vector<1x16xf32>,
        %get3A_741 = vector.shape_cast %get3A_740 : vector<1x16xf32> to vector<16xf32>
        %mul3A_742 = arith.mulf %get3A_741, %broadcast_in_dim3A_713 : vector<16xf32>
        %swap3A_743 = arith.index_cast %add3A_717 : i32 to index
        %swap3A_744 = arith.constant 32 : index
        %swap3A_745 = tpu.vector_load %arg11[%swap3A_743, %swap3A_744] {strides = array<i32>} : memref<80x64xf32, #tpu.memory_space<vmem>>, vector<1x16xf32>,
        %swap3A_746 = vector.shape_cast %swap3A_745 : vector<1x16xf32> to vector<16xf32>
        %swap3A_747 = vector.shape_cast %mul3A_742 : vector<16xf32> to vector<1x16xf32>
        tpu.vector_store %arg11[%swap3A_743, %swap3A_744], %swap3A_747 {strides = array<i32>} : memref<80x64xf32, #tpu.memory_space<vmem>>, vector<1x16xf32>,
        %get3A_748 = arith.index_cast %add3A_717 : i32 to index
        %get3A_749 = arith.constant 48 : index
        %get3A_750 = tpu.vector_load %arg11[%get3A_748, %get3A_749] {strides = array<i32>} : memref<80x64xf32, #tpu.memory_space<vmem>>, vector<1x16xf32>,
        %get3A_751 = vector.shape_cast %get3A_750 : vector<1x16xf32> to vector<16xf32>
        %mul3A_752 = arith.mulf %get3A_751, %broadcast_in_dim3A_713 : vector<16xf32>
        %swap3A_753 = arith.index_cast %add3A_717 : i32 to index
        %swap3A_754 = arith.constant 48 : index
        %swap3A_755 = tpu.vector_load %arg11[%swap3A_753, %swap3A_754] {strides = array<i32>} : memref<80x64xf32, #tpu.memory_space<vmem>>, vector<1x16xf32>,
        %swap3A_756 = vector.shape_cast %swap3A_755 : vector<1x16xf32> to vector<16xf32>
        %swap3A_757 = vector.shape_cast %mul3A_752 : vector<16xf32> to vector<1x16xf32>
        tpu.vector_store %arg11[%swap3A_753, %swap3A_754], %swap3A_757 {strides = array<i32>} : memref<80x64xf32, #tpu.memory_space<vmem>>, vector<1x16xf32>,
        %slice3A_758 = vector.extract_strided_slice %get3A_148 {offsets = [13], sizes = [1], strides = [1]} : vector<16xf32> to vector<1xf32>
        %squeeze3A_759 = vector.extract %slice3A_758[0] : f32 from vector<1xf32>
        %broadcast_in_dim3A_760 = vector.broadcast %squeeze3A_759 : f32 to vector<16xf32>
        %mul3A_761 = arith.constant 16 : i32
        %mul3A_762 = arith.muli %scan3A_142, %mul3A_761 : i32
        %add3A_763 = arith.constant 13 : i32
        %add3A_764 = arith.addi %mul3A_762, %add3A_763 : i32
        %get3A_765 = arith.index_cast %add3A_764 : i32 to index
        %get3A_766 = arith.constant 0 : index
        %get3A_767 = tpu.vector_load %arg11[%get3A_765, %get3A_766] {strides = array<i32>} : memref<80x64xf32, #tpu.memory_space<vmem>>, vector<1x16xf32>,
        %get3A_768 = vector.shape_cast %get3A_767 : vector<1x16xf32> to vector<16xf32>
        %mul3A_769 = arith.mulf %get3A_768, %broadcast_in_dim3A_760 : vector<16xf32>
        %swap3A_770 = arith.index_cast %add3A_764 : i32 to index
        %swap3A_771 = arith.constant 0 : index
        %swap3A_772 = tpu.vector_load %arg11[%swap3A_770, %swap3A_771] {strides = array<i32>} : memref<80x64xf32, #tpu.memory_space<vmem>>, vector<1x16xf32>,
        %swap3A_773 = vector.shape_cast %swap3A_772 : vector<1x16xf32> to vector<16xf32>
        %swap3A_774 = vector.shape_cast %mul3A_769 : vector<16xf32> to vector<1x16xf32>
        tpu.vector_store %arg11[%swap3A_770, %swap3A_771], %swap3A_774 {strides = array<i32>} : memref<80x64xf32, #tpu.memory_space<vmem>>, vector<1x16xf32>,
        %get3A_775 = arith.index_cast %add3A_764 : i32 to index
        %get3A_776 = arith.constant 16 : index
        %get3A_777 = tpu.vector_load %arg11[%get3A_775, %get3A_776] {strides = array<i32>} : memref<80x64xf32, #tpu.memory_space<vmem>>, vector<1x16xf32>,
        %get3A_778 = vector.shape_cast %get3A_777 : vector<1x16xf32> to vector<16xf32>
        %mul3A_779 = arith.mulf %get3A_778, %broadcast_in_dim3A_760 : vector<16xf32>
        %swap3A_780 = arith.index_cast %add3A_764 : i32 to index
        %swap3A_781 = arith.constant 16 : index
        %swap3A_782 = tpu.vector_load %arg11[%swap3A_780, %swap3A_781] {strides = array<i32>} : memref<80x64xf32, #tpu.memory_space<vmem>>, vector<1x16xf32>,
        %swap3A_783 = vector.shape_cast %swap3A_782 : vector<1x16xf32> to vector<16xf32>
        %swap3A_784 = vector.shape_cast %mul3A_779 : vector<16xf32> to vector<1x16xf32>
        tpu.vector_store %arg11[%swap3A_780, %swap3A_781], %swap3A_784 {strides = array<i32>} : memref<80x64xf32, #tpu.memory_space<vmem>>, vector<1x16xf32>,
        %get3A_785 = arith.index_cast %add3A_764 : i32 to index
        %get3A_786 = arith.constant 32 : index
        %get3A_787 = tpu.vector_load %arg11[%get3A_785, %get3A_786] {strides = array<i32>} : memref<80x64xf32, #tpu.memory_space<vmem>>, vector<1x16xf32>,
        %get3A_788 = vector.shape_cast %get3A_787 : vector<1x16xf32> to vector<16xf32>
        %mul3A_789 = arith.mulf %get3A_788, %broadcast_in_dim3A_760 : vector<16xf32>
        %swap3A_790 = arith.index_cast %add3A_764 : i32 to index
        %swap3A_791 = arith.constant 32 : index
        %swap3A_792 = tpu.vector_load %arg11[%swap3A_790, %swap3A_791] {strides = array<i32>} : memref<80x64xf32, #tpu.memory_space<vmem>>, vector<1x16xf32>,
        %swap3A_793 = vector.shape_cast %swap3A_792 : vector<1x16xf32> to vector<16xf32>
        %swap3A_794 = vector.shape_cast %mul3A_789 : vector<16xf32> to vector<1x16xf32>
        tpu.vector_store %arg11[%swap3A_790, %swap3A_791], %swap3A_794 {strides = array<i32>} : memref<80x64xf32, #tpu.memory_space<vmem>>, vector<1x16xf32>,
        %get3A_795 = arith.index_cast %add3A_764 : i32 to index
        %get3A_796 = arith.constant 48 : index
        %get3A_797 = tpu.vector_load %arg11[%get3A_795, %get3A_796] {strides = array<i32>} : memref<80x64xf32, #tpu.memory_space<vmem>>, vector<1x16xf32>,
        %get3A_798 = vector.shape_cast %get3A_797 : vector<1x16xf32> to vector<16xf32>
        %mul3A_799 = arith.mulf %get3A_798, %broadcast_in_dim3A_760 : vector<16xf32>
        %swap3A_800 = arith.index_cast %add3A_764 : i32 to index
        %swap3A_801 = arith.constant 48 : index
        %swap3A_802 = tpu.vector_load %arg11[%swap3A_800, %swap3A_801] {strides = array<i32>} : memref<80x64xf32, #tpu.memory_space<vmem>>, vector<1x16xf32>,
        %swap3A_803 = vector.shape_cast %swap3A_802 : vector<1x16xf32> to vector<16xf32>
        %swap3A_804 = vector.shape_cast %mul3A_799 : vector<16xf32> to vector<1x16xf32>
        tpu.vector_store %arg11[%swap3A_800, %swap3A_801], %swap3A_804 {strides = array<i32>} : memref<80x64xf32, #tpu.memory_space<vmem>>, vector<1x16xf32>,
        %slice3A_805 = vector.extract_strided_slice %get3A_148 {offsets = [14], sizes = [1], strides = [1]} : vector<16xf32> to vector<1xf32>
        %squeeze3A_806 = vector.extract %slice3A_805[0] : f32 from vector<1xf32>
        %broadcast_in_dim3A_807 = vector.broadcast %squeeze3A_806 : f32 to vector<16xf32>
        %mul3A_808 = arith.constant 16 : i32
        %mul3A_809 = arith.muli %scan3A_142, %mul3A_808 : i32
        %add3A_810 = arith.constant 14 : i32
        %add3A_811 = arith.addi %mul3A_809, %add3A_810 : i32
        %get3A_812 = arith.index_cast %add3A_811 : i32 to index
        %get3A_813 = arith.constant 0 : index
        %get3A_814 = tpu.vector_load %arg11[%get3A_812, %get3A_813] {strides = array<i32>} : memref<80x64xf32, #tpu.memory_space<vmem>>, vector<1x16xf32>,
        %get3A_815 = vector.shape_cast %get3A_814 : vector<1x16xf32> to vector<16xf32>
        %mul3A_816 = arith.mulf %get3A_815, %broadcast_in_dim3A_807 : vector<16xf32>
        %swap3A_817 = arith.index_cast %add3A_811 : i32 to index
        %swap3A_818 = arith.constant 0 : index
        %swap3A_819 = tpu.vector_load %arg11[%swap3A_817, %swap3A_818] {strides = array<i32>} : memref<80x64xf32, #tpu.memory_space<vmem>>, vector<1x16xf32>,
        %swap3A_820 = vector.shape_cast %swap3A_819 : vector<1x16xf32> to vector<16xf32>
        %swap3A_821 = vector.shape_cast %mul3A_816 : vector<16xf32> to vector<1x16xf32>
        tpu.vector_store %arg11[%swap3A_817, %swap3A_818], %swap3A_821 {strides = array<i32>} : memref<80x64xf32, #tpu.memory_space<vmem>>, vector<1x16xf32>,
        %get3A_822 = arith.index_cast %add3A_811 : i32 to index
        %get3A_823 = arith.constant 16 : index
        %get3A_824 = tpu.vector_load %arg11[%get3A_822, %get3A_823] {strides = array<i32>} : memref<80x64xf32, #tpu.memory_space<vmem>>, vector<1x16xf32>,
        %get3A_825 = vector.shape_cast %get3A_824 : vector<1x16xf32> to vector<16xf32>
        %mul3A_826 = arith.mulf %get3A_825, %broadcast_in_dim3A_807 : vector<16xf32>
        %swap3A_827 = arith.index_cast %add3A_811 : i32 to index
        %swap3A_828 = arith.constant 16 : index
        %swap3A_829 = tpu.vector_load %arg11[%swap3A_827, %swap3A_828] {strides = array<i32>} : memref<80x64xf32, #tpu.memory_space<vmem>>, vector<1x16xf32>,
        %swap3A_830 = vector.shape_cast %swap3A_829 : vector<1x16xf32> to vector<16xf32>
        %swap3A_831 = vector.shape_cast %mul3A_826 : vector<16xf32> to vector<1x16xf32>
        tpu.vector_store %arg11[%swap3A_827, %swap3A_828], %swap3A_831 {strides = array<i32>} : memref<80x64xf32, #tpu.memory_space<vmem>>, vector<1x16xf32>,
        %get3A_832 = arith.index_cast %add3A_811 : i32 to index
        %get3A_833 = arith.constant 32 : index
        %get3A_834 = tpu.vector_load %arg11[%get3A_832, %get3A_833] {strides = array<i32>} : memref<80x64xf32, #tpu.memory_space<vmem>>, vector<1x16xf32>,
        %get3A_835 = vector.shape_cast %get3A_834 : vector<1x16xf32> to vector<16xf32>
        %mul3A_836 = arith.mulf %get3A_835, %broadcast_in_dim3A_807 : vector<16xf32>
        %swap3A_837 = arith.index_cast %add3A_811 : i32 to index
        %swap3A_838 = arith.constant 32 : index
        %swap3A_839 = tpu.vector_load %arg11[%swap3A_837, %swap3A_838] {strides = array<i32>} : memref<80x64xf32, #tpu.memory_space<vmem>>, vector<1x16xf32>,
        %swap3A_840 = vector.shape_cast %swap3A_839 : vector<1x16xf32> to vector<16xf32>
        %swap3A_841 = vector.shape_cast %mul3A_836 : vector<16xf32> to vector<1x16xf32>
        tpu.vector_store %arg11[%swap3A_837, %swap3A_838], %swap3A_841 {strides = array<i32>} : memref<80x64xf32, #tpu.memory_space<vmem>>, vector<1x16xf32>,
        %get3A_842 = arith.index_cast %add3A_811 : i32 to index
        %get3A_843 = arith.constant 48 : index
        %get3A_844 = tpu.vector_load %arg11[%get3A_842, %get3A_843] {strides = array<i32>} : memref<80x64xf32, #tpu.memory_space<vmem>>, vector<1x16xf32>,
        %get3A_845 = vector.shape_cast %get3A_844 : vector<1x16xf32> to vector<16xf32>
        %mul3A_846 = arith.mulf %get3A_845, %broadcast_in_dim3A_807 : vector<16xf32>
        %swap3A_847 = arith.index_cast %add3A_811 : i32 to index
        %swap3A_848 = arith.constant 48 : index
        %swap3A_849 = tpu.vector_load %arg11[%swap3A_847, %swap3A_848] {strides = array<i32>} : memref<80x64xf32, #tpu.memory_space<vmem>>, vector<1x16xf32>,
        %swap3A_850 = vector.shape_cast %swap3A_849 : vector<1x16xf32> to vector<16xf32>
        %swap3A_851 = vector.shape_cast %mul3A_846 : vector<16xf32> to vector<1x16xf32>
        tpu.vector_store %arg11[%swap3A_847, %swap3A_848], %swap3A_851 {strides = array<i32>} : memref<80x64xf32, #tpu.memory_space<vmem>>, vector<1x16xf32>,
        %slice3A_852 = vector.extract_strided_slice %get3A_148 {offsets = [15], sizes = [1], strides = [1]} : vector<16xf32> to vector<1xf32>
        %squeeze3A_853 = vector.extract %slice3A_852[0] : f32 from vector<1xf32>
        %broadcast_in_dim3A_854 = vector.broadcast %squeeze3A_853 : f32 to vector<16xf32>
        %mul3A_855 = arith.constant 16 : i32
        %mul3A_856 = arith.muli %scan3A_142, %mul3A_855 : i32
        %add3A_857 = arith.constant 15 : i32
        %add3A_858 = arith.addi %mul3A_856, %add3A_857 : i32
        %get3A_859 = arith.index_cast %add3A_858 : i32 to index
        %get3A_860 = arith.constant 0 : index
        %get3A_861 = tpu.vector_load %arg11[%get3A_859, %get3A_860] {strides = array<i32>} : memref<80x64xf32, #tpu.memory_space<vmem>>, vector<1x16xf32>,
        %get3A_862 = vector.shape_cast %get3A_861 : vector<1x16xf32> to vector<16xf32>
        %mul3A_863 = arith.mulf %get3A_862, %broadcast_in_dim3A_854 : vector<16xf32>
        %swap3A_864 = arith.index_cast %add3A_858 : i32 to index
        %swap3A_865 = arith.constant 0 : index
        %swap3A_866 = tpu.vector_load %arg11[%swap3A_864, %swap3A_865] {strides = array<i32>} : memref<80x64xf32, #tpu.memory_space<vmem>>, vector<1x16xf32>,
        %swap3A_867 = vector.shape_cast %swap3A_866 : vector<1x16xf32> to vector<16xf32>
        %swap3A_868 = vector.shape_cast %mul3A_863 : vector<16xf32> to vector<1x16xf32>
        tpu.vector_store %arg11[%swap3A_864, %swap3A_865], %swap3A_868 {strides = array<i32>} : memref<80x64xf32, #tpu.memory_space<vmem>>, vector<1x16xf32>,
        %get3A_869 = arith.index_cast %add3A_858 : i32 to index
        %get3A_870 = arith.constant 16 : index
        %get3A_871 = tpu.vector_load %arg11[%get3A_869, %get3A_870] {strides = array<i32>} : memref<80x64xf32, #tpu.memory_space<vmem>>, vector<1x16xf32>,
        %get3A_872 = vector.shape_cast %get3A_871 : vector<1x16xf32> to vector<16xf32>
        %mul3A_873 = arith.mulf %get3A_872, %broadcast_in_dim3A_854 : vector<16xf32>
        %swap3A_874 = arith.index_cast %add3A_858 : i32 to index
        %swap3A_875 = arith.constant 16 : index
        %swap3A_876 = tpu.vector_load %arg11[%swap3A_874, %swap3A_875] {strides = array<i32>} : memref<80x64xf32, #tpu.memory_space<vmem>>, vector<1x16xf32>,
        %swap3A_877 = vector.shape_cast %swap3A_876 : vector<1x16xf32> to vector<16xf32>
        %swap3A_878 = vector.shape_cast %mul3A_873 : vector<16xf32> to vector<1x16xf32>
        tpu.vector_store %arg11[%swap3A_874, %swap3A_875], %swap3A_878 {strides = array<i32>} : memref<80x64xf32, #tpu.memory_space<vmem>>, vector<1x16xf32>,
        %get3A_879 = arith.index_cast %add3A_858 : i32 to index
        %get3A_880 = arith.constant 32 : index
        %get3A_881 = tpu.vector_load %arg11[%get3A_879, %get3A_880] {strides = array<i32>} : memref<80x64xf32, #tpu.memory_space<vmem>>, vector<1x16xf32>,
        %get3A_882 = vector.shape_cast %get3A_881 : vector<1x16xf32> to vector<16xf32>
        %mul3A_883 = arith.mulf %get3A_882, %broadcast_in_dim3A_854 : vector<16xf32>
        %swap3A_884 = arith.index_cast %add3A_858 : i32 to index
        %swap3A_885 = arith.constant 32 : index
        %swap3A_886 = tpu.vector_load %arg11[%swap3A_884, %swap3A_885] {strides = array<i32>} : memref<80x64xf32, #tpu.memory_space<vmem>>, vector<1x16xf32>,
        %swap3A_887 = vector.shape_cast %swap3A_886 : vector<1x16xf32> to vector<16xf32>
        %swap3A_888 = vector.shape_cast %mul3A_883 : vector<16xf32> to vector<1x16xf32>
        tpu.vector_store %arg11[%swap3A_884, %swap3A_885], %swap3A_888 {strides = array<i32>} : memref<80x64xf32, #tpu.memory_space<vmem>>, vector<1x16xf32>,
        %get3A_889 = arith.index_cast %add3A_858 : i32 to index
        %get3A_890 = arith.constant 48 : index
        %get3A_891 = tpu.vector_load %arg11[%get3A_889, %get3A_890] {strides = array<i32>} : memref<80x64xf32, #tpu.memory_space<vmem>>, vector<1x16xf32>,
        %get3A_892 = vector.shape_cast %get3A_891 : vector<1x16xf32> to vector<16xf32>
        %mul3A_893 = arith.mulf %get3A_892, %broadcast_in_dim3A_854 : vector<16xf32>
        %swap3A_894 = arith.index_cast %add3A_858 : i32 to index
        %swap3A_895 = arith.constant 48 : index
        %swap3A_896 = tpu.vector_load %arg11[%swap3A_894, %swap3A_895] {strides = array<i32>} : memref<80x64xf32, #tpu.memory_space<vmem>>, vector<1x16xf32>,
        %swap3A_897 = vector.shape_cast %swap3A_896 : vector<1x16xf32> to vector<16xf32>
        %swap3A_898 = vector.shape_cast %mul3A_893 : vector<16xf32> to vector<1x16xf32>
        tpu.vector_store %arg11[%swap3A_894, %swap3A_895], %swap3A_898 {strides = array<i32>} : memref<80x64xf32, #tpu.memory_space<vmem>>, vector<1x16xf32>,
        %scan3A_899 = arith.constant 0 : i32
        scf.yield %scan3A_899 : i32
      }
      %scan3A_140 = arith.constant 5 : i32
      "tpu.region"() ({
        %run_scoped3A = tpu.sem_alloc : memref<!tpu.dma_semaphore, #tpu.memory_space<semaphore_mem>>
        %dma_start3A_142 = arith.constant 0 : i32
        %dma_start3A_143 = arith.constant 0 : i32
        %dma_start3A_144 = tpu.memref_slice %arg13[%dma_start3A_142, %dma_start3A_143] : memref<25088x64xf32, #tpu.memory_space<vmem_shared>> -> memref<25088x64xf32, #tpu.memory_space<vmem_shared>>
        tpu.enqueue_indirect_dma source(%arg11 : memref<80x64xf32, #tpu.memory_space<vmem>>) target(%dma_start3A_144 : memref<25088x64xf32, #tpu.memory_space<vmem_shared>>) offsets(%arg10 : memref<80xi32, #tpu.memory_space<vmem>>) semaphore(%run_scoped3A : memref<!tpu.dma_semaphore, #tpu.memory_space<semaphore_mem>>) {add = true}
        %dma_wait3A_145 = arith.constant 0 : i32
        %dma_wait3A_146 = arith.constant 0 : i32
        %dma_wait3A_147 = tpu.memref_slice %arg13[%dma_wait3A_145, %dma_wait3A_146] : memref<25088x64xf32, #tpu.memory_space<vmem_shared>> -> memref<25088x64xf32, #tpu.memory_space<vmem_shared>>
        tpu.wait_indirect_dma semaphore(%run_scoped3A : memref<!tpu.dma_semaphore, #tpu.memory_space<semaphore_mem>>) src(%arg11 : memref<80x64xf32, #tpu.memory_space<vmem>>) dst(%dma_wait3A_147 : memref<25088x64xf32, #tpu.memory_space<vmem_shared>>)
        tpu.yield
      }) : () -> ()
      %scan3A_141 = arith.constant 0 : i32
      scf.yield %scan3A_141 : i32
    }
    %scan3A_28 = arith.constant 625 : i32
    %barrier3A_29 = arith.constant 0 : index
    tpu.barrier barrier_id(%barrier3A_29)
    %mul3A_30 = arith.constant 1560 : i32
    %mul3A_31 = arith.muli %arg1, %mul3A_30 : i32
    %mul3A_32 = arith.constant 1560 : i32
    %mul3A_33 = arith.muli %arg1, %mul3A_32 : i32
    %add3A_34 = arith.addi %mul3A_0, %mul3A_33 : i32
    "tpu.region"() ({
      %run_scoped3A = tpu.sem_alloc : memref<!tpu.dma_semaphore, #tpu.memory_space<semaphore_mem>>
      %dma_start3A = arith.constant 0 : i32
      %dma_start3A_37 = tpu.memref_slice %arg6[%add3A_34, %dma_start3A] : memref<50000x64xf32, #tpu.memory_space<hbm>> -> memref<1560x64xf32, #tpu.memory_space<hbm>>
      %dma_start3A_38 = arith.constant 0 : i32
      %dma_start3A_39 = tpu.memref_slice %arg13[%mul3A_31, %dma_start3A_38] : memref<25088x64xf32, #tpu.memory_space<vmem_shared>> -> memref<1560x64xf32, #tpu.memory_space<vmem_shared>>
      tpu.enqueue_dma source(%dma_start3A_39 : memref<1560x64xf32, #tpu.memory_space<vmem_shared>>) target(%dma_start3A_37 : memref<1560x64xf32, #tpu.memory_space<hbm>>) target_semaphore(%run_scoped3A : memref<!tpu.dma_semaphore, #tpu.memory_space<semaphore_mem>>)
      %dma_wait3A = arith.constant 0 : i32
      %dma_wait3A_40 = tpu.memref_slice %arg6[%add3A_34, %dma_wait3A] : memref<50000x64xf32, #tpu.memory_space<hbm>> -> memref<1560x64xf32, #tpu.memory_space<hbm>>
      %dma_wait3A_41 = arith.constant 0 : i32
      %dma_wait3A_42 = tpu.memref_slice %arg13[%mul3A_31, %dma_wait3A_41] : memref<25088x64xf32, #tpu.memory_space<vmem_shared>> -> memref<1560x64xf32, #tpu.memory_space<vmem_shared>>
      tpu.wait_dma2 semaphore(%run_scoped3A : memref<!tpu.dma_semaphore, #tpu.memory_space<semaphore_mem>>) src(%dma_wait3A_42 : memref<1560x64xf32, #tpu.memory_space<vmem_shared>>) dst(%dma_wait3A_40 : memref<1560x64xf32, #tpu.memory_space<hbm>>)
      tpu.yield
    }) : () -> ()
    %eq3A = arith.constant 0 : i32
    %eq3A_35 = arith.cmpi eq, %arg1, %eq3A : i32
    %convert_element_type3A = arith.extui %eq3A_35 : i1 to i32
    %cond3A = arith.constant 0 : i32
    %cond3A_36 = arith.cmpi ne, %convert_element_type3A, %cond3A : i32
    scf.if %cond3A_36 {
      %add3A_37 = arith.constant 24960 : i32
      %add3A_38 = arith.addi %mul3A_0, %add3A_37 : i32
      "tpu.region"() ({
        %run_scoped3A = tpu.sem_alloc : memref<!tpu.dma_semaphore, #tpu.memory_space<semaphore_mem>>
        %dma_start3A = arith.constant 0 : i32
        %dma_start3A_39 = tpu.memref_slice %arg6[%add3A_38, %dma_start3A] : memref<50000x64xf32, #tpu.memory_space<hbm>> -> memref<40x64xf32, #tpu.memory_space<hbm>>
        %dma_start3A_40 = arith.constant 24960 : i32
        %dma_start3A_41 = arith.constant 0 : i32
        %dma_start3A_42 = tpu.memref_slice %arg13[%dma_start3A_40, %dma_start3A_41] : memref<25088x64xf32, #tpu.memory_space<vmem_shared>> -> memref<40x64xf32, #tpu.memory_space<vmem_shared>>
        tpu.enqueue_dma source(%dma_start3A_42 : memref<40x64xf32, #tpu.memory_space<vmem_shared>>) target(%dma_start3A_39 : memref<40x64xf32, #tpu.memory_space<hbm>>) target_semaphore(%run_scoped3A : memref<!tpu.dma_semaphore, #tpu.memory_space<semaphore_mem>>)
        %dma_wait3A = arith.constant 0 : i32
        %dma_wait3A_43 = tpu.memref_slice %arg6[%add3A_38, %dma_wait3A] : memref<50000x64xf32, #tpu.memory_space<hbm>> -> memref<40x64xf32, #tpu.memory_space<hbm>>
        %dma_wait3A_44 = arith.constant 24960 : i32
        %dma_wait3A_45 = arith.constant 0 : i32
        %dma_wait3A_46 = tpu.memref_slice %arg13[%dma_wait3A_44, %dma_wait3A_45] : memref<25088x64xf32, #tpu.memory_space<vmem_shared>> -> memref<40x64xf32, #tpu.memory_space<vmem_shared>>
        tpu.wait_dma2 semaphore(%run_scoped3A : memref<!tpu.dma_semaphore, #tpu.memory_space<semaphore_mem>>) src(%dma_wait3A_46 : memref<40x64xf32, #tpu.memory_space<vmem_shared>>) dst(%dma_wait3A_43 : memref<40x64xf32, #tpu.memory_space<hbm>>)
        tpu.yield
      }) : () -> ()
    } else {
    }
    return
  }
}

#map = affine_map<(d0, d1) -> (0, 0)>
#map1 = affine_map<(d0, d1) -> (0)>
module attributes {stable_mosaic.version = 14 : i64} {
  func.func @lightgcn_layer(%arg0: i32, %arg1: i32, %arg2: memref<50000x64xf32, #tpu.memory_space<hbm>>, %arg3: memref<800000xi32, #tpu.memory_space<hbm>>, %arg4: memref<800000xi32, #tpu.memory_space<hbm>>, %arg5: memref<800000xf32, #tpu.memory_space<hbm>>, %arg6: memref<50000x64xf32, #tpu.memory_space<hbm>>, %arg7: memref<80xi32, #tpu.memory_space<vmem>>, %arg8: memref<80xi32, #tpu.memory_space<vmem>>, %arg9: memref<80xf32, #tpu.memory_space<vmem>>, %arg10: memref<80xi32, #tpu.memory_space<vmem>>, %arg11: memref<80x64xf32, #tpu.memory_space<vmem>>, %arg12: memref<224x64xf32, #tpu.memory_space<vmem>>, %arg13: memref<25088x64xf32, #tpu.memory_space<vmem_shared>>, %arg14: memref<!tpu.dma_semaphore, #tpu.memory_space<semaphore_mem>>) attributes {dimension_semantics = [#tpu.dimension_semantics<core_parallel>, #tpu.dimension_semantics<subcore_parallel>], iteration_bounds = array<i64: 2, 16>, scalar_prefetch = 0 : i64, scratch_operands = 8 : i64, tpu.core_type = #tpu.core_type<sc_vector_subcore>, window_params = [{transform_indices = #map}, {transform_indices = #map1}, {transform_indices = #map1}, {transform_indices = #map1}, {transform_indices = #map}]} {
    %mul3A = arith.constant 25000 : i32
    %mul3A_0 = arith.muli %arg0, %mul3A : i32
    %scan3A = arith.constant 0 : i32
    %scan3A_1 = arith.constant 0 : i32
    %scan3A_2 = arith.constant 224 : i32
    %scan3A_3 = arith.addi %scan3A_1, %scan3A_2 : i32
    %scan3A_4 = arith.constant 1 : i32
    %scan3A_5 = scf.for %scan3A_37 = %scan3A_1 to %scan3A_3 step %scan3A_4 iter_args(%scan3A_38 = %scan3A) -> (i32)  : i32 {
      %broadcast_in_dim3A = arith.constant 0.000000e+00 : f32
      %broadcast_in_dim3A_39 = vector.broadcast %broadcast_in_dim3A : f32 to vector<16xf32>
      %swap3A = arith.index_cast %scan3A_37 : i32 to index
      %swap3A_40 = arith.constant 0 : index
      %swap3A_41 = tpu.vector_load %arg12[%swap3A, %swap3A_40] {strides = array<i32>} : memref<224x64xf32, #tpu.memory_space<vmem>>, vector<1x16xf32>,
      %swap3A_42 = vector.shape_cast %swap3A_41 : vector<1x16xf32> to vector<16xf32>
      %swap3A_43 = vector.shape_cast %broadcast_in_dim3A_39 : vector<16xf32> to vector<1x16xf32>
      tpu.vector_store %arg12[%swap3A, %swap3A_40], %swap3A_43 {strides = array<i32>} : memref<224x64xf32, #tpu.memory_space<vmem>>, vector<1x16xf32>,
      %broadcast_in_dim3A_44 = arith.constant 0.000000e+00 : f32
      %broadcast_in_dim3A_45 = vector.broadcast %broadcast_in_dim3A_44 : f32 to vector<16xf32>
      %swap3A_46 = arith.index_cast %scan3A_37 : i32 to index
      %swap3A_47 = arith.constant 16 : index
      %swap3A_48 = tpu.vector_load %arg12[%swap3A_46, %swap3A_47] {strides = array<i32>} : memref<224x64xf32, #tpu.memory_space<vmem>>, vector<1x16xf32>,
      %swap3A_49 = vector.shape_cast %swap3A_48 : vector<1x16xf32> to vector<16xf32>
      %swap3A_50 = vector.shape_cast %broadcast_in_dim3A_45 : vector<16xf32> to vector<1x16xf32>
      tpu.vector_store %arg12[%swap3A_46, %swap3A_47], %swap3A_50 {strides = array<i32>} : memref<224x64xf32, #tpu.memory_space<vmem>>, vector<1x16xf32>,
      %broadcast_in_dim3A_51 = arith.constant 0.000000e+00 : f32
      %broadcast_in_dim3A_52 = vector.broadcast %broadcast_in_dim3A_51 : f32 to vector<16xf32>
      %swap3A_53 = arith.index_cast %scan3A_37 : i32 to index
      %swap3A_54 = arith.constant 32 : index
      %swap3A_55 = tpu.vector_load %arg12[%swap3A_53, %swap3A_54] {strides = array<i32>} : memref<224x64xf32, #tpu.memory_space<vmem>>, vector<1x16xf32>,
      %swap3A_56 = vector.shape_cast %swap3A_55 : vector<1x16xf32> to vector<16xf32>
      %swap3A_57 = vector.shape_cast %broadcast_in_dim3A_52 : vector<16xf32> to vector<1x16xf32>
      tpu.vector_store %arg12[%swap3A_53, %swap3A_54], %swap3A_57 {strides = array<i32>} : memref<224x64xf32, #tpu.memory_space<vmem>>, vector<1x16xf32>,
      %broadcast_in_dim3A_58 = arith.constant 0.000000e+00 : f32
      %broadcast_in_dim3A_59 = vector.broadcast %broadcast_in_dim3A_58 : f32 to vector<16xf32>
      %swap3A_60 = arith.index_cast %scan3A_37 : i32 to index
      %swap3A_61 = arith.constant 48 : index
      %swap3A_62 = tpu.vector_load %arg12[%swap3A_60, %swap3A_61] {strides = array<i32>} : memref<224x64xf32, #tpu.memory_space<vmem>>, vector<1x16xf32>,
      %swap3A_63 = vector.shape_cast %swap3A_62 : vector<1x16xf32> to vector<16xf32>
      %swap3A_64 = vector.shape_cast %broadcast_in_dim3A_59 : vector<16xf32> to vector<1x16xf32>
      tpu.vector_store %arg12[%swap3A_60, %swap3A_61], %swap3A_64 {strides = array<i32>} : memref<224x64xf32, #tpu.memory_space<vmem>>, vector<1x16xf32>,
      %scan3A_65 = arith.constant 0 : i32
      scf.yield %scan3A_65 : i32
    }
    %scan3A_6 = arith.constant 224 : i32
    %mul3A_7 = arith.constant 1568 : i32
    %mul3A_8 = arith.muli %arg1, %mul3A_7 : i32
    %add3A = arith.constant 0 : i32
    %add3A_9 = arith.addi %mul3A_8, %add3A : i32
    "tpu.region"() ({
      %run_scoped3A = tpu.sem_alloc : memref<!tpu.dma_semaphore, #tpu.memory_space<semaphore_mem>>
      %dma_start3A = arith.constant 0 : i32
      %dma_start3A_37 = tpu.memref_slice %arg13[%add3A_9, %dma_start3A] : memref<25088x64xf32, #tpu.memory_space<vmem_shared>> -> memref<224x64xf32, #tpu.memory_space<vmem_shared>>
      %dma_start3A_38 = arith.constant 0 : i32
      %dma_start3A_39 = tpu.memref_slice %arg13[%add3A_9, %dma_start3A_38] : memref<25088x64xf32, #tpu.memory_space<vmem_shared>> -> memref<224x64xf32, #tpu.memory_space<vmem_shared>>
      tpu.enqueue_dma source(%arg12 : memref<224x64xf32, #tpu.memory_space<vmem>>) target(%dma_start3A_39 : memref<224x64xf32, #tpu.memory_space<vmem_shared>>) target_semaphore(%run_scoped3A : memref<!tpu.dma_semaphore, #tpu.memory_space<semaphore_mem>>)
      %dma_wait3A = arith.constant 0 : i32
      %dma_wait3A_40 = tpu.memref_slice %arg13[%add3A_9, %dma_wait3A] : memref<25088x64xf32, #tpu.memory_space<vmem_shared>> -> memref<224x64xf32, #tpu.memory_space<vmem_shared>>
      %dma_wait3A_41 = arith.constant 0 : i32
      %dma_wait3A_42 = tpu.memref_slice %arg13[%add3A_9, %dma_wait3A_41] : memref<25088x64xf32, #tpu.memory_space<vmem_shared>> -> memref<224x64xf32, #tpu.memory_space<vmem_shared>>
      tpu.wait_dma2 semaphore(%run_scoped3A : memref<!tpu.dma_semaphore, #tpu.memory_space<semaphore_mem>>) src(%arg12 : memref<224x64xf32, #tpu.memory_space<vmem>>) dst(%dma_wait3A_42 : memref<224x64xf32, #tpu.memory_space<vmem_shared>>)
      tpu.yield
    }) : () -> ()
    %add3A_10 = arith.constant 224 : i32
    %add3A_11 = arith.addi %mul3A_8, %add3A_10 : i32
    "tpu.region"() ({
      %run_scoped3A = tpu.sem_alloc : memref<!tpu.dma_semaphore, #tpu.memory_space<semaphore_mem>>
      %dma_start3A = arith.constant 0 : i32
      %dma_start3A_37 = tpu.memref_slice %arg13[%add3A_11, %dma_start3A] : memref<25088x64xf32, #tpu.memory_space<vmem_shared>> -> memref<224x64xf32, #tpu.memory_space<vmem_shared>>
      %dma_start3A_38 = arith.constant 0 : i32
      %dma_start3A_39 = tpu.memref_slice %arg13[%add3A_11, %dma_start3A_38] : memref<25088x64xf32, #tpu.memory_space<vmem_shared>> -> memref<224x64xf32, #tpu.memory_space<vmem_shared>>
      tpu.enqueue_dma source(%arg12 : memref<224x64xf32, #tpu.memory_space<vmem>>) target(%dma_start3A_39 : memref<224x64xf32, #tpu.memory_space<vmem_shared>>) target_semaphore(%run_scoped3A : memref<!tpu.dma_semaphore, #tpu.memory_space<semaphore_mem>>)
      %dma_wait3A = arith.constant 0 : i32
      %dma_wait3A_40 = tpu.memref_slice %arg13[%add3A_11, %dma_wait3A] : memref<25088x64xf32, #tpu.memory_space<vmem_shared>> -> memref<224x64xf32, #tpu.memory_space<vmem_shared>>
      %dma_wait3A_41 = arith.constant 0 : i32
      %dma_wait3A_42 = tpu.memref_slice %arg13[%add3A_11, %dma_wait3A_41] : memref<25088x64xf32, #tpu.memory_space<vmem_shared>> -> memref<224x64xf32, #tpu.memory_space<vmem_shared>>
      tpu.wait_dma2 semaphore(%run_scoped3A : memref<!tpu.dma_semaphore, #tpu.memory_space<semaphore_mem>>) src(%arg12 : memref<224x64xf32, #tpu.memory_space<vmem>>) dst(%dma_wait3A_42 : memref<224x64xf32, #tpu.memory_space<vmem_shared>>)
      tpu.yield
    }) : () -> ()
    %add3A_12 = arith.constant 448 : i32
    %add3A_13 = arith.addi %mul3A_8, %add3A_12 : i32
    "tpu.region"() ({
      %run_scoped3A = tpu.sem_alloc : memref<!tpu.dma_semaphore, #tpu.memory_space<semaphore_mem>>
      %dma_start3A = arith.constant 0 : i32
      %dma_start3A_37 = tpu.memref_slice %arg13[%add3A_13, %dma_start3A] : memref<25088x64xf32, #tpu.memory_space<vmem_shared>> -> memref<224x64xf32, #tpu.memory_space<vmem_shared>>
      %dma_start3A_38 = arith.constant 0 : i32
      %dma_start3A_39 = tpu.memref_slice %arg13[%add3A_13, %dma_start3A_38] : memref<25088x64xf32, #tpu.memory_space<vmem_shared>> -> memref<224x64xf32, #tpu.memory_space<vmem_shared>>
      tpu.enqueue_dma source(%arg12 : memref<224x64xf32, #tpu.memory_space<vmem>>) target(%dma_start3A_39 : memref<224x64xf32, #tpu.memory_space<vmem_shared>>) target_semaphore(%run_scoped3A : memref<!tpu.dma_semaphore, #tpu.memory_space<semaphore_mem>>)
      %dma_wait3A = arith.constant 0 : i32
      %dma_wait3A_40 = tpu.memref_slice %arg13[%add3A_13, %dma_wait3A] : memref<25088x64xf32, #tpu.memory_space<vmem_shared>> -> memref<224x64xf32, #tpu.memory_space<vmem_shared>>
      %dma_wait3A_41 = arith.constant 0 : i32
      %dma_wait3A_42 = tpu.memref_slice %arg13[%add3A_13, %dma_wait3A_41] : memref<25088x64xf32, #tpu.memory_space<vmem_shared>> -> memref<224x64xf32, #tpu.memory_space<vmem_shared>>
      tpu.wait_dma2 semaphore(%run_scoped3A : memref<!tpu.dma_semaphore, #tpu.memory_space<semaphore_mem>>) src(%arg12 : memref<224x64xf32, #tpu.memory_space<vmem>>) dst(%dma_wait3A_42 : memref<224x64xf32, #tpu.memory_space<vmem_shared>>)
      tpu.yield
    }) : () -> ()
    %add3A_14 = arith.constant 672 : i32
    %add3A_15 = arith.addi %mul3A_8, %add3A_14 : i32
    "tpu.region"() ({
      %run_scoped3A = tpu.sem_alloc : memref<!tpu.dma_semaphore, #tpu.memory_space<semaphore_mem>>
      %dma_start3A = arith.constant 0 : i32
      %dma_start3A_37 = tpu.memref_slice %arg13[%add3A_15, %dma_start3A] : memref<25088x64xf32, #tpu.memory_space<vmem_shared>> -> memref<224x64xf32, #tpu.memory_space<vmem_shared>>
      %dma_start3A_38 = arith.constant 0 : i32
      %dma_start3A_39 = tpu.memref_slice %arg13[%add3A_15, %dma_start3A_38] : memref<25088x64xf32, #tpu.memory_space<vmem_shared>> -> memref<224x64xf32, #tpu.memory_space<vmem_shared>>
      tpu.enqueue_dma source(%arg12 : memref<224x64xf32, #tpu.memory_space<vmem>>) target(%dma_start3A_39 : memref<224x64xf32, #tpu.memory_space<vmem_shared>>) target_semaphore(%run_scoped3A : memref<!tpu.dma_semaphore, #tpu.memory_space<semaphore_mem>>)
      %dma_wait3A = arith.constant 0 : i32
      %dma_wait3A_40 = tpu.memref_slice %arg13[%add3A_15, %dma_wait3A] : memref<25088x64xf32, #tpu.memory_space<vmem_shared>> -> memref<224x64xf32, #tpu.memory_space<vmem_shared>>
      %dma_wait3A_41 = arith.constant 0 : i32
      %dma_wait3A_42 = tpu.memref_slice %arg13[%add3A_15, %dma_wait3A_41] : memref<25088x64xf32, #tpu.memory_space<vmem_shared>> -> memref<224x64xf32, #tpu.memory_space<vmem_shared>>
      tpu.wait_dma2 semaphore(%run_scoped3A : memref<!tpu.dma_semaphore, #tpu.memory_space<semaphore_mem>>) src(%arg12 : memref<224x64xf32, #tpu.memory_space<vmem>>) dst(%dma_wait3A_42 : memref<224x64xf32, #tpu.memory_space<vmem_shared>>)
      tpu.yield
    }) : () -> ()
    %add3A_16 = arith.constant 896 : i32
    %add3A_17 = arith.addi %mul3A_8, %add3A_16 : i32
    "tpu.region"() ({
      %run_scoped3A = tpu.sem_alloc : memref<!tpu.dma_semaphore, #tpu.memory_space<semaphore_mem>>
      %dma_start3A = arith.constant 0 : i32
      %dma_start3A_37 = tpu.memref_slice %arg13[%add3A_17, %dma_start3A] : memref<25088x64xf32, #tpu.memory_space<vmem_shared>> -> memref<224x64xf32, #tpu.memory_space<vmem_shared>>
      %dma_start3A_38 = arith.constant 0 : i32
      %dma_start3A_39 = tpu.memref_slice %arg13[%add3A_17, %dma_start3A_38] : memref<25088x64xf32, #tpu.memory_space<vmem_shared>> -> memref<224x64xf32, #tpu.memory_space<vmem_shared>>
      tpu.enqueue_dma source(%arg12 : memref<224x64xf32, #tpu.memory_space<vmem>>) target(%dma_start3A_39 : memref<224x64xf32, #tpu.memory_space<vmem_shared>>) target_semaphore(%run_scoped3A : memref<!tpu.dma_semaphore, #tpu.memory_space<semaphore_mem>>)
      %dma_wait3A = arith.constant 0 : i32
      %dma_wait3A_40 = tpu.memref_slice %arg13[%add3A_17, %dma_wait3A] : memref<25088x64xf32, #tpu.memory_space<vmem_shared>> -> memref<224x64xf32, #tpu.memory_space<vmem_shared>>
      %dma_wait3A_41 = arith.constant 0 : i32
      %dma_wait3A_42 = tpu.memref_slice %arg13[%add3A_17, %dma_wait3A_41] : memref<25088x64xf32, #tpu.memory_space<vmem_shared>> -> memref<224x64xf32, #tpu.memory_space<vmem_shared>>
      tpu.wait_dma2 semaphore(%run_scoped3A : memref<!tpu.dma_semaphore, #tpu.memory_space<semaphore_mem>>) src(%arg12 : memref<224x64xf32, #tpu.memory_space<vmem>>) dst(%dma_wait3A_42 : memref<224x64xf32, #tpu.memory_space<vmem_shared>>)
      tpu.yield
    }) : () -> ()
    %add3A_18 = arith.constant 1120 : i32
    %add3A_19 = arith.addi %mul3A_8, %add3A_18 : i32
    "tpu.region"() ({
      %run_scoped3A = tpu.sem_alloc : memref<!tpu.dma_semaphore, #tpu.memory_space<semaphore_mem>>
      %dma_start3A = arith.constant 0 : i32
      %dma_start3A_37 = tpu.memref_slice %arg13[%add3A_19, %dma_start3A] : memref<25088x64xf32, #tpu.memory_space<vmem_shared>> -> memref<224x64xf32, #tpu.memory_space<vmem_shared>>
      %dma_start3A_38 = arith.constant 0 : i32
      %dma_start3A_39 = tpu.memref_slice %arg13[%add3A_19, %dma_start3A_38] : memref<25088x64xf32, #tpu.memory_space<vmem_shared>> -> memref<224x64xf32, #tpu.memory_space<vmem_shared>>
      tpu.enqueue_dma source(%arg12 : memref<224x64xf32, #tpu.memory_space<vmem>>) target(%dma_start3A_39 : memref<224x64xf32, #tpu.memory_space<vmem_shared>>) target_semaphore(%run_scoped3A : memref<!tpu.dma_semaphore, #tpu.memory_space<semaphore_mem>>)
      %dma_wait3A = arith.constant 0 : i32
      %dma_wait3A_40 = tpu.memref_slice %arg13[%add3A_19, %dma_wait3A] : memref<25088x64xf32, #tpu.memory_space<vmem_shared>> -> memref<224x64xf32, #tpu.memory_space<vmem_shared>>
      %dma_wait3A_41 = arith.constant 0 : i32
      %dma_wait3A_42 = tpu.memref_slice %arg13[%add3A_19, %dma_wait3A_41] : memref<25088x64xf32, #tpu.memory_space<vmem_shared>> -> memref<224x64xf32, #tpu.memory_space<vmem_shared>>
      tpu.wait_dma2 semaphore(%run_scoped3A : memref<!tpu.dma_semaphore, #tpu.memory_space<semaphore_mem>>) src(%arg12 : memref<224x64xf32, #tpu.memory_space<vmem>>) dst(%dma_wait3A_42 : memref<224x64xf32, #tpu.memory_space<vmem_shared>>)
      tpu.yield
    }) : () -> ()
    %add3A_20 = arith.constant 1344 : i32
    %add3A_21 = arith.addi %mul3A_8, %add3A_20 : i32
    "tpu.region"() ({
      %run_scoped3A = tpu.sem_alloc : memref<!tpu.dma_semaphore, #tpu.memory_space<semaphore_mem>>
      %dma_start3A = arith.constant 0 : i32
      %dma_start3A_37 = tpu.memref_slice %arg13[%add3A_21, %dma_start3A] : memref<25088x64xf32, #tpu.memory_space<vmem_shared>> -> memref<224x64xf32, #tpu.memory_space<vmem_shared>>
      %dma_start3A_38 = arith.constant 0 : i32
      %dma_start3A_39 = tpu.memref_slice %arg13[%add3A_21, %dma_start3A_38] : memref<25088x64xf32, #tpu.memory_space<vmem_shared>> -> memref<224x64xf32, #tpu.memory_space<vmem_shared>>
      tpu.enqueue_dma source(%arg12 : memref<224x64xf32, #tpu.memory_space<vmem>>) target(%dma_start3A_39 : memref<224x64xf32, #tpu.memory_space<vmem_shared>>) target_semaphore(%run_scoped3A : memref<!tpu.dma_semaphore, #tpu.memory_space<semaphore_mem>>)
      %dma_wait3A = arith.constant 0 : i32
      %dma_wait3A_40 = tpu.memref_slice %arg13[%add3A_21, %dma_wait3A] : memref<25088x64xf32, #tpu.memory_space<vmem_shared>> -> memref<224x64xf32, #tpu.memory_space<vmem_shared>>
      %dma_wait3A_41 = arith.constant 0 : i32
      %dma_wait3A_42 = tpu.memref_slice %arg13[%add3A_21, %dma_wait3A_41] : memref<25088x64xf32, #tpu.memory_space<vmem_shared>> -> memref<224x64xf32, #tpu.memory_space<vmem_shared>>
      tpu.wait_dma2 semaphore(%run_scoped3A : memref<!tpu.dma_semaphore, #tpu.memory_space<semaphore_mem>>) src(%arg12 : memref<224x64xf32, #tpu.memory_space<vmem>>) dst(%dma_wait3A_42 : memref<224x64xf32, #tpu.memory_space<vmem_shared>>)
      tpu.yield
    }) : () -> ()
    %barrier3A = arith.constant 0 : index
    tpu.barrier barrier_id(%barrier3A)
    %scan3A_22 = arith.constant 0 : i32
    %scan3A_23 = arith.constant 0 : i32
    %scan3A_24 = arith.constant 625 : i32
    %scan3A_25 = arith.addi %scan3A_23, %scan3A_24 : i32
    %scan3A_26 = arith.constant 1 : i32
    %scan3A_27 = scf.for %scan3A_37 = %scan3A_23 to %scan3A_25 step %scan3A_26 iter_args(%scan3A_38 = %scan3A_22) -> (i32)  : i32 {
      %mul3A_39 = arith.constant 50000 : i32
      %mul3A_40 = arith.muli %arg1, %mul3A_39 : i32
      %mul3A_41 = arith.constant 80 : i32
      %mul3A_42 = arith.muli %scan3A_37, %mul3A_41 : i32
      %add3A_43 = arith.addi %mul3A_40, %mul3A_42 : i32
      "tpu.region"() ({
        %run_scoped3A = tpu.sem_alloc : memref<!tpu.dma_semaphore, #tpu.memory_space<semaphore_mem>>
        %dma_start3A_142 = tpu.memref_slice %arg3[%add3A_43] : memref<800000xi32, #tpu.memory_space<hbm>> -> memref<80xi32, #tpu.memory_space<hbm>>
        %dma_start3A_143 = tpu.memref_slice %arg3[%add3A_43] : memref<800000xi32, #tpu.memory_space<hbm>> -> memref<80xi32, #tpu.memory_space<hbm>>
        tpu.enqueue_dma source(%dma_start3A_143 : memref<80xi32, #tpu.memory_space<hbm>>) target(%arg7 : memref<80xi32, #tpu.memory_space<vmem>>) target_semaphore(%run_scoped3A : memref<!tpu.dma_semaphore, #tpu.memory_space<semaphore_mem>>)
        %dma_wait3A_144 = tpu.memref_slice %arg3[%add3A_43] : memref<800000xi32, #tpu.memory_space<hbm>> -> memref<80xi32, #tpu.memory_space<hbm>>
        %dma_wait3A_145 = tpu.memref_slice %arg3[%add3A_43] : memref<800000xi32, #tpu.memory_space<hbm>> -> memref<80xi32, #tpu.memory_space<hbm>>
        tpu.wait_dma2 semaphore(%run_scoped3A : memref<!tpu.dma_semaphore, #tpu.memory_space<semaphore_mem>>) src(%dma_wait3A_145 : memref<80xi32, #tpu.memory_space<hbm>>) dst(%arg7 : memref<80xi32, #tpu.memory_space<vmem>>)
        tpu.yield
      }) : () -> ()
      "tpu.region"() ({
        %run_scoped3A = tpu.sem_alloc : memref<!tpu.dma_semaphore, #tpu.memory_space<semaphore_mem>>
        %dma_start3A_142 = tpu.memref_slice %arg4[%add3A_43] : memref<800000xi32, #tpu.memory_space<hbm>> -> memref<80xi32, #tpu.memory_space<hbm>>
        %dma_start3A_143 = tpu.memref_slice %arg4[%add3A_43] : memref<800000xi32, #tpu.memory_space<hbm>> -> memref<80xi32, #tpu.memory_space<hbm>>
        tpu.enqueue_dma source(%dma_start3A_143 : memref<80xi32, #tpu.memory_space<hbm>>) target(%arg8 : memref<80xi32, #tpu.memory_space<vmem>>) target_semaphore(%run_scoped3A : memref<!tpu.dma_semaphore, #tpu.memory_space<semaphore_mem>>)
        %dma_wait3A_144 = tpu.memref_slice %arg4[%add3A_43] : memref<800000xi32, #tpu.memory_space<hbm>> -> memref<80xi32, #tpu.memory_space<hbm>>
        %dma_wait3A_145 = tpu.memref_slice %arg4[%add3A_43] : memref<800000xi32, #tpu.memory_space<hbm>> -> memref<80xi32, #tpu.memory_space<hbm>>
        tpu.wait_dma2 semaphore(%run_scoped3A : memref<!tpu.dma_semaphore, #tpu.memory_space<semaphore_mem>>) src(%dma_wait3A_145 : memref<80xi32, #tpu.memory_space<hbm>>) dst(%arg8 : memref<80xi32, #tpu.memory_space<vmem>>)
        tpu.yield
      }) : () -> ()
      "tpu.region"() ({
        %run_scoped3A = tpu.sem_alloc : memref<!tpu.dma_semaphore, #tpu.memory_space<semaphore_mem>>
        %dma_start3A_142 = tpu.memref_slice %arg5[%add3A_43] : memref<800000xf32, #tpu.memory_space<hbm>> -> memref<80xf32, #tpu.memory_space<hbm>>
        %dma_start3A_143 = tpu.memref_slice %arg5[%add3A_43] : memref<800000xf32, #tpu.memory_space<hbm>> -> memref<80xf32, #tpu.memory_space<hbm>>
        tpu.enqueue_dma source(%dma_start3A_143 : memref<80xf32, #tpu.memory_space<hbm>>) target(%arg9 : memref<80xf32, #tpu.memory_space<vmem>>) target_semaphore(%run_scoped3A : memref<!tpu.dma_semaphore, #tpu.memory_space<semaphore_mem>>)
        %dma_wait3A_144 = tpu.memref_slice %arg5[%add3A_43] : memref<800000xf32, #tpu.memory_space<hbm>> -> memref<80xf32, #tpu.memory_space<hbm>>
        %dma_wait3A_145 = tpu.memref_slice %arg5[%add3A_43] : memref<800000xf32, #tpu.memory_space<hbm>> -> memref<80xf32, #tpu.memory_space<hbm>>
        tpu.wait_dma2 semaphore(%run_scoped3A : memref<!tpu.dma_semaphore, #tpu.memory_space<semaphore_mem>>) src(%dma_wait3A_145 : memref<80xf32, #tpu.memory_space<hbm>>) dst(%arg9 : memref<80xf32, #tpu.memory_space<vmem>>)
        tpu.yield
      }) : () -> ()
      %get3A = arith.constant 0 : index
      %get3A_44 = tpu.vector_load %arg7[%get3A] {strides = array<i32>} : memref<80xi32, #tpu.memory_space<vmem>>, vector<16xi32>,
      %get3A_45 = vector.shape_cast %get3A_44 : vector<16xi32> to vector<16xi32>
      %ge3A = vector.broadcast %mul3A_0 : i32 to vector<16xi32>
      %ge3A_46 = arith.cmpi sge, %get3A_45, %ge3A : vector<16xi32>
      %add3A_47 = arith.constant 25000 : i32
      %add3A_48 = arith.addi %mul3A_0, %add3A_47 : i32
      %lt3A = vector.broadcast %add3A_48 : i32 to vector<16xi32>
      %lt3A_49 = arith.cmpi slt, %get3A_45, %lt3A : vector<16xi32>
      %and3A = arith.andi %ge3A_46, %lt3A_49 : vector<16xi1>
      %sub3A = vector.broadcast %mul3A_0 : i32 to vector<16xi32>
      %sub3A_50 = arith.subi %get3A_45, %sub3A : vector<16xi32>
      %jit3A = arith.constant 25000 : i32
      %broadcast_in_dim3A = vector.broadcast %jit3A : i32 to vector<16xi32>
      %select_n3A = arith.select %and3A, %sub3A_50, %broadcast_in_dim3A : vector<16xi1>, vector<16xi32>
      %swap3A = arith.constant 0 : index
      %swap3A_51 = tpu.vector_load %arg10[%swap3A] {strides = array<i32>} : memref<80xi32, #tpu.memory_space<vmem>>, vector<16xi32>,
      %swap3A_52 = vector.shape_cast %swap3A_51 : vector<16xi32> to vector<16xi32>
      %swap3A_53 = vector.shape_cast %select_n3A : vector<16xi32> to vector<16xi32>
      tpu.vector_store %arg10[%swap3A], %swap3A_53 {strides = array<i32>} : memref<80xi32, #tpu.memory_space<vmem>>, vector<16xi32>,
      %get3A_54 = arith.constant 16 : index
      %get3A_55 = tpu.vector_load %arg7[%get3A_54] {strides = array<i32>} : memref<80xi32, #tpu.memory_space<vmem>>, vector<16xi32>,
      %get3A_56 = vector.shape_cast %get3A_55 : vector<16xi32> to vector<16xi32>
      %ge3A_57 = vector.broadcast %mul3A_0 : i32 to vector<16xi32>
      %ge3A_58 = arith.cmpi sge, %get3A_56, %ge3A_57 : vector<16xi32>
      %add3A_59 = arith.constant 25000 : i32
      %add3A_60 = arith.addi %mul3A_0, %add3A_59 : i32
      %lt3A_61 = vector.broadcast %add3A_60 : i32 to vector<16xi32>
      %lt3A_62 = arith.cmpi slt, %get3A_56, %lt3A_61 : vector<16xi32>
      %and3A_63 = arith.andi %ge3A_58, %lt3A_62 : vector<16xi1>
      %sub3A_64 = vector.broadcast %mul3A_0 : i32 to vector<16xi32>
      %sub3A_65 = arith.subi %get3A_56, %sub3A_64 : vector<16xi32>
      %jit3A_66 = arith.constant 25000 : i32
      %broadcast_in_dim3A_67 = vector.broadcast %jit3A_66 : i32 to vector<16xi32>
      %select_n3A_68 = arith.select %and3A_63, %sub3A_65, %broadcast_in_dim3A_67 : vector<16xi1>, vector<16xi32>
      %swap3A_69 = arith.constant 16 : index
      %swap3A_70 = tpu.vector_load %arg10[%swap3A_69] {strides = array<i32>} : memref<80xi32, #tpu.memory_space<vmem>>, vector<16xi32>,
      %swap3A_71 = vector.shape_cast %swap3A_70 : vector<16xi32> to vector<16xi32>
      %swap3A_72 = vector.shape_cast %select_n3A_68 : vector<16xi32> to vector<16xi32>
      tpu.vector_store %arg10[%swap3A_69], %swap3A_72 {strides = array<i32>} : memref<80xi32, #tpu.memory_space<vmem>>, vector<16xi32>,
      %get3A_73 = arith.constant 32 : index
      %get3A_74 = tpu.vector_load %arg7[%get3A_73] {strides = array<i32>} : memref<80xi32, #tpu.memory_space<vmem>>, vector<16xi32>,
      %get3A_75 = vector.shape_cast %get3A_74 : vector<16xi32> to vector<16xi32>
      %ge3A_76 = vector.broadcast %mul3A_0 : i32 to vector<16xi32>
      %ge3A_77 = arith.cmpi sge, %get3A_75, %ge3A_76 : vector<16xi32>
      %add3A_78 = arith.constant 25000 : i32
      %add3A_79 = arith.addi %mul3A_0, %add3A_78 : i32
      %lt3A_80 = vector.broadcast %add3A_79 : i32 to vector<16xi32>
      %lt3A_81 = arith.cmpi slt, %get3A_75, %lt3A_80 : vector<16xi32>
      %and3A_82 = arith.andi %ge3A_77, %lt3A_81 : vector<16xi1>
      %sub3A_83 = vector.broadcast %mul3A_0 : i32 to vector<16xi32>
      %sub3A_84 = arith.subi %get3A_75, %sub3A_83 : vector<16xi32>
      %jit3A_85 = arith.constant 25000 : i32
      %broadcast_in_dim3A_86 = vector.broadcast %jit3A_85 : i32 to vector<16xi32>
      %select_n3A_87 = arith.select %and3A_82, %sub3A_84, %broadcast_in_dim3A_86 : vector<16xi1>, vector<16xi32>
      %swap3A_88 = arith.constant 32 : index
      %swap3A_89 = tpu.vector_load %arg10[%swap3A_88] {strides = array<i32>} : memref<80xi32, #tpu.memory_space<vmem>>, vector<16xi32>,
      %swap3A_90 = vector.shape_cast %swap3A_89 : vector<16xi32> to vector<16xi32>
      %swap3A_91 = vector.shape_cast %select_n3A_87 : vector<16xi32> to vector<16xi32>
      tpu.vector_store %arg10[%swap3A_88], %swap3A_91 {strides = array<i32>} : memref<80xi32, #tpu.memory_space<vmem>>, vector<16xi32>,
      %get3A_92 = arith.constant 48 : index
      %get3A_93 = tpu.vector_load %arg7[%get3A_92] {strides = array<i32>} : memref<80xi32, #tpu.memory_space<vmem>>, vector<16xi32>,
      %get3A_94 = vector.shape_cast %get3A_93 : vector<16xi32> to vector<16xi32>
      %ge3A_95 = vector.broadcast %mul3A_0 : i32 to vector<16xi32>
      %ge3A_96 = arith.cmpi sge, %get3A_94, %ge3A_95 : vector<16xi32>
      %add3A_97 = arith.constant 25000 : i32
      %add3A_98 = arith.addi %mul3A_0, %add3A_97 : i32
      %lt3A_99 = vector.broadcast %add3A_98 : i32 to vector<16xi32>
      %lt3A_100 = arith.cmpi slt, %get3A_94, %lt3A_99 : vector<16xi32>
      %and3A_101 = arith.andi %ge3A_96, %lt3A_100 : vector<16xi1>
      %sub3A_102 = vector.broadcast %mul3A_0 : i32 to vector<16xi32>
      %sub3A_103 = arith.subi %get3A_94, %sub3A_102 : vector<16xi32>
      %jit3A_104 = arith.constant 25000 : i32
      %broadcast_in_dim3A_105 = vector.broadcast %jit3A_104 : i32 to vector<16xi32>
      %select_n3A_106 = arith.select %and3A_101, %sub3A_103, %broadcast_in_dim3A_105 : vector<16xi1>, vector<16xi32>
      %swap3A_107 = arith.constant 48 : index
      %swap3A_108 = tpu.vector_load %arg10[%swap3A_107] {strides = array<i32>} : memref<80xi32, #tpu.memory_space<vmem>>, vector<16xi32>,
      %swap3A_109 = vector.shape_cast %swap3A_108 : vector<16xi32> to vector<16xi32>
      %swap3A_110 = vector.shape_cast %select_n3A_106 : vector<16xi32> to vector<16xi32>
      tpu.vector_store %arg10[%swap3A_107], %swap3A_110 {strides = array<i32>} : memref<80xi32, #tpu.memory_space<vmem>>, vector<16xi32>,
      %get3A_111 = arith.constant 64 : index
      %get3A_112 = tpu.vector_load %arg7[%get3A_111] {strides = array<i32>} : memref<80xi32, #tpu.memory_space<vmem>>, vector<16xi32>,
      %get3A_113 = vector.shape_cast %get3A_112 : vector<16xi32> to vector<16xi32>
      %ge3A_114 = vector.broadcast %mul3A_0 : i32 to vector<16xi32>
      %ge3A_115 = arith.cmpi sge, %get3A_113, %ge3A_114 : vector<16xi32>
      %add3A_116 = arith.constant 25000 : i32
      %add3A_117 = arith.addi %mul3A_0, %add3A_116 : i32
      %lt3A_118 = vector.broadcast %add3A_117 : i32 to vector<16xi32>
      %lt3A_119 = arith.cmpi slt, %get3A_113, %lt3A_118 : vector<16xi32>
      %and3A_120 = arith.andi %ge3A_115, %lt3A_119 : vector<16xi1>
      %sub3A_121 = vector.broadcast %mul3A_0 : i32 to vector<16xi32>
      %sub3A_122 = arith.subi %get3A_113, %sub3A_121 : vector<16xi32>
      %jit3A_123 = arith.constant 25000 : i32
      %broadcast_in_dim3A_124 = vector.broadcast %jit3A_123 : i32 to vector<16xi32>
      %select_n3A_125 = arith.select %and3A_120, %sub3A_122, %broadcast_in_dim3A_124 : vector<16xi1>, vector<16xi32>
      %swap3A_126 = arith.constant 64 : index
      %swap3A_127 = tpu.vector_load %arg10[%swap3A_126] {strides = array<i32>} : memref<80xi32, #tpu.memory_space<vmem>>, vector<16xi32>,
      %swap3A_128 = vector.shape_cast %swap3A_127 : vector<16xi32> to vector<16xi32>
      %swap3A_129 = vector.shape_cast %select_n3A_125 : vector<16xi32> to vector<16xi32>
      tpu.vector_store %arg10[%swap3A_126], %swap3A_129 {strides = array<i32>} : memref<80xi32, #tpu.memory_space<vmem>>, vector<16xi32>,
      %dma_start3A = arith.constant 0 : i32
      %dma_start3A_130 = arith.constant 0 : i32
      %dma_start3A_131 = tpu.memref_slice %arg2[%dma_start3A, %dma_start3A_130] : memref<50000x64xf32, #tpu.memory_space<hbm>> -> memref<50000x64xf32, #tpu.memory_space<hbm>>
      tpu.enqueue_indirect_dma source(%dma_start3A_131 : memref<50000x64xf32, #tpu.memory_space<hbm>>) target(%arg11 : memref<80x64xf32, #tpu.memory_space<vmem>>) offsets(%arg8 : memref<80xi32, #tpu.memory_space<vmem>>) semaphore(%arg14 : memref<!tpu.dma_semaphore, #tpu.memory_space<semaphore_mem>>)
      %dma_wait3A = arith.constant 0 : i32
      %dma_wait3A_132 = arith.constant 0 : i32
      %dma_wait3A_133 = tpu.memref_slice %arg2[%dma_wait3A, %dma_wait3A_132] : memref<50000x64xf32, #tpu.memory_space<hbm>> -> memref<50000x64xf32, #tpu.memory_space<hbm>>
      tpu.wait_indirect_dma semaphore(%arg14 : memref<!tpu.dma_semaphore, #tpu.memory_space<semaphore_mem>>) src(%dma_wait3A_133 : memref<50000x64xf32, #tpu.memory_space<hbm>>) dst(%arg11 : memref<80x64xf32, #tpu.memory_space<vmem>>)
      %scan3A_134 = arith.constant 0 : i32
      %scan3A_135 = arith.constant 0 : i32
      %scan3A_136 = arith.constant 5 : i32
      %scan3A_137 = arith.addi %scan3A_135, %scan3A_136 : i32
      %scan3A_138 = arith.constant 1 : i32
      %scan3A_139 = scf.for %scan3A_142 = %scan3A_135 to %scan3A_137 step %scan3A_138 iter_args(%scan3A_143 = %scan3A_134) -> (i32)  : i32 {
        %mul3A_144 = arith.constant 16 : i32
        %mul3A_145 = arith.muli %scan3A_142, %mul3A_144 : i32
        %get3A_146 = arith.index_cast %mul3A_145 : i32 to index
        %get3A_147 = tpu.vector_load %arg9[%get3A_146] {strides = array<i32>} : memref<80xf32, #tpu.memory_space<vmem>>, vector<16xf32>,
        %get3A_148 = vector.shape_cast %get3A_147 : vector<16xf32> to vector<16xf32>
        %slice3A = vector.extract_strided_slice %get3A_148 {offsets = [0], sizes = [1], strides = [1]} : vector<16xf32> to vector<1xf32>
        %squeeze3A = vector.extract %slice3A[0] : f32 from vector<1xf32>
        %broadcast_in_dim3A_149 = vector.broadcast %squeeze3A : f32 to vector<16xf32>
        %mul3A_150 = arith.constant 16 : i32
        %mul3A_151 = arith.muli %scan3A_142, %mul3A_150 : i32
        %add3A_152 = arith.constant 0 : i32
        %add3A_153 = arith.addi %mul3A_151, %add3A_152 : i32
        %get3A_154 = arith.index_cast %add3A_153 : i32 to index
        %get3A_155 = arith.constant 0 : index
        %get3A_156 = tpu.vector_load %arg11[%get3A_154, %get3A_155] {strides = array<i32>} : memref<80x64xf32, #tpu.memory_space<vmem>>, vector<1x16xf32>,
        %get3A_157 = vector.shape_cast %get3A_156 : vector<1x16xf32> to vector<16xf32>
        %mul3A_158 = arith.mulf %get3A_157, %broadcast_in_dim3A_149 : vector<16xf32>
        %swap3A_159 = arith.index_cast %add3A_153 : i32 to index
        %swap3A_160 = arith.constant 0 : index
        %swap3A_161 = tpu.vector_load %arg11[%swap3A_159, %swap3A_160] {strides = array<i32>} : memref<80x64xf32, #tpu.memory_space<vmem>>, vector<1x16xf32>,
        %swap3A_162 = vector.shape_cast %swap3A_161 : vector<1x16xf32> to vector<16xf32>
        %swap3A_163 = vector.shape_cast %mul3A_158 : vector<16xf32> to vector<1x16xf32>
        tpu.vector_store %arg11[%swap3A_159, %swap3A_160], %swap3A_163 {strides = array<i32>} : memref<80x64xf32, #tpu.memory_space<vmem>>, vector<1x16xf32>,
        %get3A_164 = arith.index_cast %add3A_153 : i32 to index
        %get3A_165 = arith.constant 16 : index
        %get3A_166 = tpu.vector_load %arg11[%get3A_164, %get3A_165] {strides = array<i32>} : memref<80x64xf32, #tpu.memory_space<vmem>>, vector<1x16xf32>,
        %get3A_167 = vector.shape_cast %get3A_166 : vector<1x16xf32> to vector<16xf32>
        %mul3A_168 = arith.mulf %get3A_167, %broadcast_in_dim3A_149 : vector<16xf32>
        %swap3A_169 = arith.index_cast %add3A_153 : i32 to index
        %swap3A_170 = arith.constant 16 : index
        %swap3A_171 = tpu.vector_load %arg11[%swap3A_169, %swap3A_170] {strides = array<i32>} : memref<80x64xf32, #tpu.memory_space<vmem>>, vector<1x16xf32>,
        %swap3A_172 = vector.shape_cast %swap3A_171 : vector<1x16xf32> to vector<16xf32>
        %swap3A_173 = vector.shape_cast %mul3A_168 : vector<16xf32> to vector<1x16xf32>
        tpu.vector_store %arg11[%swap3A_169, %swap3A_170], %swap3A_173 {strides = array<i32>} : memref<80x64xf32, #tpu.memory_space<vmem>>, vector<1x16xf32>,
        %get3A_174 = arith.index_cast %add3A_153 : i32 to index
        %get3A_175 = arith.constant 32 : index
        %get3A_176 = tpu.vector_load %arg11[%get3A_174, %get3A_175] {strides = array<i32>} : memref<80x64xf32, #tpu.memory_space<vmem>>, vector<1x16xf32>,
        %get3A_177 = vector.shape_cast %get3A_176 : vector<1x16xf32> to vector<16xf32>
        %mul3A_178 = arith.mulf %get3A_177, %broadcast_in_dim3A_149 : vector<16xf32>
        %swap3A_179 = arith.index_cast %add3A_153 : i32 to index
        %swap3A_180 = arith.constant 32 : index
        %swap3A_181 = tpu.vector_load %arg11[%swap3A_179, %swap3A_180] {strides = array<i32>} : memref<80x64xf32, #tpu.memory_space<vmem>>, vector<1x16xf32>,
        %swap3A_182 = vector.shape_cast %swap3A_181 : vector<1x16xf32> to vector<16xf32>
        %swap3A_183 = vector.shape_cast %mul3A_178 : vector<16xf32> to vector<1x16xf32>
        tpu.vector_store %arg11[%swap3A_179, %swap3A_180], %swap3A_183 {strides = array<i32>} : memref<80x64xf32, #tpu.memory_space<vmem>>, vector<1x16xf32>,
        %get3A_184 = arith.index_cast %add3A_153 : i32 to index
        %get3A_185 = arith.constant 48 : index
        %get3A_186 = tpu.vector_load %arg11[%get3A_184, %get3A_185] {strides = array<i32>} : memref<80x64xf32, #tpu.memory_space<vmem>>, vector<1x16xf32>,
        %get3A_187 = vector.shape_cast %get3A_186 : vector<1x16xf32> to vector<16xf32>
        %mul3A_188 = arith.mulf %get3A_187, %broadcast_in_dim3A_149 : vector<16xf32>
        %swap3A_189 = arith.index_cast %add3A_153 : i32 to index
        %swap3A_190 = arith.constant 48 : index
        %swap3A_191 = tpu.vector_load %arg11[%swap3A_189, %swap3A_190] {strides = array<i32>} : memref<80x64xf32, #tpu.memory_space<vmem>>, vector<1x16xf32>,
        %swap3A_192 = vector.shape_cast %swap3A_191 : vector<1x16xf32> to vector<16xf32>
        %swap3A_193 = vector.shape_cast %mul3A_188 : vector<16xf32> to vector<1x16xf32>
        tpu.vector_store %arg11[%swap3A_189, %swap3A_190], %swap3A_193 {strides = array<i32>} : memref<80x64xf32, #tpu.memory_space<vmem>>, vector<1x16xf32>,
        %slice3A_194 = vector.extract_strided_slice %get3A_148 {offsets = [1], sizes = [1], strides = [1]} : vector<16xf32> to vector<1xf32>
        %squeeze3A_195 = vector.extract %slice3A_194[0] : f32 from vector<1xf32>
        %broadcast_in_dim3A_196 = vector.broadcast %squeeze3A_195 : f32 to vector<16xf32>
        %mul3A_197 = arith.constant 16 : i32
        %mul3A_198 = arith.muli %scan3A_142, %mul3A_197 : i32
        %add3A_199 = arith.constant 1 : i32
        %add3A_200 = arith.addi %mul3A_198, %add3A_199 : i32
        %get3A_201 = arith.index_cast %add3A_200 : i32 to index
        %get3A_202 = arith.constant 0 : index
        %get3A_203 = tpu.vector_load %arg11[%get3A_201, %get3A_202] {strides = array<i32>} : memref<80x64xf32, #tpu.memory_space<vmem>>, vector<1x16xf32>,
        %get3A_204 = vector.shape_cast %get3A_203 : vector<1x16xf32> to vector<16xf32>
        %mul3A_205 = arith.mulf %get3A_204, %broadcast_in_dim3A_196 : vector<16xf32>
        %swap3A_206 = arith.index_cast %add3A_200 : i32 to index
        %swap3A_207 = arith.constant 0 : index
        %swap3A_208 = tpu.vector_load %arg11[%swap3A_206, %swap3A_207] {strides = array<i32>} : memref<80x64xf32, #tpu.memory_space<vmem>>, vector<1x16xf32>,
        %swap3A_209 = vector.shape_cast %swap3A_208 : vector<1x16xf32> to vector<16xf32>
        %swap3A_210 = vector.shape_cast %mul3A_205 : vector<16xf32> to vector<1x16xf32>
        tpu.vector_store %arg11[%swap3A_206, %swap3A_207], %swap3A_210 {strides = array<i32>} : memref<80x64xf32, #tpu.memory_space<vmem>>, vector<1x16xf32>,
        %get3A_211 = arith.index_cast %add3A_200 : i32 to index
        %get3A_212 = arith.constant 16 : index
        %get3A_213 = tpu.vector_load %arg11[%get3A_211, %get3A_212] {strides = array<i32>} : memref<80x64xf32, #tpu.memory_space<vmem>>, vector<1x16xf32>,
        %get3A_214 = vector.shape_cast %get3A_213 : vector<1x16xf32> to vector<16xf32>
        %mul3A_215 = arith.mulf %get3A_214, %broadcast_in_dim3A_196 : vector<16xf32>
        %swap3A_216 = arith.index_cast %add3A_200 : i32 to index
        %swap3A_217 = arith.constant 16 : index
        %swap3A_218 = tpu.vector_load %arg11[%swap3A_216, %swap3A_217] {strides = array<i32>} : memref<80x64xf32, #tpu.memory_space<vmem>>, vector<1x16xf32>,
        %swap3A_219 = vector.shape_cast %swap3A_218 : vector<1x16xf32> to vector<16xf32>
        %swap3A_220 = vector.shape_cast %mul3A_215 : vector<16xf32> to vector<1x16xf32>
        tpu.vector_store %arg11[%swap3A_216, %swap3A_217], %swap3A_220 {strides = array<i32>} : memref<80x64xf32, #tpu.memory_space<vmem>>, vector<1x16xf32>,
        %get3A_221 = arith.index_cast %add3A_200 : i32 to index
        %get3A_222 = arith.constant 32 : index
        %get3A_223 = tpu.vector_load %arg11[%get3A_221, %get3A_222] {strides = array<i32>} : memref<80x64xf32, #tpu.memory_space<vmem>>, vector<1x16xf32>,
        %get3A_224 = vector.shape_cast %get3A_223 : vector<1x16xf32> to vector<16xf32>
        %mul3A_225 = arith.mulf %get3A_224, %broadcast_in_dim3A_196 : vector<16xf32>
        %swap3A_226 = arith.index_cast %add3A_200 : i32 to index
        %swap3A_227 = arith.constant 32 : index
        %swap3A_228 = tpu.vector_load %arg11[%swap3A_226, %swap3A_227] {strides = array<i32>} : memref<80x64xf32, #tpu.memory_space<vmem>>, vector<1x16xf32>,
        %swap3A_229 = vector.shape_cast %swap3A_228 : vector<1x16xf32> to vector<16xf32>
        %swap3A_230 = vector.shape_cast %mul3A_225 : vector<16xf32> to vector<1x16xf32>
        tpu.vector_store %arg11[%swap3A_226, %swap3A_227], %swap3A_230 {strides = array<i32>} : memref<80x64xf32, #tpu.memory_space<vmem>>, vector<1x16xf32>,
        %get3A_231 = arith.index_cast %add3A_200 : i32 to index
        %get3A_232 = arith.constant 48 : index
        %get3A_233 = tpu.vector_load %arg11[%get3A_231, %get3A_232] {strides = array<i32>} : memref<80x64xf32, #tpu.memory_space<vmem>>, vector<1x16xf32>,
        %get3A_234 = vector.shape_cast %get3A_233 : vector<1x16xf32> to vector<16xf32>
        %mul3A_235 = arith.mulf %get3A_234, %broadcast_in_dim3A_196 : vector<16xf32>
        %swap3A_236 = arith.index_cast %add3A_200 : i32 to index
        %swap3A_237 = arith.constant 48 : index
        %swap3A_238 = tpu.vector_load %arg11[%swap3A_236, %swap3A_237] {strides = array<i32>} : memref<80x64xf32, #tpu.memory_space<vmem>>, vector<1x16xf32>,
        %swap3A_239 = vector.shape_cast %swap3A_238 : vector<1x16xf32> to vector<16xf32>
        %swap3A_240 = vector.shape_cast %mul3A_235 : vector<16xf32> to vector<1x16xf32>
        tpu.vector_store %arg11[%swap3A_236, %swap3A_237], %swap3A_240 {strides = array<i32>} : memref<80x64xf32, #tpu.memory_space<vmem>>, vector<1x16xf32>,
        %slice3A_241 = vector.extract_strided_slice %get3A_148 {offsets = [2], sizes = [1], strides = [1]} : vector<16xf32> to vector<1xf32>
        %squeeze3A_242 = vector.extract %slice3A_241[0] : f32 from vector<1xf32>
        %broadcast_in_dim3A_243 = vector.broadcast %squeeze3A_242 : f32 to vector<16xf32>
        %mul3A_244 = arith.constant 16 : i32
        %mul3A_245 = arith.muli %scan3A_142, %mul3A_244 : i32
        %add3A_246 = arith.constant 2 : i32
        %add3A_247 = arith.addi %mul3A_245, %add3A_246 : i32
        %get3A_248 = arith.index_cast %add3A_247 : i32 to index
        %get3A_249 = arith.constant 0 : index
        %get3A_250 = tpu.vector_load %arg11[%get3A_248, %get3A_249] {strides = array<i32>} : memref<80x64xf32, #tpu.memory_space<vmem>>, vector<1x16xf32>,
        %get3A_251 = vector.shape_cast %get3A_250 : vector<1x16xf32> to vector<16xf32>
        %mul3A_252 = arith.mulf %get3A_251, %broadcast_in_dim3A_243 : vector<16xf32>
        %swap3A_253 = arith.index_cast %add3A_247 : i32 to index
        %swap3A_254 = arith.constant 0 : index
        %swap3A_255 = tpu.vector_load %arg11[%swap3A_253, %swap3A_254] {strides = array<i32>} : memref<80x64xf32, #tpu.memory_space<vmem>>, vector<1x16xf32>,
        %swap3A_256 = vector.shape_cast %swap3A_255 : vector<1x16xf32> to vector<16xf32>
        %swap3A_257 = vector.shape_cast %mul3A_252 : vector<16xf32> to vector<1x16xf32>
        tpu.vector_store %arg11[%swap3A_253, %swap3A_254], %swap3A_257 {strides = array<i32>} : memref<80x64xf32, #tpu.memory_space<vmem>>, vector<1x16xf32>,
        %get3A_258 = arith.index_cast %add3A_247 : i32 to index
        %get3A_259 = arith.constant 16 : index
        %get3A_260 = tpu.vector_load %arg11[%get3A_258, %get3A_259] {strides = array<i32>} : memref<80x64xf32, #tpu.memory_space<vmem>>, vector<1x16xf32>,
        %get3A_261 = vector.shape_cast %get3A_260 : vector<1x16xf32> to vector<16xf32>
        %mul3A_262 = arith.mulf %get3A_261, %broadcast_in_dim3A_243 : vector<16xf32>
        %swap3A_263 = arith.index_cast %add3A_247 : i32 to index
        %swap3A_264 = arith.constant 16 : index
        %swap3A_265 = tpu.vector_load %arg11[%swap3A_263, %swap3A_264] {strides = array<i32>} : memref<80x64xf32, #tpu.memory_space<vmem>>, vector<1x16xf32>,
        %swap3A_266 = vector.shape_cast %swap3A_265 : vector<1x16xf32> to vector<16xf32>
        %swap3A_267 = vector.shape_cast %mul3A_262 : vector<16xf32> to vector<1x16xf32>
        tpu.vector_store %arg11[%swap3A_263, %swap3A_264], %swap3A_267 {strides = array<i32>} : memref<80x64xf32, #tpu.memory_space<vmem>>, vector<1x16xf32>,
        %get3A_268 = arith.index_cast %add3A_247 : i32 to index
        %get3A_269 = arith.constant 32 : index
        %get3A_270 = tpu.vector_load %arg11[%get3A_268, %get3A_269] {strides = array<i32>} : memref<80x64xf32, #tpu.memory_space<vmem>>, vector<1x16xf32>,
        %get3A_271 = vector.shape_cast %get3A_270 : vector<1x16xf32> to vector<16xf32>
        %mul3A_272 = arith.mulf %get3A_271, %broadcast_in_dim3A_243 : vector<16xf32>
        %swap3A_273 = arith.index_cast %add3A_247 : i32 to index
        %swap3A_274 = arith.constant 32 : index
        %swap3A_275 = tpu.vector_load %arg11[%swap3A_273, %swap3A_274] {strides = array<i32>} : memref<80x64xf32, #tpu.memory_space<vmem>>, vector<1x16xf32>,
        %swap3A_276 = vector.shape_cast %swap3A_275 : vector<1x16xf32> to vector<16xf32>
        %swap3A_277 = vector.shape_cast %mul3A_272 : vector<16xf32> to vector<1x16xf32>
        tpu.vector_store %arg11[%swap3A_273, %swap3A_274], %swap3A_277 {strides = array<i32>} : memref<80x64xf32, #tpu.memory_space<vmem>>, vector<1x16xf32>,
        %get3A_278 = arith.index_cast %add3A_247 : i32 to index
        %get3A_279 = arith.constant 48 : index
        %get3A_280 = tpu.vector_load %arg11[%get3A_278, %get3A_279] {strides = array<i32>} : memref<80x64xf32, #tpu.memory_space<vmem>>, vector<1x16xf32>,
        %get3A_281 = vector.shape_cast %get3A_280 : vector<1x16xf32> to vector<16xf32>
        %mul3A_282 = arith.mulf %get3A_281, %broadcast_in_dim3A_243 : vector<16xf32>
        %swap3A_283 = arith.index_cast %add3A_247 : i32 to index
        %swap3A_284 = arith.constant 48 : index
        %swap3A_285 = tpu.vector_load %arg11[%swap3A_283, %swap3A_284] {strides = array<i32>} : memref<80x64xf32, #tpu.memory_space<vmem>>, vector<1x16xf32>,
        %swap3A_286 = vector.shape_cast %swap3A_285 : vector<1x16xf32> to vector<16xf32>
        %swap3A_287 = vector.shape_cast %mul3A_282 : vector<16xf32> to vector<1x16xf32>
        tpu.vector_store %arg11[%swap3A_283, %swap3A_284], %swap3A_287 {strides = array<i32>} : memref<80x64xf32, #tpu.memory_space<vmem>>, vector<1x16xf32>,
        %slice3A_288 = vector.extract_strided_slice %get3A_148 {offsets = [3], sizes = [1], strides = [1]} : vector<16xf32> to vector<1xf32>
        %squeeze3A_289 = vector.extract %slice3A_288[0] : f32 from vector<1xf32>
        %broadcast_in_dim3A_290 = vector.broadcast %squeeze3A_289 : f32 to vector<16xf32>
        %mul3A_291 = arith.constant 16 : i32
        %mul3A_292 = arith.muli %scan3A_142, %mul3A_291 : i32
        %add3A_293 = arith.constant 3 : i32
        %add3A_294 = arith.addi %mul3A_292, %add3A_293 : i32
        %get3A_295 = arith.index_cast %add3A_294 : i32 to index
        %get3A_296 = arith.constant 0 : index
        %get3A_297 = tpu.vector_load %arg11[%get3A_295, %get3A_296] {strides = array<i32>} : memref<80x64xf32, #tpu.memory_space<vmem>>, vector<1x16xf32>,
        %get3A_298 = vector.shape_cast %get3A_297 : vector<1x16xf32> to vector<16xf32>
        %mul3A_299 = arith.mulf %get3A_298, %broadcast_in_dim3A_290 : vector<16xf32>
        %swap3A_300 = arith.index_cast %add3A_294 : i32 to index
        %swap3A_301 = arith.constant 0 : index
        %swap3A_302 = tpu.vector_load %arg11[%swap3A_300, %swap3A_301] {strides = array<i32>} : memref<80x64xf32, #tpu.memory_space<vmem>>, vector<1x16xf32>,
        %swap3A_303 = vector.shape_cast %swap3A_302 : vector<1x16xf32> to vector<16xf32>
        %swap3A_304 = vector.shape_cast %mul3A_299 : vector<16xf32> to vector<1x16xf32>
        tpu.vector_store %arg11[%swap3A_300, %swap3A_301], %swap3A_304 {strides = array<i32>} : memref<80x64xf32, #tpu.memory_space<vmem>>, vector<1x16xf32>,
        %get3A_305 = arith.index_cast %add3A_294 : i32 to index
        %get3A_306 = arith.constant 16 : index
        %get3A_307 = tpu.vector_load %arg11[%get3A_305, %get3A_306] {strides = array<i32>} : memref<80x64xf32, #tpu.memory_space<vmem>>, vector<1x16xf32>,
        %get3A_308 = vector.shape_cast %get3A_307 : vector<1x16xf32> to vector<16xf32>
        %mul3A_309 = arith.mulf %get3A_308, %broadcast_in_dim3A_290 : vector<16xf32>
        %swap3A_310 = arith.index_cast %add3A_294 : i32 to index
        %swap3A_311 = arith.constant 16 : index
        %swap3A_312 = tpu.vector_load %arg11[%swap3A_310, %swap3A_311] {strides = array<i32>} : memref<80x64xf32, #tpu.memory_space<vmem>>, vector<1x16xf32>,
        %swap3A_313 = vector.shape_cast %swap3A_312 : vector<1x16xf32> to vector<16xf32>
        %swap3A_314 = vector.shape_cast %mul3A_309 : vector<16xf32> to vector<1x16xf32>
        tpu.vector_store %arg11[%swap3A_310, %swap3A_311], %swap3A_314 {strides = array<i32>} : memref<80x64xf32, #tpu.memory_space<vmem>>, vector<1x16xf32>,
        %get3A_315 = arith.index_cast %add3A_294 : i32 to index
        %get3A_316 = arith.constant 32 : index
        %get3A_317 = tpu.vector_load %arg11[%get3A_315, %get3A_316] {strides = array<i32>} : memref<80x64xf32, #tpu.memory_space<vmem>>, vector<1x16xf32>,
        %get3A_318 = vector.shape_cast %get3A_317 : vector<1x16xf32> to vector<16xf32>
        %mul3A_319 = arith.mulf %get3A_318, %broadcast_in_dim3A_290 : vector<16xf32>
        %swap3A_320 = arith.index_cast %add3A_294 : i32 to index
        %swap3A_321 = arith.constant 32 : index
        %swap3A_322 = tpu.vector_load %arg11[%swap3A_320, %swap3A_321] {strides = array<i32>} : memref<80x64xf32, #tpu.memory_space<vmem>>, vector<1x16xf32>,
        %swap3A_323 = vector.shape_cast %swap3A_322 : vector<1x16xf32> to vector<16xf32>
        %swap3A_324 = vector.shape_cast %mul3A_319 : vector<16xf32> to vector<1x16xf32>
        tpu.vector_store %arg11[%swap3A_320, %swap3A_321], %swap3A_324 {strides = array<i32>} : memref<80x64xf32, #tpu.memory_space<vmem>>, vector<1x16xf32>,
        %get3A_325 = arith.index_cast %add3A_294 : i32 to index
        %get3A_326 = arith.constant 48 : index
        %get3A_327 = tpu.vector_load %arg11[%get3A_325, %get3A_326] {strides = array<i32>} : memref<80x64xf32, #tpu.memory_space<vmem>>, vector<1x16xf32>,
        %get3A_328 = vector.shape_cast %get3A_327 : vector<1x16xf32> to vector<16xf32>
        %mul3A_329 = arith.mulf %get3A_328, %broadcast_in_dim3A_290 : vector<16xf32>
        %swap3A_330 = arith.index_cast %add3A_294 : i32 to index
        %swap3A_331 = arith.constant 48 : index
        %swap3A_332 = tpu.vector_load %arg11[%swap3A_330, %swap3A_331] {strides = array<i32>} : memref<80x64xf32, #tpu.memory_space<vmem>>, vector<1x16xf32>,
        %swap3A_333 = vector.shape_cast %swap3A_332 : vector<1x16xf32> to vector<16xf32>
        %swap3A_334 = vector.shape_cast %mul3A_329 : vector<16xf32> to vector<1x16xf32>
        tpu.vector_store %arg11[%swap3A_330, %swap3A_331], %swap3A_334 {strides = array<i32>} : memref<80x64xf32, #tpu.memory_space<vmem>>, vector<1x16xf32>,
        %slice3A_335 = vector.extract_strided_slice %get3A_148 {offsets = [4], sizes = [1], strides = [1]} : vector<16xf32> to vector<1xf32>
        %squeeze3A_336 = vector.extract %slice3A_335[0] : f32 from vector<1xf32>
        %broadcast_in_dim3A_337 = vector.broadcast %squeeze3A_336 : f32 to vector<16xf32>
        %mul3A_338 = arith.constant 16 : i32
        %mul3A_339 = arith.muli %scan3A_142, %mul3A_338 : i32
        %add3A_340 = arith.constant 4 : i32
        %add3A_341 = arith.addi %mul3A_339, %add3A_340 : i32
        %get3A_342 = arith.index_cast %add3A_341 : i32 to index
        %get3A_343 = arith.constant 0 : index
        %get3A_344 = tpu.vector_load %arg11[%get3A_342, %get3A_343] {strides = array<i32>} : memref<80x64xf32, #tpu.memory_space<vmem>>, vector<1x16xf32>,
        %get3A_345 = vector.shape_cast %get3A_344 : vector<1x16xf32> to vector<16xf32>
        %mul3A_346 = arith.mulf %get3A_345, %broadcast_in_dim3A_337 : vector<16xf32>
        %swap3A_347 = arith.index_cast %add3A_341 : i32 to index
        %swap3A_348 = arith.constant 0 : index
        %swap3A_349 = tpu.vector_load %arg11[%swap3A_347, %swap3A_348] {strides = array<i32>} : memref<80x64xf32, #tpu.memory_space<vmem>>, vector<1x16xf32>,
        %swap3A_350 = vector.shape_cast %swap3A_349 : vector<1x16xf32> to vector<16xf32>
        %swap3A_351 = vector.shape_cast %mul3A_346 : vector<16xf32> to vector<1x16xf32>
        tpu.vector_store %arg11[%swap3A_347, %swap3A_348], %swap3A_351 {strides = array<i32>} : memref<80x64xf32, #tpu.memory_space<vmem>>, vector<1x16xf32>,
        %get3A_352 = arith.index_cast %add3A_341 : i32 to index
        %get3A_353 = arith.constant 16 : index
        %get3A_354 = tpu.vector_load %arg11[%get3A_352, %get3A_353] {strides = array<i32>} : memref<80x64xf32, #tpu.memory_space<vmem>>, vector<1x16xf32>,
        %get3A_355 = vector.shape_cast %get3A_354 : vector<1x16xf32> to vector<16xf32>
        %mul3A_356 = arith.mulf %get3A_355, %broadcast_in_dim3A_337 : vector<16xf32>
        %swap3A_357 = arith.index_cast %add3A_341 : i32 to index
        %swap3A_358 = arith.constant 16 : index
        %swap3A_359 = tpu.vector_load %arg11[%swap3A_357, %swap3A_358] {strides = array<i32>} : memref<80x64xf32, #tpu.memory_space<vmem>>, vector<1x16xf32>,
        %swap3A_360 = vector.shape_cast %swap3A_359 : vector<1x16xf32> to vector<16xf32>
        %swap3A_361 = vector.shape_cast %mul3A_356 : vector<16xf32> to vector<1x16xf32>
        tpu.vector_store %arg11[%swap3A_357, %swap3A_358], %swap3A_361 {strides = array<i32>} : memref<80x64xf32, #tpu.memory_space<vmem>>, vector<1x16xf32>,
        %get3A_362 = arith.index_cast %add3A_341 : i32 to index
        %get3A_363 = arith.constant 32 : index
        %get3A_364 = tpu.vector_load %arg11[%get3A_362, %get3A_363] {strides = array<i32>} : memref<80x64xf32, #tpu.memory_space<vmem>>, vector<1x16xf32>,
        %get3A_365 = vector.shape_cast %get3A_364 : vector<1x16xf32> to vector<16xf32>
        %mul3A_366 = arith.mulf %get3A_365, %broadcast_in_dim3A_337 : vector<16xf32>
        %swap3A_367 = arith.index_cast %add3A_341 : i32 to index
        %swap3A_368 = arith.constant 32 : index
        %swap3A_369 = tpu.vector_load %arg11[%swap3A_367, %swap3A_368] {strides = array<i32>} : memref<80x64xf32, #tpu.memory_space<vmem>>, vector<1x16xf32>,
        %swap3A_370 = vector.shape_cast %swap3A_369 : vector<1x16xf32> to vector<16xf32>
        %swap3A_371 = vector.shape_cast %mul3A_366 : vector<16xf32> to vector<1x16xf32>
        tpu.vector_store %arg11[%swap3A_367, %swap3A_368], %swap3A_371 {strides = array<i32>} : memref<80x64xf32, #tpu.memory_space<vmem>>, vector<1x16xf32>,
        %get3A_372 = arith.index_cast %add3A_341 : i32 to index
        %get3A_373 = arith.constant 48 : index
        %get3A_374 = tpu.vector_load %arg11[%get3A_372, %get3A_373] {strides = array<i32>} : memref<80x64xf32, #tpu.memory_space<vmem>>, vector<1x16xf32>,
        %get3A_375 = vector.shape_cast %get3A_374 : vector<1x16xf32> to vector<16xf32>
        %mul3A_376 = arith.mulf %get3A_375, %broadcast_in_dim3A_337 : vector<16xf32>
        %swap3A_377 = arith.index_cast %add3A_341 : i32 to index
        %swap3A_378 = arith.constant 48 : index
        %swap3A_379 = tpu.vector_load %arg11[%swap3A_377, %swap3A_378] {strides = array<i32>} : memref<80x64xf32, #tpu.memory_space<vmem>>, vector<1x16xf32>,
        %swap3A_380 = vector.shape_cast %swap3A_379 : vector<1x16xf32> to vector<16xf32>
        %swap3A_381 = vector.shape_cast %mul3A_376 : vector<16xf32> to vector<1x16xf32>
        tpu.vector_store %arg11[%swap3A_377, %swap3A_378], %swap3A_381 {strides = array<i32>} : memref<80x64xf32, #tpu.memory_space<vmem>>, vector<1x16xf32>,
        %slice3A_382 = vector.extract_strided_slice %get3A_148 {offsets = [5], sizes = [1], strides = [1]} : vector<16xf32> to vector<1xf32>
        %squeeze3A_383 = vector.extract %slice3A_382[0] : f32 from vector<1xf32>
        %broadcast_in_dim3A_384 = vector.broadcast %squeeze3A_383 : f32 to vector<16xf32>
        %mul3A_385 = arith.constant 16 : i32
        %mul3A_386 = arith.muli %scan3A_142, %mul3A_385 : i32
        %add3A_387 = arith.constant 5 : i32
        %add3A_388 = arith.addi %mul3A_386, %add3A_387 : i32
        %get3A_389 = arith.index_cast %add3A_388 : i32 to index
        %get3A_390 = arith.constant 0 : index
        %get3A_391 = tpu.vector_load %arg11[%get3A_389, %get3A_390] {strides = array<i32>} : memref<80x64xf32, #tpu.memory_space<vmem>>, vector<1x16xf32>,
        %get3A_392 = vector.shape_cast %get3A_391 : vector<1x16xf32> to vector<16xf32>
        %mul3A_393 = arith.mulf %get3A_392, %broadcast_in_dim3A_384 : vector<16xf32>
        %swap3A_394 = arith.index_cast %add3A_388 : i32 to index
        %swap3A_395 = arith.constant 0 : index
        %swap3A_396 = tpu.vector_load %arg11[%swap3A_394, %swap3A_395] {strides = array<i32>} : memref<80x64xf32, #tpu.memory_space<vmem>>, vector<1x16xf32>,
        %swap3A_397 = vector.shape_cast %swap3A_396 : vector<1x16xf32> to vector<16xf32>
        %swap3A_398 = vector.shape_cast %mul3A_393 : vector<16xf32> to vector<1x16xf32>
        tpu.vector_store %arg11[%swap3A_394, %swap3A_395], %swap3A_398 {strides = array<i32>} : memref<80x64xf32, #tpu.memory_space<vmem>>, vector<1x16xf32>,
        %get3A_399 = arith.index_cast %add3A_388 : i32 to index
        %get3A_400 = arith.constant 16 : index
        %get3A_401 = tpu.vector_load %arg11[%get3A_399, %get3A_400] {strides = array<i32>} : memref<80x64xf32, #tpu.memory_space<vmem>>, vector<1x16xf32>,
        %get3A_402 = vector.shape_cast %get3A_401 : vector<1x16xf32> to vector<16xf32>
        %mul3A_403 = arith.mulf %get3A_402, %broadcast_in_dim3A_384 : vector<16xf32>
        %swap3A_404 = arith.index_cast %add3A_388 : i32 to index
        %swap3A_405 = arith.constant 16 : index
        %swap3A_406 = tpu.vector_load %arg11[%swap3A_404, %swap3A_405] {strides = array<i32>} : memref<80x64xf32, #tpu.memory_space<vmem>>, vector<1x16xf32>,
        %swap3A_407 = vector.shape_cast %swap3A_406 : vector<1x16xf32> to vector<16xf32>
        %swap3A_408 = vector.shape_cast %mul3A_403 : vector<16xf32> to vector<1x16xf32>
        tpu.vector_store %arg11[%swap3A_404, %swap3A_405], %swap3A_408 {strides = array<i32>} : memref<80x64xf32, #tpu.memory_space<vmem>>, vector<1x16xf32>,
        %get3A_409 = arith.index_cast %add3A_388 : i32 to index
        %get3A_410 = arith.constant 32 : index
        %get3A_411 = tpu.vector_load %arg11[%get3A_409, %get3A_410] {strides = array<i32>} : memref<80x64xf32, #tpu.memory_space<vmem>>, vector<1x16xf32>,
        %get3A_412 = vector.shape_cast %get3A_411 : vector<1x16xf32> to vector<16xf32>
        %mul3A_413 = arith.mulf %get3A_412, %broadcast_in_dim3A_384 : vector<16xf32>
        %swap3A_414 = arith.index_cast %add3A_388 : i32 to index
        %swap3A_415 = arith.constant 32 : index
        %swap3A_416 = tpu.vector_load %arg11[%swap3A_414, %swap3A_415] {strides = array<i32>} : memref<80x64xf32, #tpu.memory_space<vmem>>, vector<1x16xf32>,
        %swap3A_417 = vector.shape_cast %swap3A_416 : vector<1x16xf32> to vector<16xf32>
        %swap3A_418 = vector.shape_cast %mul3A_413 : vector<16xf32> to vector<1x16xf32>
        tpu.vector_store %arg11[%swap3A_414, %swap3A_415], %swap3A_418 {strides = array<i32>} : memref<80x64xf32, #tpu.memory_space<vmem>>, vector<1x16xf32>,
        %get3A_419 = arith.index_cast %add3A_388 : i32 to index
        %get3A_420 = arith.constant 48 : index
        %get3A_421 = tpu.vector_load %arg11[%get3A_419, %get3A_420] {strides = array<i32>} : memref<80x64xf32, #tpu.memory_space<vmem>>, vector<1x16xf32>,
        %get3A_422 = vector.shape_cast %get3A_421 : vector<1x16xf32> to vector<16xf32>
        %mul3A_423 = arith.mulf %get3A_422, %broadcast_in_dim3A_384 : vector<16xf32>
        %swap3A_424 = arith.index_cast %add3A_388 : i32 to index
        %swap3A_425 = arith.constant 48 : index
        %swap3A_426 = tpu.vector_load %arg11[%swap3A_424, %swap3A_425] {strides = array<i32>} : memref<80x64xf32, #tpu.memory_space<vmem>>, vector<1x16xf32>,
        %swap3A_427 = vector.shape_cast %swap3A_426 : vector<1x16xf32> to vector<16xf32>
        %swap3A_428 = vector.shape_cast %mul3A_423 : vector<16xf32> to vector<1x16xf32>
        tpu.vector_store %arg11[%swap3A_424, %swap3A_425], %swap3A_428 {strides = array<i32>} : memref<80x64xf32, #tpu.memory_space<vmem>>, vector<1x16xf32>,
        %slice3A_429 = vector.extract_strided_slice %get3A_148 {offsets = [6], sizes = [1], strides = [1]} : vector<16xf32> to vector<1xf32>
        %squeeze3A_430 = vector.extract %slice3A_429[0] : f32 from vector<1xf32>
        %broadcast_in_dim3A_431 = vector.broadcast %squeeze3A_430 : f32 to vector<16xf32>
        %mul3A_432 = arith.constant 16 : i32
        %mul3A_433 = arith.muli %scan3A_142, %mul3A_432 : i32
        %add3A_434 = arith.constant 6 : i32
        %add3A_435 = arith.addi %mul3A_433, %add3A_434 : i32
        %get3A_436 = arith.index_cast %add3A_435 : i32 to index
        %get3A_437 = arith.constant 0 : index
        %get3A_438 = tpu.vector_load %arg11[%get3A_436, %get3A_437] {strides = array<i32>} : memref<80x64xf32, #tpu.memory_space<vmem>>, vector<1x16xf32>,
        %get3A_439 = vector.shape_cast %get3A_438 : vector<1x16xf32> to vector<16xf32>
        %mul3A_440 = arith.mulf %get3A_439, %broadcast_in_dim3A_431 : vector<16xf32>
        %swap3A_441 = arith.index_cast %add3A_435 : i32 to index
        %swap3A_442 = arith.constant 0 : index
        %swap3A_443 = tpu.vector_load %arg11[%swap3A_441, %swap3A_442] {strides = array<i32>} : memref<80x64xf32, #tpu.memory_space<vmem>>, vector<1x16xf32>,
        %swap3A_444 = vector.shape_cast %swap3A_443 : vector<1x16xf32> to vector<16xf32>
        %swap3A_445 = vector.shape_cast %mul3A_440 : vector<16xf32> to vector<1x16xf32>
        tpu.vector_store %arg11[%swap3A_441, %swap3A_442], %swap3A_445 {strides = array<i32>} : memref<80x64xf32, #tpu.memory_space<vmem>>, vector<1x16xf32>,
        %get3A_446 = arith.index_cast %add3A_435 : i32 to index
        %get3A_447 = arith.constant 16 : index
        %get3A_448 = tpu.vector_load %arg11[%get3A_446, %get3A_447] {strides = array<i32>} : memref<80x64xf32, #tpu.memory_space<vmem>>, vector<1x16xf32>,
        %get3A_449 = vector.shape_cast %get3A_448 : vector<1x16xf32> to vector<16xf32>
        %mul3A_450 = arith.mulf %get3A_449, %broadcast_in_dim3A_431 : vector<16xf32>
        %swap3A_451 = arith.index_cast %add3A_435 : i32 to index
        %swap3A_452 = arith.constant 16 : index
        %swap3A_453 = tpu.vector_load %arg11[%swap3A_451, %swap3A_452] {strides = array<i32>} : memref<80x64xf32, #tpu.memory_space<vmem>>, vector<1x16xf32>,
        %swap3A_454 = vector.shape_cast %swap3A_453 : vector<1x16xf32> to vector<16xf32>
        %swap3A_455 = vector.shape_cast %mul3A_450 : vector<16xf32> to vector<1x16xf32>
        tpu.vector_store %arg11[%swap3A_451, %swap3A_452], %swap3A_455 {strides = array<i32>} : memref<80x64xf32, #tpu.memory_space<vmem>>, vector<1x16xf32>,
        %get3A_456 = arith.index_cast %add3A_435 : i32 to index
        %get3A_457 = arith.constant 32 : index
        %get3A_458 = tpu.vector_load %arg11[%get3A_456, %get3A_457] {strides = array<i32>} : memref<80x64xf32, #tpu.memory_space<vmem>>, vector<1x16xf32>,
        %get3A_459 = vector.shape_cast %get3A_458 : vector<1x16xf32> to vector<16xf32>
        %mul3A_460 = arith.mulf %get3A_459, %broadcast_in_dim3A_431 : vector<16xf32>
        %swap3A_461 = arith.index_cast %add3A_435 : i32 to index
        %swap3A_462 = arith.constant 32 : index
        %swap3A_463 = tpu.vector_load %arg11[%swap3A_461, %swap3A_462] {strides = array<i32>} : memref<80x64xf32, #tpu.memory_space<vmem>>, vector<1x16xf32>,
        %swap3A_464 = vector.shape_cast %swap3A_463 : vector<1x16xf32> to vector<16xf32>
        %swap3A_465 = vector.shape_cast %mul3A_460 : vector<16xf32> to vector<1x16xf32>
        tpu.vector_store %arg11[%swap3A_461, %swap3A_462], %swap3A_465 {strides = array<i32>} : memref<80x64xf32, #tpu.memory_space<vmem>>, vector<1x16xf32>,
        %get3A_466 = arith.index_cast %add3A_435 : i32 to index
        %get3A_467 = arith.constant 48 : index
        %get3A_468 = tpu.vector_load %arg11[%get3A_466, %get3A_467] {strides = array<i32>} : memref<80x64xf32, #tpu.memory_space<vmem>>, vector<1x16xf32>,
        %get3A_469 = vector.shape_cast %get3A_468 : vector<1x16xf32> to vector<16xf32>
        %mul3A_470 = arith.mulf %get3A_469, %broadcast_in_dim3A_431 : vector<16xf32>
        %swap3A_471 = arith.index_cast %add3A_435 : i32 to index
        %swap3A_472 = arith.constant 48 : index
        %swap3A_473 = tpu.vector_load %arg11[%swap3A_471, %swap3A_472] {strides = array<i32>} : memref<80x64xf32, #tpu.memory_space<vmem>>, vector<1x16xf32>,
        %swap3A_474 = vector.shape_cast %swap3A_473 : vector<1x16xf32> to vector<16xf32>
        %swap3A_475 = vector.shape_cast %mul3A_470 : vector<16xf32> to vector<1x16xf32>
        tpu.vector_store %arg11[%swap3A_471, %swap3A_472], %swap3A_475 {strides = array<i32>} : memref<80x64xf32, #tpu.memory_space<vmem>>, vector<1x16xf32>,
        %slice3A_476 = vector.extract_strided_slice %get3A_148 {offsets = [7], sizes = [1], strides = [1]} : vector<16xf32> to vector<1xf32>
        %squeeze3A_477 = vector.extract %slice3A_476[0] : f32 from vector<1xf32>
        %broadcast_in_dim3A_478 = vector.broadcast %squeeze3A_477 : f32 to vector<16xf32>
        %mul3A_479 = arith.constant 16 : i32
        %mul3A_480 = arith.muli %scan3A_142, %mul3A_479 : i32
        %add3A_481 = arith.constant 7 : i32
        %add3A_482 = arith.addi %mul3A_480, %add3A_481 : i32
        %get3A_483 = arith.index_cast %add3A_482 : i32 to index
        %get3A_484 = arith.constant 0 : index
        %get3A_485 = tpu.vector_load %arg11[%get3A_483, %get3A_484] {strides = array<i32>} : memref<80x64xf32, #tpu.memory_space<vmem>>, vector<1x16xf32>,
        %get3A_486 = vector.shape_cast %get3A_485 : vector<1x16xf32> to vector<16xf32>
        %mul3A_487 = arith.mulf %get3A_486, %broadcast_in_dim3A_478 : vector<16xf32>
        %swap3A_488 = arith.index_cast %add3A_482 : i32 to index
        %swap3A_489 = arith.constant 0 : index
        %swap3A_490 = tpu.vector_load %arg11[%swap3A_488, %swap3A_489] {strides = array<i32>} : memref<80x64xf32, #tpu.memory_space<vmem>>, vector<1x16xf32>,
        %swap3A_491 = vector.shape_cast %swap3A_490 : vector<1x16xf32> to vector<16xf32>
        %swap3A_492 = vector.shape_cast %mul3A_487 : vector<16xf32> to vector<1x16xf32>
        tpu.vector_store %arg11[%swap3A_488, %swap3A_489], %swap3A_492 {strides = array<i32>} : memref<80x64xf32, #tpu.memory_space<vmem>>, vector<1x16xf32>,
        %get3A_493 = arith.index_cast %add3A_482 : i32 to index
        %get3A_494 = arith.constant 16 : index
        %get3A_495 = tpu.vector_load %arg11[%get3A_493, %get3A_494] {strides = array<i32>} : memref<80x64xf32, #tpu.memory_space<vmem>>, vector<1x16xf32>,
        %get3A_496 = vector.shape_cast %get3A_495 : vector<1x16xf32> to vector<16xf32>
        %mul3A_497 = arith.mulf %get3A_496, %broadcast_in_dim3A_478 : vector<16xf32>
        %swap3A_498 = arith.index_cast %add3A_482 : i32 to index
        %swap3A_499 = arith.constant 16 : index
        %swap3A_500 = tpu.vector_load %arg11[%swap3A_498, %swap3A_499] {strides = array<i32>} : memref<80x64xf32, #tpu.memory_space<vmem>>, vector<1x16xf32>,
        %swap3A_501 = vector.shape_cast %swap3A_500 : vector<1x16xf32> to vector<16xf32>
        %swap3A_502 = vector.shape_cast %mul3A_497 : vector<16xf32> to vector<1x16xf32>
        tpu.vector_store %arg11[%swap3A_498, %swap3A_499], %swap3A_502 {strides = array<i32>} : memref<80x64xf32, #tpu.memory_space<vmem>>, vector<1x16xf32>,
        %get3A_503 = arith.index_cast %add3A_482 : i32 to index
        %get3A_504 = arith.constant 32 : index
        %get3A_505 = tpu.vector_load %arg11[%get3A_503, %get3A_504] {strides = array<i32>} : memref<80x64xf32, #tpu.memory_space<vmem>>, vector<1x16xf32>,
        %get3A_506 = vector.shape_cast %get3A_505 : vector<1x16xf32> to vector<16xf32>
        %mul3A_507 = arith.mulf %get3A_506, %broadcast_in_dim3A_478 : vector<16xf32>
        %swap3A_508 = arith.index_cast %add3A_482 : i32 to index
        %swap3A_509 = arith.constant 32 : index
        %swap3A_510 = tpu.vector_load %arg11[%swap3A_508, %swap3A_509] {strides = array<i32>} : memref<80x64xf32, #tpu.memory_space<vmem>>, vector<1x16xf32>,
        %swap3A_511 = vector.shape_cast %swap3A_510 : vector<1x16xf32> to vector<16xf32>
        %swap3A_512 = vector.shape_cast %mul3A_507 : vector<16xf32> to vector<1x16xf32>
        tpu.vector_store %arg11[%swap3A_508, %swap3A_509], %swap3A_512 {strides = array<i32>} : memref<80x64xf32, #tpu.memory_space<vmem>>, vector<1x16xf32>,
        %get3A_513 = arith.index_cast %add3A_482 : i32 to index
        %get3A_514 = arith.constant 48 : index
        %get3A_515 = tpu.vector_load %arg11[%get3A_513, %get3A_514] {strides = array<i32>} : memref<80x64xf32, #tpu.memory_space<vmem>>, vector<1x16xf32>,
        %get3A_516 = vector.shape_cast %get3A_515 : vector<1x16xf32> to vector<16xf32>
        %mul3A_517 = arith.mulf %get3A_516, %broadcast_in_dim3A_478 : vector<16xf32>
        %swap3A_518 = arith.index_cast %add3A_482 : i32 to index
        %swap3A_519 = arith.constant 48 : index
        %swap3A_520 = tpu.vector_load %arg11[%swap3A_518, %swap3A_519] {strides = array<i32>} : memref<80x64xf32, #tpu.memory_space<vmem>>, vector<1x16xf32>,
        %swap3A_521 = vector.shape_cast %swap3A_520 : vector<1x16xf32> to vector<16xf32>
        %swap3A_522 = vector.shape_cast %mul3A_517 : vector<16xf32> to vector<1x16xf32>
        tpu.vector_store %arg11[%swap3A_518, %swap3A_519], %swap3A_522 {strides = array<i32>} : memref<80x64xf32, #tpu.memory_space<vmem>>, vector<1x16xf32>,
        %slice3A_523 = vector.extract_strided_slice %get3A_148 {offsets = [8], sizes = [1], strides = [1]} : vector<16xf32> to vector<1xf32>
        %squeeze3A_524 = vector.extract %slice3A_523[0] : f32 from vector<1xf32>
        %broadcast_in_dim3A_525 = vector.broadcast %squeeze3A_524 : f32 to vector<16xf32>
        %mul3A_526 = arith.constant 16 : i32
        %mul3A_527 = arith.muli %scan3A_142, %mul3A_526 : i32
        %add3A_528 = arith.constant 8 : i32
        %add3A_529 = arith.addi %mul3A_527, %add3A_528 : i32
        %get3A_530 = arith.index_cast %add3A_529 : i32 to index
        %get3A_531 = arith.constant 0 : index
        %get3A_532 = tpu.vector_load %arg11[%get3A_530, %get3A_531] {strides = array<i32>} : memref<80x64xf32, #tpu.memory_space<vmem>>, vector<1x16xf32>,
        %get3A_533 = vector.shape_cast %get3A_532 : vector<1x16xf32> to vector<16xf32>
        %mul3A_534 = arith.mulf %get3A_533, %broadcast_in_dim3A_525 : vector<16xf32>
        %swap3A_535 = arith.index_cast %add3A_529 : i32 to index
        %swap3A_536 = arith.constant 0 : index
        %swap3A_537 = tpu.vector_load %arg11[%swap3A_535, %swap3A_536] {strides = array<i32>} : memref<80x64xf32, #tpu.memory_space<vmem>>, vector<1x16xf32>,
        %swap3A_538 = vector.shape_cast %swap3A_537 : vector<1x16xf32> to vector<16xf32>
        %swap3A_539 = vector.shape_cast %mul3A_534 : vector<16xf32> to vector<1x16xf32>
        tpu.vector_store %arg11[%swap3A_535, %swap3A_536], %swap3A_539 {strides = array<i32>} : memref<80x64xf32, #tpu.memory_space<vmem>>, vector<1x16xf32>,
        %get3A_540 = arith.index_cast %add3A_529 : i32 to index
        %get3A_541 = arith.constant 16 : index
        %get3A_542 = tpu.vector_load %arg11[%get3A_540, %get3A_541] {strides = array<i32>} : memref<80x64xf32, #tpu.memory_space<vmem>>, vector<1x16xf32>,
        %get3A_543 = vector.shape_cast %get3A_542 : vector<1x16xf32> to vector<16xf32>
        %mul3A_544 = arith.mulf %get3A_543, %broadcast_in_dim3A_525 : vector<16xf32>
        %swap3A_545 = arith.index_cast %add3A_529 : i32 to index
        %swap3A_546 = arith.constant 16 : index
        %swap3A_547 = tpu.vector_load %arg11[%swap3A_545, %swap3A_546] {strides = array<i32>} : memref<80x64xf32, #tpu.memory_space<vmem>>, vector<1x16xf32>,
        %swap3A_548 = vector.shape_cast %swap3A_547 : vector<1x16xf32> to vector<16xf32>
        %swap3A_549 = vector.shape_cast %mul3A_544 : vector<16xf32> to vector<1x16xf32>
        tpu.vector_store %arg11[%swap3A_545, %swap3A_546], %swap3A_549 {strides = array<i32>} : memref<80x64xf32, #tpu.memory_space<vmem>>, vector<1x16xf32>,
        %get3A_550 = arith.index_cast %add3A_529 : i32 to index
        %get3A_551 = arith.constant 32 : index
        %get3A_552 = tpu.vector_load %arg11[%get3A_550, %get3A_551] {strides = array<i32>} : memref<80x64xf32, #tpu.memory_space<vmem>>, vector<1x16xf32>,
        %get3A_553 = vector.shape_cast %get3A_552 : vector<1x16xf32> to vector<16xf32>
        %mul3A_554 = arith.mulf %get3A_553, %broadcast_in_dim3A_525 : vector<16xf32>
        %swap3A_555 = arith.index_cast %add3A_529 : i32 to index
        %swap3A_556 = arith.constant 32 : index
        %swap3A_557 = tpu.vector_load %arg11[%swap3A_555, %swap3A_556] {strides = array<i32>} : memref<80x64xf32, #tpu.memory_space<vmem>>, vector<1x16xf32>,
        %swap3A_558 = vector.shape_cast %swap3A_557 : vector<1x16xf32> to vector<16xf32>
        %swap3A_559 = vector.shape_cast %mul3A_554 : vector<16xf32> to vector<1x16xf32>
        tpu.vector_store %arg11[%swap3A_555, %swap3A_556], %swap3A_559 {strides = array<i32>} : memref<80x64xf32, #tpu.memory_space<vmem>>, vector<1x16xf32>,
        %get3A_560 = arith.index_cast %add3A_529 : i32 to index
        %get3A_561 = arith.constant 48 : index
        %get3A_562 = tpu.vector_load %arg11[%get3A_560, %get3A_561] {strides = array<i32>} : memref<80x64xf32, #tpu.memory_space<vmem>>, vector<1x16xf32>,
        %get3A_563 = vector.shape_cast %get3A_562 : vector<1x16xf32> to vector<16xf32>
        %mul3A_564 = arith.mulf %get3A_563, %broadcast_in_dim3A_525 : vector<16xf32>
        %swap3A_565 = arith.index_cast %add3A_529 : i32 to index
        %swap3A_566 = arith.constant 48 : index
        %swap3A_567 = tpu.vector_load %arg11[%swap3A_565, %swap3A_566] {strides = array<i32>} : memref<80x64xf32, #tpu.memory_space<vmem>>, vector<1x16xf32>,
        %swap3A_568 = vector.shape_cast %swap3A_567 : vector<1x16xf32> to vector<16xf32>
        %swap3A_569 = vector.shape_cast %mul3A_564 : vector<16xf32> to vector<1x16xf32>
        tpu.vector_store %arg11[%swap3A_565, %swap3A_566], %swap3A_569 {strides = array<i32>} : memref<80x64xf32, #tpu.memory_space<vmem>>, vector<1x16xf32>,
        %slice3A_570 = vector.extract_strided_slice %get3A_148 {offsets = [9], sizes = [1], strides = [1]} : vector<16xf32> to vector<1xf32>
        %squeeze3A_571 = vector.extract %slice3A_570[0] : f32 from vector<1xf32>
        %broadcast_in_dim3A_572 = vector.broadcast %squeeze3A_571 : f32 to vector<16xf32>
        %mul3A_573 = arith.constant 16 : i32
        %mul3A_574 = arith.muli %scan3A_142, %mul3A_573 : i32
        %add3A_575 = arith.constant 9 : i32
        %add3A_576 = arith.addi %mul3A_574, %add3A_575 : i32
        %get3A_577 = arith.index_cast %add3A_576 : i32 to index
        %get3A_578 = arith.constant 0 : index
        %get3A_579 = tpu.vector_load %arg11[%get3A_577, %get3A_578] {strides = array<i32>} : memref<80x64xf32, #tpu.memory_space<vmem>>, vector<1x16xf32>,
        %get3A_580 = vector.shape_cast %get3A_579 : vector<1x16xf32> to vector<16xf32>
        %mul3A_581 = arith.mulf %get3A_580, %broadcast_in_dim3A_572 : vector<16xf32>
        %swap3A_582 = arith.index_cast %add3A_576 : i32 to index
        %swap3A_583 = arith.constant 0 : index
        %swap3A_584 = tpu.vector_load %arg11[%swap3A_582, %swap3A_583] {strides = array<i32>} : memref<80x64xf32, #tpu.memory_space<vmem>>, vector<1x16xf32>,
        %swap3A_585 = vector.shape_cast %swap3A_584 : vector<1x16xf32> to vector<16xf32>
        %swap3A_586 = vector.shape_cast %mul3A_581 : vector<16xf32> to vector<1x16xf32>
        tpu.vector_store %arg11[%swap3A_582, %swap3A_583], %swap3A_586 {strides = array<i32>} : memref<80x64xf32, #tpu.memory_space<vmem>>, vector<1x16xf32>,
        %get3A_587 = arith.index_cast %add3A_576 : i32 to index
        %get3A_588 = arith.constant 16 : index
        %get3A_589 = tpu.vector_load %arg11[%get3A_587, %get3A_588] {strides = array<i32>} : memref<80x64xf32, #tpu.memory_space<vmem>>, vector<1x16xf32>,
        %get3A_590 = vector.shape_cast %get3A_589 : vector<1x16xf32> to vector<16xf32>
        %mul3A_591 = arith.mulf %get3A_590, %broadcast_in_dim3A_572 : vector<16xf32>
        %swap3A_592 = arith.index_cast %add3A_576 : i32 to index
        %swap3A_593 = arith.constant 16 : index
        %swap3A_594 = tpu.vector_load %arg11[%swap3A_592, %swap3A_593] {strides = array<i32>} : memref<80x64xf32, #tpu.memory_space<vmem>>, vector<1x16xf32>,
        %swap3A_595 = vector.shape_cast %swap3A_594 : vector<1x16xf32> to vector<16xf32>
        %swap3A_596 = vector.shape_cast %mul3A_591 : vector<16xf32> to vector<1x16xf32>
        tpu.vector_store %arg11[%swap3A_592, %swap3A_593], %swap3A_596 {strides = array<i32>} : memref<80x64xf32, #tpu.memory_space<vmem>>, vector<1x16xf32>,
        %get3A_597 = arith.index_cast %add3A_576 : i32 to index
        %get3A_598 = arith.constant 32 : index
        %get3A_599 = tpu.vector_load %arg11[%get3A_597, %get3A_598] {strides = array<i32>} : memref<80x64xf32, #tpu.memory_space<vmem>>, vector<1x16xf32>,
        %get3A_600 = vector.shape_cast %get3A_599 : vector<1x16xf32> to vector<16xf32>
        %mul3A_601 = arith.mulf %get3A_600, %broadcast_in_dim3A_572 : vector<16xf32>
        %swap3A_602 = arith.index_cast %add3A_576 : i32 to index
        %swap3A_603 = arith.constant 32 : index
        %swap3A_604 = tpu.vector_load %arg11[%swap3A_602, %swap3A_603] {strides = array<i32>} : memref<80x64xf32, #tpu.memory_space<vmem>>, vector<1x16xf32>,
        %swap3A_605 = vector.shape_cast %swap3A_604 : vector<1x16xf32> to vector<16xf32>
        %swap3A_606 = vector.shape_cast %mul3A_601 : vector<16xf32> to vector<1x16xf32>
        tpu.vector_store %arg11[%swap3A_602, %swap3A_603], %swap3A_606 {strides = array<i32>} : memref<80x64xf32, #tpu.memory_space<vmem>>, vector<1x16xf32>,
        %get3A_607 = arith.index_cast %add3A_576 : i32 to index
        %get3A_608 = arith.constant 48 : index
        %get3A_609 = tpu.vector_load %arg11[%get3A_607, %get3A_608] {strides = array<i32>} : memref<80x64xf32, #tpu.memory_space<vmem>>, vector<1x16xf32>,
        %get3A_610 = vector.shape_cast %get3A_609 : vector<1x16xf32> to vector<16xf32>
        %mul3A_611 = arith.mulf %get3A_610, %broadcast_in_dim3A_572 : vector<16xf32>
        %swap3A_612 = arith.index_cast %add3A_576 : i32 to index
        %swap3A_613 = arith.constant 48 : index
        %swap3A_614 = tpu.vector_load %arg11[%swap3A_612, %swap3A_613] {strides = array<i32>} : memref<80x64xf32, #tpu.memory_space<vmem>>, vector<1x16xf32>,
        %swap3A_615 = vector.shape_cast %swap3A_614 : vector<1x16xf32> to vector<16xf32>
        %swap3A_616 = vector.shape_cast %mul3A_611 : vector<16xf32> to vector<1x16xf32>
        tpu.vector_store %arg11[%swap3A_612, %swap3A_613], %swap3A_616 {strides = array<i32>} : memref<80x64xf32, #tpu.memory_space<vmem>>, vector<1x16xf32>,
        %slice3A_617 = vector.extract_strided_slice %get3A_148 {offsets = [10], sizes = [1], strides = [1]} : vector<16xf32> to vector<1xf32>
        %squeeze3A_618 = vector.extract %slice3A_617[0] : f32 from vector<1xf32>
        %broadcast_in_dim3A_619 = vector.broadcast %squeeze3A_618 : f32 to vector<16xf32>
        %mul3A_620 = arith.constant 16 : i32
        %mul3A_621 = arith.muli %scan3A_142, %mul3A_620 : i32
        %add3A_622 = arith.constant 10 : i32
        %add3A_623 = arith.addi %mul3A_621, %add3A_622 : i32
        %get3A_624 = arith.index_cast %add3A_623 : i32 to index
        %get3A_625 = arith.constant 0 : index
        %get3A_626 = tpu.vector_load %arg11[%get3A_624, %get3A_625] {strides = array<i32>} : memref<80x64xf32, #tpu.memory_space<vmem>>, vector<1x16xf32>,
        %get3A_627 = vector.shape_cast %get3A_626 : vector<1x16xf32> to vector<16xf32>
        %mul3A_628 = arith.mulf %get3A_627, %broadcast_in_dim3A_619 : vector<16xf32>
        %swap3A_629 = arith.index_cast %add3A_623 : i32 to index
        %swap3A_630 = arith.constant 0 : index
        %swap3A_631 = tpu.vector_load %arg11[%swap3A_629, %swap3A_630] {strides = array<i32>} : memref<80x64xf32, #tpu.memory_space<vmem>>, vector<1x16xf32>,
        %swap3A_632 = vector.shape_cast %swap3A_631 : vector<1x16xf32> to vector<16xf32>
        %swap3A_633 = vector.shape_cast %mul3A_628 : vector<16xf32> to vector<1x16xf32>
        tpu.vector_store %arg11[%swap3A_629, %swap3A_630], %swap3A_633 {strides = array<i32>} : memref<80x64xf32, #tpu.memory_space<vmem>>, vector<1x16xf32>,
        %get3A_634 = arith.index_cast %add3A_623 : i32 to index
        %get3A_635 = arith.constant 16 : index
        %get3A_636 = tpu.vector_load %arg11[%get3A_634, %get3A_635] {strides = array<i32>} : memref<80x64xf32, #tpu.memory_space<vmem>>, vector<1x16xf32>,
        %get3A_637 = vector.shape_cast %get3A_636 : vector<1x16xf32> to vector<16xf32>
        %mul3A_638 = arith.mulf %get3A_637, %broadcast_in_dim3A_619 : vector<16xf32>
        %swap3A_639 = arith.index_cast %add3A_623 : i32 to index
        %swap3A_640 = arith.constant 16 : index
        %swap3A_641 = tpu.vector_load %arg11[%swap3A_639, %swap3A_640] {strides = array<i32>} : memref<80x64xf32, #tpu.memory_space<vmem>>, vector<1x16xf32>,
        %swap3A_642 = vector.shape_cast %swap3A_641 : vector<1x16xf32> to vector<16xf32>
        %swap3A_643 = vector.shape_cast %mul3A_638 : vector<16xf32> to vector<1x16xf32>
        tpu.vector_store %arg11[%swap3A_639, %swap3A_640], %swap3A_643 {strides = array<i32>} : memref<80x64xf32, #tpu.memory_space<vmem>>, vector<1x16xf32>,
        %get3A_644 = arith.index_cast %add3A_623 : i32 to index
        %get3A_645 = arith.constant 32 : index
        %get3A_646 = tpu.vector_load %arg11[%get3A_644, %get3A_645] {strides = array<i32>} : memref<80x64xf32, #tpu.memory_space<vmem>>, vector<1x16xf32>,
        %get3A_647 = vector.shape_cast %get3A_646 : vector<1x16xf32> to vector<16xf32>
        %mul3A_648 = arith.mulf %get3A_647, %broadcast_in_dim3A_619 : vector<16xf32>
        %swap3A_649 = arith.index_cast %add3A_623 : i32 to index
        %swap3A_650 = arith.constant 32 : index
        %swap3A_651 = tpu.vector_load %arg11[%swap3A_649, %swap3A_650] {strides = array<i32>} : memref<80x64xf32, #tpu.memory_space<vmem>>, vector<1x16xf32>,
        %swap3A_652 = vector.shape_cast %swap3A_651 : vector<1x16xf32> to vector<16xf32>
        %swap3A_653 = vector.shape_cast %mul3A_648 : vector<16xf32> to vector<1x16xf32>
        tpu.vector_store %arg11[%swap3A_649, %swap3A_650], %swap3A_653 {strides = array<i32>} : memref<80x64xf32, #tpu.memory_space<vmem>>, vector<1x16xf32>,
        %get3A_654 = arith.index_cast %add3A_623 : i32 to index
        %get3A_655 = arith.constant 48 : index
        %get3A_656 = tpu.vector_load %arg11[%get3A_654, %get3A_655] {strides = array<i32>} : memref<80x64xf32, #tpu.memory_space<vmem>>, vector<1x16xf32>,
        %get3A_657 = vector.shape_cast %get3A_656 : vector<1x16xf32> to vector<16xf32>
        %mul3A_658 = arith.mulf %get3A_657, %broadcast_in_dim3A_619 : vector<16xf32>
        %swap3A_659 = arith.index_cast %add3A_623 : i32 to index
        %swap3A_660 = arith.constant 48 : index
        %swap3A_661 = tpu.vector_load %arg11[%swap3A_659, %swap3A_660] {strides = array<i32>} : memref<80x64xf32, #tpu.memory_space<vmem>>, vector<1x16xf32>,
        %swap3A_662 = vector.shape_cast %swap3A_661 : vector<1x16xf32> to vector<16xf32>
        %swap3A_663 = vector.shape_cast %mul3A_658 : vector<16xf32> to vector<1x16xf32>
        tpu.vector_store %arg11[%swap3A_659, %swap3A_660], %swap3A_663 {strides = array<i32>} : memref<80x64xf32, #tpu.memory_space<vmem>>, vector<1x16xf32>,
        %slice3A_664 = vector.extract_strided_slice %get3A_148 {offsets = [11], sizes = [1], strides = [1]} : vector<16xf32> to vector<1xf32>
        %squeeze3A_665 = vector.extract %slice3A_664[0] : f32 from vector<1xf32>
        %broadcast_in_dim3A_666 = vector.broadcast %squeeze3A_665 : f32 to vector<16xf32>
        %mul3A_667 = arith.constant 16 : i32
        %mul3A_668 = arith.muli %scan3A_142, %mul3A_667 : i32
        %add3A_669 = arith.constant 11 : i32
        %add3A_670 = arith.addi %mul3A_668, %add3A_669 : i32
        %get3A_671 = arith.index_cast %add3A_670 : i32 to index
        %get3A_672 = arith.constant 0 : index
        %get3A_673 = tpu.vector_load %arg11[%get3A_671, %get3A_672] {strides = array<i32>} : memref<80x64xf32, #tpu.memory_space<vmem>>, vector<1x16xf32>,
        %get3A_674 = vector.shape_cast %get3A_673 : vector<1x16xf32> to vector<16xf32>
        %mul3A_675 = arith.mulf %get3A_674, %broadcast_in_dim3A_666 : vector<16xf32>
        %swap3A_676 = arith.index_cast %add3A_670 : i32 to index
        %swap3A_677 = arith.constant 0 : index
        %swap3A_678 = tpu.vector_load %arg11[%swap3A_676, %swap3A_677] {strides = array<i32>} : memref<80x64xf32, #tpu.memory_space<vmem>>, vector<1x16xf32>,
        %swap3A_679 = vector.shape_cast %swap3A_678 : vector<1x16xf32> to vector<16xf32>
        %swap3A_680 = vector.shape_cast %mul3A_675 : vector<16xf32> to vector<1x16xf32>
        tpu.vector_store %arg11[%swap3A_676, %swap3A_677], %swap3A_680 {strides = array<i32>} : memref<80x64xf32, #tpu.memory_space<vmem>>, vector<1x16xf32>,
        %get3A_681 = arith.index_cast %add3A_670 : i32 to index
        %get3A_682 = arith.constant 16 : index
        %get3A_683 = tpu.vector_load %arg11[%get3A_681, %get3A_682] {strides = array<i32>} : memref<80x64xf32, #tpu.memory_space<vmem>>, vector<1x16xf32>,
        %get3A_684 = vector.shape_cast %get3A_683 : vector<1x16xf32> to vector<16xf32>
        %mul3A_685 = arith.mulf %get3A_684, %broadcast_in_dim3A_666 : vector<16xf32>
        %swap3A_686 = arith.index_cast %add3A_670 : i32 to index
        %swap3A_687 = arith.constant 16 : index
        %swap3A_688 = tpu.vector_load %arg11[%swap3A_686, %swap3A_687] {strides = array<i32>} : memref<80x64xf32, #tpu.memory_space<vmem>>, vector<1x16xf32>,
        %swap3A_689 = vector.shape_cast %swap3A_688 : vector<1x16xf32> to vector<16xf32>
        %swap3A_690 = vector.shape_cast %mul3A_685 : vector<16xf32> to vector<1x16xf32>
        tpu.vector_store %arg11[%swap3A_686, %swap3A_687], %swap3A_690 {strides = array<i32>} : memref<80x64xf32, #tpu.memory_space<vmem>>, vector<1x16xf32>,
        %get3A_691 = arith.index_cast %add3A_670 : i32 to index
        %get3A_692 = arith.constant 32 : index
        %get3A_693 = tpu.vector_load %arg11[%get3A_691, %get3A_692] {strides = array<i32>} : memref<80x64xf32, #tpu.memory_space<vmem>>, vector<1x16xf32>,
        %get3A_694 = vector.shape_cast %get3A_693 : vector<1x16xf32> to vector<16xf32>
        %mul3A_695 = arith.mulf %get3A_694, %broadcast_in_dim3A_666 : vector<16xf32>
        %swap3A_696 = arith.index_cast %add3A_670 : i32 to index
        %swap3A_697 = arith.constant 32 : index
        %swap3A_698 = tpu.vector_load %arg11[%swap3A_696, %swap3A_697] {strides = array<i32>} : memref<80x64xf32, #tpu.memory_space<vmem>>, vector<1x16xf32>,
        %swap3A_699 = vector.shape_cast %swap3A_698 : vector<1x16xf32> to vector<16xf32>
        %swap3A_700 = vector.shape_cast %mul3A_695 : vector<16xf32> to vector<1x16xf32>
        tpu.vector_store %arg11[%swap3A_696, %swap3A_697], %swap3A_700 {strides = array<i32>} : memref<80x64xf32, #tpu.memory_space<vmem>>, vector<1x16xf32>,
        %get3A_701 = arith.index_cast %add3A_670 : i32 to index
        %get3A_702 = arith.constant 48 : index
        %get3A_703 = tpu.vector_load %arg11[%get3A_701, %get3A_702] {strides = array<i32>} : memref<80x64xf32, #tpu.memory_space<vmem>>, vector<1x16xf32>,
        %get3A_704 = vector.shape_cast %get3A_703 : vector<1x16xf32> to vector<16xf32>
        %mul3A_705 = arith.mulf %get3A_704, %broadcast_in_dim3A_666 : vector<16xf32>
        %swap3A_706 = arith.index_cast %add3A_670 : i32 to index
        %swap3A_707 = arith.constant 48 : index
        %swap3A_708 = tpu.vector_load %arg11[%swap3A_706, %swap3A_707] {strides = array<i32>} : memref<80x64xf32, #tpu.memory_space<vmem>>, vector<1x16xf32>,
        %swap3A_709 = vector.shape_cast %swap3A_708 : vector<1x16xf32> to vector<16xf32>
        %swap3A_710 = vector.shape_cast %mul3A_705 : vector<16xf32> to vector<1x16xf32>
        tpu.vector_store %arg11[%swap3A_706, %swap3A_707], %swap3A_710 {strides = array<i32>} : memref<80x64xf32, #tpu.memory_space<vmem>>, vector<1x16xf32>,
        %slice3A_711 = vector.extract_strided_slice %get3A_148 {offsets = [12], sizes = [1], strides = [1]} : vector<16xf32> to vector<1xf32>
        %squeeze3A_712 = vector.extract %slice3A_711[0] : f32 from vector<1xf32>
        %broadcast_in_dim3A_713 = vector.broadcast %squeeze3A_712 : f32 to vector<16xf32>
        %mul3A_714 = arith.constant 16 : i32
        %mul3A_715 = arith.muli %scan3A_142, %mul3A_714 : i32
        %add3A_716 = arith.constant 12 : i32
        %add3A_717 = arith.addi %mul3A_715, %add3A_716 : i32
        %get3A_718 = arith.index_cast %add3A_717 : i32 to index
        %get3A_719 = arith.constant 0 : index
        %get3A_720 = tpu.vector_load %arg11[%get3A_718, %get3A_719] {strides = array<i32>} : memref<80x64xf32, #tpu.memory_space<vmem>>, vector<1x16xf32>,
        %get3A_721 = vector.shape_cast %get3A_720 : vector<1x16xf32> to vector<16xf32>
        %mul3A_722 = arith.mulf %get3A_721, %broadcast_in_dim3A_713 : vector<16xf32>
        %swap3A_723 = arith.index_cast %add3A_717 : i32 to index
        %swap3A_724 = arith.constant 0 : index
        %swap3A_725 = tpu.vector_load %arg11[%swap3A_723, %swap3A_724] {strides = array<i32>} : memref<80x64xf32, #tpu.memory_space<vmem>>, vector<1x16xf32>,
        %swap3A_726 = vector.shape_cast %swap3A_725 : vector<1x16xf32> to vector<16xf32>
        %swap3A_727 = vector.shape_cast %mul3A_722 : vector<16xf32> to vector<1x16xf32>
        tpu.vector_store %arg11[%swap3A_723, %swap3A_724], %swap3A_727 {strides = array<i32>} : memref<80x64xf32, #tpu.memory_space<vmem>>, vector<1x16xf32>,
        %get3A_728 = arith.index_cast %add3A_717 : i32 to index
        %get3A_729 = arith.constant 16 : index
        %get3A_730 = tpu.vector_load %arg11[%get3A_728, %get3A_729] {strides = array<i32>} : memref<80x64xf32, #tpu.memory_space<vmem>>, vector<1x16xf32>,
        %get3A_731 = vector.shape_cast %get3A_730 : vector<1x16xf32> to vector<16xf32>
        %mul3A_732 = arith.mulf %get3A_731, %broadcast_in_dim3A_713 : vector<16xf32>
        %swap3A_733 = arith.index_cast %add3A_717 : i32 to index
        %swap3A_734 = arith.constant 16 : index
        %swap3A_735 = tpu.vector_load %arg11[%swap3A_733, %swap3A_734] {strides = array<i32>} : memref<80x64xf32, #tpu.memory_space<vmem>>, vector<1x16xf32>,
        %swap3A_736 = vector.shape_cast %swap3A_735 : vector<1x16xf32> to vector<16xf32>
        %swap3A_737 = vector.shape_cast %mul3A_732 : vector<16xf32> to vector<1x16xf32>
        tpu.vector_store %arg11[%swap3A_733, %swap3A_734], %swap3A_737 {strides = array<i32>} : memref<80x64xf32, #tpu.memory_space<vmem>>, vector<1x16xf32>,
        %get3A_738 = arith.index_cast %add3A_717 : i32 to index
        %get3A_739 = arith.constant 32 : index
        %get3A_740 = tpu.vector_load %arg11[%get3A_738, %get3A_739] {strides = array<i32>} : memref<80x64xf32, #tpu.memory_space<vmem>>, vector<1x16xf32>,
        %get3A_741 = vector.shape_cast %get3A_740 : vector<1x16xf32> to vector<16xf32>
        %mul3A_742 = arith.mulf %get3A_741, %broadcast_in_dim3A_713 : vector<16xf32>
        %swap3A_743 = arith.index_cast %add3A_717 : i32 to index
        %swap3A_744 = arith.constant 32 : index
        %swap3A_745 = tpu.vector_load %arg11[%swap3A_743, %swap3A_744] {strides = array<i32>} : memref<80x64xf32, #tpu.memory_space<vmem>>, vector<1x16xf32>,
        %swap3A_746 = vector.shape_cast %swap3A_745 : vector<1x16xf32> to vector<16xf32>
        %swap3A_747 = vector.shape_cast %mul3A_742 : vector<16xf32> to vector<1x16xf32>
        tpu.vector_store %arg11[%swap3A_743, %swap3A_744], %swap3A_747 {strides = array<i32>} : memref<80x64xf32, #tpu.memory_space<vmem>>, vector<1x16xf32>,
        %get3A_748 = arith.index_cast %add3A_717 : i32 to index
        %get3A_749 = arith.constant 48 : index
        %get3A_750 = tpu.vector_load %arg11[%get3A_748, %get3A_749] {strides = array<i32>} : memref<80x64xf32, #tpu.memory_space<vmem>>, vector<1x16xf32>,
        %get3A_751 = vector.shape_cast %get3A_750 : vector<1x16xf32> to vector<16xf32>
        %mul3A_752 = arith.mulf %get3A_751, %broadcast_in_dim3A_713 : vector<16xf32>
        %swap3A_753 = arith.index_cast %add3A_717 : i32 to index
        %swap3A_754 = arith.constant 48 : index
        %swap3A_755 = tpu.vector_load %arg11[%swap3A_753, %swap3A_754] {strides = array<i32>} : memref<80x64xf32, #tpu.memory_space<vmem>>, vector<1x16xf32>,
        %swap3A_756 = vector.shape_cast %swap3A_755 : vector<1x16xf32> to vector<16xf32>
        %swap3A_757 = vector.shape_cast %mul3A_752 : vector<16xf32> to vector<1x16xf32>
        tpu.vector_store %arg11[%swap3A_753, %swap3A_754], %swap3A_757 {strides = array<i32>} : memref<80x64xf32, #tpu.memory_space<vmem>>, vector<1x16xf32>,
        %slice3A_758 = vector.extract_strided_slice %get3A_148 {offsets = [13], sizes = [1], strides = [1]} : vector<16xf32> to vector<1xf32>
        %squeeze3A_759 = vector.extract %slice3A_758[0] : f32 from vector<1xf32>
        %broadcast_in_dim3A_760 = vector.broadcast %squeeze3A_759 : f32 to vector<16xf32>
        %mul3A_761 = arith.constant 16 : i32
        %mul3A_762 = arith.muli %scan3A_142, %mul3A_761 : i32
        %add3A_763 = arith.constant 13 : i32
        %add3A_764 = arith.addi %mul3A_762, %add3A_763 : i32
        %get3A_765 = arith.index_cast %add3A_764 : i32 to index
        %get3A_766 = arith.constant 0 : index
        %get3A_767 = tpu.vector_load %arg11[%get3A_765, %get3A_766] {strides = array<i32>} : memref<80x64xf32, #tpu.memory_space<vmem>>, vector<1x16xf32>,
        %get3A_768 = vector.shape_cast %get3A_767 : vector<1x16xf32> to vector<16xf32>
        %mul3A_769 = arith.mulf %get3A_768, %broadcast_in_dim3A_760 : vector<16xf32>
        %swap3A_770 = arith.index_cast %add3A_764 : i32 to index
        %swap3A_771 = arith.constant 0 : index
        %swap3A_772 = tpu.vector_load %arg11[%swap3A_770, %swap3A_771] {strides = array<i32>} : memref<80x64xf32, #tpu.memory_space<vmem>>, vector<1x16xf32>,
        %swap3A_773 = vector.shape_cast %swap3A_772 : vector<1x16xf32> to vector<16xf32>
        %swap3A_774 = vector.shape_cast %mul3A_769 : vector<16xf32> to vector<1x16xf32>
        tpu.vector_store %arg11[%swap3A_770, %swap3A_771], %swap3A_774 {strides = array<i32>} : memref<80x64xf32, #tpu.memory_space<vmem>>, vector<1x16xf32>,
        %get3A_775 = arith.index_cast %add3A_764 : i32 to index
        %get3A_776 = arith.constant 16 : index
        %get3A_777 = tpu.vector_load %arg11[%get3A_775, %get3A_776] {strides = array<i32>} : memref<80x64xf32, #tpu.memory_space<vmem>>, vector<1x16xf32>,
        %get3A_778 = vector.shape_cast %get3A_777 : vector<1x16xf32> to vector<16xf32>
        %mul3A_779 = arith.mulf %get3A_778, %broadcast_in_dim3A_760 : vector<16xf32>
        %swap3A_780 = arith.index_cast %add3A_764 : i32 to index
        %swap3A_781 = arith.constant 16 : index
        %swap3A_782 = tpu.vector_load %arg11[%swap3A_780, %swap3A_781] {strides = array<i32>} : memref<80x64xf32, #tpu.memory_space<vmem>>, vector<1x16xf32>,
        %swap3A_783 = vector.shape_cast %swap3A_782 : vector<1x16xf32> to vector<16xf32>
        %swap3A_784 = vector.shape_cast %mul3A_779 : vector<16xf32> to vector<1x16xf32>
        tpu.vector_store %arg11[%swap3A_780, %swap3A_781], %swap3A_784 {strides = array<i32>} : memref<80x64xf32, #tpu.memory_space<vmem>>, vector<1x16xf32>,
        %get3A_785 = arith.index_cast %add3A_764 : i32 to index
        %get3A_786 = arith.constant 32 : index
        %get3A_787 = tpu.vector_load %arg11[%get3A_785, %get3A_786] {strides = array<i32>} : memref<80x64xf32, #tpu.memory_space<vmem>>, vector<1x16xf32>,
        %get3A_788 = vector.shape_cast %get3A_787 : vector<1x16xf32> to vector<16xf32>
        %mul3A_789 = arith.mulf %get3A_788, %broadcast_in_dim3A_760 : vector<16xf32>
        %swap3A_790 = arith.index_cast %add3A_764 : i32 to index
        %swap3A_791 = arith.constant 32 : index
        %swap3A_792 = tpu.vector_load %arg11[%swap3A_790, %swap3A_791] {strides = array<i32>} : memref<80x64xf32, #tpu.memory_space<vmem>>, vector<1x16xf32>,
        %swap3A_793 = vector.shape_cast %swap3A_792 : vector<1x16xf32> to vector<16xf32>
        %swap3A_794 = vector.shape_cast %mul3A_789 : vector<16xf32> to vector<1x16xf32>
        tpu.vector_store %arg11[%swap3A_790, %swap3A_791], %swap3A_794 {strides = array<i32>} : memref<80x64xf32, #tpu.memory_space<vmem>>, vector<1x16xf32>,
        %get3A_795 = arith.index_cast %add3A_764 : i32 to index
        %get3A_796 = arith.constant 48 : index
        %get3A_797 = tpu.vector_load %arg11[%get3A_795, %get3A_796] {strides = array<i32>} : memref<80x64xf32, #tpu.memory_space<vmem>>, vector<1x16xf32>,
        %get3A_798 = vector.shape_cast %get3A_797 : vector<1x16xf32> to vector<16xf32>
        %mul3A_799 = arith.mulf %get3A_798, %broadcast_in_dim3A_760 : vector<16xf32>
        %swap3A_800 = arith.index_cast %add3A_764 : i32 to index
        %swap3A_801 = arith.constant 48 : index
        %swap3A_802 = tpu.vector_load %arg11[%swap3A_800, %swap3A_801] {strides = array<i32>} : memref<80x64xf32, #tpu.memory_space<vmem>>, vector<1x16xf32>,
        %swap3A_803 = vector.shape_cast %swap3A_802 : vector<1x16xf32> to vector<16xf32>
        %swap3A_804 = vector.shape_cast %mul3A_799 : vector<16xf32> to vector<1x16xf32>
        tpu.vector_store %arg11[%swap3A_800, %swap3A_801], %swap3A_804 {strides = array<i32>} : memref<80x64xf32, #tpu.memory_space<vmem>>, vector<1x16xf32>,
        %slice3A_805 = vector.extract_strided_slice %get3A_148 {offsets = [14], sizes = [1], strides = [1]} : vector<16xf32> to vector<1xf32>
        %squeeze3A_806 = vector.extract %slice3A_805[0] : f32 from vector<1xf32>
        %broadcast_in_dim3A_807 = vector.broadcast %squeeze3A_806 : f32 to vector<16xf32>
        %mul3A_808 = arith.constant 16 : i32
        %mul3A_809 = arith.muli %scan3A_142, %mul3A_808 : i32
        %add3A_810 = arith.constant 14 : i32
        %add3A_811 = arith.addi %mul3A_809, %add3A_810 : i32
        %get3A_812 = arith.index_cast %add3A_811 : i32 to index
        %get3A_813 = arith.constant 0 : index
        %get3A_814 = tpu.vector_load %arg11[%get3A_812, %get3A_813] {strides = array<i32>} : memref<80x64xf32, #tpu.memory_space<vmem>>, vector<1x16xf32>,
        %get3A_815 = vector.shape_cast %get3A_814 : vector<1x16xf32> to vector<16xf32>
        %mul3A_816 = arith.mulf %get3A_815, %broadcast_in_dim3A_807 : vector<16xf32>
        %swap3A_817 = arith.index_cast %add3A_811 : i32 to index
        %swap3A_818 = arith.constant 0 : index
        %swap3A_819 = tpu.vector_load %arg11[%swap3A_817, %swap3A_818] {strides = array<i32>} : memref<80x64xf32, #tpu.memory_space<vmem>>, vector<1x16xf32>,
        %swap3A_820 = vector.shape_cast %swap3A_819 : vector<1x16xf32> to vector<16xf32>
        %swap3A_821 = vector.shape_cast %mul3A_816 : vector<16xf32> to vector<1x16xf32>
        tpu.vector_store %arg11[%swap3A_817, %swap3A_818], %swap3A_821 {strides = array<i32>} : memref<80x64xf32, #tpu.memory_space<vmem>>, vector<1x16xf32>,
        %get3A_822 = arith.index_cast %add3A_811 : i32 to index
        %get3A_823 = arith.constant 16 : index
        %get3A_824 = tpu.vector_load %arg11[%get3A_822, %get3A_823] {strides = array<i32>} : memref<80x64xf32, #tpu.memory_space<vmem>>, vector<1x16xf32>,
        %get3A_825 = vector.shape_cast %get3A_824 : vector<1x16xf32> to vector<16xf32>
        %mul3A_826 = arith.mulf %get3A_825, %broadcast_in_dim3A_807 : vector<16xf32>
        %swap3A_827 = arith.index_cast %add3A_811 : i32 to index
        %swap3A_828 = arith.constant 16 : index
        %swap3A_829 = tpu.vector_load %arg11[%swap3A_827, %swap3A_828] {strides = array<i32>} : memref<80x64xf32, #tpu.memory_space<vmem>>, vector<1x16xf32>,
        %swap3A_830 = vector.shape_cast %swap3A_829 : vector<1x16xf32> to vector<16xf32>
        %swap3A_831 = vector.shape_cast %mul3A_826 : vector<16xf32> to vector<1x16xf32>
        tpu.vector_store %arg11[%swap3A_827, %swap3A_828], %swap3A_831 {strides = array<i32>} : memref<80x64xf32, #tpu.memory_space<vmem>>, vector<1x16xf32>,
        %get3A_832 = arith.index_cast %add3A_811 : i32 to index
        %get3A_833 = arith.constant 32 : index
        %get3A_834 = tpu.vector_load %arg11[%get3A_832, %get3A_833] {strides = array<i32>} : memref<80x64xf32, #tpu.memory_space<vmem>>, vector<1x16xf32>,
        %get3A_835 = vector.shape_cast %get3A_834 : vector<1x16xf32> to vector<16xf32>
        %mul3A_836 = arith.mulf %get3A_835, %broadcast_in_dim3A_807 : vector<16xf32>
        %swap3A_837 = arith.index_cast %add3A_811 : i32 to index
        %swap3A_838 = arith.constant 32 : index
        %swap3A_839 = tpu.vector_load %arg11[%swap3A_837, %swap3A_838] {strides = array<i32>} : memref<80x64xf32, #tpu.memory_space<vmem>>, vector<1x16xf32>,
        %swap3A_840 = vector.shape_cast %swap3A_839 : vector<1x16xf32> to vector<16xf32>
        %swap3A_841 = vector.shape_cast %mul3A_836 : vector<16xf32> to vector<1x16xf32>
        tpu.vector_store %arg11[%swap3A_837, %swap3A_838], %swap3A_841 {strides = array<i32>} : memref<80x64xf32, #tpu.memory_space<vmem>>, vector<1x16xf32>,
        %get3A_842 = arith.index_cast %add3A_811 : i32 to index
        %get3A_843 = arith.constant 48 : index
        %get3A_844 = tpu.vector_load %arg11[%get3A_842, %get3A_843] {strides = array<i32>} : memref<80x64xf32, #tpu.memory_space<vmem>>, vector<1x16xf32>,
        %get3A_845 = vector.shape_cast %get3A_844 : vector<1x16xf32> to vector<16xf32>
        %mul3A_846 = arith.mulf %get3A_845, %broadcast_in_dim3A_807 : vector<16xf32>
        %swap3A_847 = arith.index_cast %add3A_811 : i32 to index
        %swap3A_848 = arith.constant 48 : index
        %swap3A_849 = tpu.vector_load %arg11[%swap3A_847, %swap3A_848] {strides = array<i32>} : memref<80x64xf32, #tpu.memory_space<vmem>>, vector<1x16xf32>,
        %swap3A_850 = vector.shape_cast %swap3A_849 : vector<1x16xf32> to vector<16xf32>
        %swap3A_851 = vector.shape_cast %mul3A_846 : vector<16xf32> to vector<1x16xf32>
        tpu.vector_store %arg11[%swap3A_847, %swap3A_848], %swap3A_851 {strides = array<i32>} : memref<80x64xf32, #tpu.memory_space<vmem>>, vector<1x16xf32>,
        %slice3A_852 = vector.extract_strided_slice %get3A_148 {offsets = [15], sizes = [1], strides = [1]} : vector<16xf32> to vector<1xf32>
        %squeeze3A_853 = vector.extract %slice3A_852[0] : f32 from vector<1xf32>
        %broadcast_in_dim3A_854 = vector.broadcast %squeeze3A_853 : f32 to vector<16xf32>
        %mul3A_855 = arith.constant 16 : i32
        %mul3A_856 = arith.muli %scan3A_142, %mul3A_855 : i32
        %add3A_857 = arith.constant 15 : i32
        %add3A_858 = arith.addi %mul3A_856, %add3A_857 : i32
        %get3A_859 = arith.index_cast %add3A_858 : i32 to index
        %get3A_860 = arith.constant 0 : index
        %get3A_861 = tpu.vector_load %arg11[%get3A_859, %get3A_860] {strides = array<i32>} : memref<80x64xf32, #tpu.memory_space<vmem>>, vector<1x16xf32>,
        %get3A_862 = vector.shape_cast %get3A_861 : vector<1x16xf32> to vector<16xf32>
        %mul3A_863 = arith.mulf %get3A_862, %broadcast_in_dim3A_854 : vector<16xf32>
        %swap3A_864 = arith.index_cast %add3A_858 : i32 to index
        %swap3A_865 = arith.constant 0 : index
        %swap3A_866 = tpu.vector_load %arg11[%swap3A_864, %swap3A_865] {strides = array<i32>} : memref<80x64xf32, #tpu.memory_space<vmem>>, vector<1x16xf32>,
        %swap3A_867 = vector.shape_cast %swap3A_866 : vector<1x16xf32> to vector<16xf32>
        %swap3A_868 = vector.shape_cast %mul3A_863 : vector<16xf32> to vector<1x16xf32>
        tpu.vector_store %arg11[%swap3A_864, %swap3A_865], %swap3A_868 {strides = array<i32>} : memref<80x64xf32, #tpu.memory_space<vmem>>, vector<1x16xf32>,
        %get3A_869 = arith.index_cast %add3A_858 : i32 to index
        %get3A_870 = arith.constant 16 : index
        %get3A_871 = tpu.vector_load %arg11[%get3A_869, %get3A_870] {strides = array<i32>} : memref<80x64xf32, #tpu.memory_space<vmem>>, vector<1x16xf32>,
        %get3A_872 = vector.shape_cast %get3A_871 : vector<1x16xf32> to vector<16xf32>
        %mul3A_873 = arith.mulf %get3A_872, %broadcast_in_dim3A_854 : vector<16xf32>
        %swap3A_874 = arith.index_cast %add3A_858 : i32 to index
        %swap3A_875 = arith.constant 16 : index
        %swap3A_876 = tpu.vector_load %arg11[%swap3A_874, %swap3A_875] {strides = array<i32>} : memref<80x64xf32, #tpu.memory_space<vmem>>, vector<1x16xf32>,
        %swap3A_877 = vector.shape_cast %swap3A_876 : vector<1x16xf32> to vector<16xf32>
        %swap3A_878 = vector.shape_cast %mul3A_873 : vector<16xf32> to vector<1x16xf32>
        tpu.vector_store %arg11[%swap3A_874, %swap3A_875], %swap3A_878 {strides = array<i32>} : memref<80x64xf32, #tpu.memory_space<vmem>>, vector<1x16xf32>,
        %get3A_879 = arith.index_cast %add3A_858 : i32 to index
        %get3A_880 = arith.constant 32 : index
        %get3A_881 = tpu.vector_load %arg11[%get3A_879, %get3A_880] {strides = array<i32>} : memref<80x64xf32, #tpu.memory_space<vmem>>, vector<1x16xf32>,
        %get3A_882 = vector.shape_cast %get3A_881 : vector<1x16xf32> to vector<16xf32>
        %mul3A_883 = arith.mulf %get3A_882, %broadcast_in_dim3A_854 : vector<16xf32>
        %swap3A_884 = arith.index_cast %add3A_858 : i32 to index
        %swap3A_885 = arith.constant 32 : index
        %swap3A_886 = tpu.vector_load %arg11[%swap3A_884, %swap3A_885] {strides = array<i32>} : memref<80x64xf32, #tpu.memory_space<vmem>>, vector<1x16xf32>,
        %swap3A_887 = vector.shape_cast %swap3A_886 : vector<1x16xf32> to vector<16xf32>
        %swap3A_888 = vector.shape_cast %mul3A_883 : vector<16xf32> to vector<1x16xf32>
        tpu.vector_store %arg11[%swap3A_884, %swap3A_885], %swap3A_888 {strides = array<i32>} : memref<80x64xf32, #tpu.memory_space<vmem>>, vector<1x16xf32>,
        %get3A_889 = arith.index_cast %add3A_858 : i32 to index
        %get3A_890 = arith.constant 48 : index
        %get3A_891 = tpu.vector_load %arg11[%get3A_889, %get3A_890] {strides = array<i32>} : memref<80x64xf32, #tpu.memory_space<vmem>>, vector<1x16xf32>,
        %get3A_892 = vector.shape_cast %get3A_891 : vector<1x16xf32> to vector<16xf32>
        %mul3A_893 = arith.mulf %get3A_892, %broadcast_in_dim3A_854 : vector<16xf32>
        %swap3A_894 = arith.index_cast %add3A_858 : i32 to index
        %swap3A_895 = arith.constant 48 : index
        %swap3A_896 = tpu.vector_load %arg11[%swap3A_894, %swap3A_895] {strides = array<i32>} : memref<80x64xf32, #tpu.memory_space<vmem>>, vector<1x16xf32>,
        %swap3A_897 = vector.shape_cast %swap3A_896 : vector<1x16xf32> to vector<16xf32>
        %swap3A_898 = vector.shape_cast %mul3A_893 : vector<16xf32> to vector<1x16xf32>
        tpu.vector_store %arg11[%swap3A_894, %swap3A_895], %swap3A_898 {strides = array<i32>} : memref<80x64xf32, #tpu.memory_space<vmem>>, vector<1x16xf32>,
        %scan3A_899 = arith.constant 0 : i32
        scf.yield %scan3A_899 : i32
      }
      %scan3A_140 = arith.constant 5 : i32
      "tpu.region"() ({
        %run_scoped3A = tpu.sem_alloc : memref<!tpu.dma_semaphore, #tpu.memory_space<semaphore_mem>>
        %dma_start3A_142 = arith.constant 0 : i32
        %dma_start3A_143 = arith.constant 0 : i32
        %dma_start3A_144 = tpu.memref_slice %arg13[%dma_start3A_142, %dma_start3A_143] : memref<25088x64xf32, #tpu.memory_space<vmem_shared>> -> memref<25088x64xf32, #tpu.memory_space<vmem_shared>>
        tpu.enqueue_indirect_dma source(%arg11 : memref<80x64xf32, #tpu.memory_space<vmem>>) target(%dma_start3A_144 : memref<25088x64xf32, #tpu.memory_space<vmem_shared>>) offsets(%arg10 : memref<80xi32, #tpu.memory_space<vmem>>) semaphore(%run_scoped3A : memref<!tpu.dma_semaphore, #tpu.memory_space<semaphore_mem>>) {add = true}
        %dma_wait3A_145 = arith.constant 0 : i32
        %dma_wait3A_146 = arith.constant 0 : i32
        %dma_wait3A_147 = tpu.memref_slice %arg13[%dma_wait3A_145, %dma_wait3A_146] : memref<25088x64xf32, #tpu.memory_space<vmem_shared>> -> memref<25088x64xf32, #tpu.memory_space<vmem_shared>>
        tpu.wait_indirect_dma semaphore(%run_scoped3A : memref<!tpu.dma_semaphore, #tpu.memory_space<semaphore_mem>>) src(%arg11 : memref<80x64xf32, #tpu.memory_space<vmem>>) dst(%dma_wait3A_147 : memref<25088x64xf32, #tpu.memory_space<vmem_shared>>)
        tpu.yield
      }) : () -> ()
      %scan3A_141 = arith.constant 0 : i32
      scf.yield %scan3A_141 : i32
    }
    %scan3A_28 = arith.constant 625 : i32
    %barrier3A_29 = arith.constant 0 : index
    tpu.barrier barrier_id(%barrier3A_29)
    %mul3A_30 = arith.constant 1560 : i32
    %mul3A_31 = arith.muli %arg1, %mul3A_30 : i32
    %mul3A_32 = arith.constant 1560 : i32
    %mul3A_33 = arith.muli %arg1, %mul3A_32 : i32
    %add3A_34 = arith.addi %mul3A_0, %mul3A_33 : i32
    "tpu.region"() ({
      %run_scoped3A = tpu.sem_alloc : memref<!tpu.dma_semaphore, #tpu.memory_space<semaphore_mem>>
      %dma_start3A = arith.constant 0 : i32
      %dma_start3A_37 = tpu.memref_slice %arg6[%add3A_34, %dma_start3A] : memref<50000x64xf32, #tpu.memory_space<hbm>> -> memref<1560x64xf32, #tpu.memory_space<hbm>>
      %dma_start3A_38 = arith.constant 0 : i32
      %dma_start3A_39 = tpu.memref_slice %arg13[%mul3A_31, %dma_start3A_38] : memref<25088x64xf32, #tpu.memory_space<vmem_shared>> -> memref<1560x64xf32, #tpu.memory_space<vmem_shared>>
      tpu.enqueue_dma source(%dma_start3A_39 : memref<1560x64xf32, #tpu.memory_space<vmem_shared>>) target(%dma_start3A_37 : memref<1560x64xf32, #tpu.memory_space<hbm>>) target_semaphore(%run_scoped3A : memref<!tpu.dma_semaphore, #tpu.memory_space<semaphore_mem>>)
      %dma_wait3A = arith.constant 0 : i32
      %dma_wait3A_40 = tpu.memref_slice %arg6[%add3A_34, %dma_wait3A] : memref<50000x64xf32, #tpu.memory_space<hbm>> -> memref<1560x64xf32, #tpu.memory_space<hbm>>
      %dma_wait3A_41 = arith.constant 0 : i32
      %dma_wait3A_42 = tpu.memref_slice %arg13[%mul3A_31, %dma_wait3A_41] : memref<25088x64xf32, #tpu.memory_space<vmem_shared>> -> memref<1560x64xf32, #tpu.memory_space<vmem_shared>>
      tpu.wait_dma2 semaphore(%run_scoped3A : memref<!tpu.dma_semaphore, #tpu.memory_space<semaphore_mem>>) src(%dma_wait3A_42 : memref<1560x64xf32, #tpu.memory_space<vmem_shared>>) dst(%dma_wait3A_40 : memref<1560x64xf32, #tpu.memory_space<hbm>>)
      tpu.yield
    }) : () -> ()
    %eq3A = arith.constant 0 : i32
    %eq3A_35 = arith.cmpi eq, %arg1, %eq3A : i32
    %convert_element_type3A = arith.extui %eq3A_35 : i1 to i32
    %cond3A = arith.constant 0 : i32
    %cond3A_36 = arith.cmpi ne, %convert_element_type3A, %cond3A : i32
    scf.if %cond3A_36 {
      %add3A_37 = arith.constant 24960 : i32
      %add3A_38 = arith.addi %mul3A_0, %add3A_37 : i32
      "tpu.region"() ({
        %run_scoped3A = tpu.sem_alloc : memref<!tpu.dma_semaphore, #tpu.memory_space<semaphore_mem>>
        %dma_start3A = arith.constant 0 : i32
        %dma_start3A_39 = tpu.memref_slice %arg6[%add3A_38, %dma_start3A] : memref<50000x64xf32, #tpu.memory_space<hbm>> -> memref<40x64xf32, #tpu.memory_space<hbm>>
        %dma_start3A_40 = arith.constant 24960 : i32
        %dma_start3A_41 = arith.constant 0 : i32
        %dma_start3A_42 = tpu.memref_slice %arg13[%dma_start3A_40, %dma_start3A_41] : memref<25088x64xf32, #tpu.memory_space<vmem_shared>> -> memref<40x64xf32, #tpu.memory_space<vmem_shared>>
        tpu.enqueue_dma source(%dma_start3A_42 : memref<40x64xf32, #tpu.memory_space<vmem_shared>>) target(%dma_start3A_39 : memref<40x64xf32, #tpu.memory_space<hbm>>) target_semaphore(%run_scoped3A : memref<!tpu.dma_semaphore, #tpu.memory_space<semaphore_mem>>)
        %dma_wait3A = arith.constant 0 : i32
        %dma_wait3A_43 = tpu.memref_slice %arg6[%add3A_38, %dma_wait3A] : memref<50000x64xf32, #tpu.memory_space<hbm>> -> memref<40x64xf32, #tpu.memory_space<hbm>>
        %dma_wait3A_44 = arith.constant 24960 : i32
        %dma_wait3A_45 = arith.constant 0 : i32
        %dma_wait3A_46 = tpu.memref_slice %arg13[%dma_wait3A_44, %dma_wait3A_45] : memref<25088x64xf32, #tpu.memory_space<vmem_shared>> -> memref<40x64xf32, #tpu.memory_space<vmem_shared>>
        tpu.wait_dma2 semaphore(%run_scoped3A : memref<!tpu.dma_semaphore, #tpu.memory_space<semaphore_mem>>) src(%dma_wait3A_46 : memref<40x64xf32, #tpu.memory_space<vmem_shared>>) dst(%dma_wait3A_43 : memref<40x64xf32, #tpu.memory_space<hbm>>)
        tpu.yield
      }) : () -> ()
    } else {
    }
    return
  }
}

#map = affine_map<(d0, d1) -> (0, 0)>
#map1 = affine_map<(d0, d1) -> (0)>
module attributes {stable_mosaic.version = 14 : i64} {
  func.func @lightgcn_layer(%arg0: i32, %arg1: i32, %arg2: memref<50000x64xf32, #tpu.memory_space<hbm>>, %arg3: memref<800000xi32, #tpu.memory_space<hbm>>, %arg4: memref<800000xi32, #tpu.memory_space<hbm>>, %arg5: memref<800000xf32, #tpu.memory_space<hbm>>, %arg6: memref<50000x64xf32, #tpu.memory_space<hbm>>, %arg7: memref<80xi32, #tpu.memory_space<vmem>>, %arg8: memref<80xi32, #tpu.memory_space<vmem>>, %arg9: memref<80xf32, #tpu.memory_space<vmem>>, %arg10: memref<80xi32, #tpu.memory_space<vmem>>, %arg11: memref<80x64xf32, #tpu.memory_space<vmem>>, %arg12: memref<224x64xf32, #tpu.memory_space<vmem>>, %arg13: memref<25088x64xf32, #tpu.memory_space<vmem_shared>>, %arg14: memref<!tpu.dma_semaphore, #tpu.memory_space<semaphore_mem>>) attributes {dimension_semantics = [#tpu.dimension_semantics<core_parallel>, #tpu.dimension_semantics<subcore_parallel>], iteration_bounds = array<i64: 2, 16>, scalar_prefetch = 0 : i64, scratch_operands = 8 : i64, tpu.core_type = #tpu.core_type<sc_vector_subcore>, window_params = [{transform_indices = #map}, {transform_indices = #map1}, {transform_indices = #map1}, {transform_indices = #map1}, {transform_indices = #map}]} {
    %mul3A = arith.constant 25000 : i32
    %mul3A_0 = arith.muli %arg0, %mul3A : i32
    %scan3A = arith.constant 0 : i32
    %scan3A_1 = arith.constant 0 : i32
    %scan3A_2 = arith.constant 224 : i32
    %scan3A_3 = arith.addi %scan3A_1, %scan3A_2 : i32
    %scan3A_4 = arith.constant 1 : i32
    %scan3A_5 = scf.for %scan3A_37 = %scan3A_1 to %scan3A_3 step %scan3A_4 iter_args(%scan3A_38 = %scan3A) -> (i32)  : i32 {
      %broadcast_in_dim3A = arith.constant 0.000000e+00 : f32
      %broadcast_in_dim3A_39 = vector.broadcast %broadcast_in_dim3A : f32 to vector<16xf32>
      %swap3A = arith.index_cast %scan3A_37 : i32 to index
      %swap3A_40 = arith.constant 0 : index
      %swap3A_41 = tpu.vector_load %arg12[%swap3A, %swap3A_40] {strides = array<i32>} : memref<224x64xf32, #tpu.memory_space<vmem>>, vector<1x16xf32>,
      %swap3A_42 = vector.shape_cast %swap3A_41 : vector<1x16xf32> to vector<16xf32>
      %swap3A_43 = vector.shape_cast %broadcast_in_dim3A_39 : vector<16xf32> to vector<1x16xf32>
      tpu.vector_store %arg12[%swap3A, %swap3A_40], %swap3A_43 {strides = array<i32>} : memref<224x64xf32, #tpu.memory_space<vmem>>, vector<1x16xf32>,
      %broadcast_in_dim3A_44 = arith.constant 0.000000e+00 : f32
      %broadcast_in_dim3A_45 = vector.broadcast %broadcast_in_dim3A_44 : f32 to vector<16xf32>
      %swap3A_46 = arith.index_cast %scan3A_37 : i32 to index
      %swap3A_47 = arith.constant 16 : index
      %swap3A_48 = tpu.vector_load %arg12[%swap3A_46, %swap3A_47] {strides = array<i32>} : memref<224x64xf32, #tpu.memory_space<vmem>>, vector<1x16xf32>,
      %swap3A_49 = vector.shape_cast %swap3A_48 : vector<1x16xf32> to vector<16xf32>
      %swap3A_50 = vector.shape_cast %broadcast_in_dim3A_45 : vector<16xf32> to vector<1x16xf32>
      tpu.vector_store %arg12[%swap3A_46, %swap3A_47], %swap3A_50 {strides = array<i32>} : memref<224x64xf32, #tpu.memory_space<vmem>>, vector<1x16xf32>,
      %broadcast_in_dim3A_51 = arith.constant 0.000000e+00 : f32
      %broadcast_in_dim3A_52 = vector.broadcast %broadcast_in_dim3A_51 : f32 to vector<16xf32>
      %swap3A_53 = arith.index_cast %scan3A_37 : i32 to index
      %swap3A_54 = arith.constant 32 : index
      %swap3A_55 = tpu.vector_load %arg12[%swap3A_53, %swap3A_54] {strides = array<i32>} : memref<224x64xf32, #tpu.memory_space<vmem>>, vector<1x16xf32>,
      %swap3A_56 = vector.shape_cast %swap3A_55 : vector<1x16xf32> to vector<16xf32>
      %swap3A_57 = vector.shape_cast %broadcast_in_dim3A_52 : vector<16xf32> to vector<1x16xf32>
      tpu.vector_store %arg12[%swap3A_53, %swap3A_54], %swap3A_57 {strides = array<i32>} : memref<224x64xf32, #tpu.memory_space<vmem>>, vector<1x16xf32>,
      %broadcast_in_dim3A_58 = arith.constant 0.000000e+00 : f32
      %broadcast_in_dim3A_59 = vector.broadcast %broadcast_in_dim3A_58 : f32 to vector<16xf32>
      %swap3A_60 = arith.index_cast %scan3A_37 : i32 to index
      %swap3A_61 = arith.constant 48 : index
      %swap3A_62 = tpu.vector_load %arg12[%swap3A_60, %swap3A_61] {strides = array<i32>} : memref<224x64xf32, #tpu.memory_space<vmem>>, vector<1x16xf32>,
      %swap3A_63 = vector.shape_cast %swap3A_62 : vector<1x16xf32> to vector<16xf32>
      %swap3A_64 = vector.shape_cast %broadcast_in_dim3A_59 : vector<16xf32> to vector<1x16xf32>
      tpu.vector_store %arg12[%swap3A_60, %swap3A_61], %swap3A_64 {strides = array<i32>} : memref<224x64xf32, #tpu.memory_space<vmem>>, vector<1x16xf32>,
      %scan3A_65 = arith.constant 0 : i32
      scf.yield %scan3A_65 : i32
    }
    %scan3A_6 = arith.constant 224 : i32
    %mul3A_7 = arith.constant 1568 : i32
    %mul3A_8 = arith.muli %arg1, %mul3A_7 : i32
    %add3A = arith.constant 0 : i32
    %add3A_9 = arith.addi %mul3A_8, %add3A : i32
    "tpu.region"() ({
      %run_scoped3A = tpu.sem_alloc : memref<!tpu.dma_semaphore, #tpu.memory_space<semaphore_mem>>
      %dma_start3A = arith.constant 0 : i32
      %dma_start3A_37 = tpu.memref_slice %arg13[%add3A_9, %dma_start3A] : memref<25088x64xf32, #tpu.memory_space<vmem_shared>> -> memref<224x64xf32, #tpu.memory_space<vmem_shared>>
      %dma_start3A_38 = arith.constant 0 : i32
      %dma_start3A_39 = tpu.memref_slice %arg13[%add3A_9, %dma_start3A_38] : memref<25088x64xf32, #tpu.memory_space<vmem_shared>> -> memref<224x64xf32, #tpu.memory_space<vmem_shared>>
      tpu.enqueue_dma source(%arg12 : memref<224x64xf32, #tpu.memory_space<vmem>>) target(%dma_start3A_39 : memref<224x64xf32, #tpu.memory_space<vmem_shared>>) target_semaphore(%run_scoped3A : memref<!tpu.dma_semaphore, #tpu.memory_space<semaphore_mem>>)
      %dma_wait3A = arith.constant 0 : i32
      %dma_wait3A_40 = tpu.memref_slice %arg13[%add3A_9, %dma_wait3A] : memref<25088x64xf32, #tpu.memory_space<vmem_shared>> -> memref<224x64xf32, #tpu.memory_space<vmem_shared>>
      %dma_wait3A_41 = arith.constant 0 : i32
      %dma_wait3A_42 = tpu.memref_slice %arg13[%add3A_9, %dma_wait3A_41] : memref<25088x64xf32, #tpu.memory_space<vmem_shared>> -> memref<224x64xf32, #tpu.memory_space<vmem_shared>>
      tpu.wait_dma2 semaphore(%run_scoped3A : memref<!tpu.dma_semaphore, #tpu.memory_space<semaphore_mem>>) src(%arg12 : memref<224x64xf32, #tpu.memory_space<vmem>>) dst(%dma_wait3A_42 : memref<224x64xf32, #tpu.memory_space<vmem_shared>>)
      tpu.yield
    }) : () -> ()
    %add3A_10 = arith.constant 224 : i32
    %add3A_11 = arith.addi %mul3A_8, %add3A_10 : i32
    "tpu.region"() ({
      %run_scoped3A = tpu.sem_alloc : memref<!tpu.dma_semaphore, #tpu.memory_space<semaphore_mem>>
      %dma_start3A = arith.constant 0 : i32
      %dma_start3A_37 = tpu.memref_slice %arg13[%add3A_11, %dma_start3A] : memref<25088x64xf32, #tpu.memory_space<vmem_shared>> -> memref<224x64xf32, #tpu.memory_space<vmem_shared>>
      %dma_start3A_38 = arith.constant 0 : i32
      %dma_start3A_39 = tpu.memref_slice %arg13[%add3A_11, %dma_start3A_38] : memref<25088x64xf32, #tpu.memory_space<vmem_shared>> -> memref<224x64xf32, #tpu.memory_space<vmem_shared>>
      tpu.enqueue_dma source(%arg12 : memref<224x64xf32, #tpu.memory_space<vmem>>) target(%dma_start3A_39 : memref<224x64xf32, #tpu.memory_space<vmem_shared>>) target_semaphore(%run_scoped3A : memref<!tpu.dma_semaphore, #tpu.memory_space<semaphore_mem>>)
      %dma_wait3A = arith.constant 0 : i32
      %dma_wait3A_40 = tpu.memref_slice %arg13[%add3A_11, %dma_wait3A] : memref<25088x64xf32, #tpu.memory_space<vmem_shared>> -> memref<224x64xf32, #tpu.memory_space<vmem_shared>>
      %dma_wait3A_41 = arith.constant 0 : i32
      %dma_wait3A_42 = tpu.memref_slice %arg13[%add3A_11, %dma_wait3A_41] : memref<25088x64xf32, #tpu.memory_space<vmem_shared>> -> memref<224x64xf32, #tpu.memory_space<vmem_shared>>
      tpu.wait_dma2 semaphore(%run_scoped3A : memref<!tpu.dma_semaphore, #tpu.memory_space<semaphore_mem>>) src(%arg12 : memref<224x64xf32, #tpu.memory_space<vmem>>) dst(%dma_wait3A_42 : memref<224x64xf32, #tpu.memory_space<vmem_shared>>)
      tpu.yield
    }) : () -> ()
    %add3A_12 = arith.constant 448 : i32
    %add3A_13 = arith.addi %mul3A_8, %add3A_12 : i32
    "tpu.region"() ({
      %run_scoped3A = tpu.sem_alloc : memref<!tpu.dma_semaphore, #tpu.memory_space<semaphore_mem>>
      %dma_start3A = arith.constant 0 : i32
      %dma_start3A_37 = tpu.memref_slice %arg13[%add3A_13, %dma_start3A] : memref<25088x64xf32, #tpu.memory_space<vmem_shared>> -> memref<224x64xf32, #tpu.memory_space<vmem_shared>>
      %dma_start3A_38 = arith.constant 0 : i32
      %dma_start3A_39 = tpu.memref_slice %arg13[%add3A_13, %dma_start3A_38] : memref<25088x64xf32, #tpu.memory_space<vmem_shared>> -> memref<224x64xf32, #tpu.memory_space<vmem_shared>>
      tpu.enqueue_dma source(%arg12 : memref<224x64xf32, #tpu.memory_space<vmem>>) target(%dma_start3A_39 : memref<224x64xf32, #tpu.memory_space<vmem_shared>>) target_semaphore(%run_scoped3A : memref<!tpu.dma_semaphore, #tpu.memory_space<semaphore_mem>>)
      %dma_wait3A = arith.constant 0 : i32
      %dma_wait3A_40 = tpu.memref_slice %arg13[%add3A_13, %dma_wait3A] : memref<25088x64xf32, #tpu.memory_space<vmem_shared>> -> memref<224x64xf32, #tpu.memory_space<vmem_shared>>
      %dma_wait3A_41 = arith.constant 0 : i32
      %dma_wait3A_42 = tpu.memref_slice %arg13[%add3A_13, %dma_wait3A_41] : memref<25088x64xf32, #tpu.memory_space<vmem_shared>> -> memref<224x64xf32, #tpu.memory_space<vmem_shared>>
      tpu.wait_dma2 semaphore(%run_scoped3A : memref<!tpu.dma_semaphore, #tpu.memory_space<semaphore_mem>>) src(%arg12 : memref<224x64xf32, #tpu.memory_space<vmem>>) dst(%dma_wait3A_42 : memref<224x64xf32, #tpu.memory_space<vmem_shared>>)
      tpu.yield
    }) : () -> ()
    %add3A_14 = arith.constant 672 : i32
    %add3A_15 = arith.addi %mul3A_8, %add3A_14 : i32
    "tpu.region"() ({
      %run_scoped3A = tpu.sem_alloc : memref<!tpu.dma_semaphore, #tpu.memory_space<semaphore_mem>>
      %dma_start3A = arith.constant 0 : i32
      %dma_start3A_37 = tpu.memref_slice %arg13[%add3A_15, %dma_start3A] : memref<25088x64xf32, #tpu.memory_space<vmem_shared>> -> memref<224x64xf32, #tpu.memory_space<vmem_shared>>
      %dma_start3A_38 = arith.constant 0 : i32
      %dma_start3A_39 = tpu.memref_slice %arg13[%add3A_15, %dma_start3A_38] : memref<25088x64xf32, #tpu.memory_space<vmem_shared>> -> memref<224x64xf32, #tpu.memory_space<vmem_shared>>
      tpu.enqueue_dma source(%arg12 : memref<224x64xf32, #tpu.memory_space<vmem>>) target(%dma_start3A_39 : memref<224x64xf32, #tpu.memory_space<vmem_shared>>) target_semaphore(%run_scoped3A : memref<!tpu.dma_semaphore, #tpu.memory_space<semaphore_mem>>)
      %dma_wait3A = arith.constant 0 : i32
      %dma_wait3A_40 = tpu.memref_slice %arg13[%add3A_15, %dma_wait3A] : memref<25088x64xf32, #tpu.memory_space<vmem_shared>> -> memref<224x64xf32, #tpu.memory_space<vmem_shared>>
      %dma_wait3A_41 = arith.constant 0 : i32
      %dma_wait3A_42 = tpu.memref_slice %arg13[%add3A_15, %dma_wait3A_41] : memref<25088x64xf32, #tpu.memory_space<vmem_shared>> -> memref<224x64xf32, #tpu.memory_space<vmem_shared>>
      tpu.wait_dma2 semaphore(%run_scoped3A : memref<!tpu.dma_semaphore, #tpu.memory_space<semaphore_mem>>) src(%arg12 : memref<224x64xf32, #tpu.memory_space<vmem>>) dst(%dma_wait3A_42 : memref<224x64xf32, #tpu.memory_space<vmem_shared>>)
      tpu.yield
    }) : () -> ()
    %add3A_16 = arith.constant 896 : i32
    %add3A_17 = arith.addi %mul3A_8, %add3A_16 : i32
    "tpu.region"() ({
      %run_scoped3A = tpu.sem_alloc : memref<!tpu.dma_semaphore, #tpu.memory_space<semaphore_mem>>
      %dma_start3A = arith.constant 0 : i32
      %dma_start3A_37 = tpu.memref_slice %arg13[%add3A_17, %dma_start3A] : memref<25088x64xf32, #tpu.memory_space<vmem_shared>> -> memref<224x64xf32, #tpu.memory_space<vmem_shared>>
      %dma_start3A_38 = arith.constant 0 : i32
      %dma_start3A_39 = tpu.memref_slice %arg13[%add3A_17, %dma_start3A_38] : memref<25088x64xf32, #tpu.memory_space<vmem_shared>> -> memref<224x64xf32, #tpu.memory_space<vmem_shared>>
      tpu.enqueue_dma source(%arg12 : memref<224x64xf32, #tpu.memory_space<vmem>>) target(%dma_start3A_39 : memref<224x64xf32, #tpu.memory_space<vmem_shared>>) target_semaphore(%run_scoped3A : memref<!tpu.dma_semaphore, #tpu.memory_space<semaphore_mem>>)
      %dma_wait3A = arith.constant 0 : i32
      %dma_wait3A_40 = tpu.memref_slice %arg13[%add3A_17, %dma_wait3A] : memref<25088x64xf32, #tpu.memory_space<vmem_shared>> -> memref<224x64xf32, #tpu.memory_space<vmem_shared>>
      %dma_wait3A_41 = arith.constant 0 : i32
      %dma_wait3A_42 = tpu.memref_slice %arg13[%add3A_17, %dma_wait3A_41] : memref<25088x64xf32, #tpu.memory_space<vmem_shared>> -> memref<224x64xf32, #tpu.memory_space<vmem_shared>>
      tpu.wait_dma2 semaphore(%run_scoped3A : memref<!tpu.dma_semaphore, #tpu.memory_space<semaphore_mem>>) src(%arg12 : memref<224x64xf32, #tpu.memory_space<vmem>>) dst(%dma_wait3A_42 : memref<224x64xf32, #tpu.memory_space<vmem_shared>>)
      tpu.yield
    }) : () -> ()
    %add3A_18 = arith.constant 1120 : i32
    %add3A_19 = arith.addi %mul3A_8, %add3A_18 : i32
    "tpu.region"() ({
      %run_scoped3A = tpu.sem_alloc : memref<!tpu.dma_semaphore, #tpu.memory_space<semaphore_mem>>
      %dma_start3A = arith.constant 0 : i32
      %dma_start3A_37 = tpu.memref_slice %arg13[%add3A_19, %dma_start3A] : memref<25088x64xf32, #tpu.memory_space<vmem_shared>> -> memref<224x64xf32, #tpu.memory_space<vmem_shared>>
      %dma_start3A_38 = arith.constant 0 : i32
      %dma_start3A_39 = tpu.memref_slice %arg13[%add3A_19, %dma_start3A_38] : memref<25088x64xf32, #tpu.memory_space<vmem_shared>> -> memref<224x64xf32, #tpu.memory_space<vmem_shared>>
      tpu.enqueue_dma source(%arg12 : memref<224x64xf32, #tpu.memory_space<vmem>>) target(%dma_start3A_39 : memref<224x64xf32, #tpu.memory_space<vmem_shared>>) target_semaphore(%run_scoped3A : memref<!tpu.dma_semaphore, #tpu.memory_space<semaphore_mem>>)
      %dma_wait3A = arith.constant 0 : i32
      %dma_wait3A_40 = tpu.memref_slice %arg13[%add3A_19, %dma_wait3A] : memref<25088x64xf32, #tpu.memory_space<vmem_shared>> -> memref<224x64xf32, #tpu.memory_space<vmem_shared>>
      %dma_wait3A_41 = arith.constant 0 : i32
      %dma_wait3A_42 = tpu.memref_slice %arg13[%add3A_19, %dma_wait3A_41] : memref<25088x64xf32, #tpu.memory_space<vmem_shared>> -> memref<224x64xf32, #tpu.memory_space<vmem_shared>>
      tpu.wait_dma2 semaphore(%run_scoped3A : memref<!tpu.dma_semaphore, #tpu.memory_space<semaphore_mem>>) src(%arg12 : memref<224x64xf32, #tpu.memory_space<vmem>>) dst(%dma_wait3A_42 : memref<224x64xf32, #tpu.memory_space<vmem_shared>>)
      tpu.yield
    }) : () -> ()
    %add3A_20 = arith.constant 1344 : i32
    %add3A_21 = arith.addi %mul3A_8, %add3A_20 : i32
    "tpu.region"() ({
      %run_scoped3A = tpu.sem_alloc : memref<!tpu.dma_semaphore, #tpu.memory_space<semaphore_mem>>
      %dma_start3A = arith.constant 0 : i32
      %dma_start3A_37 = tpu.memref_slice %arg13[%add3A_21, %dma_start3A] : memref<25088x64xf32, #tpu.memory_space<vmem_shared>> -> memref<224x64xf32, #tpu.memory_space<vmem_shared>>
      %dma_start3A_38 = arith.constant 0 : i32
      %dma_start3A_39 = tpu.memref_slice %arg13[%add3A_21, %dma_start3A_38] : memref<25088x64xf32, #tpu.memory_space<vmem_shared>> -> memref<224x64xf32, #tpu.memory_space<vmem_shared>>
      tpu.enqueue_dma source(%arg12 : memref<224x64xf32, #tpu.memory_space<vmem>>) target(%dma_start3A_39 : memref<224x64xf32, #tpu.memory_space<vmem_shared>>) target_semaphore(%run_scoped3A : memref<!tpu.dma_semaphore, #tpu.memory_space<semaphore_mem>>)
      %dma_wait3A = arith.constant 0 : i32
      %dma_wait3A_40 = tpu.memref_slice %arg13[%add3A_21, %dma_wait3A] : memref<25088x64xf32, #tpu.memory_space<vmem_shared>> -> memref<224x64xf32, #tpu.memory_space<vmem_shared>>
      %dma_wait3A_41 = arith.constant 0 : i32
      %dma_wait3A_42 = tpu.memref_slice %arg13[%add3A_21, %dma_wait3A_41] : memref<25088x64xf32, #tpu.memory_space<vmem_shared>> -> memref<224x64xf32, #tpu.memory_space<vmem_shared>>
      tpu.wait_dma2 semaphore(%run_scoped3A : memref<!tpu.dma_semaphore, #tpu.memory_space<semaphore_mem>>) src(%arg12 : memref<224x64xf32, #tpu.memory_space<vmem>>) dst(%dma_wait3A_42 : memref<224x64xf32, #tpu.memory_space<vmem_shared>>)
      tpu.yield
    }) : () -> ()
    %barrier3A = arith.constant 0 : index
    tpu.barrier barrier_id(%barrier3A)
    %scan3A_22 = arith.constant 0 : i32
    %scan3A_23 = arith.constant 0 : i32
    %scan3A_24 = arith.constant 625 : i32
    %scan3A_25 = arith.addi %scan3A_23, %scan3A_24 : i32
    %scan3A_26 = arith.constant 1 : i32
    %scan3A_27 = scf.for %scan3A_37 = %scan3A_23 to %scan3A_25 step %scan3A_26 iter_args(%scan3A_38 = %scan3A_22) -> (i32)  : i32 {
      %mul3A_39 = arith.constant 50000 : i32
      %mul3A_40 = arith.muli %arg1, %mul3A_39 : i32
      %mul3A_41 = arith.constant 80 : i32
      %mul3A_42 = arith.muli %scan3A_37, %mul3A_41 : i32
      %add3A_43 = arith.addi %mul3A_40, %mul3A_42 : i32
      "tpu.region"() ({
        %run_scoped3A = tpu.sem_alloc : memref<!tpu.dma_semaphore, #tpu.memory_space<semaphore_mem>>
        %dma_start3A_142 = tpu.memref_slice %arg3[%add3A_43] : memref<800000xi32, #tpu.memory_space<hbm>> -> memref<80xi32, #tpu.memory_space<hbm>>
        %dma_start3A_143 = tpu.memref_slice %arg3[%add3A_43] : memref<800000xi32, #tpu.memory_space<hbm>> -> memref<80xi32, #tpu.memory_space<hbm>>
        tpu.enqueue_dma source(%dma_start3A_143 : memref<80xi32, #tpu.memory_space<hbm>>) target(%arg7 : memref<80xi32, #tpu.memory_space<vmem>>) target_semaphore(%run_scoped3A : memref<!tpu.dma_semaphore, #tpu.memory_space<semaphore_mem>>)
        %dma_wait3A_144 = tpu.memref_slice %arg3[%add3A_43] : memref<800000xi32, #tpu.memory_space<hbm>> -> memref<80xi32, #tpu.memory_space<hbm>>
        %dma_wait3A_145 = tpu.memref_slice %arg3[%add3A_43] : memref<800000xi32, #tpu.memory_space<hbm>> -> memref<80xi32, #tpu.memory_space<hbm>>
        tpu.wait_dma2 semaphore(%run_scoped3A : memref<!tpu.dma_semaphore, #tpu.memory_space<semaphore_mem>>) src(%dma_wait3A_145 : memref<80xi32, #tpu.memory_space<hbm>>) dst(%arg7 : memref<80xi32, #tpu.memory_space<vmem>>)
        tpu.yield
      }) : () -> ()
      "tpu.region"() ({
        %run_scoped3A = tpu.sem_alloc : memref<!tpu.dma_semaphore, #tpu.memory_space<semaphore_mem>>
        %dma_start3A_142 = tpu.memref_slice %arg4[%add3A_43] : memref<800000xi32, #tpu.memory_space<hbm>> -> memref<80xi32, #tpu.memory_space<hbm>>
        %dma_start3A_143 = tpu.memref_slice %arg4[%add3A_43] : memref<800000xi32, #tpu.memory_space<hbm>> -> memref<80xi32, #tpu.memory_space<hbm>>
        tpu.enqueue_dma source(%dma_start3A_143 : memref<80xi32, #tpu.memory_space<hbm>>) target(%arg8 : memref<80xi32, #tpu.memory_space<vmem>>) target_semaphore(%run_scoped3A : memref<!tpu.dma_semaphore, #tpu.memory_space<semaphore_mem>>)
        %dma_wait3A_144 = tpu.memref_slice %arg4[%add3A_43] : memref<800000xi32, #tpu.memory_space<hbm>> -> memref<80xi32, #tpu.memory_space<hbm>>
        %dma_wait3A_145 = tpu.memref_slice %arg4[%add3A_43] : memref<800000xi32, #tpu.memory_space<hbm>> -> memref<80xi32, #tpu.memory_space<hbm>>
        tpu.wait_dma2 semaphore(%run_scoped3A : memref<!tpu.dma_semaphore, #tpu.memory_space<semaphore_mem>>) src(%dma_wait3A_145 : memref<80xi32, #tpu.memory_space<hbm>>) dst(%arg8 : memref<80xi32, #tpu.memory_space<vmem>>)
        tpu.yield
      }) : () -> ()
      "tpu.region"() ({
        %run_scoped3A = tpu.sem_alloc : memref<!tpu.dma_semaphore, #tpu.memory_space<semaphore_mem>>
        %dma_start3A_142 = tpu.memref_slice %arg5[%add3A_43] : memref<800000xf32, #tpu.memory_space<hbm>> -> memref<80xf32, #tpu.memory_space<hbm>>
        %dma_start3A_143 = tpu.memref_slice %arg5[%add3A_43] : memref<800000xf32, #tpu.memory_space<hbm>> -> memref<80xf32, #tpu.memory_space<hbm>>
        tpu.enqueue_dma source(%dma_start3A_143 : memref<80xf32, #tpu.memory_space<hbm>>) target(%arg9 : memref<80xf32, #tpu.memory_space<vmem>>) target_semaphore(%run_scoped3A : memref<!tpu.dma_semaphore, #tpu.memory_space<semaphore_mem>>)
        %dma_wait3A_144 = tpu.memref_slice %arg5[%add3A_43] : memref<800000xf32, #tpu.memory_space<hbm>> -> memref<80xf32, #tpu.memory_space<hbm>>
        %dma_wait3A_145 = tpu.memref_slice %arg5[%add3A_43] : memref<800000xf32, #tpu.memory_space<hbm>> -> memref<80xf32, #tpu.memory_space<hbm>>
        tpu.wait_dma2 semaphore(%run_scoped3A : memref<!tpu.dma_semaphore, #tpu.memory_space<semaphore_mem>>) src(%dma_wait3A_145 : memref<80xf32, #tpu.memory_space<hbm>>) dst(%arg9 : memref<80xf32, #tpu.memory_space<vmem>>)
        tpu.yield
      }) : () -> ()
      %get3A = arith.constant 0 : index
      %get3A_44 = tpu.vector_load %arg7[%get3A] {strides = array<i32>} : memref<80xi32, #tpu.memory_space<vmem>>, vector<16xi32>,
      %get3A_45 = vector.shape_cast %get3A_44 : vector<16xi32> to vector<16xi32>
      %ge3A = vector.broadcast %mul3A_0 : i32 to vector<16xi32>
      %ge3A_46 = arith.cmpi sge, %get3A_45, %ge3A : vector<16xi32>
      %add3A_47 = arith.constant 25000 : i32
      %add3A_48 = arith.addi %mul3A_0, %add3A_47 : i32
      %lt3A = vector.broadcast %add3A_48 : i32 to vector<16xi32>
      %lt3A_49 = arith.cmpi slt, %get3A_45, %lt3A : vector<16xi32>
      %and3A = arith.andi %ge3A_46, %lt3A_49 : vector<16xi1>
      %sub3A = vector.broadcast %mul3A_0 : i32 to vector<16xi32>
      %sub3A_50 = arith.subi %get3A_45, %sub3A : vector<16xi32>
      %jit3A = arith.constant 25000 : i32
      %broadcast_in_dim3A = vector.broadcast %jit3A : i32 to vector<16xi32>
      %select_n3A = arith.select %and3A, %sub3A_50, %broadcast_in_dim3A : vector<16xi1>, vector<16xi32>
      %swap3A = arith.constant 0 : index
      %swap3A_51 = tpu.vector_load %arg10[%swap3A] {strides = array<i32>} : memref<80xi32, #tpu.memory_space<vmem>>, vector<16xi32>,
      %swap3A_52 = vector.shape_cast %swap3A_51 : vector<16xi32> to vector<16xi32>
      %swap3A_53 = vector.shape_cast %select_n3A : vector<16xi32> to vector<16xi32>
      tpu.vector_store %arg10[%swap3A], %swap3A_53 {strides = array<i32>} : memref<80xi32, #tpu.memory_space<vmem>>, vector<16xi32>,
      %get3A_54 = arith.constant 16 : index
      %get3A_55 = tpu.vector_load %arg7[%get3A_54] {strides = array<i32>} : memref<80xi32, #tpu.memory_space<vmem>>, vector<16xi32>,
      %get3A_56 = vector.shape_cast %get3A_55 : vector<16xi32> to vector<16xi32>
      %ge3A_57 = vector.broadcast %mul3A_0 : i32 to vector<16xi32>
      %ge3A_58 = arith.cmpi sge, %get3A_56, %ge3A_57 : vector<16xi32>
      %add3A_59 = arith.constant 25000 : i32
      %add3A_60 = arith.addi %mul3A_0, %add3A_59 : i32
      %lt3A_61 = vector.broadcast %add3A_60 : i32 to vector<16xi32>
      %lt3A_62 = arith.cmpi slt, %get3A_56, %lt3A_61 : vector<16xi32>
      %and3A_63 = arith.andi %ge3A_58, %lt3A_62 : vector<16xi1>
      %sub3A_64 = vector.broadcast %mul3A_0 : i32 to vector<16xi32>
      %sub3A_65 = arith.subi %get3A_56, %sub3A_64 : vector<16xi32>
      %jit3A_66 = arith.constant 25000 : i32
      %broadcast_in_dim3A_67 = vector.broadcast %jit3A_66 : i32 to vector<16xi32>
      %select_n3A_68 = arith.select %and3A_63, %sub3A_65, %broadcast_in_dim3A_67 : vector<16xi1>, vector<16xi32>
      %swap3A_69 = arith.constant 16 : index
      %swap3A_70 = tpu.vector_load %arg10[%swap3A_69] {strides = array<i32>} : memref<80xi32, #tpu.memory_space<vmem>>, vector<16xi32>,
      %swap3A_71 = vector.shape_cast %swap3A_70 : vector<16xi32> to vector<16xi32>
      %swap3A_72 = vector.shape_cast %select_n3A_68 : vector<16xi32> to vector<16xi32>
      tpu.vector_store %arg10[%swap3A_69], %swap3A_72 {strides = array<i32>} : memref<80xi32, #tpu.memory_space<vmem>>, vector<16xi32>,
      %get3A_73 = arith.constant 32 : index
      %get3A_74 = tpu.vector_load %arg7[%get3A_73] {strides = array<i32>} : memref<80xi32, #tpu.memory_space<vmem>>, vector<16xi32>,
      %get3A_75 = vector.shape_cast %get3A_74 : vector<16xi32> to vector<16xi32>
      %ge3A_76 = vector.broadcast %mul3A_0 : i32 to vector<16xi32>
      %ge3A_77 = arith.cmpi sge, %get3A_75, %ge3A_76 : vector<16xi32>
      %add3A_78 = arith.constant 25000 : i32
      %add3A_79 = arith.addi %mul3A_0, %add3A_78 : i32
      %lt3A_80 = vector.broadcast %add3A_79 : i32 to vector<16xi32>
      %lt3A_81 = arith.cmpi slt, %get3A_75, %lt3A_80 : vector<16xi32>
      %and3A_82 = arith.andi %ge3A_77, %lt3A_81 : vector<16xi1>
      %sub3A_83 = vector.broadcast %mul3A_0 : i32 to vector<16xi32>
      %sub3A_84 = arith.subi %get3A_75, %sub3A_83 : vector<16xi32>
      %jit3A_85 = arith.constant 25000 : i32
      %broadcast_in_dim3A_86 = vector.broadcast %jit3A_85 : i32 to vector<16xi32>
      %select_n3A_87 = arith.select %and3A_82, %sub3A_84, %broadcast_in_dim3A_86 : vector<16xi1>, vector<16xi32>
      %swap3A_88 = arith.constant 32 : index
      %swap3A_89 = tpu.vector_load %arg10[%swap3A_88] {strides = array<i32>} : memref<80xi32, #tpu.memory_space<vmem>>, vector<16xi32>,
      %swap3A_90 = vector.shape_cast %swap3A_89 : vector<16xi32> to vector<16xi32>
      %swap3A_91 = vector.shape_cast %select_n3A_87 : vector<16xi32> to vector<16xi32>
      tpu.vector_store %arg10[%swap3A_88], %swap3A_91 {strides = array<i32>} : memref<80xi32, #tpu.memory_space<vmem>>, vector<16xi32>,
      %get3A_92 = arith.constant 48 : index
      %get3A_93 = tpu.vector_load %arg7[%get3A_92] {strides = array<i32>} : memref<80xi32, #tpu.memory_space<vmem>>, vector<16xi32>,
      %get3A_94 = vector.shape_cast %get3A_93 : vector<16xi32> to vector<16xi32>
      %ge3A_95 = vector.broadcast %mul3A_0 : i32 to vector<16xi32>
      %ge3A_96 = arith.cmpi sge, %get3A_94, %ge3A_95 : vector<16xi32>
      %add3A_97 = arith.constant 25000 : i32
      %add3A_98 = arith.addi %mul3A_0, %add3A_97 : i32
      %lt3A_99 = vector.broadcast %add3A_98 : i32 to vector<16xi32>
      %lt3A_100 = arith.cmpi slt, %get3A_94, %lt3A_99 : vector<16xi32>
      %and3A_101 = arith.andi %ge3A_96, %lt3A_100 : vector<16xi1>
      %sub3A_102 = vector.broadcast %mul3A_0 : i32 to vector<16xi32>
      %sub3A_103 = arith.subi %get3A_94, %sub3A_102 : vector<16xi32>
      %jit3A_104 = arith.constant 25000 : i32
      %broadcast_in_dim3A_105 = vector.broadcast %jit3A_104 : i32 to vector<16xi32>
      %select_n3A_106 = arith.select %and3A_101, %sub3A_103, %broadcast_in_dim3A_105 : vector<16xi1>, vector<16xi32>
      %swap3A_107 = arith.constant 48 : index
      %swap3A_108 = tpu.vector_load %arg10[%swap3A_107] {strides = array<i32>} : memref<80xi32, #tpu.memory_space<vmem>>, vector<16xi32>,
      %swap3A_109 = vector.shape_cast %swap3A_108 : vector<16xi32> to vector<16xi32>
      %swap3A_110 = vector.shape_cast %select_n3A_106 : vector<16xi32> to vector<16xi32>
      tpu.vector_store %arg10[%swap3A_107], %swap3A_110 {strides = array<i32>} : memref<80xi32, #tpu.memory_space<vmem>>, vector<16xi32>,
      %get3A_111 = arith.constant 64 : index
      %get3A_112 = tpu.vector_load %arg7[%get3A_111] {strides = array<i32>} : memref<80xi32, #tpu.memory_space<vmem>>, vector<16xi32>,
      %get3A_113 = vector.shape_cast %get3A_112 : vector<16xi32> to vector<16xi32>
      %ge3A_114 = vector.broadcast %mul3A_0 : i32 to vector<16xi32>
      %ge3A_115 = arith.cmpi sge, %get3A_113, %ge3A_114 : vector<16xi32>
      %add3A_116 = arith.constant 25000 : i32
      %add3A_117 = arith.addi %mul3A_0, %add3A_116 : i32
      %lt3A_118 = vector.broadcast %add3A_117 : i32 to vector<16xi32>
      %lt3A_119 = arith.cmpi slt, %get3A_113, %lt3A_118 : vector<16xi32>
      %and3A_120 = arith.andi %ge3A_115, %lt3A_119 : vector<16xi1>
      %sub3A_121 = vector.broadcast %mul3A_0 : i32 to vector<16xi32>
      %sub3A_122 = arith.subi %get3A_113, %sub3A_121 : vector<16xi32>
      %jit3A_123 = arith.constant 25000 : i32
      %broadcast_in_dim3A_124 = vector.broadcast %jit3A_123 : i32 to vector<16xi32>
      %select_n3A_125 = arith.select %and3A_120, %sub3A_122, %broadcast_in_dim3A_124 : vector<16xi1>, vector<16xi32>
      %swap3A_126 = arith.constant 64 : index
      %swap3A_127 = tpu.vector_load %arg10[%swap3A_126] {strides = array<i32>} : memref<80xi32, #tpu.memory_space<vmem>>, vector<16xi32>,
      %swap3A_128 = vector.shape_cast %swap3A_127 : vector<16xi32> to vector<16xi32>
      %swap3A_129 = vector.shape_cast %select_n3A_125 : vector<16xi32> to vector<16xi32>
      tpu.vector_store %arg10[%swap3A_126], %swap3A_129 {strides = array<i32>} : memref<80xi32, #tpu.memory_space<vmem>>, vector<16xi32>,
      %dma_start3A = arith.constant 0 : i32
      %dma_start3A_130 = arith.constant 0 : i32
      %dma_start3A_131 = tpu.memref_slice %arg2[%dma_start3A, %dma_start3A_130] : memref<50000x64xf32, #tpu.memory_space<hbm>> -> memref<50000x64xf32, #tpu.memory_space<hbm>>
      tpu.enqueue_indirect_dma source(%dma_start3A_131 : memref<50000x64xf32, #tpu.memory_space<hbm>>) target(%arg11 : memref<80x64xf32, #tpu.memory_space<vmem>>) offsets(%arg8 : memref<80xi32, #tpu.memory_space<vmem>>) semaphore(%arg14 : memref<!tpu.dma_semaphore, #tpu.memory_space<semaphore_mem>>)
      %dma_wait3A = arith.constant 0 : i32
      %dma_wait3A_132 = arith.constant 0 : i32
      %dma_wait3A_133 = tpu.memref_slice %arg2[%dma_wait3A, %dma_wait3A_132] : memref<50000x64xf32, #tpu.memory_space<hbm>> -> memref<50000x64xf32, #tpu.memory_space<hbm>>
      tpu.wait_indirect_dma semaphore(%arg14 : memref<!tpu.dma_semaphore, #tpu.memory_space<semaphore_mem>>) src(%dma_wait3A_133 : memref<50000x64xf32, #tpu.memory_space<hbm>>) dst(%arg11 : memref<80x64xf32, #tpu.memory_space<vmem>>)
      %scan3A_134 = arith.constant 0 : i32
      %scan3A_135 = arith.constant 0 : i32
      %scan3A_136 = arith.constant 5 : i32
      %scan3A_137 = arith.addi %scan3A_135, %scan3A_136 : i32
      %scan3A_138 = arith.constant 1 : i32
      %scan3A_139 = scf.for %scan3A_142 = %scan3A_135 to %scan3A_137 step %scan3A_138 iter_args(%scan3A_143 = %scan3A_134) -> (i32)  : i32 {
        %mul3A_144 = arith.constant 16 : i32
        %mul3A_145 = arith.muli %scan3A_142, %mul3A_144 : i32
        %get3A_146 = arith.index_cast %mul3A_145 : i32 to index
        %get3A_147 = tpu.vector_load %arg9[%get3A_146] {strides = array<i32>} : memref<80xf32, #tpu.memory_space<vmem>>, vector<16xf32>,
        %get3A_148 = vector.shape_cast %get3A_147 : vector<16xf32> to vector<16xf32>
        %slice3A = vector.extract_strided_slice %get3A_148 {offsets = [0], sizes = [1], strides = [1]} : vector<16xf32> to vector<1xf32>
        %squeeze3A = vector.extract %slice3A[0] : f32 from vector<1xf32>
        %broadcast_in_dim3A_149 = vector.broadcast %squeeze3A : f32 to vector<16xf32>
        %mul3A_150 = arith.constant 16 : i32
        %mul3A_151 = arith.muli %scan3A_142, %mul3A_150 : i32
        %add3A_152 = arith.constant 0 : i32
        %add3A_153 = arith.addi %mul3A_151, %add3A_152 : i32
        %get3A_154 = arith.index_cast %add3A_153 : i32 to index
        %get3A_155 = arith.constant 0 : index
        %get3A_156 = tpu.vector_load %arg11[%get3A_154, %get3A_155] {strides = array<i32>} : memref<80x64xf32, #tpu.memory_space<vmem>>, vector<1x16xf32>,
        %get3A_157 = vector.shape_cast %get3A_156 : vector<1x16xf32> to vector<16xf32>
        %mul3A_158 = arith.mulf %get3A_157, %broadcast_in_dim3A_149 : vector<16xf32>
        %swap3A_159 = arith.index_cast %add3A_153 : i32 to index
        %swap3A_160 = arith.constant 0 : index
        %swap3A_161 = tpu.vector_load %arg11[%swap3A_159, %swap3A_160] {strides = array<i32>} : memref<80x64xf32, #tpu.memory_space<vmem>>, vector<1x16xf32>,
        %swap3A_162 = vector.shape_cast %swap3A_161 : vector<1x16xf32> to vector<16xf32>
        %swap3A_163 = vector.shape_cast %mul3A_158 : vector<16xf32> to vector<1x16xf32>
        tpu.vector_store %arg11[%swap3A_159, %swap3A_160], %swap3A_163 {strides = array<i32>} : memref<80x64xf32, #tpu.memory_space<vmem>>, vector<1x16xf32>,
        %get3A_164 = arith.index_cast %add3A_153 : i32 to index
        %get3A_165 = arith.constant 16 : index
        %get3A_166 = tpu.vector_load %arg11[%get3A_164, %get3A_165] {strides = array<i32>} : memref<80x64xf32, #tpu.memory_space<vmem>>, vector<1x16xf32>,
        %get3A_167 = vector.shape_cast %get3A_166 : vector<1x16xf32> to vector<16xf32>
        %mul3A_168 = arith.mulf %get3A_167, %broadcast_in_dim3A_149 : vector<16xf32>
        %swap3A_169 = arith.index_cast %add3A_153 : i32 to index
        %swap3A_170 = arith.constant 16 : index
        %swap3A_171 = tpu.vector_load %arg11[%swap3A_169, %swap3A_170] {strides = array<i32>} : memref<80x64xf32, #tpu.memory_space<vmem>>, vector<1x16xf32>,
        %swap3A_172 = vector.shape_cast %swap3A_171 : vector<1x16xf32> to vector<16xf32>
        %swap3A_173 = vector.shape_cast %mul3A_168 : vector<16xf32> to vector<1x16xf32>
        tpu.vector_store %arg11[%swap3A_169, %swap3A_170], %swap3A_173 {strides = array<i32>} : memref<80x64xf32, #tpu.memory_space<vmem>>, vector<1x16xf32>,
        %get3A_174 = arith.index_cast %add3A_153 : i32 to index
        %get3A_175 = arith.constant 32 : index
        %get3A_176 = tpu.vector_load %arg11[%get3A_174, %get3A_175] {strides = array<i32>} : memref<80x64xf32, #tpu.memory_space<vmem>>, vector<1x16xf32>,
        %get3A_177 = vector.shape_cast %get3A_176 : vector<1x16xf32> to vector<16xf32>
        %mul3A_178 = arith.mulf %get3A_177, %broadcast_in_dim3A_149 : vector<16xf32>
        %swap3A_179 = arith.index_cast %add3A_153 : i32 to index
        %swap3A_180 = arith.constant 32 : index
        %swap3A_181 = tpu.vector_load %arg11[%swap3A_179, %swap3A_180] {strides = array<i32>} : memref<80x64xf32, #tpu.memory_space<vmem>>, vector<1x16xf32>,
        %swap3A_182 = vector.shape_cast %swap3A_181 : vector<1x16xf32> to vector<16xf32>
        %swap3A_183 = vector.shape_cast %mul3A_178 : vector<16xf32> to vector<1x16xf32>
        tpu.vector_store %arg11[%swap3A_179, %swap3A_180], %swap3A_183 {strides = array<i32>} : memref<80x64xf32, #tpu.memory_space<vmem>>, vector<1x16xf32>,
        %get3A_184 = arith.index_cast %add3A_153 : i32 to index
        %get3A_185 = arith.constant 48 : index
        %get3A_186 = tpu.vector_load %arg11[%get3A_184, %get3A_185] {strides = array<i32>} : memref<80x64xf32, #tpu.memory_space<vmem>>, vector<1x16xf32>,
        %get3A_187 = vector.shape_cast %get3A_186 : vector<1x16xf32> to vector<16xf32>
        %mul3A_188 = arith.mulf %get3A_187, %broadcast_in_dim3A_149 : vector<16xf32>
        %swap3A_189 = arith.index_cast %add3A_153 : i32 to index
        %swap3A_190 = arith.constant 48 : index
        %swap3A_191 = tpu.vector_load %arg11[%swap3A_189, %swap3A_190] {strides = array<i32>} : memref<80x64xf32, #tpu.memory_space<vmem>>, vector<1x16xf32>,
        %swap3A_192 = vector.shape_cast %swap3A_191 : vector<1x16xf32> to vector<16xf32>
        %swap3A_193 = vector.shape_cast %mul3A_188 : vector<16xf32> to vector<1x16xf32>
        tpu.vector_store %arg11[%swap3A_189, %swap3A_190], %swap3A_193 {strides = array<i32>} : memref<80x64xf32, #tpu.memory_space<vmem>>, vector<1x16xf32>,
        %slice3A_194 = vector.extract_strided_slice %get3A_148 {offsets = [1], sizes = [1], strides = [1]} : vector<16xf32> to vector<1xf32>
        %squeeze3A_195 = vector.extract %slice3A_194[0] : f32 from vector<1xf32>
        %broadcast_in_dim3A_196 = vector.broadcast %squeeze3A_195 : f32 to vector<16xf32>
        %mul3A_197 = arith.constant 16 : i32
        %mul3A_198 = arith.muli %scan3A_142, %mul3A_197 : i32
        %add3A_199 = arith.constant 1 : i32
        %add3A_200 = arith.addi %mul3A_198, %add3A_199 : i32
        %get3A_201 = arith.index_cast %add3A_200 : i32 to index
        %get3A_202 = arith.constant 0 : index
        %get3A_203 = tpu.vector_load %arg11[%get3A_201, %get3A_202] {strides = array<i32>} : memref<80x64xf32, #tpu.memory_space<vmem>>, vector<1x16xf32>,
        %get3A_204 = vector.shape_cast %get3A_203 : vector<1x16xf32> to vector<16xf32>
        %mul3A_205 = arith.mulf %get3A_204, %broadcast_in_dim3A_196 : vector<16xf32>
        %swap3A_206 = arith.index_cast %add3A_200 : i32 to index
        %swap3A_207 = arith.constant 0 : index
        %swap3A_208 = tpu.vector_load %arg11[%swap3A_206, %swap3A_207] {strides = array<i32>} : memref<80x64xf32, #tpu.memory_space<vmem>>, vector<1x16xf32>,
        %swap3A_209 = vector.shape_cast %swap3A_208 : vector<1x16xf32> to vector<16xf32>
        %swap3A_210 = vector.shape_cast %mul3A_205 : vector<16xf32> to vector<1x16xf32>
        tpu.vector_store %arg11[%swap3A_206, %swap3A_207], %swap3A_210 {strides = array<i32>} : memref<80x64xf32, #tpu.memory_space<vmem>>, vector<1x16xf32>,
        %get3A_211 = arith.index_cast %add3A_200 : i32 to index
        %get3A_212 = arith.constant 16 : index
        %get3A_213 = tpu.vector_load %arg11[%get3A_211, %get3A_212] {strides = array<i32>} : memref<80x64xf32, #tpu.memory_space<vmem>>, vector<1x16xf32>,
        %get3A_214 = vector.shape_cast %get3A_213 : vector<1x16xf32> to vector<16xf32>
        %mul3A_215 = arith.mulf %get3A_214, %broadcast_in_dim3A_196 : vector<16xf32>
        %swap3A_216 = arith.index_cast %add3A_200 : i32 to index
        %swap3A_217 = arith.constant 16 : index
        %swap3A_218 = tpu.vector_load %arg11[%swap3A_216, %swap3A_217] {strides = array<i32>} : memref<80x64xf32, #tpu.memory_space<vmem>>, vector<1x16xf32>,
        %swap3A_219 = vector.shape_cast %swap3A_218 : vector<1x16xf32> to vector<16xf32>
        %swap3A_220 = vector.shape_cast %mul3A_215 : vector<16xf32> to vector<1x16xf32>
        tpu.vector_store %arg11[%swap3A_216, %swap3A_217], %swap3A_220 {strides = array<i32>} : memref<80x64xf32, #tpu.memory_space<vmem>>, vector<1x16xf32>,
        %get3A_221 = arith.index_cast %add3A_200 : i32 to index
        %get3A_222 = arith.constant 32 : index
        %get3A_223 = tpu.vector_load %arg11[%get3A_221, %get3A_222] {strides = array<i32>} : memref<80x64xf32, #tpu.memory_space<vmem>>, vector<1x16xf32>,
        %get3A_224 = vector.shape_cast %get3A_223 : vector<1x16xf32> to vector<16xf32>
        %mul3A_225 = arith.mulf %get3A_224, %broadcast_in_dim3A_196 : vector<16xf32>
        %swap3A_226 = arith.index_cast %add3A_200 : i32 to index
        %swap3A_227 = arith.constant 32 : index
        %swap3A_228 = tpu.vector_load %arg11[%swap3A_226, %swap3A_227] {strides = array<i32>} : memref<80x64xf32, #tpu.memory_space<vmem>>, vector<1x16xf32>,
        %swap3A_229 = vector.shape_cast %swap3A_228 : vector<1x16xf32> to vector<16xf32>
        %swap3A_230 = vector.shape_cast %mul3A_225 : vector<16xf32> to vector<1x16xf32>
        tpu.vector_store %arg11[%swap3A_226, %swap3A_227], %swap3A_230 {strides = array<i32>} : memref<80x64xf32, #tpu.memory_space<vmem>>, vector<1x16xf32>,
        %get3A_231 = arith.index_cast %add3A_200 : i32 to index
        %get3A_232 = arith.constant 48 : index
        %get3A_233 = tpu.vector_load %arg11[%get3A_231, %get3A_232] {strides = array<i32>} : memref<80x64xf32, #tpu.memory_space<vmem>>, vector<1x16xf32>,
        %get3A_234 = vector.shape_cast %get3A_233 : vector<1x16xf32> to vector<16xf32>
        %mul3A_235 = arith.mulf %get3A_234, %broadcast_in_dim3A_196 : vector<16xf32>
        %swap3A_236 = arith.index_cast %add3A_200 : i32 to index
        %swap3A_237 = arith.constant 48 : index
        %swap3A_238 = tpu.vector_load %arg11[%swap3A_236, %swap3A_237] {strides = array<i32>} : memref<80x64xf32, #tpu.memory_space<vmem>>, vector<1x16xf32>,
        %swap3A_239 = vector.shape_cast %swap3A_238 : vector<1x16xf32> to vector<16xf32>
        %swap3A_240 = vector.shape_cast %mul3A_235 : vector<16xf32> to vector<1x16xf32>
        tpu.vector_store %arg11[%swap3A_236, %swap3A_237], %swap3A_240 {strides = array<i32>} : memref<80x64xf32, #tpu.memory_space<vmem>>, vector<1x16xf32>,
        %slice3A_241 = vector.extract_strided_slice %get3A_148 {offsets = [2], sizes = [1], strides = [1]} : vector<16xf32> to vector<1xf32>
        %squeeze3A_242 = vector.extract %slice3A_241[0] : f32 from vector<1xf32>
        %broadcast_in_dim3A_243 = vector.broadcast %squeeze3A_242 : f32 to vector<16xf32>
        %mul3A_244 = arith.constant 16 : i32
        %mul3A_245 = arith.muli %scan3A_142, %mul3A_244 : i32
        %add3A_246 = arith.constant 2 : i32
        %add3A_247 = arith.addi %mul3A_245, %add3A_246 : i32
        %get3A_248 = arith.index_cast %add3A_247 : i32 to index
        %get3A_249 = arith.constant 0 : index
        %get3A_250 = tpu.vector_load %arg11[%get3A_248, %get3A_249] {strides = array<i32>} : memref<80x64xf32, #tpu.memory_space<vmem>>, vector<1x16xf32>,
        %get3A_251 = vector.shape_cast %get3A_250 : vector<1x16xf32> to vector<16xf32>
        %mul3A_252 = arith.mulf %get3A_251, %broadcast_in_dim3A_243 : vector<16xf32>
        %swap3A_253 = arith.index_cast %add3A_247 : i32 to index
        %swap3A_254 = arith.constant 0 : index
        %swap3A_255 = tpu.vector_load %arg11[%swap3A_253, %swap3A_254] {strides = array<i32>} : memref<80x64xf32, #tpu.memory_space<vmem>>, vector<1x16xf32>,
        %swap3A_256 = vector.shape_cast %swap3A_255 : vector<1x16xf32> to vector<16xf32>
        %swap3A_257 = vector.shape_cast %mul3A_252 : vector<16xf32> to vector<1x16xf32>
        tpu.vector_store %arg11[%swap3A_253, %swap3A_254], %swap3A_257 {strides = array<i32>} : memref<80x64xf32, #tpu.memory_space<vmem>>, vector<1x16xf32>,
        %get3A_258 = arith.index_cast %add3A_247 : i32 to index
        %get3A_259 = arith.constant 16 : index
        %get3A_260 = tpu.vector_load %arg11[%get3A_258, %get3A_259] {strides = array<i32>} : memref<80x64xf32, #tpu.memory_space<vmem>>, vector<1x16xf32>,
        %get3A_261 = vector.shape_cast %get3A_260 : vector<1x16xf32> to vector<16xf32>
        %mul3A_262 = arith.mulf %get3A_261, %broadcast_in_dim3A_243 : vector<16xf32>
        %swap3A_263 = arith.index_cast %add3A_247 : i32 to index
        %swap3A_264 = arith.constant 16 : index
        %swap3A_265 = tpu.vector_load %arg11[%swap3A_263, %swap3A_264] {strides = array<i32>} : memref<80x64xf32, #tpu.memory_space<vmem>>, vector<1x16xf32>,
        %swap3A_266 = vector.shape_cast %swap3A_265 : vector<1x16xf32> to vector<16xf32>
        %swap3A_267 = vector.shape_cast %mul3A_262 : vector<16xf32> to vector<1x16xf32>
        tpu.vector_store %arg11[%swap3A_263, %swap3A_264], %swap3A_267 {strides = array<i32>} : memref<80x64xf32, #tpu.memory_space<vmem>>, vector<1x16xf32>,
        %get3A_268 = arith.index_cast %add3A_247 : i32 to index
        %get3A_269 = arith.constant 32 : index
        %get3A_270 = tpu.vector_load %arg11[%get3A_268, %get3A_269] {strides = array<i32>} : memref<80x64xf32, #tpu.memory_space<vmem>>, vector<1x16xf32>,
        %get3A_271 = vector.shape_cast %get3A_270 : vector<1x16xf32> to vector<16xf32>
        %mul3A_272 = arith.mulf %get3A_271, %broadcast_in_dim3A_243 : vector<16xf32>
        %swap3A_273 = arith.index_cast %add3A_247 : i32 to index
        %swap3A_274 = arith.constant 32 : index
        %swap3A_275 = tpu.vector_load %arg11[%swap3A_273, %swap3A_274] {strides = array<i32>} : memref<80x64xf32, #tpu.memory_space<vmem>>, vector<1x16xf32>,
        %swap3A_276 = vector.shape_cast %swap3A_275 : vector<1x16xf32> to vector<16xf32>
        %swap3A_277 = vector.shape_cast %mul3A_272 : vector<16xf32> to vector<1x16xf32>
        tpu.vector_store %arg11[%swap3A_273, %swap3A_274], %swap3A_277 {strides = array<i32>} : memref<80x64xf32, #tpu.memory_space<vmem>>, vector<1x16xf32>,
        %get3A_278 = arith.index_cast %add3A_247 : i32 to index
        %get3A_279 = arith.constant 48 : index
        %get3A_280 = tpu.vector_load %arg11[%get3A_278, %get3A_279] {strides = array<i32>} : memref<80x64xf32, #tpu.memory_space<vmem>>, vector<1x16xf32>,
        %get3A_281 = vector.shape_cast %get3A_280 : vector<1x16xf32> to vector<16xf32>
        %mul3A_282 = arith.mulf %get3A_281, %broadcast_in_dim3A_243 : vector<16xf32>
        %swap3A_283 = arith.index_cast %add3A_247 : i32 to index
        %swap3A_284 = arith.constant 48 : index
        %swap3A_285 = tpu.vector_load %arg11[%swap3A_283, %swap3A_284] {strides = array<i32>} : memref<80x64xf32, #tpu.memory_space<vmem>>, vector<1x16xf32>,
        %swap3A_286 = vector.shape_cast %swap3A_285 : vector<1x16xf32> to vector<16xf32>
        %swap3A_287 = vector.shape_cast %mul3A_282 : vector<16xf32> to vector<1x16xf32>
        tpu.vector_store %arg11[%swap3A_283, %swap3A_284], %swap3A_287 {strides = array<i32>} : memref<80x64xf32, #tpu.memory_space<vmem>>, vector<1x16xf32>,
        %slice3A_288 = vector.extract_strided_slice %get3A_148 {offsets = [3], sizes = [1], strides = [1]} : vector<16xf32> to vector<1xf32>
        %squeeze3A_289 = vector.extract %slice3A_288[0] : f32 from vector<1xf32>
        %broadcast_in_dim3A_290 = vector.broadcast %squeeze3A_289 : f32 to vector<16xf32>
        %mul3A_291 = arith.constant 16 : i32
        %mul3A_292 = arith.muli %scan3A_142, %mul3A_291 : i32
        %add3A_293 = arith.constant 3 : i32
        %add3A_294 = arith.addi %mul3A_292, %add3A_293 : i32
        %get3A_295 = arith.index_cast %add3A_294 : i32 to index
        %get3A_296 = arith.constant 0 : index
        %get3A_297 = tpu.vector_load %arg11[%get3A_295, %get3A_296] {strides = array<i32>} : memref<80x64xf32, #tpu.memory_space<vmem>>, vector<1x16xf32>,
        %get3A_298 = vector.shape_cast %get3A_297 : vector<1x16xf32> to vector<16xf32>
        %mul3A_299 = arith.mulf %get3A_298, %broadcast_in_dim3A_290 : vector<16xf32>
        %swap3A_300 = arith.index_cast %add3A_294 : i32 to index
        %swap3A_301 = arith.constant 0 : index
        %swap3A_302 = tpu.vector_load %arg11[%swap3A_300, %swap3A_301] {strides = array<i32>} : memref<80x64xf32, #tpu.memory_space<vmem>>, vector<1x16xf32>,
        %swap3A_303 = vector.shape_cast %swap3A_302 : vector<1x16xf32> to vector<16xf32>
        %swap3A_304 = vector.shape_cast %mul3A_299 : vector<16xf32> to vector<1x16xf32>
        tpu.vector_store %arg11[%swap3A_300, %swap3A_301], %swap3A_304 {strides = array<i32>} : memref<80x64xf32, #tpu.memory_space<vmem>>, vector<1x16xf32>,
        %get3A_305 = arith.index_cast %add3A_294 : i32 to index
        %get3A_306 = arith.constant 16 : index
        %get3A_307 = tpu.vector_load %arg11[%get3A_305, %get3A_306] {strides = array<i32>} : memref<80x64xf32, #tpu.memory_space<vmem>>, vector<1x16xf32>,
        %get3A_308 = vector.shape_cast %get3A_307 : vector<1x16xf32> to vector<16xf32>
        %mul3A_309 = arith.mulf %get3A_308, %broadcast_in_dim3A_290 : vector<16xf32>
        %swap3A_310 = arith.index_cast %add3A_294 : i32 to index
        %swap3A_311 = arith.constant 16 : index
        %swap3A_312 = tpu.vector_load %arg11[%swap3A_310, %swap3A_311] {strides = array<i32>} : memref<80x64xf32, #tpu.memory_space<vmem>>, vector<1x16xf32>,
        %swap3A_313 = vector.shape_cast %swap3A_312 : vector<1x16xf32> to vector<16xf32>
        %swap3A_314 = vector.shape_cast %mul3A_309 : vector<16xf32> to vector<1x16xf32>
        tpu.vector_store %arg11[%swap3A_310, %swap3A_311], %swap3A_314 {strides = array<i32>} : memref<80x64xf32, #tpu.memory_space<vmem>>, vector<1x16xf32>,
        %get3A_315 = arith.index_cast %add3A_294 : i32 to index
        %get3A_316 = arith.constant 32 : index
        %get3A_317 = tpu.vector_load %arg11[%get3A_315, %get3A_316] {strides = array<i32>} : memref<80x64xf32, #tpu.memory_space<vmem>>, vector<1x16xf32>,
        %get3A_318 = vector.shape_cast %get3A_317 : vector<1x16xf32> to vector<16xf32>
        %mul3A_319 = arith.mulf %get3A_318, %broadcast_in_dim3A_290 : vector<16xf32>
        %swap3A_320 = arith.index_cast %add3A_294 : i32 to index
        %swap3A_321 = arith.constant 32 : index
        %swap3A_322 = tpu.vector_load %arg11[%swap3A_320, %swap3A_321] {strides = array<i32>} : memref<80x64xf32, #tpu.memory_space<vmem>>, vector<1x16xf32>,
        %swap3A_323 = vector.shape_cast %swap3A_322 : vector<1x16xf32> to vector<16xf32>
        %swap3A_324 = vector.shape_cast %mul3A_319 : vector<16xf32> to vector<1x16xf32>
        tpu.vector_store %arg11[%swap3A_320, %swap3A_321], %swap3A_324 {strides = array<i32>} : memref<80x64xf32, #tpu.memory_space<vmem>>, vector<1x16xf32>,
        %get3A_325 = arith.index_cast %add3A_294 : i32 to index
        %get3A_326 = arith.constant 48 : index
        %get3A_327 = tpu.vector_load %arg11[%get3A_325, %get3A_326] {strides = array<i32>} : memref<80x64xf32, #tpu.memory_space<vmem>>, vector<1x16xf32>,
        %get3A_328 = vector.shape_cast %get3A_327 : vector<1x16xf32> to vector<16xf32>
        %mul3A_329 = arith.mulf %get3A_328, %broadcast_in_dim3A_290 : vector<16xf32>
        %swap3A_330 = arith.index_cast %add3A_294 : i32 to index
        %swap3A_331 = arith.constant 48 : index
        %swap3A_332 = tpu.vector_load %arg11[%swap3A_330, %swap3A_331] {strides = array<i32>} : memref<80x64xf32, #tpu.memory_space<vmem>>, vector<1x16xf32>,
        %swap3A_333 = vector.shape_cast %swap3A_332 : vector<1x16xf32> to vector<16xf32>
        %swap3A_334 = vector.shape_cast %mul3A_329 : vector<16xf32> to vector<1x16xf32>
        tpu.vector_store %arg11[%swap3A_330, %swap3A_331], %swap3A_334 {strides = array<i32>} : memref<80x64xf32, #tpu.memory_space<vmem>>, vector<1x16xf32>,
        %slice3A_335 = vector.extract_strided_slice %get3A_148 {offsets = [4], sizes = [1], strides = [1]} : vector<16xf32> to vector<1xf32>
        %squeeze3A_336 = vector.extract %slice3A_335[0] : f32 from vector<1xf32>
        %broadcast_in_dim3A_337 = vector.broadcast %squeeze3A_336 : f32 to vector<16xf32>
        %mul3A_338 = arith.constant 16 : i32
        %mul3A_339 = arith.muli %scan3A_142, %mul3A_338 : i32
        %add3A_340 = arith.constant 4 : i32
        %add3A_341 = arith.addi %mul3A_339, %add3A_340 : i32
        %get3A_342 = arith.index_cast %add3A_341 : i32 to index
        %get3A_343 = arith.constant 0 : index
        %get3A_344 = tpu.vector_load %arg11[%get3A_342, %get3A_343] {strides = array<i32>} : memref<80x64xf32, #tpu.memory_space<vmem>>, vector<1x16xf32>,
        %get3A_345 = vector.shape_cast %get3A_344 : vector<1x16xf32> to vector<16xf32>
        %mul3A_346 = arith.mulf %get3A_345, %broadcast_in_dim3A_337 : vector<16xf32>
        %swap3A_347 = arith.index_cast %add3A_341 : i32 to index
        %swap3A_348 = arith.constant 0 : index
        %swap3A_349 = tpu.vector_load %arg11[%swap3A_347, %swap3A_348] {strides = array<i32>} : memref<80x64xf32, #tpu.memory_space<vmem>>, vector<1x16xf32>,
        %swap3A_350 = vector.shape_cast %swap3A_349 : vector<1x16xf32> to vector<16xf32>
        %swap3A_351 = vector.shape_cast %mul3A_346 : vector<16xf32> to vector<1x16xf32>
        tpu.vector_store %arg11[%swap3A_347, %swap3A_348], %swap3A_351 {strides = array<i32>} : memref<80x64xf32, #tpu.memory_space<vmem>>, vector<1x16xf32>,
        %get3A_352 = arith.index_cast %add3A_341 : i32 to index
        %get3A_353 = arith.constant 16 : index
        %get3A_354 = tpu.vector_load %arg11[%get3A_352, %get3A_353] {strides = array<i32>} : memref<80x64xf32, #tpu.memory_space<vmem>>, vector<1x16xf32>,
        %get3A_355 = vector.shape_cast %get3A_354 : vector<1x16xf32> to vector<16xf32>
        %mul3A_356 = arith.mulf %get3A_355, %broadcast_in_dim3A_337 : vector<16xf32>
        %swap3A_357 = arith.index_cast %add3A_341 : i32 to index
        %swap3A_358 = arith.constant 16 : index
        %swap3A_359 = tpu.vector_load %arg11[%swap3A_357, %swap3A_358] {strides = array<i32>} : memref<80x64xf32, #tpu.memory_space<vmem>>, vector<1x16xf32>,
        %swap3A_360 = vector.shape_cast %swap3A_359 : vector<1x16xf32> to vector<16xf32>
        %swap3A_361 = vector.shape_cast %mul3A_356 : vector<16xf32> to vector<1x16xf32>
        tpu.vector_store %arg11[%swap3A_357, %swap3A_358], %swap3A_361 {strides = array<i32>} : memref<80x64xf32, #tpu.memory_space<vmem>>, vector<1x16xf32>,
        %get3A_362 = arith.index_cast %add3A_341 : i32 to index
        %get3A_363 = arith.constant 32 : index
        %get3A_364 = tpu.vector_load %arg11[%get3A_362, %get3A_363] {strides = array<i32>} : memref<80x64xf32, #tpu.memory_space<vmem>>, vector<1x16xf32>,
        %get3A_365 = vector.shape_cast %get3A_364 : vector<1x16xf32> to vector<16xf32>
        %mul3A_366 = arith.mulf %get3A_365, %broadcast_in_dim3A_337 : vector<16xf32>
        %swap3A_367 = arith.index_cast %add3A_341 : i32 to index
        %swap3A_368 = arith.constant 32 : index
        %swap3A_369 = tpu.vector_load %arg11[%swap3A_367, %swap3A_368] {strides = array<i32>} : memref<80x64xf32, #tpu.memory_space<vmem>>, vector<1x16xf32>,
        %swap3A_370 = vector.shape_cast %swap3A_369 : vector<1x16xf32> to vector<16xf32>
        %swap3A_371 = vector.shape_cast %mul3A_366 : vector<16xf32> to vector<1x16xf32>
        tpu.vector_store %arg11[%swap3A_367, %swap3A_368], %swap3A_371 {strides = array<i32>} : memref<80x64xf32, #tpu.memory_space<vmem>>, vector<1x16xf32>,
        %get3A_372 = arith.index_cast %add3A_341 : i32 to index
        %get3A_373 = arith.constant 48 : index
        %get3A_374 = tpu.vector_load %arg11[%get3A_372, %get3A_373] {strides = array<i32>} : memref<80x64xf32, #tpu.memory_space<vmem>>, vector<1x16xf32>,
        %get3A_375 = vector.shape_cast %get3A_374 : vector<1x16xf32> to vector<16xf32>
        %mul3A_376 = arith.mulf %get3A_375, %broadcast_in_dim3A_337 : vector<16xf32>
        %swap3A_377 = arith.index_cast %add3A_341 : i32 to index
        %swap3A_378 = arith.constant 48 : index
        %swap3A_379 = tpu.vector_load %arg11[%swap3A_377, %swap3A_378] {strides = array<i32>} : memref<80x64xf32, #tpu.memory_space<vmem>>, vector<1x16xf32>,
        %swap3A_380 = vector.shape_cast %swap3A_379 : vector<1x16xf32> to vector<16xf32>
        %swap3A_381 = vector.shape_cast %mul3A_376 : vector<16xf32> to vector<1x16xf32>
        tpu.vector_store %arg11[%swap3A_377, %swap3A_378], %swap3A_381 {strides = array<i32>} : memref<80x64xf32, #tpu.memory_space<vmem>>, vector<1x16xf32>,
        %slice3A_382 = vector.extract_strided_slice %get3A_148 {offsets = [5], sizes = [1], strides = [1]} : vector<16xf32> to vector<1xf32>
        %squeeze3A_383 = vector.extract %slice3A_382[0] : f32 from vector<1xf32>
        %broadcast_in_dim3A_384 = vector.broadcast %squeeze3A_383 : f32 to vector<16xf32>
        %mul3A_385 = arith.constant 16 : i32
        %mul3A_386 = arith.muli %scan3A_142, %mul3A_385 : i32
        %add3A_387 = arith.constant 5 : i32
        %add3A_388 = arith.addi %mul3A_386, %add3A_387 : i32
        %get3A_389 = arith.index_cast %add3A_388 : i32 to index
        %get3A_390 = arith.constant 0 : index
        %get3A_391 = tpu.vector_load %arg11[%get3A_389, %get3A_390] {strides = array<i32>} : memref<80x64xf32, #tpu.memory_space<vmem>>, vector<1x16xf32>,
        %get3A_392 = vector.shape_cast %get3A_391 : vector<1x16xf32> to vector<16xf32>
        %mul3A_393 = arith.mulf %get3A_392, %broadcast_in_dim3A_384 : vector<16xf32>
        %swap3A_394 = arith.index_cast %add3A_388 : i32 to index
        %swap3A_395 = arith.constant 0 : index
        %swap3A_396 = tpu.vector_load %arg11[%swap3A_394, %swap3A_395] {strides = array<i32>} : memref<80x64xf32, #tpu.memory_space<vmem>>, vector<1x16xf32>,
        %swap3A_397 = vector.shape_cast %swap3A_396 : vector<1x16xf32> to vector<16xf32>
        %swap3A_398 = vector.shape_cast %mul3A_393 : vector<16xf32> to vector<1x16xf32>
        tpu.vector_store %arg11[%swap3A_394, %swap3A_395], %swap3A_398 {strides = array<i32>} : memref<80x64xf32, #tpu.memory_space<vmem>>, vector<1x16xf32>,
        %get3A_399 = arith.index_cast %add3A_388 : i32 to index
        %get3A_400 = arith.constant 16 : index
        %get3A_401 = tpu.vector_load %arg11[%get3A_399, %get3A_400] {strides = array<i32>} : memref<80x64xf32, #tpu.memory_space<vmem>>, vector<1x16xf32>,
        %get3A_402 = vector.shape_cast %get3A_401 : vector<1x16xf32> to vector<16xf32>
        %mul3A_403 = arith.mulf %get3A_402, %broadcast_in_dim3A_384 : vector<16xf32>
        %swap3A_404 = arith.index_cast %add3A_388 : i32 to index
        %swap3A_405 = arith.constant 16 : index
        %swap3A_406 = tpu.vector_load %arg11[%swap3A_404, %swap3A_405] {strides = array<i32>} : memref<80x64xf32, #tpu.memory_space<vmem>>, vector<1x16xf32>,
        %swap3A_407 = vector.shape_cast %swap3A_406 : vector<1x16xf32> to vector<16xf32>
        %swap3A_408 = vector.shape_cast %mul3A_403 : vector<16xf32> to vector<1x16xf32>
        tpu.vector_store %arg11[%swap3A_404, %swap3A_405], %swap3A_408 {strides = array<i32>} : memref<80x64xf32, #tpu.memory_space<vmem>>, vector<1x16xf32>,
        %get3A_409 = arith.index_cast %add3A_388 : i32 to index
        %get3A_410 = arith.constant 32 : index
        %get3A_411 = tpu.vector_load %arg11[%get3A_409, %get3A_410] {strides = array<i32>} : memref<80x64xf32, #tpu.memory_space<vmem>>, vector<1x16xf32>,
        %get3A_412 = vector.shape_cast %get3A_411 : vector<1x16xf32> to vector<16xf32>
        %mul3A_413 = arith.mulf %get3A_412, %broadcast_in_dim3A_384 : vector<16xf32>
        %swap3A_414 = arith.index_cast %add3A_388 : i32 to index
        %swap3A_415 = arith.constant 32 : index
        %swap3A_416 = tpu.vector_load %arg11[%swap3A_414, %swap3A_415] {strides = array<i32>} : memref<80x64xf32, #tpu.memory_space<vmem>>, vector<1x16xf32>,
        %swap3A_417 = vector.shape_cast %swap3A_416 : vector<1x16xf32> to vector<16xf32>
        %swap3A_418 = vector.shape_cast %mul3A_413 : vector<16xf32> to vector<1x16xf32>
        tpu.vector_store %arg11[%swap3A_414, %swap3A_415], %swap3A_418 {strides = array<i32>} : memref<80x64xf32, #tpu.memory_space<vmem>>, vector<1x16xf32>,
        %get3A_419 = arith.index_cast %add3A_388 : i32 to index
        %get3A_420 = arith.constant 48 : index
        %get3A_421 = tpu.vector_load %arg11[%get3A_419, %get3A_420] {strides = array<i32>} : memref<80x64xf32, #tpu.memory_space<vmem>>, vector<1x16xf32>,
        %get3A_422 = vector.shape_cast %get3A_421 : vector<1x16xf32> to vector<16xf32>
        %mul3A_423 = arith.mulf %get3A_422, %broadcast_in_dim3A_384 : vector<16xf32>
        %swap3A_424 = arith.index_cast %add3A_388 : i32 to index
        %swap3A_425 = arith.constant 48 : index
        %swap3A_426 = tpu.vector_load %arg11[%swap3A_424, %swap3A_425] {strides = array<i32>} : memref<80x64xf32, #tpu.memory_space<vmem>>, vector<1x16xf32>,
        %swap3A_427 = vector.shape_cast %swap3A_426 : vector<1x16xf32> to vector<16xf32>
        %swap3A_428 = vector.shape_cast %mul3A_423 : vector<16xf32> to vector<1x16xf32>
        tpu.vector_store %arg11[%swap3A_424, %swap3A_425], %swap3A_428 {strides = array<i32>} : memref<80x64xf32, #tpu.memory_space<vmem>>, vector<1x16xf32>,
        %slice3A_429 = vector.extract_strided_slice %get3A_148 {offsets = [6], sizes = [1], strides = [1]} : vector<16xf32> to vector<1xf32>
        %squeeze3A_430 = vector.extract %slice3A_429[0] : f32 from vector<1xf32>
        %broadcast_in_dim3A_431 = vector.broadcast %squeeze3A_430 : f32 to vector<16xf32>
        %mul3A_432 = arith.constant 16 : i32
        %mul3A_433 = arith.muli %scan3A_142, %mul3A_432 : i32
        %add3A_434 = arith.constant 6 : i32
        %add3A_435 = arith.addi %mul3A_433, %add3A_434 : i32
        %get3A_436 = arith.index_cast %add3A_435 : i32 to index
        %get3A_437 = arith.constant 0 : index
        %get3A_438 = tpu.vector_load %arg11[%get3A_436, %get3A_437] {strides = array<i32>} : memref<80x64xf32, #tpu.memory_space<vmem>>, vector<1x16xf32>,
        %get3A_439 = vector.shape_cast %get3A_438 : vector<1x16xf32> to vector<16xf32>
        %mul3A_440 = arith.mulf %get3A_439, %broadcast_in_dim3A_431 : vector<16xf32>
        %swap3A_441 = arith.index_cast %add3A_435 : i32 to index
        %swap3A_442 = arith.constant 0 : index
        %swap3A_443 = tpu.vector_load %arg11[%swap3A_441, %swap3A_442] {strides = array<i32>} : memref<80x64xf32, #tpu.memory_space<vmem>>, vector<1x16xf32>,
        %swap3A_444 = vector.shape_cast %swap3A_443 : vector<1x16xf32> to vector<16xf32>
        %swap3A_445 = vector.shape_cast %mul3A_440 : vector<16xf32> to vector<1x16xf32>
        tpu.vector_store %arg11[%swap3A_441, %swap3A_442], %swap3A_445 {strides = array<i32>} : memref<80x64xf32, #tpu.memory_space<vmem>>, vector<1x16xf32>,
        %get3A_446 = arith.index_cast %add3A_435 : i32 to index
        %get3A_447 = arith.constant 16 : index
        %get3A_448 = tpu.vector_load %arg11[%get3A_446, %get3A_447] {strides = array<i32>} : memref<80x64xf32, #tpu.memory_space<vmem>>, vector<1x16xf32>,
        %get3A_449 = vector.shape_cast %get3A_448 : vector<1x16xf32> to vector<16xf32>
        %mul3A_450 = arith.mulf %get3A_449, %broadcast_in_dim3A_431 : vector<16xf32>
        %swap3A_451 = arith.index_cast %add3A_435 : i32 to index
        %swap3A_452 = arith.constant 16 : index
        %swap3A_453 = tpu.vector_load %arg11[%swap3A_451, %swap3A_452] {strides = array<i32>} : memref<80x64xf32, #tpu.memory_space<vmem>>, vector<1x16xf32>,
        %swap3A_454 = vector.shape_cast %swap3A_453 : vector<1x16xf32> to vector<16xf32>
        %swap3A_455 = vector.shape_cast %mul3A_450 : vector<16xf32> to vector<1x16xf32>
        tpu.vector_store %arg11[%swap3A_451, %swap3A_452], %swap3A_455 {strides = array<i32>} : memref<80x64xf32, #tpu.memory_space<vmem>>, vector<1x16xf32>,
        %get3A_456 = arith.index_cast %add3A_435 : i32 to index
        %get3A_457 = arith.constant 32 : index
        %get3A_458 = tpu.vector_load %arg11[%get3A_456, %get3A_457] {strides = array<i32>} : memref<80x64xf32, #tpu.memory_space<vmem>>, vector<1x16xf32>,
        %get3A_459 = vector.shape_cast %get3A_458 : vector<1x16xf32> to vector<16xf32>
        %mul3A_460 = arith.mulf %get3A_459, %broadcast_in_dim3A_431 : vector<16xf32>
        %swap3A_461 = arith.index_cast %add3A_435 : i32 to index
        %swap3A_462 = arith.constant 32 : index
        %swap3A_463 = tpu.vector_load %arg11[%swap3A_461, %swap3A_462] {strides = array<i32>} : memref<80x64xf32, #tpu.memory_space<vmem>>, vector<1x16xf32>,
        %swap3A_464 = vector.shape_cast %swap3A_463 : vector<1x16xf32> to vector<16xf32>
        %swap3A_465 = vector.shape_cast %mul3A_460 : vector<16xf32> to vector<1x16xf32>
        tpu.vector_store %arg11[%swap3A_461, %swap3A_462], %swap3A_465 {strides = array<i32>} : memref<80x64xf32, #tpu.memory_space<vmem>>, vector<1x16xf32>,
        %get3A_466 = arith.index_cast %add3A_435 : i32 to index
        %get3A_467 = arith.constant 48 : index
        %get3A_468 = tpu.vector_load %arg11[%get3A_466, %get3A_467] {strides = array<i32>} : memref<80x64xf32, #tpu.memory_space<vmem>>, vector<1x16xf32>,
        %get3A_469 = vector.shape_cast %get3A_468 : vector<1x16xf32> to vector<16xf32>
        %mul3A_470 = arith.mulf %get3A_469, %broadcast_in_dim3A_431 : vector<16xf32>
        %swap3A_471 = arith.index_cast %add3A_435 : i32 to index
        %swap3A_472 = arith.constant 48 : index
        %swap3A_473 = tpu.vector_load %arg11[%swap3A_471, %swap3A_472] {strides = array<i32>} : memref<80x64xf32, #tpu.memory_space<vmem>>, vector<1x16xf32>,
        %swap3A_474 = vector.shape_cast %swap3A_473 : vector<1x16xf32> to vector<16xf32>
        %swap3A_475 = vector.shape_cast %mul3A_470 : vector<16xf32> to vector<1x16xf32>
        tpu.vector_store %arg11[%swap3A_471, %swap3A_472], %swap3A_475 {strides = array<i32>} : memref<80x64xf32, #tpu.memory_space<vmem>>, vector<1x16xf32>,
        %slice3A_476 = vector.extract_strided_slice %get3A_148 {offsets = [7], sizes = [1], strides = [1]} : vector<16xf32> to vector<1xf32>
        %squeeze3A_477 = vector.extract %slice3A_476[0] : f32 from vector<1xf32>
        %broadcast_in_dim3A_478 = vector.broadcast %squeeze3A_477 : f32 to vector<16xf32>
        %mul3A_479 = arith.constant 16 : i32
        %mul3A_480 = arith.muli %scan3A_142, %mul3A_479 : i32
        %add3A_481 = arith.constant 7 : i32
        %add3A_482 = arith.addi %mul3A_480, %add3A_481 : i32
        %get3A_483 = arith.index_cast %add3A_482 : i32 to index
        %get3A_484 = arith.constant 0 : index
        %get3A_485 = tpu.vector_load %arg11[%get3A_483, %get3A_484] {strides = array<i32>} : memref<80x64xf32, #tpu.memory_space<vmem>>, vector<1x16xf32>,
        %get3A_486 = vector.shape_cast %get3A_485 : vector<1x16xf32> to vector<16xf32>
        %mul3A_487 = arith.mulf %get3A_486, %broadcast_in_dim3A_478 : vector<16xf32>
        %swap3A_488 = arith.index_cast %add3A_482 : i32 to index
        %swap3A_489 = arith.constant 0 : index
        %swap3A_490 = tpu.vector_load %arg11[%swap3A_488, %swap3A_489] {strides = array<i32>} : memref<80x64xf32, #tpu.memory_space<vmem>>, vector<1x16xf32>,
        %swap3A_491 = vector.shape_cast %swap3A_490 : vector<1x16xf32> to vector<16xf32>
        %swap3A_492 = vector.shape_cast %mul3A_487 : vector<16xf32> to vector<1x16xf32>
        tpu.vector_store %arg11[%swap3A_488, %swap3A_489], %swap3A_492 {strides = array<i32>} : memref<80x64xf32, #tpu.memory_space<vmem>>, vector<1x16xf32>,
        %get3A_493 = arith.index_cast %add3A_482 : i32 to index
        %get3A_494 = arith.constant 16 : index
        %get3A_495 = tpu.vector_load %arg11[%get3A_493, %get3A_494] {strides = array<i32>} : memref<80x64xf32, #tpu.memory_space<vmem>>, vector<1x16xf32>,
        %get3A_496 = vector.shape_cast %get3A_495 : vector<1x16xf32> to vector<16xf32>
        %mul3A_497 = arith.mulf %get3A_496, %broadcast_in_dim3A_478 : vector<16xf32>
        %swap3A_498 = arith.index_cast %add3A_482 : i32 to index
        %swap3A_499 = arith.constant 16 : index
        %swap3A_500 = tpu.vector_load %arg11[%swap3A_498, %swap3A_499] {strides = array<i32>} : memref<80x64xf32, #tpu.memory_space<vmem>>, vector<1x16xf32>,
        %swap3A_501 = vector.shape_cast %swap3A_500 : vector<1x16xf32> to vector<16xf32>
        %swap3A_502 = vector.shape_cast %mul3A_497 : vector<16xf32> to vector<1x16xf32>
        tpu.vector_store %arg11[%swap3A_498, %swap3A_499], %swap3A_502 {strides = array<i32>} : memref<80x64xf32, #tpu.memory_space<vmem>>, vector<1x16xf32>,
        %get3A_503 = arith.index_cast %add3A_482 : i32 to index
        %get3A_504 = arith.constant 32 : index
        %get3A_505 = tpu.vector_load %arg11[%get3A_503, %get3A_504] {strides = array<i32>} : memref<80x64xf32, #tpu.memory_space<vmem>>, vector<1x16xf32>,
        %get3A_506 = vector.shape_cast %get3A_505 : vector<1x16xf32> to vector<16xf32>
        %mul3A_507 = arith.mulf %get3A_506, %broadcast_in_dim3A_478 : vector<16xf32>
        %swap3A_508 = arith.index_cast %add3A_482 : i32 to index
        %swap3A_509 = arith.constant 32 : index
        %swap3A_510 = tpu.vector_load %arg11[%swap3A_508, %swap3A_509] {strides = array<i32>} : memref<80x64xf32, #tpu.memory_space<vmem>>, vector<1x16xf32>,
        %swap3A_511 = vector.shape_cast %swap3A_510 : vector<1x16xf32> to vector<16xf32>
        %swap3A_512 = vector.shape_cast %mul3A_507 : vector<16xf32> to vector<1x16xf32>
        tpu.vector_store %arg11[%swap3A_508, %swap3A_509], %swap3A_512 {strides = array<i32>} : memref<80x64xf32, #tpu.memory_space<vmem>>, vector<1x16xf32>,
        %get3A_513 = arith.index_cast %add3A_482 : i32 to index
        %get3A_514 = arith.constant 48 : index
        %get3A_515 = tpu.vector_load %arg11[%get3A_513, %get3A_514] {strides = array<i32>} : memref<80x64xf32, #tpu.memory_space<vmem>>, vector<1x16xf32>,
        %get3A_516 = vector.shape_cast %get3A_515 : vector<1x16xf32> to vector<16xf32>
        %mul3A_517 = arith.mulf %get3A_516, %broadcast_in_dim3A_478 : vector<16xf32>
        %swap3A_518 = arith.index_cast %add3A_482 : i32 to index
        %swap3A_519 = arith.constant 48 : index
        %swap3A_520 = tpu.vector_load %arg11[%swap3A_518, %swap3A_519] {strides = array<i32>} : memref<80x64xf32, #tpu.memory_space<vmem>>, vector<1x16xf32>,
        %swap3A_521 = vector.shape_cast %swap3A_520 : vector<1x16xf32> to vector<16xf32>
        %swap3A_522 = vector.shape_cast %mul3A_517 : vector<16xf32> to vector<1x16xf32>
        tpu.vector_store %arg11[%swap3A_518, %swap3A_519], %swap3A_522 {strides = array<i32>} : memref<80x64xf32, #tpu.memory_space<vmem>>, vector<1x16xf32>,
        %slice3A_523 = vector.extract_strided_slice %get3A_148 {offsets = [8], sizes = [1], strides = [1]} : vector<16xf32> to vector<1xf32>
        %squeeze3A_524 = vector.extract %slice3A_523[0] : f32 from vector<1xf32>
        %broadcast_in_dim3A_525 = vector.broadcast %squeeze3A_524 : f32 to vector<16xf32>
        %mul3A_526 = arith.constant 16 : i32
        %mul3A_527 = arith.muli %scan3A_142, %mul3A_526 : i32
        %add3A_528 = arith.constant 8 : i32
        %add3A_529 = arith.addi %mul3A_527, %add3A_528 : i32
        %get3A_530 = arith.index_cast %add3A_529 : i32 to index
        %get3A_531 = arith.constant 0 : index
        %get3A_532 = tpu.vector_load %arg11[%get3A_530, %get3A_531] {strides = array<i32>} : memref<80x64xf32, #tpu.memory_space<vmem>>, vector<1x16xf32>,
        %get3A_533 = vector.shape_cast %get3A_532 : vector<1x16xf32> to vector<16xf32>
        %mul3A_534 = arith.mulf %get3A_533, %broadcast_in_dim3A_525 : vector<16xf32>
        %swap3A_535 = arith.index_cast %add3A_529 : i32 to index
        %swap3A_536 = arith.constant 0 : index
        %swap3A_537 = tpu.vector_load %arg11[%swap3A_535, %swap3A_536] {strides = array<i32>} : memref<80x64xf32, #tpu.memory_space<vmem>>, vector<1x16xf32>,
        %swap3A_538 = vector.shape_cast %swap3A_537 : vector<1x16xf32> to vector<16xf32>
        %swap3A_539 = vector.shape_cast %mul3A_534 : vector<16xf32> to vector<1x16xf32>
        tpu.vector_store %arg11[%swap3A_535, %swap3A_536], %swap3A_539 {strides = array<i32>} : memref<80x64xf32, #tpu.memory_space<vmem>>, vector<1x16xf32>,
        %get3A_540 = arith.index_cast %add3A_529 : i32 to index
        %get3A_541 = arith.constant 16 : index
        %get3A_542 = tpu.vector_load %arg11[%get3A_540, %get3A_541] {strides = array<i32>} : memref<80x64xf32, #tpu.memory_space<vmem>>, vector<1x16xf32>,
        %get3A_543 = vector.shape_cast %get3A_542 : vector<1x16xf32> to vector<16xf32>
        %mul3A_544 = arith.mulf %get3A_543, %broadcast_in_dim3A_525 : vector<16xf32>
        %swap3A_545 = arith.index_cast %add3A_529 : i32 to index
        %swap3A_546 = arith.constant 16 : index
        %swap3A_547 = tpu.vector_load %arg11[%swap3A_545, %swap3A_546] {strides = array<i32>} : memref<80x64xf32, #tpu.memory_space<vmem>>, vector<1x16xf32>,
        %swap3A_548 = vector.shape_cast %swap3A_547 : vector<1x16xf32> to vector<16xf32>
        %swap3A_549 = vector.shape_cast %mul3A_544 : vector<16xf32> to vector<1x16xf32>
        tpu.vector_store %arg11[%swap3A_545, %swap3A_546], %swap3A_549 {strides = array<i32>} : memref<80x64xf32, #tpu.memory_space<vmem>>, vector<1x16xf32>,
        %get3A_550 = arith.index_cast %add3A_529 : i32 to index
        %get3A_551 = arith.constant 32 : index
        %get3A_552 = tpu.vector_load %arg11[%get3A_550, %get3A_551] {strides = array<i32>} : memref<80x64xf32, #tpu.memory_space<vmem>>, vector<1x16xf32>,
        %get3A_553 = vector.shape_cast %get3A_552 : vector<1x16xf32> to vector<16xf32>
        %mul3A_554 = arith.mulf %get3A_553, %broadcast_in_dim3A_525 : vector<16xf32>
        %swap3A_555 = arith.index_cast %add3A_529 : i32 to index
        %swap3A_556 = arith.constant 32 : index
        %swap3A_557 = tpu.vector_load %arg11[%swap3A_555, %swap3A_556] {strides = array<i32>} : memref<80x64xf32, #tpu.memory_space<vmem>>, vector<1x16xf32>,
        %swap3A_558 = vector.shape_cast %swap3A_557 : vector<1x16xf32> to vector<16xf32>
        %swap3A_559 = vector.shape_cast %mul3A_554 : vector<16xf32> to vector<1x16xf32>
        tpu.vector_store %arg11[%swap3A_555, %swap3A_556], %swap3A_559 {strides = array<i32>} : memref<80x64xf32, #tpu.memory_space<vmem>>, vector<1x16xf32>,
        %get3A_560 = arith.index_cast %add3A_529 : i32 to index
        %get3A_561 = arith.constant 48 : index
        %get3A_562 = tpu.vector_load %arg11[%get3A_560, %get3A_561] {strides = array<i32>} : memref<80x64xf32, #tpu.memory_space<vmem>>, vector<1x16xf32>,
        %get3A_563 = vector.shape_cast %get3A_562 : vector<1x16xf32> to vector<16xf32>
        %mul3A_564 = arith.mulf %get3A_563, %broadcast_in_dim3A_525 : vector<16xf32>
        %swap3A_565 = arith.index_cast %add3A_529 : i32 to index
        %swap3A_566 = arith.constant 48 : index
        %swap3A_567 = tpu.vector_load %arg11[%swap3A_565, %swap3A_566] {strides = array<i32>} : memref<80x64xf32, #tpu.memory_space<vmem>>, vector<1x16xf32>,
        %swap3A_568 = vector.shape_cast %swap3A_567 : vector<1x16xf32> to vector<16xf32>
        %swap3A_569 = vector.shape_cast %mul3A_564 : vector<16xf32> to vector<1x16xf32>
        tpu.vector_store %arg11[%swap3A_565, %swap3A_566], %swap3A_569 {strides = array<i32>} : memref<80x64xf32, #tpu.memory_space<vmem>>, vector<1x16xf32>,
        %slice3A_570 = vector.extract_strided_slice %get3A_148 {offsets = [9], sizes = [1], strides = [1]} : vector<16xf32> to vector<1xf32>
        %squeeze3A_571 = vector.extract %slice3A_570[0] : f32 from vector<1xf32>
        %broadcast_in_dim3A_572 = vector.broadcast %squeeze3A_571 : f32 to vector<16xf32>
        %mul3A_573 = arith.constant 16 : i32
        %mul3A_574 = arith.muli %scan3A_142, %mul3A_573 : i32
        %add3A_575 = arith.constant 9 : i32
        %add3A_576 = arith.addi %mul3A_574, %add3A_575 : i32
        %get3A_577 = arith.index_cast %add3A_576 : i32 to index
        %get3A_578 = arith.constant 0 : index
        %get3A_579 = tpu.vector_load %arg11[%get3A_577, %get3A_578] {strides = array<i32>} : memref<80x64xf32, #tpu.memory_space<vmem>>, vector<1x16xf32>,
        %get3A_580 = vector.shape_cast %get3A_579 : vector<1x16xf32> to vector<16xf32>
        %mul3A_581 = arith.mulf %get3A_580, %broadcast_in_dim3A_572 : vector<16xf32>
        %swap3A_582 = arith.index_cast %add3A_576 : i32 to index
        %swap3A_583 = arith.constant 0 : index
        %swap3A_584 = tpu.vector_load %arg11[%swap3A_582, %swap3A_583] {strides = array<i32>} : memref<80x64xf32, #tpu.memory_space<vmem>>, vector<1x16xf32>,
        %swap3A_585 = vector.shape_cast %swap3A_584 : vector<1x16xf32> to vector<16xf32>
        %swap3A_586 = vector.shape_cast %mul3A_581 : vector<16xf32> to vector<1x16xf32>
        tpu.vector_store %arg11[%swap3A_582, %swap3A_583], %swap3A_586 {strides = array<i32>} : memref<80x64xf32, #tpu.memory_space<vmem>>, vector<1x16xf32>,
        %get3A_587 = arith.index_cast %add3A_576 : i32 to index
        %get3A_588 = arith.constant 16 : index
        %get3A_589 = tpu.vector_load %arg11[%get3A_587, %get3A_588] {strides = array<i32>} : memref<80x64xf32, #tpu.memory_space<vmem>>, vector<1x16xf32>,
        %get3A_590 = vector.shape_cast %get3A_589 : vector<1x16xf32> to vector<16xf32>
        %mul3A_591 = arith.mulf %get3A_590, %broadcast_in_dim3A_572 : vector<16xf32>
        %swap3A_592 = arith.index_cast %add3A_576 : i32 to index
        %swap3A_593 = arith.constant 16 : index
        %swap3A_594 = tpu.vector_load %arg11[%swap3A_592, %swap3A_593] {strides = array<i32>} : memref<80x64xf32, #tpu.memory_space<vmem>>, vector<1x16xf32>,
        %swap3A_595 = vector.shape_cast %swap3A_594 : vector<1x16xf32> to vector<16xf32>
        %swap3A_596 = vector.shape_cast %mul3A_591 : vector<16xf32> to vector<1x16xf32>
        tpu.vector_store %arg11[%swap3A_592, %swap3A_593], %swap3A_596 {strides = array<i32>} : memref<80x64xf32, #tpu.memory_space<vmem>>, vector<1x16xf32>,
        %get3A_597 = arith.index_cast %add3A_576 : i32 to index
        %get3A_598 = arith.constant 32 : index
        %get3A_599 = tpu.vector_load %arg11[%get3A_597, %get3A_598] {strides = array<i32>} : memref<80x64xf32, #tpu.memory_space<vmem>>, vector<1x16xf32>,
        %get3A_600 = vector.shape_cast %get3A_599 : vector<1x16xf32> to vector<16xf32>
        %mul3A_601 = arith.mulf %get3A_600, %broadcast_in_dim3A_572 : vector<16xf32>
        %swap3A_602 = arith.index_cast %add3A_576 : i32 to index
        %swap3A_603 = arith.constant 32 : index
        %swap3A_604 = tpu.vector_load %arg11[%swap3A_602, %swap3A_603] {strides = array<i32>} : memref<80x64xf32, #tpu.memory_space<vmem>>, vector<1x16xf32>,
        %swap3A_605 = vector.shape_cast %swap3A_604 : vector<1x16xf32> to vector<16xf32>
        %swap3A_606 = vector.shape_cast %mul3A_601 : vector<16xf32> to vector<1x16xf32>
        tpu.vector_store %arg11[%swap3A_602, %swap3A_603], %swap3A_606 {strides = array<i32>} : memref<80x64xf32, #tpu.memory_space<vmem>>, vector<1x16xf32>,
        %get3A_607 = arith.index_cast %add3A_576 : i32 to index
        %get3A_608 = arith.constant 48 : index
        %get3A_609 = tpu.vector_load %arg11[%get3A_607, %get3A_608] {strides = array<i32>} : memref<80x64xf32, #tpu.memory_space<vmem>>, vector<1x16xf32>,
        %get3A_610 = vector.shape_cast %get3A_609 : vector<1x16xf32> to vector<16xf32>
        %mul3A_611 = arith.mulf %get3A_610, %broadcast_in_dim3A_572 : vector<16xf32>
        %swap3A_612 = arith.index_cast %add3A_576 : i32 to index
        %swap3A_613 = arith.constant 48 : index
        %swap3A_614 = tpu.vector_load %arg11[%swap3A_612, %swap3A_613] {strides = array<i32>} : memref<80x64xf32, #tpu.memory_space<vmem>>, vector<1x16xf32>,
        %swap3A_615 = vector.shape_cast %swap3A_614 : vector<1x16xf32> to vector<16xf32>
        %swap3A_616 = vector.shape_cast %mul3A_611 : vector<16xf32> to vector<1x16xf32>
        tpu.vector_store %arg11[%swap3A_612, %swap3A_613], %swap3A_616 {strides = array<i32>} : memref<80x64xf32, #tpu.memory_space<vmem>>, vector<1x16xf32>,
        %slice3A_617 = vector.extract_strided_slice %get3A_148 {offsets = [10], sizes = [1], strides = [1]} : vector<16xf32> to vector<1xf32>
        %squeeze3A_618 = vector.extract %slice3A_617[0] : f32 from vector<1xf32>
        %broadcast_in_dim3A_619 = vector.broadcast %squeeze3A_618 : f32 to vector<16xf32>
        %mul3A_620 = arith.constant 16 : i32
        %mul3A_621 = arith.muli %scan3A_142, %mul3A_620 : i32
        %add3A_622 = arith.constant 10 : i32
        %add3A_623 = arith.addi %mul3A_621, %add3A_622 : i32
        %get3A_624 = arith.index_cast %add3A_623 : i32 to index
        %get3A_625 = arith.constant 0 : index
        %get3A_626 = tpu.vector_load %arg11[%get3A_624, %get3A_625] {strides = array<i32>} : memref<80x64xf32, #tpu.memory_space<vmem>>, vector<1x16xf32>,
        %get3A_627 = vector.shape_cast %get3A_626 : vector<1x16xf32> to vector<16xf32>
        %mul3A_628 = arith.mulf %get3A_627, %broadcast_in_dim3A_619 : vector<16xf32>
        %swap3A_629 = arith.index_cast %add3A_623 : i32 to index
        %swap3A_630 = arith.constant 0 : index
        %swap3A_631 = tpu.vector_load %arg11[%swap3A_629, %swap3A_630] {strides = array<i32>} : memref<80x64xf32, #tpu.memory_space<vmem>>, vector<1x16xf32>,
        %swap3A_632 = vector.shape_cast %swap3A_631 : vector<1x16xf32> to vector<16xf32>
        %swap3A_633 = vector.shape_cast %mul3A_628 : vector<16xf32> to vector<1x16xf32>
        tpu.vector_store %arg11[%swap3A_629, %swap3A_630], %swap3A_633 {strides = array<i32>} : memref<80x64xf32, #tpu.memory_space<vmem>>, vector<1x16xf32>,
        %get3A_634 = arith.index_cast %add3A_623 : i32 to index
        %get3A_635 = arith.constant 16 : index
        %get3A_636 = tpu.vector_load %arg11[%get3A_634, %get3A_635] {strides = array<i32>} : memref<80x64xf32, #tpu.memory_space<vmem>>, vector<1x16xf32>,
        %get3A_637 = vector.shape_cast %get3A_636 : vector<1x16xf32> to vector<16xf32>
        %mul3A_638 = arith.mulf %get3A_637, %broadcast_in_dim3A_619 : vector<16xf32>
        %swap3A_639 = arith.index_cast %add3A_623 : i32 to index
        %swap3A_640 = arith.constant 16 : index
        %swap3A_641 = tpu.vector_load %arg11[%swap3A_639, %swap3A_640] {strides = array<i32>} : memref<80x64xf32, #tpu.memory_space<vmem>>, vector<1x16xf32>,
        %swap3A_642 = vector.shape_cast %swap3A_641 : vector<1x16xf32> to vector<16xf32>
        %swap3A_643 = vector.shape_cast %mul3A_638 : vector<16xf32> to vector<1x16xf32>
        tpu.vector_store %arg11[%swap3A_639, %swap3A_640], %swap3A_643 {strides = array<i32>} : memref<80x64xf32, #tpu.memory_space<vmem>>, vector<1x16xf32>,
        %get3A_644 = arith.index_cast %add3A_623 : i32 to index
        %get3A_645 = arith.constant 32 : index
        %get3A_646 = tpu.vector_load %arg11[%get3A_644, %get3A_645] {strides = array<i32>} : memref<80x64xf32, #tpu.memory_space<vmem>>, vector<1x16xf32>,
        %get3A_647 = vector.shape_cast %get3A_646 : vector<1x16xf32> to vector<16xf32>
        %mul3A_648 = arith.mulf %get3A_647, %broadcast_in_dim3A_619 : vector<16xf32>
        %swap3A_649 = arith.index_cast %add3A_623 : i32 to index
        %swap3A_650 = arith.constant 32 : index
        %swap3A_651 = tpu.vector_load %arg11[%swap3A_649, %swap3A_650] {strides = array<i32>} : memref<80x64xf32, #tpu.memory_space<vmem>>, vector<1x16xf32>,
        %swap3A_652 = vector.shape_cast %swap3A_651 : vector<1x16xf32> to vector<16xf32>
        %swap3A_653 = vector.shape_cast %mul3A_648 : vector<16xf32> to vector<1x16xf32>
        tpu.vector_store %arg11[%swap3A_649, %swap3A_650], %swap3A_653 {strides = array<i32>} : memref<80x64xf32, #tpu.memory_space<vmem>>, vector<1x16xf32>,
        %get3A_654 = arith.index_cast %add3A_623 : i32 to index
        %get3A_655 = arith.constant 48 : index
        %get3A_656 = tpu.vector_load %arg11[%get3A_654, %get3A_655] {strides = array<i32>} : memref<80x64xf32, #tpu.memory_space<vmem>>, vector<1x16xf32>,
        %get3A_657 = vector.shape_cast %get3A_656 : vector<1x16xf32> to vector<16xf32>
        %mul3A_658 = arith.mulf %get3A_657, %broadcast_in_dim3A_619 : vector<16xf32>
        %swap3A_659 = arith.index_cast %add3A_623 : i32 to index
        %swap3A_660 = arith.constant 48 : index
        %swap3A_661 = tpu.vector_load %arg11[%swap3A_659, %swap3A_660] {strides = array<i32>} : memref<80x64xf32, #tpu.memory_space<vmem>>, vector<1x16xf32>,
        %swap3A_662 = vector.shape_cast %swap3A_661 : vector<1x16xf32> to vector<16xf32>
        %swap3A_663 = vector.shape_cast %mul3A_658 : vector<16xf32> to vector<1x16xf32>
        tpu.vector_store %arg11[%swap3A_659, %swap3A_660], %swap3A_663 {strides = array<i32>} : memref<80x64xf32, #tpu.memory_space<vmem>>, vector<1x16xf32>,
        %slice3A_664 = vector.extract_strided_slice %get3A_148 {offsets = [11], sizes = [1], strides = [1]} : vector<16xf32> to vector<1xf32>
        %squeeze3A_665 = vector.extract %slice3A_664[0] : f32 from vector<1xf32>
        %broadcast_in_dim3A_666 = vector.broadcast %squeeze3A_665 : f32 to vector<16xf32>
        %mul3A_667 = arith.constant 16 : i32
        %mul3A_668 = arith.muli %scan3A_142, %mul3A_667 : i32
        %add3A_669 = arith.constant 11 : i32
        %add3A_670 = arith.addi %mul3A_668, %add3A_669 : i32
        %get3A_671 = arith.index_cast %add3A_670 : i32 to index
        %get3A_672 = arith.constant 0 : index
        %get3A_673 = tpu.vector_load %arg11[%get3A_671, %get3A_672] {strides = array<i32>} : memref<80x64xf32, #tpu.memory_space<vmem>>, vector<1x16xf32>,
        %get3A_674 = vector.shape_cast %get3A_673 : vector<1x16xf32> to vector<16xf32>
        %mul3A_675 = arith.mulf %get3A_674, %broadcast_in_dim3A_666 : vector<16xf32>
        %swap3A_676 = arith.index_cast %add3A_670 : i32 to index
        %swap3A_677 = arith.constant 0 : index
        %swap3A_678 = tpu.vector_load %arg11[%swap3A_676, %swap3A_677] {strides = array<i32>} : memref<80x64xf32, #tpu.memory_space<vmem>>, vector<1x16xf32>,
        %swap3A_679 = vector.shape_cast %swap3A_678 : vector<1x16xf32> to vector<16xf32>
        %swap3A_680 = vector.shape_cast %mul3A_675 : vector<16xf32> to vector<1x16xf32>
        tpu.vector_store %arg11[%swap3A_676, %swap3A_677], %swap3A_680 {strides = array<i32>} : memref<80x64xf32, #tpu.memory_space<vmem>>, vector<1x16xf32>,
        %get3A_681 = arith.index_cast %add3A_670 : i32 to index
        %get3A_682 = arith.constant 16 : index
        %get3A_683 = tpu.vector_load %arg11[%get3A_681, %get3A_682] {strides = array<i32>} : memref<80x64xf32, #tpu.memory_space<vmem>>, vector<1x16xf32>,
        %get3A_684 = vector.shape_cast %get3A_683 : vector<1x16xf32> to vector<16xf32>
        %mul3A_685 = arith.mulf %get3A_684, %broadcast_in_dim3A_666 : vector<16xf32>
        %swap3A_686 = arith.index_cast %add3A_670 : i32 to index
        %swap3A_687 = arith.constant 16 : index
        %swap3A_688 = tpu.vector_load %arg11[%swap3A_686, %swap3A_687] {strides = array<i32>} : memref<80x64xf32, #tpu.memory_space<vmem>>, vector<1x16xf32>,
        %swap3A_689 = vector.shape_cast %swap3A_688 : vector<1x16xf32> to vector<16xf32>
        %swap3A_690 = vector.shape_cast %mul3A_685 : vector<16xf32> to vector<1x16xf32>
        tpu.vector_store %arg11[%swap3A_686, %swap3A_687], %swap3A_690 {strides = array<i32>} : memref<80x64xf32, #tpu.memory_space<vmem>>, vector<1x16xf32>,
        %get3A_691 = arith.index_cast %add3A_670 : i32 to index
        %get3A_692 = arith.constant 32 : index
        %get3A_693 = tpu.vector_load %arg11[%get3A_691, %get3A_692] {strides = array<i32>} : memref<80x64xf32, #tpu.memory_space<vmem>>, vector<1x16xf32>,
        %get3A_694 = vector.shape_cast %get3A_693 : vector<1x16xf32> to vector<16xf32>
        %mul3A_695 = arith.mulf %get3A_694, %broadcast_in_dim3A_666 : vector<16xf32>
        %swap3A_696 = arith.index_cast %add3A_670 : i32 to index
        %swap3A_697 = arith.constant 32 : index
        %swap3A_698 = tpu.vector_load %arg11[%swap3A_696, %swap3A_697] {strides = array<i32>} : memref<80x64xf32, #tpu.memory_space<vmem>>, vector<1x16xf32>,
        %swap3A_699 = vector.shape_cast %swap3A_698 : vector<1x16xf32> to vector<16xf32>
        %swap3A_700 = vector.shape_cast %mul3A_695 : vector<16xf32> to vector<1x16xf32>
        tpu.vector_store %arg11[%swap3A_696, %swap3A_697], %swap3A_700 {strides = array<i32>} : memref<80x64xf32, #tpu.memory_space<vmem>>, vector<1x16xf32>,
        %get3A_701 = arith.index_cast %add3A_670 : i32 to index
        %get3A_702 = arith.constant 48 : index
        %get3A_703 = tpu.vector_load %arg11[%get3A_701, %get3A_702] {strides = array<i32>} : memref<80x64xf32, #tpu.memory_space<vmem>>, vector<1x16xf32>,
        %get3A_704 = vector.shape_cast %get3A_703 : vector<1x16xf32> to vector<16xf32>
        %mul3A_705 = arith.mulf %get3A_704, %broadcast_in_dim3A_666 : vector<16xf32>
        %swap3A_706 = arith.index_cast %add3A_670 : i32 to index
        %swap3A_707 = arith.constant 48 : index
        %swap3A_708 = tpu.vector_load %arg11[%swap3A_706, %swap3A_707] {strides = array<i32>} : memref<80x64xf32, #tpu.memory_space<vmem>>, vector<1x16xf32>,
        %swap3A_709 = vector.shape_cast %swap3A_708 : vector<1x16xf32> to vector<16xf32>
        %swap3A_710 = vector.shape_cast %mul3A_705 : vector<16xf32> to vector<1x16xf32>
        tpu.vector_store %arg11[%swap3A_706, %swap3A_707], %swap3A_710 {strides = array<i32>} : memref<80x64xf32, #tpu.memory_space<vmem>>, vector<1x16xf32>,
        %slice3A_711 = vector.extract_strided_slice %get3A_148 {offsets = [12], sizes = [1], strides = [1]} : vector<16xf32> to vector<1xf32>
        %squeeze3A_712 = vector.extract %slice3A_711[0] : f32 from vector<1xf32>
        %broadcast_in_dim3A_713 = vector.broadcast %squeeze3A_712 : f32 to vector<16xf32>
        %mul3A_714 = arith.constant 16 : i32
        %mul3A_715 = arith.muli %scan3A_142, %mul3A_714 : i32
        %add3A_716 = arith.constant 12 : i32
        %add3A_717 = arith.addi %mul3A_715, %add3A_716 : i32
        %get3A_718 = arith.index_cast %add3A_717 : i32 to index
        %get3A_719 = arith.constant 0 : index
        %get3A_720 = tpu.vector_load %arg11[%get3A_718, %get3A_719] {strides = array<i32>} : memref<80x64xf32, #tpu.memory_space<vmem>>, vector<1x16xf32>,
        %get3A_721 = vector.shape_cast %get3A_720 : vector<1x16xf32> to vector<16xf32>
        %mul3A_722 = arith.mulf %get3A_721, %broadcast_in_dim3A_713 : vector<16xf32>
        %swap3A_723 = arith.index_cast %add3A_717 : i32 to index
        %swap3A_724 = arith.constant 0 : index
        %swap3A_725 = tpu.vector_load %arg11[%swap3A_723, %swap3A_724] {strides = array<i32>} : memref<80x64xf32, #tpu.memory_space<vmem>>, vector<1x16xf32>,
        %swap3A_726 = vector.shape_cast %swap3A_725 : vector<1x16xf32> to vector<16xf32>
        %swap3A_727 = vector.shape_cast %mul3A_722 : vector<16xf32> to vector<1x16xf32>
        tpu.vector_store %arg11[%swap3A_723, %swap3A_724], %swap3A_727 {strides = array<i32>} : memref<80x64xf32, #tpu.memory_space<vmem>>, vector<1x16xf32>,
        %get3A_728 = arith.index_cast %add3A_717 : i32 to index
        %get3A_729 = arith.constant 16 : index
        %get3A_730 = tpu.vector_load %arg11[%get3A_728, %get3A_729] {strides = array<i32>} : memref<80x64xf32, #tpu.memory_space<vmem>>, vector<1x16xf32>,
        %get3A_731 = vector.shape_cast %get3A_730 : vector<1x16xf32> to vector<16xf32>
        %mul3A_732 = arith.mulf %get3A_731, %broadcast_in_dim3A_713 : vector<16xf32>
        %swap3A_733 = arith.index_cast %add3A_717 : i32 to index
        %swap3A_734 = arith.constant 16 : index
        %swap3A_735 = tpu.vector_load %arg11[%swap3A_733, %swap3A_734] {strides = array<i32>} : memref<80x64xf32, #tpu.memory_space<vmem>>, vector<1x16xf32>,
        %swap3A_736 = vector.shape_cast %swap3A_735 : vector<1x16xf32> to vector<16xf32>
        %swap3A_737 = vector.shape_cast %mul3A_732 : vector<16xf32> to vector<1x16xf32>
        tpu.vector_store %arg11[%swap3A_733, %swap3A_734], %swap3A_737 {strides = array<i32>} : memref<80x64xf32, #tpu.memory_space<vmem>>, vector<1x16xf32>,
        %get3A_738 = arith.index_cast %add3A_717 : i32 to index
        %get3A_739 = arith.constant 32 : index
        %get3A_740 = tpu.vector_load %arg11[%get3A_738, %get3A_739] {strides = array<i32>} : memref<80x64xf32, #tpu.memory_space<vmem>>, vector<1x16xf32>,
        %get3A_741 = vector.shape_cast %get3A_740 : vector<1x16xf32> to vector<16xf32>
        %mul3A_742 = arith.mulf %get3A_741, %broadcast_in_dim3A_713 : vector<16xf32>
        %swap3A_743 = arith.index_cast %add3A_717 : i32 to index
        %swap3A_744 = arith.constant 32 : index
        %swap3A_745 = tpu.vector_load %arg11[%swap3A_743, %swap3A_744] {strides = array<i32>} : memref<80x64xf32, #tpu.memory_space<vmem>>, vector<1x16xf32>,
        %swap3A_746 = vector.shape_cast %swap3A_745 : vector<1x16xf32> to vector<16xf32>
        %swap3A_747 = vector.shape_cast %mul3A_742 : vector<16xf32> to vector<1x16xf32>
        tpu.vector_store %arg11[%swap3A_743, %swap3A_744], %swap3A_747 {strides = array<i32>} : memref<80x64xf32, #tpu.memory_space<vmem>>, vector<1x16xf32>,
        %get3A_748 = arith.index_cast %add3A_717 : i32 to index
        %get3A_749 = arith.constant 48 : index
        %get3A_750 = tpu.vector_load %arg11[%get3A_748, %get3A_749] {strides = array<i32>} : memref<80x64xf32, #tpu.memory_space<vmem>>, vector<1x16xf32>,
        %get3A_751 = vector.shape_cast %get3A_750 : vector<1x16xf32> to vector<16xf32>
        %mul3A_752 = arith.mulf %get3A_751, %broadcast_in_dim3A_713 : vector<16xf32>
        %swap3A_753 = arith.index_cast %add3A_717 : i32 to index
        %swap3A_754 = arith.constant 48 : index
        %swap3A_755 = tpu.vector_load %arg11[%swap3A_753, %swap3A_754] {strides = array<i32>} : memref<80x64xf32, #tpu.memory_space<vmem>>, vector<1x16xf32>,
        %swap3A_756 = vector.shape_cast %swap3A_755 : vector<1x16xf32> to vector<16xf32>
        %swap3A_757 = vector.shape_cast %mul3A_752 : vector<16xf32> to vector<1x16xf32>
        tpu.vector_store %arg11[%swap3A_753, %swap3A_754], %swap3A_757 {strides = array<i32>} : memref<80x64xf32, #tpu.memory_space<vmem>>, vector<1x16xf32>,
        %slice3A_758 = vector.extract_strided_slice %get3A_148 {offsets = [13], sizes = [1], strides = [1]} : vector<16xf32> to vector<1xf32>
        %squeeze3A_759 = vector.extract %slice3A_758[0] : f32 from vector<1xf32>
        %broadcast_in_dim3A_760 = vector.broadcast %squeeze3A_759 : f32 to vector<16xf32>
        %mul3A_761 = arith.constant 16 : i32
        %mul3A_762 = arith.muli %scan3A_142, %mul3A_761 : i32
        %add3A_763 = arith.constant 13 : i32
        %add3A_764 = arith.addi %mul3A_762, %add3A_763 : i32
        %get3A_765 = arith.index_cast %add3A_764 : i32 to index
        %get3A_766 = arith.constant 0 : index
        %get3A_767 = tpu.vector_load %arg11[%get3A_765, %get3A_766] {strides = array<i32>} : memref<80x64xf32, #tpu.memory_space<vmem>>, vector<1x16xf32>,
        %get3A_768 = vector.shape_cast %get3A_767 : vector<1x16xf32> to vector<16xf32>
        %mul3A_769 = arith.mulf %get3A_768, %broadcast_in_dim3A_760 : vector<16xf32>
        %swap3A_770 = arith.index_cast %add3A_764 : i32 to index
        %swap3A_771 = arith.constant 0 : index
        %swap3A_772 = tpu.vector_load %arg11[%swap3A_770, %swap3A_771] {strides = array<i32>} : memref<80x64xf32, #tpu.memory_space<vmem>>, vector<1x16xf32>,
        %swap3A_773 = vector.shape_cast %swap3A_772 : vector<1x16xf32> to vector<16xf32>
        %swap3A_774 = vector.shape_cast %mul3A_769 : vector<16xf32> to vector<1x16xf32>
        tpu.vector_store %arg11[%swap3A_770, %swap3A_771], %swap3A_774 {strides = array<i32>} : memref<80x64xf32, #tpu.memory_space<vmem>>, vector<1x16xf32>,
        %get3A_775 = arith.index_cast %add3A_764 : i32 to index
        %get3A_776 = arith.constant 16 : index
        %get3A_777 = tpu.vector_load %arg11[%get3A_775, %get3A_776] {strides = array<i32>} : memref<80x64xf32, #tpu.memory_space<vmem>>, vector<1x16xf32>,
        %get3A_778 = vector.shape_cast %get3A_777 : vector<1x16xf32> to vector<16xf32>
        %mul3A_779 = arith.mulf %get3A_778, %broadcast_in_dim3A_760 : vector<16xf32>
        %swap3A_780 = arith.index_cast %add3A_764 : i32 to index
        %swap3A_781 = arith.constant 16 : index
        %swap3A_782 = tpu.vector_load %arg11[%swap3A_780, %swap3A_781] {strides = array<i32>} : memref<80x64xf32, #tpu.memory_space<vmem>>, vector<1x16xf32>,
        %swap3A_783 = vector.shape_cast %swap3A_782 : vector<1x16xf32> to vector<16xf32>
        %swap3A_784 = vector.shape_cast %mul3A_779 : vector<16xf32> to vector<1x16xf32>
        tpu.vector_store %arg11[%swap3A_780, %swap3A_781], %swap3A_784 {strides = array<i32>} : memref<80x64xf32, #tpu.memory_space<vmem>>, vector<1x16xf32>,
        %get3A_785 = arith.index_cast %add3A_764 : i32 to index
        %get3A_786 = arith.constant 32 : index
        %get3A_787 = tpu.vector_load %arg11[%get3A_785, %get3A_786] {strides = array<i32>} : memref<80x64xf32, #tpu.memory_space<vmem>>, vector<1x16xf32>,
        %get3A_788 = vector.shape_cast %get3A_787 : vector<1x16xf32> to vector<16xf32>
        %mul3A_789 = arith.mulf %get3A_788, %broadcast_in_dim3A_760 : vector<16xf32>
        %swap3A_790 = arith.index_cast %add3A_764 : i32 to index
        %swap3A_791 = arith.constant 32 : index
        %swap3A_792 = tpu.vector_load %arg11[%swap3A_790, %swap3A_791] {strides = array<i32>} : memref<80x64xf32, #tpu.memory_space<vmem>>, vector<1x16xf32>,
        %swap3A_793 = vector.shape_cast %swap3A_792 : vector<1x16xf32> to vector<16xf32>
        %swap3A_794 = vector.shape_cast %mul3A_789 : vector<16xf32> to vector<1x16xf32>
        tpu.vector_store %arg11[%swap3A_790, %swap3A_791], %swap3A_794 {strides = array<i32>} : memref<80x64xf32, #tpu.memory_space<vmem>>, vector<1x16xf32>,
        %get3A_795 = arith.index_cast %add3A_764 : i32 to index
        %get3A_796 = arith.constant 48 : index
        %get3A_797 = tpu.vector_load %arg11[%get3A_795, %get3A_796] {strides = array<i32>} : memref<80x64xf32, #tpu.memory_space<vmem>>, vector<1x16xf32>,
        %get3A_798 = vector.shape_cast %get3A_797 : vector<1x16xf32> to vector<16xf32>
        %mul3A_799 = arith.mulf %get3A_798, %broadcast_in_dim3A_760 : vector<16xf32>
        %swap3A_800 = arith.index_cast %add3A_764 : i32 to index
        %swap3A_801 = arith.constant 48 : index
        %swap3A_802 = tpu.vector_load %arg11[%swap3A_800, %swap3A_801] {strides = array<i32>} : memref<80x64xf32, #tpu.memory_space<vmem>>, vector<1x16xf32>,
        %swap3A_803 = vector.shape_cast %swap3A_802 : vector<1x16xf32> to vector<16xf32>
        %swap3A_804 = vector.shape_cast %mul3A_799 : vector<16xf32> to vector<1x16xf32>
        tpu.vector_store %arg11[%swap3A_800, %swap3A_801], %swap3A_804 {strides = array<i32>} : memref<80x64xf32, #tpu.memory_space<vmem>>, vector<1x16xf32>,
        %slice3A_805 = vector.extract_strided_slice %get3A_148 {offsets = [14], sizes = [1], strides = [1]} : vector<16xf32> to vector<1xf32>
        %squeeze3A_806 = vector.extract %slice3A_805[0] : f32 from vector<1xf32>
        %broadcast_in_dim3A_807 = vector.broadcast %squeeze3A_806 : f32 to vector<16xf32>
        %mul3A_808 = arith.constant 16 : i32
        %mul3A_809 = arith.muli %scan3A_142, %mul3A_808 : i32
        %add3A_810 = arith.constant 14 : i32
        %add3A_811 = arith.addi %mul3A_809, %add3A_810 : i32
        %get3A_812 = arith.index_cast %add3A_811 : i32 to index
        %get3A_813 = arith.constant 0 : index
        %get3A_814 = tpu.vector_load %arg11[%get3A_812, %get3A_813] {strides = array<i32>} : memref<80x64xf32, #tpu.memory_space<vmem>>, vector<1x16xf32>,
        %get3A_815 = vector.shape_cast %get3A_814 : vector<1x16xf32> to vector<16xf32>
        %mul3A_816 = arith.mulf %get3A_815, %broadcast_in_dim3A_807 : vector<16xf32>
        %swap3A_817 = arith.index_cast %add3A_811 : i32 to index
        %swap3A_818 = arith.constant 0 : index
        %swap3A_819 = tpu.vector_load %arg11[%swap3A_817, %swap3A_818] {strides = array<i32>} : memref<80x64xf32, #tpu.memory_space<vmem>>, vector<1x16xf32>,
        %swap3A_820 = vector.shape_cast %swap3A_819 : vector<1x16xf32> to vector<16xf32>
        %swap3A_821 = vector.shape_cast %mul3A_816 : vector<16xf32> to vector<1x16xf32>
        tpu.vector_store %arg11[%swap3A_817, %swap3A_818], %swap3A_821 {strides = array<i32>} : memref<80x64xf32, #tpu.memory_space<vmem>>, vector<1x16xf32>,
        %get3A_822 = arith.index_cast %add3A_811 : i32 to index
        %get3A_823 = arith.constant 16 : index
        %get3A_824 = tpu.vector_load %arg11[%get3A_822, %get3A_823] {strides = array<i32>} : memref<80x64xf32, #tpu.memory_space<vmem>>, vector<1x16xf32>,
        %get3A_825 = vector.shape_cast %get3A_824 : vector<1x16xf32> to vector<16xf32>
        %mul3A_826 = arith.mulf %get3A_825, %broadcast_in_dim3A_807 : vector<16xf32>
        %swap3A_827 = arith.index_cast %add3A_811 : i32 to index
        %swap3A_828 = arith.constant 16 : index
        %swap3A_829 = tpu.vector_load %arg11[%swap3A_827, %swap3A_828] {strides = array<i32>} : memref<80x64xf32, #tpu.memory_space<vmem>>, vector<1x16xf32>,
        %swap3A_830 = vector.shape_cast %swap3A_829 : vector<1x16xf32> to vector<16xf32>
        %swap3A_831 = vector.shape_cast %mul3A_826 : vector<16xf32> to vector<1x16xf32>
        tpu.vector_store %arg11[%swap3A_827, %swap3A_828], %swap3A_831 {strides = array<i32>} : memref<80x64xf32, #tpu.memory_space<vmem>>, vector<1x16xf32>,
        %get3A_832 = arith.index_cast %add3A_811 : i32 to index
        %get3A_833 = arith.constant 32 : index
        %get3A_834 = tpu.vector_load %arg11[%get3A_832, %get3A_833] {strides = array<i32>} : memref<80x64xf32, #tpu.memory_space<vmem>>, vector<1x16xf32>,
        %get3A_835 = vector.shape_cast %get3A_834 : vector<1x16xf32> to vector<16xf32>
        %mul3A_836 = arith.mulf %get3A_835, %broadcast_in_dim3A_807 : vector<16xf32>
        %swap3A_837 = arith.index_cast %add3A_811 : i32 to index
        %swap3A_838 = arith.constant 32 : index
        %swap3A_839 = tpu.vector_load %arg11[%swap3A_837, %swap3A_838] {strides = array<i32>} : memref<80x64xf32, #tpu.memory_space<vmem>>, vector<1x16xf32>,
        %swap3A_840 = vector.shape_cast %swap3A_839 : vector<1x16xf32> to vector<16xf32>
        %swap3A_841 = vector.shape_cast %mul3A_836 : vector<16xf32> to vector<1x16xf32>
        tpu.vector_store %arg11[%swap3A_837, %swap3A_838], %swap3A_841 {strides = array<i32>} : memref<80x64xf32, #tpu.memory_space<vmem>>, vector<1x16xf32>,
        %get3A_842 = arith.index_cast %add3A_811 : i32 to index
        %get3A_843 = arith.constant 48 : index
        %get3A_844 = tpu.vector_load %arg11[%get3A_842, %get3A_843] {strides = array<i32>} : memref<80x64xf32, #tpu.memory_space<vmem>>, vector<1x16xf32>,
        %get3A_845 = vector.shape_cast %get3A_844 : vector<1x16xf32> to vector<16xf32>
        %mul3A_846 = arith.mulf %get3A_845, %broadcast_in_dim3A_807 : vector<16xf32>
        %swap3A_847 = arith.index_cast %add3A_811 : i32 to index
        %swap3A_848 = arith.constant 48 : index
        %swap3A_849 = tpu.vector_load %arg11[%swap3A_847, %swap3A_848] {strides = array<i32>} : memref<80x64xf32, #tpu.memory_space<vmem>>, vector<1x16xf32>,
        %swap3A_850 = vector.shape_cast %swap3A_849 : vector<1x16xf32> to vector<16xf32>
        %swap3A_851 = vector.shape_cast %mul3A_846 : vector<16xf32> to vector<1x16xf32>
        tpu.vector_store %arg11[%swap3A_847, %swap3A_848], %swap3A_851 {strides = array<i32>} : memref<80x64xf32, #tpu.memory_space<vmem>>, vector<1x16xf32>,
        %slice3A_852 = vector.extract_strided_slice %get3A_148 {offsets = [15], sizes = [1], strides = [1]} : vector<16xf32> to vector<1xf32>
        %squeeze3A_853 = vector.extract %slice3A_852[0] : f32 from vector<1xf32>
        %broadcast_in_dim3A_854 = vector.broadcast %squeeze3A_853 : f32 to vector<16xf32>
        %mul3A_855 = arith.constant 16 : i32
        %mul3A_856 = arith.muli %scan3A_142, %mul3A_855 : i32
        %add3A_857 = arith.constant 15 : i32
        %add3A_858 = arith.addi %mul3A_856, %add3A_857 : i32
        %get3A_859 = arith.index_cast %add3A_858 : i32 to index
        %get3A_860 = arith.constant 0 : index
        %get3A_861 = tpu.vector_load %arg11[%get3A_859, %get3A_860] {strides = array<i32>} : memref<80x64xf32, #tpu.memory_space<vmem>>, vector<1x16xf32>,
        %get3A_862 = vector.shape_cast %get3A_861 : vector<1x16xf32> to vector<16xf32>
        %mul3A_863 = arith.mulf %get3A_862, %broadcast_in_dim3A_854 : vector<16xf32>
        %swap3A_864 = arith.index_cast %add3A_858 : i32 to index
        %swap3A_865 = arith.constant 0 : index
        %swap3A_866 = tpu.vector_load %arg11[%swap3A_864, %swap3A_865] {strides = array<i32>} : memref<80x64xf32, #tpu.memory_space<vmem>>, vector<1x16xf32>,
        %swap3A_867 = vector.shape_cast %swap3A_866 : vector<1x16xf32> to vector<16xf32>
        %swap3A_868 = vector.shape_cast %mul3A_863 : vector<16xf32> to vector<1x16xf32>
        tpu.vector_store %arg11[%swap3A_864, %swap3A_865], %swap3A_868 {strides = array<i32>} : memref<80x64xf32, #tpu.memory_space<vmem>>, vector<1x16xf32>,
        %get3A_869 = arith.index_cast %add3A_858 : i32 to index
        %get3A_870 = arith.constant 16 : index
        %get3A_871 = tpu.vector_load %arg11[%get3A_869, %get3A_870] {strides = array<i32>} : memref<80x64xf32, #tpu.memory_space<vmem>>, vector<1x16xf32>,
        %get3A_872 = vector.shape_cast %get3A_871 : vector<1x16xf32> to vector<16xf32>
        %mul3A_873 = arith.mulf %get3A_872, %broadcast_in_dim3A_854 : vector<16xf32>
        %swap3A_874 = arith.index_cast %add3A_858 : i32 to index
        %swap3A_875 = arith.constant 16 : index
        %swap3A_876 = tpu.vector_load %arg11[%swap3A_874, %swap3A_875] {strides = array<i32>} : memref<80x64xf32, #tpu.memory_space<vmem>>, vector<1x16xf32>,
        %swap3A_877 = vector.shape_cast %swap3A_876 : vector<1x16xf32> to vector<16xf32>
        %swap3A_878 = vector.shape_cast %mul3A_873 : vector<16xf32> to vector<1x16xf32>
        tpu.vector_store %arg11[%swap3A_874, %swap3A_875], %swap3A_878 {strides = array<i32>} : memref<80x64xf32, #tpu.memory_space<vmem>>, vector<1x16xf32>,
        %get3A_879 = arith.index_cast %add3A_858 : i32 to index
        %get3A_880 = arith.constant 32 : index
        %get3A_881 = tpu.vector_load %arg11[%get3A_879, %get3A_880] {strides = array<i32>} : memref<80x64xf32, #tpu.memory_space<vmem>>, vector<1x16xf32>,
        %get3A_882 = vector.shape_cast %get3A_881 : vector<1x16xf32> to vector<16xf32>
        %mul3A_883 = arith.mulf %get3A_882, %broadcast_in_dim3A_854 : vector<16xf32>
        %swap3A_884 = arith.index_cast %add3A_858 : i32 to index
        %swap3A_885 = arith.constant 32 : index
        %swap3A_886 = tpu.vector_load %arg11[%swap3A_884, %swap3A_885] {strides = array<i32>} : memref<80x64xf32, #tpu.memory_space<vmem>>, vector<1x16xf32>,
        %swap3A_887 = vector.shape_cast %swap3A_886 : vector<1x16xf32> to vector<16xf32>
        %swap3A_888 = vector.shape_cast %mul3A_883 : vector<16xf32> to vector<1x16xf32>
        tpu.vector_store %arg11[%swap3A_884, %swap3A_885], %swap3A_888 {strides = array<i32>} : memref<80x64xf32, #tpu.memory_space<vmem>>, vector<1x16xf32>,
        %get3A_889 = arith.index_cast %add3A_858 : i32 to index
        %get3A_890 = arith.constant 48 : index
        %get3A_891 = tpu.vector_load %arg11[%get3A_889, %get3A_890] {strides = array<i32>} : memref<80x64xf32, #tpu.memory_space<vmem>>, vector<1x16xf32>,
        %get3A_892 = vector.shape_cast %get3A_891 : vector<1x16xf32> to vector<16xf32>
        %mul3A_893 = arith.mulf %get3A_892, %broadcast_in_dim3A_854 : vector<16xf32>
        %swap3A_894 = arith.index_cast %add3A_858 : i32 to index
        %swap3A_895 = arith.constant 48 : index
        %swap3A_896 = tpu.vector_load %arg11[%swap3A_894, %swap3A_895] {strides = array<i32>} : memref<80x64xf32, #tpu.memory_space<vmem>>, vector<1x16xf32>,
        %swap3A_897 = vector.shape_cast %swap3A_896 : vector<1x16xf32> to vector<16xf32>
        %swap3A_898 = vector.shape_cast %mul3A_893 : vector<16xf32> to vector<1x16xf32>
        tpu.vector_store %arg11[%swap3A_894, %swap3A_895], %swap3A_898 {strides = array<i32>} : memref<80x64xf32, #tpu.memory_space<vmem>>, vector<1x16xf32>,
        %scan3A_899 = arith.constant 0 : i32
        scf.yield %scan3A_899 : i32
      }
      %scan3A_140 = arith.constant 5 : i32
      "tpu.region"() ({
        %run_scoped3A = tpu.sem_alloc : memref<!tpu.dma_semaphore, #tpu.memory_space<semaphore_mem>>
        %dma_start3A_142 = arith.constant 0 : i32
        %dma_start3A_143 = arith.constant 0 : i32
        %dma_start3A_144 = tpu.memref_slice %arg13[%dma_start3A_142, %dma_start3A_143] : memref<25088x64xf32, #tpu.memory_space<vmem_shared>> -> memref<25088x64xf32, #tpu.memory_space<vmem_shared>>
        tpu.enqueue_indirect_dma source(%arg11 : memref<80x64xf32, #tpu.memory_space<vmem>>) target(%dma_start3A_144 : memref<25088x64xf32, #tpu.memory_space<vmem_shared>>) offsets(%arg10 : memref<80xi32, #tpu.memory_space<vmem>>) semaphore(%run_scoped3A : memref<!tpu.dma_semaphore, #tpu.memory_space<semaphore_mem>>) {add = true}
        %dma_wait3A_145 = arith.constant 0 : i32
        %dma_wait3A_146 = arith.constant 0 : i32
        %dma_wait3A_147 = tpu.memref_slice %arg13[%dma_wait3A_145, %dma_wait3A_146] : memref<25088x64xf32, #tpu.memory_space<vmem_shared>> -> memref<25088x64xf32, #tpu.memory_space<vmem_shared>>
        tpu.wait_indirect_dma semaphore(%run_scoped3A : memref<!tpu.dma_semaphore, #tpu.memory_space<semaphore_mem>>) src(%arg11 : memref<80x64xf32, #tpu.memory_space<vmem>>) dst(%dma_wait3A_147 : memref<25088x64xf32, #tpu.memory_space<vmem_shared>>)
        tpu.yield
      }) : () -> ()
      %scan3A_141 = arith.constant 0 : i32
      scf.yield %scan3A_141 : i32
    }
    %scan3A_28 = arith.constant 625 : i32
    %barrier3A_29 = arith.constant 0 : index
    tpu.barrier barrier_id(%barrier3A_29)
    %mul3A_30 = arith.constant 1560 : i32
    %mul3A_31 = arith.muli %arg1, %mul3A_30 : i32
    %mul3A_32 = arith.constant 1560 : i32
    %mul3A_33 = arith.muli %arg1, %mul3A_32 : i32
    %add3A_34 = arith.addi %mul3A_0, %mul3A_33 : i32
    "tpu.region"() ({
      %run_scoped3A = tpu.sem_alloc : memref<!tpu.dma_semaphore, #tpu.memory_space<semaphore_mem>>
      %dma_start3A = arith.constant 0 : i32
      %dma_start3A_37 = tpu.memref_slice %arg6[%add3A_34, %dma_start3A] : memref<50000x64xf32, #tpu.memory_space<hbm>> -> memref<1560x64xf32, #tpu.memory_space<hbm>>
      %dma_start3A_38 = arith.constant 0 : i32
      %dma_start3A_39 = tpu.memref_slice %arg13[%mul3A_31, %dma_start3A_38] : memref<25088x64xf32, #tpu.memory_space<vmem_shared>> -> memref<1560x64xf32, #tpu.memory_space<vmem_shared>>
      tpu.enqueue_dma source(%dma_start3A_39 : memref<1560x64xf32, #tpu.memory_space<vmem_shared>>) target(%dma_start3A_37 : memref<1560x64xf32, #tpu.memory_space<hbm>>) target_semaphore(%run_scoped3A : memref<!tpu.dma_semaphore, #tpu.memory_space<semaphore_mem>>)
      %dma_wait3A = arith.constant 0 : i32
      %dma_wait3A_40 = tpu.memref_slice %arg6[%add3A_34, %dma_wait3A] : memref<50000x64xf32, #tpu.memory_space<hbm>> -> memref<1560x64xf32, #tpu.memory_space<hbm>>
      %dma_wait3A_41 = arith.constant 0 : i32
      %dma_wait3A_42 = tpu.memref_slice %arg13[%mul3A_31, %dma_wait3A_41] : memref<25088x64xf32, #tpu.memory_space<vmem_shared>> -> memref<1560x64xf32, #tpu.memory_space<vmem_shared>>
      tpu.wait_dma2 semaphore(%run_scoped3A : memref<!tpu.dma_semaphore, #tpu.memory_space<semaphore_mem>>) src(%dma_wait3A_42 : memref<1560x64xf32, #tpu.memory_space<vmem_shared>>) dst(%dma_wait3A_40 : memref<1560x64xf32, #tpu.memory_space<hbm>>)
      tpu.yield
    }) : () -> ()
    %eq3A = arith.constant 0 : i32
    %eq3A_35 = arith.cmpi eq, %arg1, %eq3A : i32
    %convert_element_type3A = arith.extui %eq3A_35 : i1 to i32
    %cond3A = arith.constant 0 : i32
    %cond3A_36 = arith.cmpi ne, %convert_element_type3A, %cond3A : i32
    scf.if %cond3A_36 {
      %add3A_37 = arith.constant 24960 : i32
      %add3A_38 = arith.addi %mul3A_0, %add3A_37 : i32
      "tpu.region"() ({
        %run_scoped3A = tpu.sem_alloc : memref<!tpu.dma_semaphore, #tpu.memory_space<semaphore_mem>>
        %dma_start3A = arith.constant 0 : i32
        %dma_start3A_39 = tpu.memref_slice %arg6[%add3A_38, %dma_start3A] : memref<50000x64xf32, #tpu.memory_space<hbm>> -> memref<40x64xf32, #tpu.memory_space<hbm>>
        %dma_start3A_40 = arith.constant 24960 : i32
        %dma_start3A_41 = arith.constant 0 : i32
        %dma_start3A_42 = tpu.memref_slice %arg13[%dma_start3A_40, %dma_start3A_41] : memref<25088x64xf32, #tpu.memory_space<vmem_shared>> -> memref<40x64xf32, #tpu.memory_space<vmem_shared>>
        tpu.enqueue_dma source(%dma_start3A_42 : memref<40x64xf32, #tpu.memory_space<vmem_shared>>) target(%dma_start3A_39 : memref<40x64xf32, #tpu.memory_space<hbm>>) target_semaphore(%run_scoped3A : memref<!tpu.dma_semaphore, #tpu.memory_space<semaphore_mem>>)
        %dma_wait3A = arith.constant 0 : i32
        %dma_wait3A_43 = tpu.memref_slice %arg6[%add3A_38, %dma_wait3A] : memref<50000x64xf32, #tpu.memory_space<hbm>> -> memref<40x64xf32, #tpu.memory_space<hbm>>
        %dma_wait3A_44 = arith.constant 24960 : i32
        %dma_wait3A_45 = arith.constant 0 : i32
        %dma_wait3A_46 = tpu.memref_slice %arg13[%dma_wait3A_44, %dma_wait3A_45] : memref<25088x64xf32, #tpu.memory_space<vmem_shared>> -> memref<40x64xf32, #tpu.memory_space<vmem_shared>>
        tpu.wait_dma2 semaphore(%run_scoped3A : memref<!tpu.dma_semaphore, #tpu.memory_space<semaphore_mem>>) src(%dma_wait3A_46 : memref<40x64xf32, #tpu.memory_space<vmem_shared>>) dst(%dma_wait3A_43 : memref<40x64xf32, #tpu.memory_space<hbm>>)
        tpu.yield
      }) : () -> ()
    } else {
    }
    return
  }
}

#map = affine_map<(d0, d1) -> (0, 0)>
#map1 = affine_map<(d0, d1) -> (0)>
module attributes {stable_mosaic.version = 14 : i64} {
  func.func @lightgcn_user_gather(%arg0: i32, %arg1: i32, %arg2: memref<50000x64xf32, #tpu.memory_space<hbm>>, %arg3: memref<50000x64xf32, #tpu.memory_space<hbm>>, %arg4: memref<50000x64xf32, #tpu.memory_space<hbm>>, %arg5: memref<50000x64xf32, #tpu.memory_space<hbm>>, %arg6: memref<1024xi32, #tpu.memory_space<hbm>>, %arg7: memref<1024x64xf32, #tpu.memory_space<hbm>>, %arg8: memref<32xi32, #tpu.memory_space<vmem>>, %arg9: memref<32x64xf32, #tpu.memory_space<vmem>>, %arg10: memref<32x64xf32, #tpu.memory_space<vmem>>, %arg11: memref<32x64xf32, #tpu.memory_space<vmem>>, %arg12: memref<!tpu.dma_semaphore, #tpu.memory_space<semaphore_mem>>) attributes {dimension_semantics = [#tpu.dimension_semantics<core_parallel>, #tpu.dimension_semantics<subcore_parallel>], iteration_bounds = array<i64: 2, 16>, scalar_prefetch = 0 : i64, scratch_operands = 5 : i64, tpu.core_type = #tpu.core_type<sc_vector_subcore>, window_params = [{transform_indices = #map}, {transform_indices = #map}, {transform_indices = #map}, {transform_indices = #map}, {transform_indices = #map1}, {transform_indices = #map}]} {
    %mul3A = arith.constant 2 : i32
    %mul3A_0 = arith.muli %arg1, %mul3A : i32
    %add3A = arith.addi %mul3A_0, %arg0 : i32
    %mul3A_1 = arith.constant 32 : i32
    %mul3A_2 = arith.muli %add3A, %mul3A_1 : i32
    "tpu.region"() ({
      %run_scoped3A = tpu.sem_alloc : memref<!tpu.dma_semaphore, #tpu.memory_space<semaphore_mem>>
      %dma_start3A_38 = tpu.memref_slice %arg6[%mul3A_2] : memref<1024xi32, #tpu.memory_space<hbm>> -> memref<32xi32, #tpu.memory_space<hbm>>
      %dma_start3A_39 = tpu.memref_slice %arg6[%mul3A_2] : memref<1024xi32, #tpu.memory_space<hbm>> -> memref<32xi32, #tpu.memory_space<hbm>>
      tpu.enqueue_dma source(%dma_start3A_39 : memref<32xi32, #tpu.memory_space<hbm>>) target(%arg8 : memref<32xi32, #tpu.memory_space<vmem>>) target_semaphore(%run_scoped3A : memref<!tpu.dma_semaphore, #tpu.memory_space<semaphore_mem>>)
      %dma_wait3A_40 = tpu.memref_slice %arg6[%mul3A_2] : memref<1024xi32, #tpu.memory_space<hbm>> -> memref<32xi32, #tpu.memory_space<hbm>>
      %dma_wait3A_41 = tpu.memref_slice %arg6[%mul3A_2] : memref<1024xi32, #tpu.memory_space<hbm>> -> memref<32xi32, #tpu.memory_space<hbm>>
      tpu.wait_dma2 semaphore(%run_scoped3A : memref<!tpu.dma_semaphore, #tpu.memory_space<semaphore_mem>>) src(%dma_wait3A_41 : memref<32xi32, #tpu.memory_space<hbm>>) dst(%arg8 : memref<32xi32, #tpu.memory_space<vmem>>)
      tpu.yield
    }) : () -> ()
    %dma_start3A = arith.constant 0 : i32
    %dma_start3A_3 = arith.constant 0 : i32
    %dma_start3A_4 = tpu.memref_slice %arg2[%dma_start3A, %dma_start3A_3] : memref<50000x64xf32, #tpu.memory_space<hbm>> -> memref<50000x64xf32, #tpu.memory_space<hbm>>
    tpu.enqueue_indirect_dma source(%dma_start3A_4 : memref<50000x64xf32, #tpu.memory_space<hbm>>) target(%arg11 : memref<32x64xf32, #tpu.memory_space<vmem>>) offsets(%arg8 : memref<32xi32, #tpu.memory_space<vmem>>) semaphore(%arg12 : memref<!tpu.dma_semaphore, #tpu.memory_space<semaphore_mem>>)
    %dma_wait3A = arith.constant 0 : i32
    %dma_wait3A_5 = arith.constant 0 : i32
    %dma_wait3A_6 = tpu.memref_slice %arg2[%dma_wait3A, %dma_wait3A_5] : memref<50000x64xf32, #tpu.memory_space<hbm>> -> memref<50000x64xf32, #tpu.memory_space<hbm>>
    tpu.wait_indirect_dma semaphore(%arg12 : memref<!tpu.dma_semaphore, #tpu.memory_space<semaphore_mem>>) src(%dma_wait3A_6 : memref<50000x64xf32, #tpu.memory_space<hbm>>) dst(%arg11 : memref<32x64xf32, #tpu.memory_space<vmem>>)
    %dma_start3A_7 = arith.constant 0 : i32
    %dma_start3A_8 = arith.constant 0 : i32
    %dma_start3A_9 = tpu.memref_slice %arg3[%dma_start3A_7, %dma_start3A_8] : memref<50000x64xf32, #tpu.memory_space<hbm>> -> memref<50000x64xf32, #tpu.memory_space<hbm>>
    tpu.enqueue_indirect_dma source(%dma_start3A_9 : memref<50000x64xf32, #tpu.memory_space<hbm>>) target(%arg9 : memref<32x64xf32, #tpu.memory_space<vmem>>) offsets(%arg8 : memref<32xi32, #tpu.memory_space<vmem>>) semaphore(%arg12 : memref<!tpu.dma_semaphore, #tpu.memory_space<semaphore_mem>>)
    %dma_wait3A_10 = arith.constant 0 : i32
    %dma_wait3A_11 = arith.constant 0 : i32
    %dma_wait3A_12 = tpu.memref_slice %arg3[%dma_wait3A_10, %dma_wait3A_11] : memref<50000x64xf32, #tpu.memory_space<hbm>> -> memref<50000x64xf32, #tpu.memory_space<hbm>>
    tpu.wait_indirect_dma semaphore(%arg12 : memref<!tpu.dma_semaphore, #tpu.memory_space<semaphore_mem>>) src(%dma_wait3A_12 : memref<50000x64xf32, #tpu.memory_space<hbm>>) dst(%arg9 : memref<32x64xf32, #tpu.memory_space<vmem>>)
    %dma_start3A_13 = arith.constant 0 : i32
    %dma_start3A_14 = arith.constant 0 : i32
    %dma_start3A_15 = tpu.memref_slice %arg4[%dma_start3A_13, %dma_start3A_14] : memref<50000x64xf32, #tpu.memory_space<hbm>> -> memref<50000x64xf32, #tpu.memory_space<hbm>>
    tpu.enqueue_indirect_dma source(%dma_start3A_15 : memref<50000x64xf32, #tpu.memory_space<hbm>>) target(%arg10 : memref<32x64xf32, #tpu.memory_space<vmem>>) offsets(%arg8 : memref<32xi32, #tpu.memory_space<vmem>>) semaphore(%arg12 : memref<!tpu.dma_semaphore, #tpu.memory_space<semaphore_mem>>)
    %dma_wait3A_16 = arith.constant 0 : i32
    %dma_wait3A_17 = arith.constant 0 : i32
    %dma_wait3A_18 = tpu.memref_slice %arg4[%dma_wait3A_16, %dma_wait3A_17] : memref<50000x64xf32, #tpu.memory_space<hbm>> -> memref<50000x64xf32, #tpu.memory_space<hbm>>
    tpu.wait_indirect_dma semaphore(%arg12 : memref<!tpu.dma_semaphore, #tpu.memory_space<semaphore_mem>>) src(%dma_wait3A_18 : memref<50000x64xf32, #tpu.memory_space<hbm>>) dst(%arg10 : memref<32x64xf32, #tpu.memory_space<vmem>>)
    %scan3A = arith.constant 0 : i32
    %scan3A_19 = arith.constant 0 : i32
    %scan3A_20 = arith.constant 32 : i32
    %scan3A_21 = arith.addi %scan3A_19, %scan3A_20 : i32
    %scan3A_22 = arith.constant 1 : i32
    %scan3A_23 = scf.for %scan3A_38 = %scan3A_19 to %scan3A_21 step %scan3A_22 iter_args(%scan3A_39 = %scan3A) -> (i32)  : i32 {
      %get3A = arith.index_cast %scan3A_38 : i32 to index
      %get3A_40 = arith.constant 0 : index
      %get3A_41 = tpu.vector_load %arg11[%get3A, %get3A_40] {strides = array<i32>} : memref<32x64xf32, #tpu.memory_space<vmem>>, vector<1x16xf32>,
      %get3A_42 = vector.shape_cast %get3A_41 : vector<1x16xf32> to vector<16xf32>
      %get3A_43 = arith.index_cast %scan3A_38 : i32 to index
      %get3A_44 = arith.constant 0 : index
      %get3A_45 = tpu.vector_load %arg9[%get3A_43, %get3A_44] {strides = array<i32>} : memref<32x64xf32, #tpu.memory_space<vmem>>, vector<1x16xf32>,
      %get3A_46 = vector.shape_cast %get3A_45 : vector<1x16xf32> to vector<16xf32>
      %add3A_47 = arith.addf %get3A_42, %get3A_46 : vector<16xf32>
      %get3A_48 = arith.index_cast %scan3A_38 : i32 to index
      %get3A_49 = arith.constant 0 : index
      %get3A_50 = tpu.vector_load %arg10[%get3A_48, %get3A_49] {strides = array<i32>} : memref<32x64xf32, #tpu.memory_space<vmem>>, vector<1x16xf32>,
      %get3A_51 = vector.shape_cast %get3A_50 : vector<1x16xf32> to vector<16xf32>
      %add3A_52 = arith.addf %add3A_47, %get3A_51 : vector<16xf32>
      %swap3A = arith.index_cast %scan3A_38 : i32 to index
      %swap3A_53 = arith.constant 0 : index
      %swap3A_54 = tpu.vector_load %arg11[%swap3A, %swap3A_53] {strides = array<i32>} : memref<32x64xf32, #tpu.memory_space<vmem>>, vector<1x16xf32>,
      %swap3A_55 = vector.shape_cast %swap3A_54 : vector<1x16xf32> to vector<16xf32>
      %swap3A_56 = vector.shape_cast %add3A_52 : vector<16xf32> to vector<1x16xf32>
      tpu.vector_store %arg11[%swap3A, %swap3A_53], %swap3A_56 {strides = array<i32>} : memref<32x64xf32, #tpu.memory_space<vmem>>, vector<1x16xf32>,
      %get3A_57 = arith.index_cast %scan3A_38 : i32 to index
      %get3A_58 = arith.constant 16 : index
      %get3A_59 = tpu.vector_load %arg11[%get3A_57, %get3A_58] {strides = array<i32>} : memref<32x64xf32, #tpu.memory_space<vmem>>, vector<1x16xf32>,
      %get3A_60 = vector.shape_cast %get3A_59 : vector<1x16xf32> to vector<16xf32>
      %get3A_61 = arith.index_cast %scan3A_38 : i32 to index
      %get3A_62 = arith.constant 16 : index
      %get3A_63 = tpu.vector_load %arg9[%get3A_61, %get3A_62] {strides = array<i32>} : memref<32x64xf32, #tpu.memory_space<vmem>>, vector<1x16xf32>,
      %get3A_64 = vector.shape_cast %get3A_63 : vector<1x16xf32> to vector<16xf32>
      %add3A_65 = arith.addf %get3A_60, %get3A_64 : vector<16xf32>
      %get3A_66 = arith.index_cast %scan3A_38 : i32 to index
      %get3A_67 = arith.constant 16 : index
      %get3A_68 = tpu.vector_load %arg10[%get3A_66, %get3A_67] {strides = array<i32>} : memref<32x64xf32, #tpu.memory_space<vmem>>, vector<1x16xf32>,
      %get3A_69 = vector.shape_cast %get3A_68 : vector<1x16xf32> to vector<16xf32>
      %add3A_70 = arith.addf %add3A_65, %get3A_69 : vector<16xf32>
      %swap3A_71 = arith.index_cast %scan3A_38 : i32 to index
      %swap3A_72 = arith.constant 16 : index
      %swap3A_73 = tpu.vector_load %arg11[%swap3A_71, %swap3A_72] {strides = array<i32>} : memref<32x64xf32, #tpu.memory_space<vmem>>, vector<1x16xf32>,
      %swap3A_74 = vector.shape_cast %swap3A_73 : vector<1x16xf32> to vector<16xf32>
      %swap3A_75 = vector.shape_cast %add3A_70 : vector<16xf32> to vector<1x16xf32>
      tpu.vector_store %arg11[%swap3A_71, %swap3A_72], %swap3A_75 {strides = array<i32>} : memref<32x64xf32, #tpu.memory_space<vmem>>, vector<1x16xf32>,
      %get3A_76 = arith.index_cast %scan3A_38 : i32 to index
      %get3A_77 = arith.constant 32 : index
      %get3A_78 = tpu.vector_load %arg11[%get3A_76, %get3A_77] {strides = array<i32>} : memref<32x64xf32, #tpu.memory_space<vmem>>, vector<1x16xf32>,
      %get3A_79 = vector.shape_cast %get3A_78 : vector<1x16xf32> to vector<16xf32>
      %get3A_80 = arith.index_cast %scan3A_38 : i32 to index
      %get3A_81 = arith.constant 32 : index
      %get3A_82 = tpu.vector_load %arg9[%get3A_80, %get3A_81] {strides = array<i32>} : memref<32x64xf32, #tpu.memory_space<vmem>>, vector<1x16xf32>,
      %get3A_83 = vector.shape_cast %get3A_82 : vector<1x16xf32> to vector<16xf32>
      %add3A_84 = arith.addf %get3A_79, %get3A_83 : vector<16xf32>
      %get3A_85 = arith.index_cast %scan3A_38 : i32 to index
      %get3A_86 = arith.constant 32 : index
      %get3A_87 = tpu.vector_load %arg10[%get3A_85, %get3A_86] {strides = array<i32>} : memref<32x64xf32, #tpu.memory_space<vmem>>, vector<1x16xf32>,
      %get3A_88 = vector.shape_cast %get3A_87 : vector<1x16xf32> to vector<16xf32>
      %add3A_89 = arith.addf %add3A_84, %get3A_88 : vector<16xf32>
      %swap3A_90 = arith.index_cast %scan3A_38 : i32 to index
      %swap3A_91 = arith.constant 32 : index
      %swap3A_92 = tpu.vector_load %arg11[%swap3A_90, %swap3A_91] {strides = array<i32>} : memref<32x64xf32, #tpu.memory_space<vmem>>, vector<1x16xf32>,
      %swap3A_93 = vector.shape_cast %swap3A_92 : vector<1x16xf32> to vector<16xf32>
      %swap3A_94 = vector.shape_cast %add3A_89 : vector<16xf32> to vector<1x16xf32>
      tpu.vector_store %arg11[%swap3A_90, %swap3A_91], %swap3A_94 {strides = array<i32>} : memref<32x64xf32, #tpu.memory_space<vmem>>, vector<1x16xf32>,
      %get3A_95 = arith.index_cast %scan3A_38 : i32 to index
      %get3A_96 = arith.constant 48 : index
      %get3A_97 = tpu.vector_load %arg11[%get3A_95, %get3A_96] {strides = array<i32>} : memref<32x64xf32, #tpu.memory_space<vmem>>, vector<1x16xf32>,
      %get3A_98 = vector.shape_cast %get3A_97 : vector<1x16xf32> to vector<16xf32>
      %get3A_99 = arith.index_cast %scan3A_38 : i32 to index
      %get3A_100 = arith.constant 48 : index
      %get3A_101 = tpu.vector_load %arg9[%get3A_99, %get3A_100] {strides = array<i32>} : memref<32x64xf32, #tpu.memory_space<vmem>>, vector<1x16xf32>,
      %get3A_102 = vector.shape_cast %get3A_101 : vector<1x16xf32> to vector<16xf32>
      %add3A_103 = arith.addf %get3A_98, %get3A_102 : vector<16xf32>
      %get3A_104 = arith.index_cast %scan3A_38 : i32 to index
      %get3A_105 = arith.constant 48 : index
      %get3A_106 = tpu.vector_load %arg10[%get3A_104, %get3A_105] {strides = array<i32>} : memref<32x64xf32, #tpu.memory_space<vmem>>, vector<1x16xf32>,
      %get3A_107 = vector.shape_cast %get3A_106 : vector<1x16xf32> to vector<16xf32>
      %add3A_108 = arith.addf %add3A_103, %get3A_107 : vector<16xf32>
      %swap3A_109 = arith.index_cast %scan3A_38 : i32 to index
      %swap3A_110 = arith.constant 48 : index
      %swap3A_111 = tpu.vector_load %arg11[%swap3A_109, %swap3A_110] {strides = array<i32>} : memref<32x64xf32, #tpu.memory_space<vmem>>, vector<1x16xf32>,
      %swap3A_112 = vector.shape_cast %swap3A_111 : vector<1x16xf32> to vector<16xf32>
      %swap3A_113 = vector.shape_cast %add3A_108 : vector<16xf32> to vector<1x16xf32>
      tpu.vector_store %arg11[%swap3A_109, %swap3A_110], %swap3A_113 {strides = array<i32>} : memref<32x64xf32, #tpu.memory_space<vmem>>, vector<1x16xf32>,
      %scan3A_114 = arith.constant 0 : i32
      scf.yield %scan3A_114 : i32
    }
    %scan3A_24 = arith.constant 32 : i32
    %dma_start3A_25 = arith.constant 0 : i32
    %dma_start3A_26 = arith.constant 0 : i32
    %dma_start3A_27 = tpu.memref_slice %arg5[%dma_start3A_25, %dma_start3A_26] : memref<50000x64xf32, #tpu.memory_space<hbm>> -> memref<50000x64xf32, #tpu.memory_space<hbm>>
    tpu.enqueue_indirect_dma source(%dma_start3A_27 : memref<50000x64xf32, #tpu.memory_space<hbm>>) target(%arg9 : memref<32x64xf32, #tpu.memory_space<vmem>>) offsets(%arg8 : memref<32xi32, #tpu.memory_space<vmem>>) semaphore(%arg12 : memref<!tpu.dma_semaphore, #tpu.memory_space<semaphore_mem>>)
    %dma_wait3A_28 = arith.constant 0 : i32
    %dma_wait3A_29 = arith.constant 0 : i32
    %dma_wait3A_30 = tpu.memref_slice %arg5[%dma_wait3A_28, %dma_wait3A_29] : memref<50000x64xf32, #tpu.memory_space<hbm>> -> memref<50000x64xf32, #tpu.memory_space<hbm>>
    tpu.wait_indirect_dma semaphore(%arg12 : memref<!tpu.dma_semaphore, #tpu.memory_space<semaphore_mem>>) src(%dma_wait3A_30 : memref<50000x64xf32, #tpu.memory_space<hbm>>) dst(%arg9 : memref<32x64xf32, #tpu.memory_space<vmem>>)
    %scan3A_31 = arith.constant 0 : i32
    %scan3A_32 = arith.constant 0 : i32
    %scan3A_33 = arith.constant 32 : i32
    %scan3A_34 = arith.addi %scan3A_32, %scan3A_33 : i32
    %scan3A_35 = arith.constant 1 : i32
    %scan3A_36 = scf.for %scan3A_38 = %scan3A_32 to %scan3A_34 step %scan3A_35 iter_args(%scan3A_39 = %scan3A_31) -> (i32)  : i32 {
      %get3A = arith.index_cast %scan3A_38 : i32 to index
      %get3A_40 = arith.constant 0 : index
      %get3A_41 = tpu.vector_load %arg11[%get3A, %get3A_40] {strides = array<i32>} : memref<32x64xf32, #tpu.memory_space<vmem>>, vector<1x16xf32>,
      %get3A_42 = vector.shape_cast %get3A_41 : vector<1x16xf32> to vector<16xf32>
      %get3A_43 = arith.index_cast %scan3A_38 : i32 to index
      %get3A_44 = arith.constant 0 : index
      %get3A_45 = tpu.vector_load %arg9[%get3A_43, %get3A_44] {strides = array<i32>} : memref<32x64xf32, #tpu.memory_space<vmem>>, vector<1x16xf32>,
      %get3A_46 = vector.shape_cast %get3A_45 : vector<1x16xf32> to vector<16xf32>
      %add3A_47 = arith.addf %get3A_42, %get3A_46 : vector<16xf32>
      %swap3A = arith.index_cast %scan3A_38 : i32 to index
      %swap3A_48 = arith.constant 0 : index
      %swap3A_49 = tpu.vector_load %arg11[%swap3A, %swap3A_48] {strides = array<i32>} : memref<32x64xf32, #tpu.memory_space<vmem>>, vector<1x16xf32>,
      %swap3A_50 = vector.shape_cast %swap3A_49 : vector<1x16xf32> to vector<16xf32>
      %swap3A_51 = vector.shape_cast %add3A_47 : vector<16xf32> to vector<1x16xf32>
      tpu.vector_store %arg11[%swap3A, %swap3A_48], %swap3A_51 {strides = array<i32>} : memref<32x64xf32, #tpu.memory_space<vmem>>, vector<1x16xf32>,
      %get3A_52 = arith.index_cast %scan3A_38 : i32 to index
      %get3A_53 = arith.constant 16 : index
      %get3A_54 = tpu.vector_load %arg11[%get3A_52, %get3A_53] {strides = array<i32>} : memref<32x64xf32, #tpu.memory_space<vmem>>, vector<1x16xf32>,
      %get3A_55 = vector.shape_cast %get3A_54 : vector<1x16xf32> to vector<16xf32>
      %get3A_56 = arith.index_cast %scan3A_38 : i32 to index
      %get3A_57 = arith.constant 16 : index
      %get3A_58 = tpu.vector_load %arg9[%get3A_56, %get3A_57] {strides = array<i32>} : memref<32x64xf32, #tpu.memory_space<vmem>>, vector<1x16xf32>,
      %get3A_59 = vector.shape_cast %get3A_58 : vector<1x16xf32> to vector<16xf32>
      %add3A_60 = arith.addf %get3A_55, %get3A_59 : vector<16xf32>
      %swap3A_61 = arith.index_cast %scan3A_38 : i32 to index
      %swap3A_62 = arith.constant 16 : index
      %swap3A_63 = tpu.vector_load %arg11[%swap3A_61, %swap3A_62] {strides = array<i32>} : memref<32x64xf32, #tpu.memory_space<vmem>>, vector<1x16xf32>,
      %swap3A_64 = vector.shape_cast %swap3A_63 : vector<1x16xf32> to vector<16xf32>
      %swap3A_65 = vector.shape_cast %add3A_60 : vector<16xf32> to vector<1x16xf32>
      tpu.vector_store %arg11[%swap3A_61, %swap3A_62], %swap3A_65 {strides = array<i32>} : memref<32x64xf32, #tpu.memory_space<vmem>>, vector<1x16xf32>,
      %get3A_66 = arith.index_cast %scan3A_38 : i32 to index
      %get3A_67 = arith.constant 32 : index
      %get3A_68 = tpu.vector_load %arg11[%get3A_66, %get3A_67] {strides = array<i32>} : memref<32x64xf32, #tpu.memory_space<vmem>>, vector<1x16xf32>,
      %get3A_69 = vector.shape_cast %get3A_68 : vector<1x16xf32> to vector<16xf32>
      %get3A_70 = arith.index_cast %scan3A_38 : i32 to index
      %get3A_71 = arith.constant 32 : index
      %get3A_72 = tpu.vector_load %arg9[%get3A_70, %get3A_71] {strides = array<i32>} : memref<32x64xf32, #tpu.memory_space<vmem>>, vector<1x16xf32>,
      %get3A_73 = vector.shape_cast %get3A_72 : vector<1x16xf32> to vector<16xf32>
      %add3A_74 = arith.addf %get3A_69, %get3A_73 : vector<16xf32>
      %swap3A_75 = arith.index_cast %scan3A_38 : i32 to index
      %swap3A_76 = arith.constant 32 : index
      %swap3A_77 = tpu.vector_load %arg11[%swap3A_75, %swap3A_76] {strides = array<i32>} : memref<32x64xf32, #tpu.memory_space<vmem>>, vector<1x16xf32>,
      %swap3A_78 = vector.shape_cast %swap3A_77 : vector<1x16xf32> to vector<16xf32>
      %swap3A_79 = vector.shape_cast %add3A_74 : vector<16xf32> to vector<1x16xf32>
      tpu.vector_store %arg11[%swap3A_75, %swap3A_76], %swap3A_79 {strides = array<i32>} : memref<32x64xf32, #tpu.memory_space<vmem>>, vector<1x16xf32>,
      %get3A_80 = arith.index_cast %scan3A_38 : i32 to index
      %get3A_81 = arith.constant 48 : index
      %get3A_82 = tpu.vector_load %arg11[%get3A_80, %get3A_81] {strides = array<i32>} : memref<32x64xf32, #tpu.memory_space<vmem>>, vector<1x16xf32>,
      %get3A_83 = vector.shape_cast %get3A_82 : vector<1x16xf32> to vector<16xf32>
      %get3A_84 = arith.index_cast %scan3A_38 : i32 to index
      %get3A_85 = arith.constant 48 : index
      %get3A_86 = tpu.vector_load %arg9[%get3A_84, %get3A_85] {strides = array<i32>} : memref<32x64xf32, #tpu.memory_space<vmem>>, vector<1x16xf32>,
      %get3A_87 = vector.shape_cast %get3A_86 : vector<1x16xf32> to vector<16xf32>
      %add3A_88 = arith.addf %get3A_83, %get3A_87 : vector<16xf32>
      %swap3A_89 = arith.index_cast %scan3A_38 : i32 to index
      %swap3A_90 = arith.constant 48 : index
      %swap3A_91 = tpu.vector_load %arg11[%swap3A_89, %swap3A_90] {strides = array<i32>} : memref<32x64xf32, #tpu.memory_space<vmem>>, vector<1x16xf32>,
      %swap3A_92 = vector.shape_cast %swap3A_91 : vector<1x16xf32> to vector<16xf32>
      %swap3A_93 = vector.shape_cast %add3A_88 : vector<16xf32> to vector<1x16xf32>
      tpu.vector_store %arg11[%swap3A_89, %swap3A_90], %swap3A_93 {strides = array<i32>} : memref<32x64xf32, #tpu.memory_space<vmem>>, vector<1x16xf32>,
      %scan3A_94 = arith.constant 0 : i32
      scf.yield %scan3A_94 : i32
    }
    %scan3A_37 = arith.constant 32 : i32
    "tpu.region"() ({
      %run_scoped3A = tpu.sem_alloc : memref<!tpu.dma_semaphore, #tpu.memory_space<semaphore_mem>>
      %dma_start3A_38 = arith.constant 0 : i32
      %dma_start3A_39 = tpu.memref_slice %arg7[%mul3A_2, %dma_start3A_38] : memref<1024x64xf32, #tpu.memory_space<hbm>> -> memref<32x64xf32, #tpu.memory_space<hbm>>
      %dma_start3A_40 = arith.constant 0 : i32
      %dma_start3A_41 = tpu.memref_slice %arg7[%mul3A_2, %dma_start3A_40] : memref<1024x64xf32, #tpu.memory_space<hbm>> -> memref<32x64xf32, #tpu.memory_space<hbm>>
      tpu.enqueue_dma source(%arg11 : memref<32x64xf32, #tpu.memory_space<vmem>>) target(%dma_start3A_41 : memref<32x64xf32, #tpu.memory_space<hbm>>) target_semaphore(%run_scoped3A : memref<!tpu.dma_semaphore, #tpu.memory_space<semaphore_mem>>)
      %dma_wait3A_42 = arith.constant 0 : i32
      %dma_wait3A_43 = tpu.memref_slice %arg7[%mul3A_2, %dma_wait3A_42] : memref<1024x64xf32, #tpu.memory_space<hbm>> -> memref<32x64xf32, #tpu.memory_space<hbm>>
      %dma_wait3A_44 = arith.constant 0 : i32
      %dma_wait3A_45 = tpu.memref_slice %arg7[%mul3A_2, %dma_wait3A_44] : memref<1024x64xf32, #tpu.memory_space<hbm>> -> memref<32x64xf32, #tpu.memory_space<hbm>>
      tpu.wait_dma2 semaphore(%run_scoped3A : memref<!tpu.dma_semaphore, #tpu.memory_space<semaphore_mem>>) src(%arg11 : memref<32x64xf32, #tpu.memory_space<vmem>>) dst(%dma_wait3A_45 : memref<32x64xf32, #tpu.memory_space<hbm>>)
      tpu.yield
    }) : () -> ()
    return
  }
}

module attributes {stable_mosaic.version = 14 : i64} {
  func.func @lightgcn_rating(%arg0: i32, %arg1: memref<1024x64xf32, #tpu.memory_space<vmem>>, %arg2: memref<512x64xf32, #tpu.memory_space<vmem>>, %arg3: memref<512x64xf32, #tpu.memory_space<vmem>>, %arg4: memref<512x64xf32, #tpu.memory_space<vmem>>, %arg5: memref<512x64xf32, #tpu.memory_space<vmem>>, %arg6: memref<1024x512xf32, #tpu.memory_space<vmem>>) attributes {dimension_semantics = [#tpu.dimension_semantics<arbitrary>], iteration_bounds = array<i64: 49>, scalar_prefetch = 0 : i64, scratch_operands = 0 : i64, tpu.core_type = #tpu.core_type<tc>, window_params = [{pipeline_mode = #tpu.pipeline_mode<synchronous>, transform_indices = @transform_0, window_bounds = array<i64: 1024, 64>}, {transform_indices = @transform_1, window_bounds = array<i64: 512, 64>}, {transform_indices = @transform_2, window_bounds = array<i64: 512, 64>}, {transform_indices = @transform_3, window_bounds = array<i64: 512, 64>}, {transform_indices = @transform_4, window_bounds = array<i64: 512, 64>}, {transform_indices = @transform_5, window_bounds = array<i64: 1024, 512>}]} {
    %get3A = arith.constant 0 : index
    %get3A_0 = arith.constant 0 : index
    %get3A_1 = vector.load %arg2[%get3A, %get3A_0] : memref<512x64xf32, #tpu.memory_space<vmem>>, vector<512x64xf32>
    %get3A_2 = arith.constant 0 : index
    %get3A_3 = arith.constant 0 : index
    %get3A_4 = vector.load %arg3[%get3A_2, %get3A_3] : memref<512x64xf32, #tpu.memory_space<vmem>>, vector<512x64xf32>
    %add3A = arith.addf %get3A_1, %get3A_4 : vector<512x64xf32>
    %get3A_5 = arith.constant 0 : index
    %get3A_6 = arith.constant 0 : index
    %get3A_7 = vector.load %arg4[%get3A_5, %get3A_6] : memref<512x64xf32, #tpu.memory_space<vmem>>, vector<512x64xf32>
    %add3A_8 = arith.addf %add3A, %get3A_7 : vector<512x64xf32>
    %get3A_9 = arith.constant 0 : index
    %get3A_10 = arith.constant 0 : index
    %get3A_11 = vector.load %arg5[%get3A_9, %get3A_10] : memref<512x64xf32, #tpu.memory_space<vmem>>, vector<512x64xf32>
    %add3A_12 = arith.addf %add3A_8, %get3A_11 : vector<512x64xf32>
    %get3A_13 = arith.constant 0 : index
    %get3A_14 = arith.constant 0 : index
    %get3A_15 = vector.load %arg1[%get3A_13, %get3A_14] : memref<1024x64xf32, #tpu.memory_space<vmem>>, vector<1024x64xf32>
    %dot_general3A = arith.constant dense<0.000000e+00> : vector<1024x512xf32>
    %dot_general3A_16 = tpu.matmul %get3A_15, %add3A_12, %dot_general3A {dimension_numbers = #tpu.dot_dimension_numbers<[1], [1], [0], [0], [0, 0, 1, 0], [], []>, transpose_lhs_hint = false} : vector<1024x64xf32>, vector<512x64xf32>, vector<1024x512xf32> -> vector<1024x512xf32>
    %mul3A = arith.constant 6.250000e-02 : f32
    %mul3A_17 = vector.broadcast %mul3A : f32 to vector<1024x512xf32>
    %mul3A_18 = arith.mulf %dot_general3A_16, %mul3A_17 : vector<1024x512xf32>
    %logistic3A = arith.negf %mul3A_18 : vector<1024x512xf32>
    %logistic3A_19 = math.exp %logistic3A : vector<1024x512xf32>
    %logistic3A_20 = arith.constant 1.000000e+00 : f32
    %logistic3A_21 = vector.broadcast %logistic3A_20 : f32 to vector<1024x512xf32>
    %logistic3A_22 = arith.addf %logistic3A_21, %logistic3A_19 : vector<1024x512xf32>
    %logistic3A_23 = arith.divf %logistic3A_21, %logistic3A_22 : vector<1024x512xf32>
    %swap3A = arith.constant 0 : index
    %swap3A_24 = arith.constant 0 : index
    %swap3A_25 = vector.load %arg6[%swap3A, %swap3A_24] : memref<1024x512xf32, #tpu.memory_space<vmem>>, vector<1024x512xf32>
    tpu.vector_store %arg6[%swap3A, %swap3A_24], %logistic3A_23 {strides = array<i32>} : memref<1024x512xf32, #tpu.memory_space<vmem>>, vector<1024x512xf32>,
    return
  }
  func.func @transform_0(%arg0: i32) -> (i32, i32) {
    %c0_i32 = arith.constant 0 : i32
    %c0_i32_0 = arith.constant 0 : i32
    %c0_i32_1 = arith.constant 0 : i32
    return %c0_i32, %c0_i32_0 : i32, i32
  }
  func.func @transform_1(%arg0: i32) -> (i32, i32) {
    %c0_i32 = arith.constant 0 : i32
    %c0_i32_0 = arith.constant 0 : i32
    return %arg0, %c0_i32 : i32, i32
  }
  func.func @transform_2(%arg0: i32) -> (i32, i32) {
    %c0_i32 = arith.constant 0 : i32
    %c0_i32_0 = arith.constant 0 : i32
    return %arg0, %c0_i32 : i32, i32
  }
  func.func @transform_3(%arg0: i32) -> (i32, i32) {
    %c0_i32 = arith.constant 0 : i32
    %c0_i32_0 = arith.constant 0 : i32
    return %arg0, %c0_i32 : i32, i32
  }
  func.func @transform_4(%arg0: i32) -> (i32, i32) {
    %c0_i32 = arith.constant 0 : i32
    %c0_i32_0 = arith.constant 0 : i32
    return %arg0, %c0_i32 : i32, i32
  }
  func.func @transform_5(%arg0: i32) -> (i32, i32) {
    %c0_i32 = arith.constant 0 : i32
    %c0_i32_0 = arith.constant 0 : i32
    return %c0_i32, %arg0 : i32, i32
  }
}

</mosaic_0001>

<sc_bundles>
// kernel: lightgcn_layer.11.cloned.1.call-start
scs
__scs_entry_jumppad:
0x0: {  	(pc) =	sbr.rel $0x88, $3  }
0x1: {  	(tag) =	ssettag $0x0;
	lr =	simm.s32 $0x1  }
0x2: {  	[smem:$0x3F9C] =	sst lr;
	_ =	strace $0xD0000000  }
0x3: {  	_ = 	snop  }
0x4: {  	_ = 	snop  }
0x5: {  	_ = 	snop  }
0x6: {  	_ = 	snop  }
0x7: {  	_ = 	snop  }
__scs_overlays_trampoline_lowered:
0x8: {  	[smem:$0x3FAB] =	sst s0  }
0x9: {  	[smem:$0x3FAC] =	sst s1  }
0xa: {  	[smem:$0x3FAD] =	sst s2  }
0xb: {  	[smem:$0x3FAE] =	sst s3  }
0xc: {  	[smem:$0x3FAF] =	sst s4  }
0xd: {  	[smem:$0x3FB0] =	sst s5  }
0xe: {  	[smem:$0x3FB1] =	sst s6  }
0xf: {  	[smem:$0x3FB2] =	sst s7  }
0x10: {  	[smem:$0x3FB3] =	sst s8  }
0x11: {  	[smem:$0x3FB4] =	sst s9;
	s0 =	simm.s32 @!p0 $0x0  }
0x12: {  	s1 =	sld [smem:$0x3F9A];
	s0 =	simm.s32 @p0 $0x1  }
0x13: {  	[smem:$0x3FB5] =	sst s0;
	s0 =	simm.s32 @!p1 $0x0  }
0x14: {  	s2 =	sld [smem:$0x3F99];
	s0 =	simm.s32 @p1 $0x1  }
0x15: {  	[smem:$0x3FB6] =	sst s0;
	s0 =	simm.s32 @!p2 $0x0  }
0x16: {  	s3 =	sld [smem:$0x3FDB];
	s0 =	simm.s32 @p2 $0x1  }
0x17: {  	s4 =	simm.s32 $0x1BF5;
	[smem:$0x3FB8] =	sst s0  }
0x18: {  	s0 =	sld [smem:$0x3F9B];
	_ =	swait.ge [sflag:s4], $0x0  }
0x19: {  	s7 =	sld [smem:$0x3F9C]  }
0x1a: {  	s8 =	sadd.s32 $0xFFFFE003, lr  }
0x1b: {  	s9 =	sadd.s32 $0xFFFFFEF7, lr;
	s5 =	simm.s32 $0xFFFFFFFF;
	p2 =	slt.u32 s8, $0xFFFFF086  }
0x1c: {  	p1 =	slt.u32 s9, $0xF7A;
	s5 =	simm.s32 @!p2 $0x0  }
0x1d: {  	s5 =	simm.s32 @p1 $0x1;
	p0 =	seq.s32 s7, s2  }
0x1e: {  	s7 =	smul.u32 @!p0 $0xF7A, s2;
	p2 =	seq.s32 @!p0 s5, $0x0  }
0x1f: {  	s9 =	smul.u32 $0xF7A, s1;
	s8 =	simm.s32 @!p0 $0x1BF5;
	p2 =	por !p2, p0  }
0x20: {  	[sflag:s8] =	ssyncset.s32 @!p0 $0xFFFFF086;
	s6 =	sadd.s32 @!p0 s3, s7;
	s7 =	simm.s32 @!p0 $0x108  }
0x21: {  	s3 =	sadd.s32 s3, s9;
	s6 =	sadd.s32 @!p0 $0x88, s6;
	s7 =	simm.s32 @p2 $0x1082  }
0x22: {  	[simem:s7], [sflag:s8] =	dma.local @!p0 [hbm:s6], $0xF7A  }
0x23: {  	s9 =	sor.u32 $0xD0000000, s2;
	s6 =	simm.s32 $0x108;
	_ =	swait.ge @!p0 [sflag:s8], $0x0  }
0x24: {  	s3 =	sadd.s32 $0x88, s3;
	s6 =	simm.s32 @!p1 $0x1082;
	[sflag:s4] =	ssyncset.s32 $0xFFFFF086  }
0x25: {  	[simem:s6], [sflag:s4] =	dma.local [hbm:s3], $0xF7A  }
0x26: {  	[smem:$0x3F9C] =	sst s1;
	(tag) =	ssettag s2;
	_ =	strace s9  }
0x27: {  	s1 =	sld [smem:$0x3FAC]  }
0x28: {  	s2 =	sld [smem:$0x3FAD]  }
0x29: {  	s4 =	sld [smem:$0x3FAF]  }
0x2a: {  	p0 =	seq.s32 s5, $0x0;
	s5 =	sld [smem:$0x3FB0]  }
0x2b: {  	s6 =	sld [smem:$0x3FB1]  }
0x2c: {  	s7 =	sld [smem:$0x3FB2]  }
0x2d: {  	s3 =	simm.s32 $0x108;
	s8 =	sld [smem:$0x3FB3]  }
0x2e: {  	s3 =	simm.s32 @!p0 $0x1082;
	s9 =	sld [smem:$0x3FB4]  }
0x2f: {  	lr =	sadd.s32 s0, s3;
	s0 =	sld [smem:$0x3FAB]  }
0x30: {  	s3 =	sld [smem:$0x3FAE]  }
0x31: {  	[smem:$0x3FB7] =	sst s10  }
0x32: {  	s10 =	sld [smem:$0x3FB5];
	_ =	sdelay $0x3  }
0x33: {  	p0 =	seq.s32 s10, $0x1;
	s10 =	sld [smem:$0x3FB7];
	_ =	sdelay $0x3  }
0x34: {  	[smem:$0x3FB7] =	sst s10  }
0x35: {  	s10 =	sld [smem:$0x3FB6];
	_ =	sdelay $0x3  }
0x36: {  	p1 =	seq.s32 s10, $0x1;
	s10 =	sld [smem:$0x3FB7];
	_ =	sdelay $0x3  }
0x37: {  	[smem:$0x3FB7] =	sst s10  }
0x38: {  	s10 =	sld [smem:$0x3FB8]  }
0x39: {  	_ = 	snop;
	(pc) =	sbr.ind lr, $3  }
0x3a: {  	_ = 	snop  }
0x3b: {  	_ = 	snop  }
0x3c: {  	p2 =	seq.s32 s10, $0x1;
	s10 =	sld [smem:$0x3FB7]  }
0x3d: {  	_ =	shalt  }
0x3e: {  	_ =	shalt  }
0x3f: {  	_ =	shalt  }
0x40: {  	_ =	shalt  }
0x41: {  	_ =	shalt  }
0x42: {  	_ =	shalt  }
0x43: {  	_ =	shalt  }
0x44: {  	_ =	shalt  }
0x45: {  	_ =	shalt  }
0x46: {  	_ =	shalt  }
0x47: {  	_ =	shalt  }
0x48: {  	_ =	shalt  }
0x49: {  	_ =	shalt  }
0x4a: {  	_ =	shalt  }
0x4b: {  	_ =	shalt  }
0x4c: {  	_ =	shalt  }
0x4d: {  	_ =	shalt  }
0x4e: {  	_ =	shalt  }
0x4f: {  	_ =	shalt  }
0x50: {  	_ =	shalt  }
0x51: {  	_ =	shalt  }
0x52: {  	_ =	shalt  }
0x53: {  	_ =	shalt  }
0x54: {  	_ =	shalt  }
0x55: {  	_ =	shalt  }
0x56: {  	_ =	shalt  }
0x57: {  	_ =	shalt  }
0x58: {  	_ =	shalt  }
0x59: {  	_ =	shalt  }
0x5a: {  	_ =	shalt  }
0x5b: {  	_ =	shalt  }
0x5c: {  	_ =	shalt  }
0x5d: {  	_ =	shalt  }
0x5e: {  	_ =	shalt  }
0x5f: {  	_ =	shalt  }
0x60: {  	_ =	shalt  }
0x61: {  	_ =	shalt  }
0x62: {  	_ =	shalt  }
0x63: {  	_ =	shalt  }
0x64: {  	_ =	shalt  }
0x65: {  	_ =	shalt  }
0x66: {  	_ =	shalt  }
0x67: {  	_ =	shalt  }
0x68: {  	_ =	shalt  }
0x69: {  	_ =	shalt  }
0x6a: {  	_ =	shalt  }
0x6b: {  	_ =	shalt  }
0x6c: {  	_ =	shalt  }
0x6d: {  	_ =	shalt  }
0x6e: {  	_ =	shalt  }
0x6f: {  	_ =	shalt  }
0x70: {  	_ =	shalt  }
0x71: {  	_ =	shalt  }
0x72: {  	_ =	shalt  }
0x73: {  	_ =	shalt  }
0x74: {  	_ =	shalt  }
0x75: {  	_ =	shalt  }
0x76: {  	_ =	shalt  }
0x77: {  	_ =	shalt  }
0x78: {  	_ =	shalt  }
0x79: {  	_ =	shalt  }
0x7a: {  	_ =	shalt  }
0x7b: {  	_ =	shalt  }
0x7c: {  	_ =	shalt  }
0x7d: {  	_ =	shalt  }
0x7e: {  	_ =	shalt  }
0x7f: {  	_ =	shalt  }
0x80: {  	_ =	shalt  }
0x81: {  	_ =	shalt  }
0x82: {  	_ =	shalt  }
0x83: {  	_ =	shalt  }
0x84: {  	_ =	shalt  }
0x85: {  	_ =	shalt  }
0x86: {  	_ =	shalt  }
0x87: {  	_ =	shalt  }
.Lfunc_end0:
.L_simem_size_0:
called_computation.2_lowered:
.L_overlay_start_0:
0x88: {  	s2 =	sld [smem:$0x3FD9]  }
0x89: {  	s3 =	sld [smem:$0x3FFE];
	_ =	sdelay $0x1  }
0x8a: {  	s1 =	srdreg.scid  }
0x8b: {  	s0 =	sand.u32 $0x1, s1  }
0x8c: {  	s17 =	sshll.u32 s0, $0xA;
	s2 =	sadd.s32 s3, s2  }
0x8d: {  	s2 =	sadd.s32 s2, s17  }
0x8e: {  	[smem:$0x3FC3] =	sst s2  }
0x8f: {  	_ = 	snop  }
0x90: {  	s2 =	sld [smem:$0x3FC6];
	(tm) =	ssettm $0x1  }
0x91: {  	s18 =	sld [smem:$0x3FFB];
	_ =	sdelay $0x3  }
0x92: {  	_ =	strace s18  }
0x93: {  	s3 =	sld [smem:$0x3FFC];
	_ =	sdelay $0x3  }
0x94: {  	_ =	strace s3  }
0x95: {  	s3 =	sld [smem:$0x3FFD];
	_ =	sdelay $0x3  }
0x96: {  	_ =	strace s3  }
0x97: {  	_ =	strace $0x8FFFFFFF  }
0x98: {  	s19 =	sld [smem:$0x3FDB];
	_ =	sdelay $0x1  }
0x99: {  	s4 =	simm.s32 $_scs_section_size  }
0x9a: {  	s5 =	simm.s32 $_size__tile_overlayer_lowered;
	s6 =	simm.s32 $_tile_overlayer_lowered  }
0x9b: {  	s22 =	simm.s32 $0x1BFF;
	s21 =	sshll.u32 s6, $0x1;
	s3 =	sadd.s32 s4, s19  }
0x9c: {  	s7 =	simm.s32 $0x0;
	s20 =	sshll.u32 s5, $0x1;
	s5 =	sadd.s32 s21, s3  }
0x9d: {  	[timem:s7], [sflag:s22] =	dma.local [hbm:s5], s20  }
0x9e: {  	_ =	swait.ge [sflag:s22], s20  }
0x9f: {  	s4 =	ssub.s32 $0x0, s20;
	[sflag:s22] =	ssyncset.done $0x0  }
0xa0: {  	[sflag:s22] =	ssyncadd.s32 s4;
	_ =	sdelay $0x1  }
0xa1: {  	s23 =	simm.s32 $0x1B8B  }
0xa2: {  	_ =	swait.ge [sflag:s23], $0x1  }
0xa3: {  	[sflag:s23] =	ssyncset.done $0x0  }
0xa4: {  	s25 =	simm.s32 $0x1B8E;
	s24 =	sld [smem:$0x3FFE];
	[sflag:s23] =	ssyncadd.s32 $0xFFFFFFFF  }
0xa5: {  	s26 =	simm.s32 $execute0_lowered;
	[smem:$0x3FD2] =	sst s25  }
0xa6: {  	s5 =	sshll.u32 s26, $0x1;
	_ =	strace $0x8000004C;
	[dreg:$0x1] =	wrdreg $0xFFFFFFFF  }
0xa7: {  	s28 =	simm.s32 $_size_execute0_lowered;
	s3 =	sadd.s32 s3, s5;
	[dreg:$0x0] =	wrdreg $0x0  }
0xa8: {  	s5 =	sshll.u32 s28, $0x1;
	[dreg:$0x2] =	wrdreg s3  }
0xa9: {  	[dreg:$0x3] =	wrdreg s5  }
0xaa: {  	[dreg:$0x4] =	wrdreg $0xC0  }
0xab: {  	_ =	task [dreg:s7], $0x5FFFF  }
0xac: {  	[dreg:$0x1] =	wrdreg $0xFFFFFFFF  }
0xad: {  	[dreg:$0x0] =	wrdreg $0x60  }
0xae: {  	[dreg:$0x2] =	wrdreg s24  }
0xaf: {  	[dreg:$0x3] =	wrdreg s2  }
0xb0: {  	[dreg:$0x4] =	wrdreg $0x4D400  }
0xb1: {  	[dreg:$0x5] =	wrdreg $0x9  }
0xb2: {  	_ =	task.clear_ibuf [dreg:s7], $0x6FFFF;
	_ =	strace $0x9000004C  }
0xb3: {  	s29 =	simm.s32 $0x9;
	_ =	strace $0x8000004E  }
0xb4: {  	_ =	swait.ge [sflag:s29], $0x1  }
0xb5: {  	[sflag:s29] =	ssyncadd.s32 $0xFFFFFFFF  }
0xb6: {  	_ =	strace $0x9000004E  }
0xb7: {  	_ =	sfence  }
0xb8: {  	s30 =	sld [smem:$0x0];
	_ =	sdelay $0x2  }
0xb9: {  	s31 =	sshll.u32 s1, $0xD;
	s1 =	sshrl.u32 s1, $0x2  }
0xba: {  	s3 =	sand.u32 $0x4000, s31;
	s1 =	sadd.s32 s1, s30  }
0xbb: {  	s0 =	sor.u32 s3, s0;
	s1 =	sshll.u32 s1, $0x11  }
0xbc: {  	s0 =	sor.u32 s1, s0  }
0xbd: {  	s0 =	sadd.s32 $0x8F2B, s0  }
0xbe: {  	[sflag:s0] =	ssyncadd.remote.s32 $0x1  }
0xbf: {  	_ =	sfence.sel $0xFFFF  }
0xc0: {  	[dreg:$0x0] =	wrdreg $0xFFFFFFFF;
	(pc) =	sbr.abs _section_cstart, $3  }
0xc1: {  	[dreg:$0x1] =	wrdreg $0xFFFFFFFF  }
0xc2: {  	_ =	task.clear_ibuf [dreg:s7], $0x2FFFF;
	_ =	strace $0x9FFFFFFF  }
0xc3: {  	(tm) =	ssettm $0x7FFFFFFF  }
tec
execute0_lowered:
.L_overlay_start_1:
0x0: {  	(tag) =	ssettag $0x1  }
0x1: {  	s0 =	rddreg [dreg:$0x0]  }
0x2: {  	s1 =	rddreg [dreg:$0x1]  }
0x3: {  	s2 =	rddreg [dreg:$0x2]  }
0x4: {  	s3 =	simm.s32 $0x0;
	s7 =	srdreg.scid;
	s5 =	stileid.u32  }
0x5: {  	s20 =	simm.s32 $0x2;
	s21 =	simm.s32 $0x50;
	s23 =	simm.s32 $0xA0  }
0x6: {  	s24 =	simm.s32 $0x140;
	[smem:$0x7FF] =	sst s3;
	s4 =	sadd.s32 $0x159400, s0  }
0x7: {  	s6 =	sadd.s32 $0x1B800, s0;
	s14 =	sand.u32 $0x1, s7;
	s8 =	smul.u32 $0x62000, s5  }
0x8: {  	s7 =	sadd.s32 $0x3000, s0;
	s0 =	sadd.s32 $0x1BB000, s0;
	s16 =	smul.u32 $0x618, s5  }
0x9: {  	s19 =	smul.u32 $0x61800, s5;
	s28 =	sadd.s32 $0x186000, s2;
	p0 =	sne.s32 s5, $0x0  }
0xa: {  	_ =	strace $0x8000004D;
	s9 =	ssub.s32 $0x2, s14;
	s25 =	smul.u32 $0x61A8, s14  }
0xb: {  	s17 =	smul.u32 $0x186A00, s14;
	s10 =	sshrl.u32 s9, $0x1;
	s8 =	sshrl.u32 s8, $0x2  }
0xc: {  	s19 =	sshrl.u32 s19, $0x2;
	s18 =	ssub.s32 s9, s10;
	s8 =	sadd.s32 s8, s2  }
0xd: {  	s9 =	smul.u32 $0xC350, s5;
	s26 =	sadd.s32 $0x61A8, s25;
	s16 =	sadd.s32 s16, s25  }
0xe: {  	s17 =	sshrl.u32 s17, $0x3;
	s31 =	sadd.s32 s19, s2;
	s19 =	simm.s32 $0x1540  }
0xf: {  	v0 =	vmov s25;
	s25 =	sshrl.u32 @!p0 s28, $0x3;
	s28 =	simm.s32 $0xF0;
	s10 =	sadd.s32 $0x3800, s8  }
0x10: {  	s11 =	sadd.s32 $0x7000, s8;
	s12 =	sadd.s32 $0xA800, s8;
	s13 =	sadd.s32 $0xE000, s8  }
0x11: {  	s14 =	sadd.s32 $0x11800, s8;
	s15 =	sadd.s32 $0x15000, s8;
	s16 =	sshll.u32 s16, $0x3  }
0x12: {  	s17 =	sadd.s32 s0, s17;
	s18 =	smax.u32 s18, $0x1;
	s22 =	sshrl.u32 s31, $0x3  }
0x13: {  	v2 =	vimm.f32 $0.0e+00;
	v1 =	vmov s26;
	s26 =	simm.s32 $0x1;
	s16 =	sadd.s32 s0, s16;
	s17 =	sadd.s32 $0x30C00, s17  }
.LBB2_1:
0x14: {  	s29 =	simm.s32 $0x100;
	s0 =	simm.s32 $0x0  }
.LBB2_2:
0x15: {  	p1 =	sne.s32 s29, $0xDF00;
	[tilespmem:s0+$0x1570] =	vst v2;
	s30 =	smov.u32 s29;
	s29 =	sadd.s32 $0x100, s29  }
.Ltmp0:
0x16: {  	[tilespmem:s0+$0x1560] =	vst v2;
	(pc) =	sbr.rel @p1 .LBB2_2-.Ltmp0, $3  }
0x17: {  	[tilespmem:s0+$0x1540] =	vst v2  }
0x18: {  	[tilespmem:s0+$0x1550] =	vst v2;
	_ =	sdelay $0x1  }
0x19: {  	s0 =	sshra.s32 s30, $0x2  }
0x1a: {  	[tilespmem:s0+$0x1570] =	vst v2  }
0x1b: {  	[tilespmem:s0+$0x1560] =	vst v2  }
0x1c: {  	[tilespmem:s0+$0x1540] =	vst v2  }
0x1d: {  	[tilespmem:s0+$0x1550] =	vst v2  }
0x1e: {  	[spmem:s8] =	stream.linear.scatter [tilespmem:s19], [sflag:$0x2], $0x3800, $0x38;
	[tilespmem:$0x1D540] =	vst v63  }
0x1f: {  	_ =	swait.ge [sflag:s20], $0x3800  }
0x20: {  	[sflag:s20] =	ssyncset.done $0x0  }
0x21: {  	[sflag:s20] =	ssyncadd.s32 $0xFFFFC800  }
0x22: {  	[spmem:s10] =	stream.linear.scatter [tilespmem:s19], [sflag:$0x2], $0x3800, $0x38;
	[tilespmem:$0x1D540] =	vst v63  }
0x23: {  	_ =	swait.ge [sflag:s20], $0x3800  }
0x24: {  	[sflag:s20] =	ssyncset.done $0x0  }
0x25: {  	[sflag:s20] =	ssyncadd.s32 $0xFFFFC800  }
0x26: {  	[spmem:s11] =	stream.linear.scatter [tilespmem:s19], [sflag:$0x2], $0x3800, $0x38;
	[tilespmem:$0x1D540] =	vst v63  }
0x27: {  	_ =	swait.ge [sflag:s20], $0x3800  }
0x28: {  	[sflag:s20] =	ssyncset.done $0x0  }
0x29: {  	[sflag:s20] =	ssyncadd.s32 $0xFFFFC800  }
0x2a: {  	[spmem:s12] =	stream.linear.scatter [tilespmem:s19], [sflag:$0x2], $0x3800, $0x38;
	[tilespmem:$0x1D540] =	vst v63  }
0x2b: {  	_ =	swait.ge [sflag:s20], $0x3800  }
0x2c: {  	[sflag:s20] =	ssyncset.done $0x0  }
0x2d: {  	[sflag:s20] =	ssyncadd.s32 $0xFFFFC800  }
0x2e: {  	[spmem:s13] =	stream.linear.scatter [tilespmem:s19], [sflag:$0x2], $0x3800, $0x38;
	[tilespmem:$0x1D540] =	vst v63  }
0x2f: {  	_ =	swait.ge [sflag:s20], $0x3800  }
0x30: {  	[sflag:s20] =	ssyncset.done $0x0  }
0x31: {  	[sflag:s20] =	ssyncadd.s32 $0xFFFFC800  }
0x32: {  	[spmem:s14] =	stream.linear.scatter [tilespmem:s19], [sflag:$0x2], $0x3800, $0x38;
	[tilespmem:$0x1D540] =	vst v63  }
0x33: {  	_ =	swait.ge [sflag:s20], $0x3800  }
0x34: {  	[sflag:s20] =	ssyncset.done $0x0  }
0x35: {  	[sflag:s20] =	ssyncadd.s32 $0xFFFFC800  }
0x36: {  	[spmem:s15] =	stream.linear.scatter [tilespmem:s19], [sflag:$0x2], $0x3800, $0x38;
	[tilespmem:$0x1D540] =	vst v63  }
0x37: {  	_ =	swait.ge [sflag:s20], $0x3800  }
0x38: {  	[sflag:s20] =	ssyncset.done $0x0  }
0x39: {  	[sflag:s20] =	ssyncadd.s32 $0xFFFFC800  }
0x3a: {  	s29 =	simm.s32 $0x0;
	s30 =	simm.s32 $0x0;
	[bflag:$0x0] =	sbarrier.arrive $0xFFFF  }
.LBB2_4:
0x3b: {  	s0 =	smul.u32 $0x50, s30;
	_ =	sdelay $0x1  }
0x3c: {  	s0 =	sadd.s32 s9, s0  }
0x3d: {  	s0 =	sshrl.u32 s0, $0x3  }
0x3e: {  	s31 =	sadd.s32 s6, s0  }
0x3f: {  	[tilespmem:s29], [sflag:$0x2] =	stream.linear.gather [hbm4b:s31+s29], $0x50, $0x38;
	[tilespmem:$0x1D540] =	vst v63  }
0x40: {  	_ =	swait.ge [sflag:s20], $0x50  }
0x41: {  	[sflag:s20] =	ssyncset.done $0x0  }
0x42: {  	s31 =	sadd.s32 s7, s0;
	[sflag:s20] =	ssyncadd.s32 $0xFFFFFFB0  }
0x43: {  	[tilespmem:s21], [sflag:$0x2] =	stream.linear.gather [hbm4b:s31+s29], $0x50, $0x38;
	[tilespmem:$0x1D540] =	vst v63  }
0x44: {  	_ =	swait.ge [sflag:s20], $0x50  }
0x45: {  	[sflag:s20] =	ssyncset.done $0x0  }
0x46: {  	s0 =	sadd.s32 s1, s0;
	[sflag:s20] =	ssyncadd.s32 $0xFFFFFFB0  }
0x47: {  	[tilespmem:s23], [sflag:$0x2] =	stream.linear.gather [hbm4b:s0+s29], $0x50, $0x38;
	[tilespmem:$0x1D540] =	vst v63  }
0x48: {  	_ =	swait.ge [sflag:s20], $0x50  }
0x49: {  	[sflag:s20] =	ssyncset.done $0x0  }
0x4a: {  	[sflag:s20] =	ssyncadd.s32 $0xFFFFFFB0  }
0x4b: {  	v3 =	vld [tilespmem:$0x0]  }
0x4c: {  	v4 =	vld [tilespmem:$0x10]  }
0x4d: {  	v5 =	vld [tilespmem:$0x20];
	_ =	sdelay $0x1  }
0x4e: {  	v6 =	vld [tilespmem:$0x30];
	_ =	sdelay $0x1  }
0x4f: {  	v7 =	vld [tilespmem:$0x40];
	vm0 =	vge.s32 v3, v0;
	vm1 =	vlt.s32 v3, v1;
	v3 =	vsub.s32 v3, v0  }
0x50: {  	vm7 =	vge.s32 v4, v0;
	vm8 =	vlt.s32 v4, v1;
	vm2 =	vge.s32 v5, v0  }
0x51: {  	vm3 =	vlt.s32 v5, v1;
	v4 =	vsub.s32 v4, v0;
	v5 =	vsub.s32 v5, v0  }
0x52: {  	vm10 =	vge.s32 v6, v0;
	vm11 =	vlt.s32 v6, v1;
	vm0 =	vmand vm0, vm1  }
0x53: {  	v63 =	vsub.s32 v6, v0;
	v3 =	vnsel vm0, $0x61A8, v3;
	vm0 =	vmand vm7, vm8  }
0x54: {  	vm13 =	vge.s32 v7, v0;
	vm9 =	vmand vm2, vm3;
	v4 =	vnsel vm0, $0x61A8, v4;
	[tilespmem:$0xF0] =	vst v3  }
0x55: {  	vm14 =	vlt.s32 v7, v1;
	vm12 =	vmand vm10, vm11;
	v3 =	vnsel vm9, $0x61A8, v5;
	[tilespmem:$0x100] =	vst v4  }
0x56: {  	vm15 =	vmand vm13, vm14;
	v4 =	vnsel vm12, $0x61A8, v63;
	[tilespmem:$0x110] =	vst v3;
	v3 =	vsub.s32 v7, v0  }
0x57: {  	[tilespmem:$0x120] =	vst v4;
	v3 =	vnsel vm15, $0x61A8, v3  }
0x58: {  	[tilespmem:$0x130] =	vst v3  }
0x59: {  	[tilespmem:s24], [sflag:$0x1] =	stream.indirect.gather [hbm4b:s4+s21], $0x40, s21, s21, $0xb8;
	[tilespmem:$0x1D540] =	vst v63  }
0x5a: {  	_ =	swait.ge [sflag:s26], $0x1400  }
0x5b: {  	[sflag:s26] =	ssyncset.done $0x0  }
0x5c: {  	s31 =	simm.s32 $0x340;
	s0 =	simm.s32 $0x0;
	[sflag:s26] =	ssyncadd.s32 $0xFFFFEC00  }
.LBB2_5:
0x5d: {  	s5 =	sshra.s32 s0, $0x2  }
0x5e: {  	v3 =	vld [tilespmem:s5+$0xA0];
	_ =	sdelay $0x1  }
0x5f: {  	v4 =	vld [tilespmem:s31+$0xFFFFFE00];
	_ =	sdelay $0x1  }
0x60: {  	v43 =	vld [tilespmem:s31+$0xFFFFFE10]  }
0x61: {  	v5 =	vbroadcast v3, $0x0  }
0x62: {  	v44 =	vld [tilespmem:s31+$0xFFFFFE20]  }
0x63: {  	v4 =	vmul.f32 v5, v4  }
0x64: {  	v45 =	vld [tilespmem:s31+$0xFFFFFE30]  }
0x65: {  	[tilespmem:s31+$0xFFFFFE00] =	vst v4;
	v4 =	vmul.f32 v43, v5  }
0x66: {  	v46 =	vld [tilespmem:s31+$0xFFFFFE40]  }
0x67: {  	[tilespmem:s31+$0xFFFFFE10] =	vst v4;
	v4 =	vmul.f32 v44, v5  }
0x68: {  	v48 =	vld [tilespmem:s31+$0xFFFFFE50]  }
0x69: {  	v47 =	vbroadcast v3, $0x1;
	[tilespmem:s31+$0xFFFFFE20] =	vst v4;
	v4 =	vmul.f32 v45, v5  }
0x6a: {  	v49 =	vld [tilespmem:s31+$0xFFFFFE60]  }
0x6b: {  	[tilespmem:s31+$0xFFFFFE30] =	vst v4;
	v4 =	vmul.f32 v46, v47  }
0x6c: {  	v50 =	vld [tilespmem:s31+$0xFFFFFE70]  }
0x6d: {  	[tilespmem:s31+$0xFFFFFE40] =	vst v4;
	v4 =	vmul.f32 v48, v47  }
0x6e: {  	v51 =	vld [tilespmem:s31+$0xFFFFFE80]  }
0x6f: {  	[tilespmem:s31+$0xFFFFFE50] =	vst v4;
	v4 =	vmul.f32 v49, v47  }
0x70: {  	v53 =	vld [tilespmem:s31+$0xFFFFFE90]  }
0x71: {  	v52 =	vbroadcast v3, $0x2;
	[tilespmem:s31+$0xFFFFFE60] =	vst v4;
	v4 =	vmul.f32 v50, v47  }
0x72: {  	v54 =	vld [tilespmem:s31+$0xFFFFFEA0]  }
0x73: {  	[tilespmem:s31+$0xFFFFFE70] =	vst v4;
	v4 =	vmul.f32 v51, v52  }
0x74: {  	v55 =	vld [tilespmem:s31+$0xFFFFFEB0]  }
0x75: {  	[tilespmem:s31+$0xFFFFFE80] =	vst v4;
	v4 =	vmul.f32 v53, v52  }
0x76: {  	v56 =	vld [tilespmem:s31+$0xFFFFFEC0]  }
0x77: {  	[tilespmem:s31+$0xFFFFFE90] =	vst v4;
	v4 =	vmul.f32 v54, v52  }
0x78: {  	v58 =	vld [tilespmem:s31+$0xFFFFFED0]  }
0x79: {  	v57 =	vbroadcast v3, $0x3;
	[tilespmem:s31+$0xFFFFFEA0] =	vst v4;
	v4 =	vmul.f32 v55, v52  }
0x7a: {  	v59 =	vld [tilespmem:s31+$0xFFFFFEE0]  }
0x7b: {  	[tilespmem:s31+$0xFFFFFEB0] =	vst v4;
	v4 =	vmul.f32 v56, v57  }
0x7c: {  	v60 =	vld [tilespmem:s31+$0xFFFFFEF0]  }
0x7d: {  	[tilespmem:s31+$0xFFFFFEC0] =	vst v4;
	v4 =	vmul.f32 v58, v57  }
0x7e: {  	v61 =	vld [tilespmem:s31+$0xFFFFFF00]  }
0x7f: {  	[tilespmem:s31+$0xFFFFFED0] =	vst v4;
	v4 =	vmul.f32 v59, v57  }
0x80: {  	v63 =	vld [tilespmem:s31+$0xFFFFFF10]  }
0x81: {  	v62 =	vbroadcast v3, $0x4;
	[tilespmem:s31+$0xFFFFFEE0] =	vst v4;
	v4 =	vmul.f32 v60, v57  }
0x82: {  	v8 =	vld [tilespmem:s31+$0xFFFFFF20]  }
0x83: {  	[tilespmem:s31+$0xFFFFFEF0] =	vst v4;
	v4 =	vmul.f32 v61, v62  }
0x84: {  	v9 =	vld [tilespmem:s31+$0xFFFFFF30]  }
0x85: {  	[tilespmem:s31+$0xFFFFFF00] =	vst v4;
	v4 =	vmul.f32 v63, v62  }
0x86: {  	v10 =	vld [tilespmem:s31+$0xFFFFFF40]  }
0x87: {  	[tilespmem:s31+$0xFFFFFF10] =	vst v4;
	v4 =	vmul.f32 v8, v62  }
0x88: {  	v12 =	vld [tilespmem:s31+$0xFFFFFF50]  }
0x89: {  	v11 =	vbroadcast v3, $0x5;
	[tilespmem:s31+$0xFFFFFF20] =	vst v4;
	v4 =	vmul.f32 v9, v62  }
0x8a: {  	v13 =	vld [tilespmem:s31+$0xFFFFFF60]  }
0x8b: {  	[tilespmem:s31+$0xFFFFFF30] =	vst v4;
	v4 =	vmul.f32 v10, v11  }
0x8c: {  	v14 =	vld [tilespmem:s31+$0xFFFFFF70]  }
0x8d: {  	[tilespmem:s31+$0xFFFFFF40] =	vst v4;
	v4 =	vmul.f32 v12, v11  }
0x8e: {  	v15 =	vld [tilespmem:s31+$0xFFFFFF80]  }
0x8f: {  	[tilespmem:s31+$0xFFFFFF50] =	vst v4;
	v4 =	vmul.f32 v13, v11  }
0x90: {  	v17 =	vld [tilespmem:s31+$0xFFFFFF90]  }
0x91: {  	v16 =	vbroadcast v3, $0x6;
	[tilespmem:s31+$0xFFFFFF60] =	vst v4;
	v4 =	vmul.f32 v14, v11  }
0x92: {  	v18 =	vld [tilespmem:s31+$0xFFFFFFA0]  }
0x93: {  	[tilespmem:s31+$0xFFFFFF70] =	vst v4;
	v4 =	vmul.f32 v15, v16  }
0x94: {  	v19 =	vld [tilespmem:s31+$0xFFFFFFB0]  }
0x95: {  	[tilespmem:s31+$0xFFFFFF80] =	vst v4;
	v4 =	vmul.f32 v17, v16  }
0x96: {  	v20 =	vld [tilespmem:s31+$0xFFFFFFC0]  }
0x97: {  	[tilespmem:s31+$0xFFFFFF90] =	vst v4;
	v4 =	vmul.f32 v18, v16  }
0x98: {  	v22 =	vld [tilespmem:s31+$0xFFFFFFD0]  }
0x99: {  	v21 =	vbroadcast v3, $0x7;
	[tilespmem:s31+$0xFFFFFFA0] =	vst v4;
	v4 =	vmul.f32 v19, v16  }
0x9a: {  	v23 =	vld [tilespmem:s31+$0xFFFFFFE0]  }
0x9b: {  	[tilespmem:s31+$0xFFFFFFB0] =	vst v4;
	v4 =	vmul.f32 v20, v21  }
0x9c: {  	v24 =	vld [tilespmem:s31+$0xFFFFFFF0]  }
0x9d: {  	[tilespmem:s31+$0xFFFFFFC0] =	vst v4;
	v4 =	vmul.f32 v22, v21  }
0x9e: {  	v25 =	vld [tilespmem:s31+$0x0]  }
0x9f: {  	[tilespmem:s31+$0xFFFFFFD0] =	vst v4;
	v4 =	vmul.f32 v23, v21  }
0xa0: {  	v27 =	vld [tilespmem:s31+$0x10]  }
0xa1: {  	v26 =	vbroadcast v3, $0x8;
	[tilespmem:s31+$0xFFFFFFE0] =	vst v4;
	v4 =	vmul.f32 v24, v21  }
0xa2: {  	v28 =	vld [tilespmem:s31+$0x20]  }
0xa3: {  	[tilespmem:s31+$0xFFFFFFF0] =	vst v4;
	v4 =	vmul.f32 v25, v26  }
0xa4: {  	v29 =	vld [tilespmem:s31+$0x30]  }
0xa5: {  	[tilespmem:s31+$0x0] =	vst v4;
	v4 =	vmul.f32 v27, v26  }
0xa6: {  	v30 =	vld [tilespmem:s31+$0x40]  }
0xa7: {  	[tilespmem:s31+$0x10] =	vst v4;
	v4 =	vmul.f32 v28, v26  }
0xa8: {  	v32 =	vld [tilespmem:s31+$0x50]  }
0xa9: {  	v31 =	vbroadcast v3, $0x9;
	[tilespmem:s31+$0x20] =	vst v4;
	v4 =	vmul.f32 v29, v26  }
0xaa: {  	v33 =	vld [tilespmem:s31+$0x60]  }
0xab: {  	[tilespmem:s31+$0x30] =	vst v4;
	v4 =	vmul.f32 v30, v31  }
0xac: {  	v34 =	vld [tilespmem:s31+$0x70]  }
0xad: {  	[tilespmem:s31+$0x40] =	vst v4;
	v4 =	vmul.f32 v32, v31  }
0xae: {  	v35 =	vld [tilespmem:s31+$0x80]  }
0xaf: {  	[tilespmem:s31+$0x50] =	vst v4;
	v4 =	vmul.f32 v33, v31  }
0xb0: {  	v37 =	vld [tilespmem:s31+$0x90]  }
0xb1: {  	v36 =	vbroadcast v3, $0xA;
	[tilespmem:s31+$0x60] =	vst v4;
	v4 =	vmul.f32 v34, v31  }
0xb2: {  	v38 =	vld [tilespmem:s31+$0xA0]  }
0xb3: {  	[tilespmem:s31+$0x70] =	vst v4;
	v4 =	vmul.f32 v35, v36  }
0xb4: {  	v39 =	vld [tilespmem:s31+$0xB0]  }
0xb5: {  	[tilespmem:s31+$0x80] =	vst v4;
	v4 =	vmul.f32 v37, v36  }
0xb6: {  	v40 =	vld [tilespmem:s31+$0xC0]  }
0xb7: {  	[tilespmem:s31+$0x90] =	vst v4;
	v4 =	vmul.f32 v38, v36  }
0xb8: {  	v42 =	vld [tilespmem:s31+$0xD0]  }
0xb9: {  	v41 =	vbroadcast v3, $0xB;
	[tilespmem:s31+$0xA0] =	vst v4;
	v4 =	vmul.f32 v39, v36  }
0xba: {  	v43 =	vld [tilespmem:s31+$0xE0]  }
0xbb: {  	[tilespmem:s31+$0xB0] =	vst v4;
	v4 =	vmul.f32 v40, v41  }
0xbc: {  	v44 =	vld [tilespmem:s31+$0xF0]  }
0xbd: {  	[tilespmem:s31+$0xC0] =	vst v4;
	v4 =	vmul.f32 v42, v41  }
0xbe: {  	v45 =	vld [tilespmem:s31+$0x100]  }
0xbf: {  	[tilespmem:s31+$0xD0] =	vst v4;
	v4 =	vmul.f32 v43, v41  }
0xc0: {  	v47 =	vld [tilespmem:s31+$0x110]  }
0xc1: {  	v46 =	vbroadcast v3, $0xC;
	[tilespmem:s31+$0xE0] =	vst v4;
	v4 =	vmul.f32 v44, v41  }
0xc2: {  	v48 =	vld [tilespmem:s31+$0x120]  }
0xc3: {  	[tilespmem:s31+$0xF0] =	vst v4;
	v4 =	vmul.f32 v45, v46  }
0xc4: {  	v49 =	vld [tilespmem:s31+$0x130]  }
0xc5: {  	[tilespmem:s31+$0x100] =	vst v4;
	v4 =	vmul.f32 v47, v46  }
0xc6: {  	v50 =	vld [tilespmem:s31+$0x140]  }
0xc7: {  	[tilespmem:s31+$0x110] =	vst v4;
	v4 =	vmul.f32 v48, v46  }
0xc8: {  	v52 =	vld [tilespmem:s31+$0x150]  }
0xc9: {  	v51 =	vbroadcast v3, $0xD;
	[tilespmem:s31+$0x120] =	vst v4;
	v4 =	vmul.f32 v49, v46  }
0xca: {  	v53 =	vld [tilespmem:s31+$0x160]  }
0xcb: {  	[tilespmem:s31+$0x130] =	vst v4;
	v4 =	vmul.f32 v50, v51  }
0xcc: {  	v54 =	vld [tilespmem:s31+$0x170]  }
0xcd: {  	[tilespmem:s31+$0x140] =	vst v4;
	v4 =	vmul.f32 v52, v51  }
0xce: {  	v55 =	vld [tilespmem:s31+$0x180]  }
0xcf: {  	[tilespmem:s31+$0x150] =	vst v4;
	v4 =	vmul.f32 v53, v51  }
0xd0: {  	v57 =	vld [tilespmem:s31+$0x190]  }
0xd1: {  	v56 =	vbroadcast v3, $0xE;
	[tilespmem:s31+$0x160] =	vst v4;
	v4 =	vmul.f32 v54, v51  }
0xd2: {  	v58 =	vld [tilespmem:s31+$0x1A0]  }
0xd3: {  	[tilespmem:s31+$0x170] =	vst v4;
	v4 =	vmul.f32 v55, v56  }
0xd4: {  	v59 =	vld [tilespmem:s31+$0x1B0]  }
0xd5: {  	[tilespmem:s31+$0x180] =	vst v4;
	v4 =	vmul.f32 v57, v56  }
0xd6: {  	v60 =	vld [tilespmem:s31+$0x1C0]  }
0xd7: {  	[tilespmem:s31+$0x190] =	vst v4;
	v4 =	vmul.f32 v58, v56  }
0xd8: {  	v61 =	vld [tilespmem:s31+$0x1D0]  }
0xd9: {  	v3 =	vbroadcast v3, $0xF;
	[tilespmem:s31+$0x1A0] =	vst v4;
	v4 =	vmul.f32 v59, v56  }
0xda: {  	v62 =	vld [tilespmem:s31+$0x1E0]  }
0xdb: {  	v63 =	vld [tilespmem:s31+$0x1F0];
	[tilespmem:s31+$0x1B0] =	vst v4;
	v4 =	vmul.f32 v60, v3;
	_ =	sdelay $0x1  }
0xdc: {  	p1 =	sne.s32 s0, $0x100;
	[tilespmem:s31+$0x1C0] =	vst v4;
	v4 =	vmul.f32 v61, v3  }
.Ltmp1:
0xdd: {  	_ = 	snop;
	(pc) =	sbr.rel @p1 .LBB2_5-.Ltmp1, $4  }
0xde: {  	[tilespmem:s31+$0x1D0] =	vst v4;
	v4 =	vmul.f32 v62, v3  }
0xdf: {  	v3 =	vmul.f32 v63, v3  }
0xe0: {  	[tilespmem:s31+$0x1E0] =	vst v4  }
0xe1: {  	s0 =	sadd.s32 $0x40, s0;
	[tilespmem:s31+$0x1F0] =	vst v3;
	s31 =	sadd.s32 $0x400, s31  }
0xe2: {  	s30 =	sadd.s32 $0x1, s30  }
0xe3: {  	p1 =	sne.s32 s30, $0x271  }
.Ltmp2:
0xe4: {  	_ = 	snop;
	(pc) =	sbr.rel @p1 .LBB2_4-.Ltmp2, $4  }
0xe5: {  	[spmem:s2] =	stream.indirect.scatter.add.f32 [tilespmem:s24], [sflag:$0x2], $0x40, s28, s21, $0xb8;
	[tilespmem:$0x1D540] =	vst v63  }
0xe6: {  	_ =	swait.ge [sflag:s20], $0x1400  }
0xe7: {  	[sflag:s20] =	ssyncset.done $0x0  }
0xe8: {  	[sflag:s20] =	ssyncadd.s32 $0xFFFFEC00  }
0xe9: {  	s0 =	stileid.u32  }
0xea: {  	s0 =	sshll.u32 s0, $0x6  }
0xeb: {  	[bflag:$0x0] =	sbarrier.arrive $0xFFFF;
	s0 =	sor.u32 $0x1C02, s0  }
0xec: {  	[hbm:s16], [sflag:s0] =	dma.local [spmem:s22], $0x30C0  }
0xed: {  	_ =	swait.ge [sflag:s20], $0x30C0  }
0xee: {  	s3 =	sadd.s32 $0x1, s3;
	[sflag:s20] =	ssyncset.done $0x0  }
0xef: {  	p1 =	sne.s32 s3, s18;
	[sflag:s20] =	ssyncadd.s32 $0xFFFFCF40  }
0xf0: {  	[hbm:s17], [sflag:s0] =	dma.local @!p0 [spmem:s25], $0x140  }
.Ltmp3:
0xf1: {  	_ = 	snop;
	(pc) =	sbr.rel @p1 .LBB2_1-.Ltmp3, $4  }
0xf2: {  	s0 =	simm.s32 @!p0 $0x2  }
0xf3: {  	_ =	swait.ge @!p0 [sflag:s0], $0x140  }
0xf4: {  	[sflag:s0] =	ssyncset.done @!p0 $0x0  }
0xf5: {  	[sflag:s0] =	ssyncadd.s32 @!p0 $0xFFFFFEC0  }
0xf6: {  	_ =	sfence.sel $0x180000  }
0xf7: {  	[bflag:$0x0] =	sbarrier.arrive $0xFFFF  }
0xf8: {  	_ =	strace $0x9000004D  }
0xf9: {  	[bflag:$0x2] =	sbarrier.arrive $0xFFFF  }
0xfa: {  	s0 =	rddreg [dreg:$0x3]  }
0xfb: {  	s0 =	sadd.s32 @!p0 $0x100000, s0  }
0xfc: {  	[sflag:s0] =	ssyncadd.tile.s32 @!p0 $0x1;
	_ =	shalt  }
.Lfunc_end2:
_tile_overlayer_lowered:
.L_overlay_start_2:
0xfd: {  	(tag) =	ssettag $0x2  }
0xfe: {  	s0 =	rddreg [dreg:$0x0];
	s2 =	stileid.u32  }
0xff: {  	s1 =	rddreg [dreg:$0x1];
	p0 =	sne.s32 s2, $0x0  }
0x100: {  	s3 =	rddreg [dreg:$0x2];
	[bflag:$0x3] =	sbarrier.arrive $0xFFFF;
	s2 =	simm.s32 @!p0 $0x1C02  }
0x101: {  	[timem:s3], [sflag:s2] =	dma.local @!p0 [hbm:s0], s1  }
0x102: {  	s0 =	simm.s32 @!p0 $0x2  }
0x103: {  	_ =	swait.ge @!p0 [sflag:s0], s1  }
0x104: {  	s1 =	ssub.s32 @!p0 $0x0, s1;
	[sflag:s0] =	ssyncset.done @!p0 $0x0  }
0x105: {  	[sflag:s0] =	ssyncadd.s32 @!p0 s1  }
0x106: {  	[bflag:$0x3] =	sbarrier.arrive $0xFFFF  }
0x107: {  	_ =	shalt  }

// kernel: lightgcn_layer.5.cloned.1.call-start
scs
__scs_entry_jumppad:
0x0: {  	(pc) =	sbr.rel $0x88, $3  }
0x1: {  	(tag) =	ssettag $0x0;
	lr =	simm.s32 $0x1  }
0x2: {  	[smem:$0x3F9C] =	sst lr;
	_ =	strace $0xD0000000  }
0x3: {  	_ = 	snop  }
0x4: {  	_ = 	snop  }
0x5: {  	_ = 	snop  }
0x6: {  	_ = 	snop  }
0x7: {  	_ = 	snop  }
__scs_overlays_trampoline_lowered:
0x8: {  	[smem:$0x3FAB] =	sst s0  }
0x9: {  	[smem:$0x3FAC] =	sst s1  }
0xa: {  	[smem:$0x3FAD] =	sst s2  }
0xb: {  	[smem:$0x3FAE] =	sst s3  }
0xc: {  	[smem:$0x3FAF] =	sst s4  }
0xd: {  	[smem:$0x3FB0] =	sst s5  }
0xe: {  	[smem:$0x3FB1] =	sst s6  }
0xf: {  	[smem:$0x3FB2] =	sst s7  }
0x10: {  	[smem:$0x3FB3] =	sst s8  }
0x11: {  	[smem:$0x3FB4] =	sst s9;
	s0 =	simm.s32 @!p0 $0x0  }
0x12: {  	s1 =	sld [smem:$0x3F9A];
	s0 =	simm.s32 @p0 $0x1  }
0x13: {  	[smem:$0x3FB5] =	sst s0;
	s0 =	simm.s32 @!p1 $0x0  }
0x14: {  	s2 =	sld [smem:$0x3F99];
	s0 =	simm.s32 @p1 $0x1  }
0x15: {  	[smem:$0x3FB6] =	sst s0;
	s0 =	simm.s32 @!p2 $0x0  }
0x16: {  	s3 =	sld [smem:$0x3FDB];
	s0 =	simm.s32 @p2 $0x1  }
0x17: {  	s4 =	simm.s32 $0x1BF5;
	[smem:$0x3FB8] =	sst s0  }
0x18: {  	s0 =	sld [smem:$0x3F9B];
	_ =	swait.ge [sflag:s4], $0x0  }
0x19: {  	s7 =	sld [smem:$0x3F9C]  }
0x1a: {  	s8 =	sadd.s32 $0xFFFFE003, lr  }
0x1b: {  	s9 =	sadd.s32 $0xFFFFFEF7, lr;
	s5 =	simm.s32 $0xFFFFFFFF;
	p2 =	slt.u32 s8, $0xFFFFF086  }
0x1c: {  	p1 =	slt.u32 s9, $0xF7A;
	s5 =	simm.s32 @!p2 $0x0  }
0x1d: {  	s5 =	simm.s32 @p1 $0x1;
	p0 =	seq.s32 s7, s2  }
0x1e: {  	s7 =	smul.u32 @!p0 $0xF7A, s2;
	p2 =	seq.s32 @!p0 s5, $0x0  }
0x1f: {  	s9 =	smul.u32 $0xF7A, s1;
	s8 =	simm.s32 @!p0 $0x1BF5;
	p2 =	por !p2, p0  }
0x20: {  	[sflag:s8] =	ssyncset.s32 @!p0 $0xFFFFF086;
	s6 =	sadd.s32 @!p0 s3, s7;
	s7 =	simm.s32 @!p0 $0x108  }
0x21: {  	s3 =	sadd.s32 s3, s9;
	s6 =	sadd.s32 @!p0 $0x88, s6;
	s7 =	simm.s32 @p2 $0x1082  }
0x22: {  	[simem:s7], [sflag:s8] =	dma.local @!p0 [hbm:s6], $0xF7A  }
0x23: {  	s9 =	sor.u32 $0xD0000000, s2;
	s6 =	simm.s32 $0x108;
	_ =	swait.ge @!p0 [sflag:s8], $0x0  }
0x24: {  	s3 =	sadd.s32 $0x88, s3;
	s6 =	simm.s32 @!p1 $0x1082;
	[sflag:s4] =	ssyncset.s32 $0xFFFFF086  }
0x25: {  	[simem:s6], [sflag:s4] =	dma.local [hbm:s3], $0xF7A  }
0x26: {  	[smem:$0x3F9C] =	sst s1;
	(tag) =	ssettag s2;
	_ =	strace s9  }
0x27: {  	s1 =	sld [smem:$0x3FAC]  }
0x28: {  	s2 =	sld [smem:$0x3FAD]  }
0x29: {  	s4 =	sld [smem:$0x3FAF]  }
0x2a: {  	p0 =	seq.s32 s5, $0x0;
	s5 =	sld [smem:$0x3FB0]  }
0x2b: {  	s6 =	sld [smem:$0x3FB1]  }
0x2c: {  	s7 =	sld [smem:$0x3FB2]  }
0x2d: {  	s3 =	simm.s32 $0x108;
	s8 =	sld [smem:$0x3FB3]  }
0x2e: {  	s3 =	simm.s32 @!p0 $0x1082;
	s9 =	sld [smem:$0x3FB4]  }
0x2f: {  	lr =	sadd.s32 s0, s3;
	s0 =	sld [smem:$0x3FAB]  }
0x30: {  	s3 =	sld [smem:$0x3FAE]  }
0x31: {  	[smem:$0x3FB7] =	sst s10  }
0x32: {  	s10 =	sld [smem:$0x3FB5];
	_ =	sdelay $0x3  }
0x33: {  	p0 =	seq.s32 s10, $0x1;
	s10 =	sld [smem:$0x3FB7];
	_ =	sdelay $0x3  }
0x34: {  	[smem:$0x3FB7] =	sst s10  }
0x35: {  	s10 =	sld [smem:$0x3FB6];
	_ =	sdelay $0x3  }
0x36: {  	p1 =	seq.s32 s10, $0x1;
	s10 =	sld [smem:$0x3FB7];
	_ =	sdelay $0x3  }
0x37: {  	[smem:$0x3FB7] =	sst s10  }
0x38: {  	s10 =	sld [smem:$0x3FB8]  }
0x39: {  	_ = 	snop;
	(pc) =	sbr.ind lr, $3  }
0x3a: {  	_ = 	snop  }
0x3b: {  	_ = 	snop  }
0x3c: {  	p2 =	seq.s32 s10, $0x1;
	s10 =	sld [smem:$0x3FB7]  }
0x3d: {  	_ =	shalt  }
0x3e: {  	_ =	shalt  }
0x3f: {  	_ =	shalt  }
0x40: {  	_ =	shalt  }
0x41: {  	_ =	shalt  }
0x42: {  	_ =	shalt  }
0x43: {  	_ =	shalt  }
0x44: {  	_ =	shalt  }
0x45: {  	_ =	shalt  }
0x46: {  	_ =	shalt  }
0x47: {  	_ =	shalt  }
0x48: {  	_ =	shalt  }
0x49: {  	_ =	shalt  }
0x4a: {  	_ =	shalt  }
0x4b: {  	_ =	shalt  }
0x4c: {  	_ =	shalt  }
0x4d: {  	_ =	shalt  }
0x4e: {  	_ =	shalt  }
0x4f: {  	_ =	shalt  }
0x50: {  	_ =	shalt  }
0x51: {  	_ =	shalt  }
0x52: {  	_ =	shalt  }
0x53: {  	_ =	shalt  }
0x54: {  	_ =	shalt  }
0x55: {  	_ =	shalt  }
0x56: {  	_ =	shalt  }
0x57: {  	_ =	shalt  }
0x58: {  	_ =	shalt  }
0x59: {  	_ =	shalt  }
0x5a: {  	_ =	shalt  }
0x5b: {  	_ =	shalt  }
0x5c: {  	_ =	shalt  }
0x5d: {  	_ =	shalt  }
0x5e: {  	_ =	shalt  }
0x5f: {  	_ =	shalt  }
0x60: {  	_ =	shalt  }
0x61: {  	_ =	shalt  }
0x62: {  	_ =	shalt  }
0x63: {  	_ =	shalt  }
0x64: {  	_ =	shalt  }
0x65: {  	_ =	shalt  }
0x66: {  	_ =	shalt  }
0x67: {  	_ =	shalt  }
0x68: {  	_ =	shalt  }
0x69: {  	_ =	shalt  }
0x6a: {  	_ =	shalt  }
0x6b: {  	_ =	shalt  }
0x6c: {  	_ =	shalt  }
0x6d: {  	_ =	shalt  }
0x6e: {  	_ =	shalt  }
0x6f: {  	_ =	shalt  }
0x70: {  	_ =	shalt  }
0x71: {  	_ =	shalt  }
0x72: {  	_ =	shalt  }
0x73: {  	_ =	shalt  }
0x74: {  	_ =	shalt  }
0x75: {  	_ =	shalt  }
0x76: {  	_ =	shalt  }
0x77: {  	_ =	shalt  }
0x78: {  	_ =	shalt  }
0x79: {  	_ =	shalt  }
0x7a: {  	_ =	shalt  }
0x7b: {  	_ =	shalt  }
0x7c: {  	_ =	shalt  }
0x7d: {  	_ =	shalt  }
0x7e: {  	_ =	shalt  }
0x7f: {  	_ =	shalt  }
0x80: {  	_ =	shalt  }
0x81: {  	_ =	shalt  }
0x82: {  	_ =	shalt  }
0x83: {  	_ =	shalt  }
0x84: {  	_ =	shalt  }
0x85: {  	_ =	shalt  }
0x86: {  	_ =	shalt  }
0x87: {  	_ =	shalt  }
.Lfunc_end0:
.L_simem_size_0:
called_computation_lowered:
.L_overlay_start_0:
0x88: {  	s2 =	sld [smem:$0x3FD9]  }
0x89: {  	s3 =	sld [smem:$0x3FFE];
	_ =	sdelay $0x1  }
0x8a: {  	s1 =	srdreg.scid  }
0x8b: {  	s0 =	sand.u32 $0x1, s1  }
0x8c: {  	s17 =	sshll.u32 s0, $0xA;
	s2 =	sadd.s32 s3, s2  }
0x8d: {  	s2 =	sadd.s32 s2, s17  }
0x8e: {  	[smem:$0x3FC3] =	sst s2  }
0x8f: {  	_ = 	snop  }
0x90: {  	s2 =	sld [smem:$0x3FC6];
	(tm) =	ssettm $0x1  }
0x91: {  	s18 =	sld [smem:$0x3FFB];
	_ =	sdelay $0x3  }
0x92: {  	_ =	strace s18  }
0x93: {  	s3 =	sld [smem:$0x3FFC];
	_ =	sdelay $0x3  }
0x94: {  	_ =	strace s3  }
0x95: {  	s3 =	sld [smem:$0x3FFD];
	_ =	sdelay $0x3  }
0x96: {  	_ =	strace s3  }
0x97: {  	_ =	strace $0x8FFFFFFF  }
0x98: {  	s19 =	sld [smem:$0x3FDB];
	_ =	sdelay $0x1  }
0x99: {  	s4 =	simm.s32 $_scs_section_size  }
0x9a: {  	s5 =	simm.s32 $_size__tile_overlayer_lowered;
	s6 =	simm.s32 $_tile_overlayer_lowered  }
0x9b: {  	s22 =	simm.s32 $0x1BFF;
	s21 =	sshll.u32 s6, $0x1;
	s3 =	sadd.s32 s4, s19  }
0x9c: {  	s7 =	simm.s32 $0x0;
	s20 =	sshll.u32 s5, $0x1;
	s5 =	sadd.s32 s21, s3  }
0x9d: {  	[timem:s7], [sflag:s22] =	dma.local [hbm:s5], s20  }
0x9e: {  	_ =	swait.ge [sflag:s22], s20  }
0x9f: {  	s4 =	ssub.s32 $0x0, s20;
	[sflag:s22] =	ssyncset.done $0x0  }
0xa0: {  	[sflag:s22] =	ssyncadd.s32 s4;
	_ =	sdelay $0x1  }
0xa1: {  	s23 =	simm.s32 $0x1B8B  }
0xa2: {  	_ =	swait.ge [sflag:s23], $0x1  }
0xa3: {  	[sflag:s23] =	ssyncset.done $0x0  }
0xa4: {  	s25 =	simm.s32 $0x1B8E;
	s24 =	sld [smem:$0x3FFE];
	[sflag:s23] =	ssyncadd.s32 $0xFFFFFFFF  }
0xa5: {  	s26 =	simm.s32 $execute0_lowered;
	[smem:$0x3FD2] =	sst s25  }
0xa6: {  	s5 =	sshll.u32 s26, $0x1;
	_ =	strace $0x80000046;
	[dreg:$0x1] =	wrdreg $0xFFFFFFFF  }
0xa7: {  	s28 =	simm.s32 $_size_execute0_lowered;
	s3 =	sadd.s32 s3, s5;
	[dreg:$0x0] =	wrdreg $0x0  }
0xa8: {  	s5 =	sshll.u32 s28, $0x1;
	[dreg:$0x2] =	wrdreg s3  }
0xa9: {  	[dreg:$0x3] =	wrdreg s5  }
0xaa: {  	[dreg:$0x4] =	wrdreg $0xC0  }
0xab: {  	_ =	task [dreg:s7], $0x5FFFF  }
0xac: {  	[dreg:$0x1] =	wrdreg $0xFFFFFFFF  }
0xad: {  	[dreg:$0x0] =	wrdreg $0x60  }
0xae: {  	[dreg:$0x2] =	wrdreg s24  }
0xaf: {  	[dreg:$0x3] =	wrdreg s2  }
0xb0: {  	[dreg:$0x4] =	wrdreg $0x4D400  }
0xb1: {  	[dreg:$0x5] =	wrdreg $0x9  }
0xb2: {  	_ =	task.clear_ibuf [dreg:s7], $0x6FFFF;
	_ =	strace $0x90000046  }
0xb3: {  	s29 =	simm.s32 $0x9;
	_ =	strace $0x80000048  }
0xb4: {  	_ =	swait.ge [sflag:s29], $0x1  }
0xb5: {  	[sflag:s29] =	ssyncadd.s32 $0xFFFFFFFF  }
0xb6: {  	_ =	strace $0x90000048  }
0xb7: {  	_ =	sfence  }
0xb8: {  	s30 =	sld [smem:$0x0];
	_ =	sdelay $0x2  }
0xb9: {  	s31 =	sshll.u32 s1, $0xD;
	s1 =	sshrl.u32 s1, $0x2  }
0xba: {  	s3 =	sand.u32 $0x4000, s31;
	s1 =	sadd.s32 s1, s30  }
0xbb: {  	s0 =	sor.u32 s3, s0;
	s1 =	sshll.u32 s1, $0x11  }
0xbc: {  	s0 =	sor.u32 s1, s0  }
0xbd: {  	s0 =	sadd.s32 $0x8F2B, s0  }
0xbe: {  	[sflag:s0] =	ssyncadd.remote.s32 $0x1  }
0xbf: {  	_ =	sfence.sel $0xFFFF  }
0xc0: {  	[dreg:$0x0] =	wrdreg $0xFFFFFFFF;
	(pc) =	sbr.abs _section_cstart, $3  }
0xc1: {  	[dreg:$0x1] =	wrdreg $0xFFFFFFFF  }
0xc2: {  	_ =	task.clear_ibuf [dreg:s7], $0x2FFFF;
	_ =	strace $0x9FFFFFFF  }
0xc3: {  	(tm) =	ssettm $0x7FFFFFFF  }
tec
execute0_lowered:
.L_overlay_start_1:
0x0: {  	(tag) =	ssettag $0x1  }
0x1: {  	s0 =	rddreg [dreg:$0x0]  }
0x2: {  	s1 =	rddreg [dreg:$0x1]  }
0x3: {  	s2 =	rddreg [dreg:$0x2]  }
0x4: {  	s3 =	simm.s32 $0x0;
	s7 =	srdreg.scid;
	s5 =	stileid.u32  }
0x5: {  	s20 =	simm.s32 $0x2;
	s21 =	simm.s32 $0x50;
	s23 =	simm.s32 $0xA0  }
0x6: {  	s24 =	simm.s32 $0x140;
	[smem:$0x7FF] =	sst s3;
	s4 =	sadd.s32 $0x95C00, s0  }
0x7: {  	s6 =	sadd.s32 $0x1B800, s0;
	s14 =	sand.u32 $0x1, s7;
	s8 =	smul.u32 $0x62000, s5  }
0x8: {  	s7 =	sadd.s32 $0x3000, s0;
	s0 =	sadd.s32 $0xF7800, s0;
	s16 =	smul.u32 $0x618, s5  }
0x9: {  	s19 =	smul.u32 $0x61800, s5;
	s28 =	sadd.s32 $0x186000, s2;
	p0 =	sne.s32 s5, $0x0  }
0xa: {  	_ =	strace $0x80000047;
	s9 =	ssub.s32 $0x2, s14;
	s25 =	smul.u32 $0x61A8, s14  }
0xb: {  	s17 =	smul.u32 $0x186A00, s14;
	s10 =	sshrl.u32 s9, $0x1;
	s8 =	sshrl.u32 s8, $0x2  }
0xc: {  	s19 =	sshrl.u32 s19, $0x2;
	s18 =	ssub.s32 s9, s10;
	s8 =	sadd.s32 s8, s2  }
0xd: {  	s9 =	smul.u32 $0xC350, s5;
	s26 =	sadd.s32 $0x61A8, s25;
	s16 =	sadd.s32 s16, s25  }
0xe: {  	s17 =	sshrl.u32 s17, $0x3;
	s31 =	sadd.s32 s19, s2;
	s19 =	simm.s32 $0x1540  }
0xf: {  	v0 =	vmov s25;
	s25 =	sshrl.u32 @!p0 s28, $0x3;
	s28 =	simm.s32 $0xF0;
	s10 =	sadd.s32 $0x3800, s8  }
0x10: {  	s11 =	sadd.s32 $0x7000, s8;
	s12 =	sadd.s32 $0xA800, s8;
	s13 =	sadd.s32 $0xE000, s8  }
0x11: {  	s14 =	sadd.s32 $0x11800, s8;
	s15 =	sadd.s32 $0x15000, s8;
	s16 =	sshll.u32 s16, $0x3  }
0x12: {  	s17 =	sadd.s32 s0, s17;
	s18 =	smax.u32 s18, $0x1;
	s22 =	sshrl.u32 s31, $0x3  }
0x13: {  	v2 =	vimm.f32 $0.0e+00;
	v1 =	vmov s26;
	s26 =	simm.s32 $0x1;
	s16 =	sadd.s32 s0, s16;
	s17 =	sadd.s32 $0x30C00, s17  }
.LBB2_1:
0x14: {  	s29 =	simm.s32 $0x100;
	s0 =	simm.s32 $0x0  }
.LBB2_2:
0x15: {  	p1 =	sne.s32 s29, $0xDF00;
	[tilespmem:s0+$0x1570] =	vst v2;
	s30 =	smov.u32 s29;
	s29 =	sadd.s32 $0x100, s29  }
.Ltmp0:
0x16: {  	[tilespmem:s0+$0x1560] =	vst v2;
	(pc) =	sbr.rel @p1 .LBB2_2-.Ltmp0, $3  }
0x17: {  	[tilespmem:s0+$0x1540] =	vst v2  }
0x18: {  	[tilespmem:s0+$0x1550] =	vst v2;
	_ =	sdelay $0x1  }
0x19: {  	s0 =	sshra.s32 s30, $0x2  }
0x1a: {  	[tilespmem:s0+$0x1570] =	vst v2  }
0x1b: {  	[tilespmem:s0+$0x1560] =	vst v2  }
0x1c: {  	[tilespmem:s0+$0x1540] =	vst v2  }
0x1d: {  	[tilespmem:s0+$0x1550] =	vst v2  }
0x1e: {  	[spmem:s8] =	stream.linear.scatter [tilespmem:s19], [sflag:$0x2], $0x3800, $0x38;
	[tilespmem:$0x1D540] =	vst v63  }
0x1f: {  	_ =	swait.ge [sflag:s20], $0x3800  }
0x20: {  	[sflag:s20] =	ssyncset.done $0x0  }
0x21: {  	[sflag:s20] =	ssyncadd.s32 $0xFFFFC800  }
0x22: {  	[spmem:s10] =	stream.linear.scatter [tilespmem:s19], [sflag:$0x2], $0x3800, $0x38;
	[tilespmem:$0x1D540] =	vst v63  }
0x23: {  	_ =	swait.ge [sflag:s20], $0x3800  }
0x24: {  	[sflag:s20] =	ssyncset.done $0x0  }
0x25: {  	[sflag:s20] =	ssyncadd.s32 $0xFFFFC800  }
0x26: {  	[spmem:s11] =	stream.linear.scatter [tilespmem:s19], [sflag:$0x2], $0x3800, $0x38;
	[tilespmem:$0x1D540] =	vst v63  }
0x27: {  	_ =	swait.ge [sflag:s20], $0x3800  }
0x28: {  	[sflag:s20] =	ssyncset.done $0x0  }
0x29: {  	[sflag:s20] =	ssyncadd.s32 $0xFFFFC800  }
0x2a: {  	[spmem:s12] =	stream.linear.scatter [tilespmem:s19], [sflag:$0x2], $0x3800, $0x38;
	[tilespmem:$0x1D540] =	vst v63  }
0x2b: {  	_ =	swait.ge [sflag:s20], $0x3800  }
0x2c: {  	[sflag:s20] =	ssyncset.done $0x0  }
0x2d: {  	[sflag:s20] =	ssyncadd.s32 $0xFFFFC800  }
0x2e: {  	[spmem:s13] =	stream.linear.scatter [tilespmem:s19], [sflag:$0x2], $0x3800, $0x38;
	[tilespmem:$0x1D540] =	vst v63  }
0x2f: {  	_ =	swait.ge [sflag:s20], $0x3800  }
0x30: {  	[sflag:s20] =	ssyncset.done $0x0  }
0x31: {  	[sflag:s20] =	ssyncadd.s32 $0xFFFFC800  }
0x32: {  	[spmem:s14] =	stream.linear.scatter [tilespmem:s19], [sflag:$0x2], $0x3800, $0x38;
	[tilespmem:$0x1D540] =	vst v63  }
0x33: {  	_ =	swait.ge [sflag:s20], $0x3800  }
0x34: {  	[sflag:s20] =	ssyncset.done $0x0  }
0x35: {  	[sflag:s20] =	ssyncadd.s32 $0xFFFFC800  }
0x36: {  	[spmem:s15] =	stream.linear.scatter [tilespmem:s19], [sflag:$0x2], $0x3800, $0x38;
	[tilespmem:$0x1D540] =	vst v63  }
0x37: {  	_ =	swait.ge [sflag:s20], $0x3800  }
0x38: {  	[sflag:s20] =	ssyncset.done $0x0  }
0x39: {  	[sflag:s20] =	ssyncadd.s32 $0xFFFFC800  }
0x3a: {  	s29 =	simm.s32 $0x0;
	s30 =	simm.s32 $0x0;
	[bflag:$0x0] =	sbarrier.arrive $0xFFFF  }
.LBB2_4:
0x3b: {  	s0 =	smul.u32 $0x50, s30;
	_ =	sdelay $0x1  }
0x3c: {  	s0 =	sadd.s32 s9, s0  }
0x3d: {  	s0 =	sshrl.u32 s0, $0x3  }
0x3e: {  	s31 =	sadd.s32 s6, s0  }
0x3f: {  	[tilespmem:s29], [sflag:$0x2] =	stream.linear.gather [hbm4b:s31+s29], $0x50, $0x38;
	[tilespmem:$0x1D540] =	vst v63  }
0x40: {  	_ =	swait.ge [sflag:s20], $0x50  }
0x41: {  	[sflag:s20] =	ssyncset.done $0x0  }
0x42: {  	s31 =	sadd.s32 s7, s0;
	[sflag:s20] =	ssyncadd.s32 $0xFFFFFFB0  }
0x43: {  	[tilespmem:s21], [sflag:$0x2] =	stream.linear.gather [hbm4b:s31+s29], $0x50, $0x38;
	[tilespmem:$0x1D540] =	vst v63  }
0x44: {  	_ =	swait.ge [sflag:s20], $0x50  }
0x45: {  	[sflag:s20] =	ssyncset.done $0x0  }
0x46: {  	s0 =	sadd.s32 s1, s0;
	[sflag:s20] =	ssyncadd.s32 $0xFFFFFFB0  }
0x47: {  	[tilespmem:s23], [sflag:$0x2] =	stream.linear.gather [hbm4b:s0+s29], $0x50, $0x38;
	[tilespmem:$0x1D540] =	vst v63  }
0x48: {  	_ =	swait.ge [sflag:s20], $0x50  }
0x49: {  	[sflag:s20] =	ssyncset.done $0x0  }
0x4a: {  	[sflag:s20] =	ssyncadd.s32 $0xFFFFFFB0  }
0x4b: {  	v3 =	vld [tilespmem:$0x0]  }
0x4c: {  	v4 =	vld [tilespmem:$0x10]  }
0x4d: {  	v5 =	vld [tilespmem:$0x20];
	_ =	sdelay $0x1  }
0x4e: {  	v6 =	vld [tilespmem:$0x30];
	_ =	sdelay $0x1  }
0x4f: {  	v7 =	vld [tilespmem:$0x40];
	vm0 =	vge.s32 v3, v0;
	vm1 =	vlt.s32 v3, v1;
	v3 =	vsub.s32 v3, v0  }
0x50: {  	vm7 =	vge.s32 v4, v0;
	vm8 =	vlt.s32 v4, v1;
	vm2 =	vge.s32 v5, v0  }
0x51: {  	vm3 =	vlt.s32 v5, v1;
	v4 =	vsub.s32 v4, v0;
	v5 =	vsub.s32 v5, v0  }
0x52: {  	vm10 =	vge.s32 v6, v0;
	vm11 =	vlt.s32 v6, v1;
	vm0 =	vmand vm0, vm1  }
0x53: {  	v63 =	vsub.s32 v6, v0;
	v3 =	vnsel vm0, $0x61A8, v3;
	vm0 =	vmand vm7, vm8  }
0x54: {  	vm13 =	vge.s32 v7, v0;
	vm9 =	vmand vm2, vm3;
	v4 =	vnsel vm0, $0x61A8, v4;
	[tilespmem:$0xF0] =	vst v3  }
0x55: {  	vm14 =	vlt.s32 v7, v1;
	vm12 =	vmand vm10, vm11;
	v3 =	vnsel vm9, $0x61A8, v5;
	[tilespmem:$0x100] =	vst v4  }
0x56: {  	vm15 =	vmand vm13, vm14;
	v4 =	vnsel vm12, $0x61A8, v63;
	[tilespmem:$0x110] =	vst v3;
	v3 =	vsub.s32 v7, v0  }
0x57: {  	[tilespmem:$0x120] =	vst v4;
	v3 =	vnsel vm15, $0x61A8, v3  }
0x58: {  	[tilespmem:$0x130] =	vst v3  }
0x59: {  	[tilespmem:s24], [sflag:$0x1] =	stream.indirect.gather [hbm4b:s4+s21], $0x40, s21, s21, $0xb8;
	[tilespmem:$0x1D540] =	vst v63  }
0x5a: {  	_ =	swait.ge [sflag:s26], $0x1400  }
0x5b: {  	[sflag:s26] =	ssyncset.done $0x0  }
0x5c: {  	s31 =	simm.s32 $0x340;
	s0 =	simm.s32 $0x0;
	[sflag:s26] =	ssyncadd.s32 $0xFFFFEC00  }
.LBB2_5:
0x5d: {  	s5 =	sshra.s32 s0, $0x2  }
0x5e: {  	v3 =	vld [tilespmem:s5+$0xA0];
	_ =	sdelay $0x1  }
0x5f: {  	v4 =	vld [tilespmem:s31+$0xFFFFFE00];
	_ =	sdelay $0x1  }
0x60: {  	v43 =	vld [tilespmem:s31+$0xFFFFFE10]  }
0x61: {  	v5 =	vbroadcast v3, $0x0  }
0x62: {  	v44 =	vld [tilespmem:s31+$0xFFFFFE20]  }
0x63: {  	v4 =	vmul.f32 v5, v4  }
0x64: {  	v45 =	vld [tilespmem:s31+$0xFFFFFE30]  }
0x65: {  	[tilespmem:s31+$0xFFFFFE00] =	vst v4;
	v4 =	vmul.f32 v43, v5  }
0x66: {  	v46 =	vld [tilespmem:s31+$0xFFFFFE40]  }
0x67: {  	[tilespmem:s31+$0xFFFFFE10] =	vst v4;
	v4 =	vmul.f32 v44, v5  }
0x68: {  	v48 =	vld [tilespmem:s31+$0xFFFFFE50]  }
0x69: {  	v47 =	vbroadcast v3, $0x1;
	[tilespmem:s31+$0xFFFFFE20] =	vst v4;
	v4 =	vmul.f32 v45, v5  }
0x6a: {  	v49 =	vld [tilespmem:s31+$0xFFFFFE60]  }
0x6b: {  	[tilespmem:s31+$0xFFFFFE30] =	vst v4;
	v4 =	vmul.f32 v46, v47  }
0x6c: {  	v50 =	vld [tilespmem:s31+$0xFFFFFE70]  }
0x6d: {  	[tilespmem:s31+$0xFFFFFE40] =	vst v4;
	v4 =	vmul.f32 v48, v47  }
0x6e: {  	v51 =	vld [tilespmem:s31+$0xFFFFFE80]  }
0x6f: {  	[tilespmem:s31+$0xFFFFFE50] =	vst v4;
	v4 =	vmul.f32 v49, v47  }
0x70: {  	v53 =	vld [tilespmem:s31+$0xFFFFFE90]  }
0x71: {  	v52 =	vbroadcast v3, $0x2;
	[tilespmem:s31+$0xFFFFFE60] =	vst v4;
	v4 =	vmul.f32 v50, v47  }
0x72: {  	v54 =	vld [tilespmem:s31+$0xFFFFFEA0]  }
0x73: {  	[tilespmem:s31+$0xFFFFFE70] =	vst v4;
	v4 =	vmul.f32 v51, v52  }
0x74: {  	v55 =	vld [tilespmem:s31+$0xFFFFFEB0]  }
0x75: {  	[tilespmem:s31+$0xFFFFFE80] =	vst v4;
	v4 =	vmul.f32 v53, v52  }
0x76: {  	v56 =	vld [tilespmem:s31+$0xFFFFFEC0]  }
0x77: {  	[tilespmem:s31+$0xFFFFFE90] =	vst v4;
	v4 =	vmul.f32 v54, v52  }
0x78: {  	v58 =	vld [tilespmem:s31+$0xFFFFFED0]  }
0x79: {  	v57 =	vbroadcast v3, $0x3;
	[tilespmem:s31+$0xFFFFFEA0] =	vst v4;
	v4 =	vmul.f32 v55, v52  }
0x7a: {  	v59 =	vld [tilespmem:s31+$0xFFFFFEE0]  }
0x7b: {  	[tilespmem:s31+$0xFFFFFEB0] =	vst v4;
	v4 =	vmul.f32 v56, v57  }
0x7c: {  	v60 =	vld [tilespmem:s31+$0xFFFFFEF0]  }
0x7d: {  	[tilespmem:s31+$0xFFFFFEC0] =	vst v4;
	v4 =	vmul.f32 v58, v57  }
0x7e: {  	v61 =	vld [tilespmem:s31+$0xFFFFFF00]  }
0x7f: {  	[tilespmem:s31+$0xFFFFFED0] =	vst v4;
	v4 =	vmul.f32 v59, v57  }
0x80: {  	v63 =	vld [tilespmem:s31+$0xFFFFFF10]  }
0x81: {  	v62 =	vbroadcast v3, $0x4;
	[tilespmem:s31+$0xFFFFFEE0] =	vst v4;
	v4 =	vmul.f32 v60, v57  }
0x82: {  	v8 =	vld [tilespmem:s31+$0xFFFFFF20]  }
0x83: {  	[tilespmem:s31+$0xFFFFFEF0] =	vst v4;
	v4 =	vmul.f32 v61, v62  }
0x84: {  	v9 =	vld [tilespmem:s31+$0xFFFFFF30]  }
0x85: {  	[tilespmem:s31+$0xFFFFFF00] =	vst v4;
	v4 =	vmul.f32 v63, v62  }
0x86: {  	v10 =	vld [tilespmem:s31+$0xFFFFFF40]  }
0x87: {  	[tilespmem:s31+$0xFFFFFF10] =	vst v4;
	v4 =	vmul.f32 v8, v62  }
0x88: {  	v12 =	vld [tilespmem:s31+$0xFFFFFF50]  }
0x89: {  	v11 =	vbroadcast v3, $0x5;
	[tilespmem:s31+$0xFFFFFF20] =	vst v4;
	v4 =	vmul.f32 v9, v62  }
0x8a: {  	v13 =	vld [tilespmem:s31+$0xFFFFFF60]  }
0x8b: {  	[tilespmem:s31+$0xFFFFFF30] =	vst v4;
	v4 =	vmul.f32 v10, v11  }
0x8c: {  	v14 =	vld [tilespmem:s31+$0xFFFFFF70]  }
0x8d: {  	[tilespmem:s31+$0xFFFFFF40] =	vst v4;
	v4 =	vmul.f32 v12, v11  }
0x8e: {  	v15 =	vld [tilespmem:s31+$0xFFFFFF80]  }
0x8f: {  	[tilespmem:s31+$0xFFFFFF50] =	vst v4;
	v4 =	vmul.f32 v13, v11  }
0x90: {  	v17 =	vld [tilespmem:s31+$0xFFFFFF90]  }
0x91: {  	v16 =	vbroadcast v3, $0x6;
	[tilespmem:s31+$0xFFFFFF60] =	vst v4;
	v4 =	vmul.f32 v14, v11  }
0x92: {  	v18 =	vld [tilespmem:s31+$0xFFFFFFA0]  }
0x93: {  	[tilespmem:s31+$0xFFFFFF70] =	vst v4;
	v4 =	vmul.f32 v15, v16  }
0x94: {  	v19 =	vld [tilespmem:s31+$0xFFFFFFB0]  }
0x95: {  	[tilespmem:s31+$0xFFFFFF80] =	vst v4;
	v4 =	vmul.f32 v17, v16  }
0x96: {  	v20 =	vld [tilespmem:s31+$0xFFFFFFC0]  }
0x97: {  	[tilespmem:s31+$0xFFFFFF90] =	vst v4;
	v4 =	vmul.f32 v18, v16  }
0x98: {  	v22 =	vld [tilespmem:s31+$0xFFFFFFD0]  }
0x99: {  	v21 =	vbroadcast v3, $0x7;
	[tilespmem:s31+$0xFFFFFFA0] =	vst v4;
	v4 =	vmul.f32 v19, v16  }
0x9a: {  	v23 =	vld [tilespmem:s31+$0xFFFFFFE0]  }
0x9b: {  	[tilespmem:s31+$0xFFFFFFB0] =	vst v4;
	v4 =	vmul.f32 v20, v21  }
0x9c: {  	v24 =	vld [tilespmem:s31+$0xFFFFFFF0]  }
0x9d: {  	[tilespmem:s31+$0xFFFFFFC0] =	vst v4;
	v4 =	vmul.f32 v22, v21  }
0x9e: {  	v25 =	vld [tilespmem:s31+$0x0]  }
0x9f: {  	[tilespmem:s31+$0xFFFFFFD0] =	vst v4;
	v4 =	vmul.f32 v23, v21  }
0xa0: {  	v27 =	vld [tilespmem:s31+$0x10]  }
0xa1: {  	v26 =	vbroadcast v3, $0x8;
	[tilespmem:s31+$0xFFFFFFE0] =	vst v4;
	v4 =	vmul.f32 v24, v21  }
0xa2: {  	v28 =	vld [tilespmem:s31+$0x20]  }
0xa3: {  	[tilespmem:s31+$0xFFFFFFF0] =	vst v4;
	v4 =	vmul.f32 v25, v26  }
0xa4: {  	v29 =	vld [tilespmem:s31+$0x30]  }
0xa5: {  	[tilespmem:s31+$0x0] =	vst v4;
	v4 =	vmul.f32 v27, v26  }
0xa6: {  	v30 =	vld [tilespmem:s31+$0x40]  }
0xa7: {  	[tilespmem:s31+$0x10] =	vst v4;
	v4 =	vmul.f32 v28, v26  }
0xa8: {  	v32 =	vld [tilespmem:s31+$0x50]  }
0xa9: {  	v31 =	vbroadcast v3, $0x9;
	[tilespmem:s31+$0x20] =	vst v4;
	v4 =	vmul.f32 v29, v26  }
0xaa: {  	v33 =	vld [tilespmem:s31+$0x60]  }
0xab: {  	[tilespmem:s31+$0x30] =	vst v4;
	v4 =	vmul.f32 v30, v31  }
0xac: {  	v34 =	vld [tilespmem:s31+$0x70]  }
0xad: {  	[tilespmem:s31+$0x40] =	vst v4;
	v4 =	vmul.f32 v32, v31  }
0xae: {  	v35 =	vld [tilespmem:s31+$0x80]  }
0xaf: {  	[tilespmem:s31+$0x50] =	vst v4;
	v4 =	vmul.f32 v33, v31  }
0xb0: {  	v37 =	vld [tilespmem:s31+$0x90]  }
0xb1: {  	v36 =	vbroadcast v3, $0xA;
	[tilespmem:s31+$0x60] =	vst v4;
	v4 =	vmul.f32 v34, v31  }
0xb2: {  	v38 =	vld [tilespmem:s31+$0xA0]  }
0xb3: {  	[tilespmem:s31+$0x70] =	vst v4;
	v4 =	vmul.f32 v35, v36  }
0xb4: {  	v39 =	vld [tilespmem:s31+$0xB0]  }
0xb5: {  	[tilespmem:s31+$0x80] =	vst v4;
	v4 =	vmul.f32 v37, v36  }
0xb6: {  	v40 =	vld [tilespmem:s31+$0xC0]  }
0xb7: {  	[tilespmem:s31+$0x90] =	vst v4;
	v4 =	vmul.f32 v38, v36  }
0xb8: {  	v42 =	vld [tilespmem:s31+$0xD0]  }
0xb9: {  	v41 =	vbroadcast v3, $0xB;
	[tilespmem:s31+$0xA0] =	vst v4;
	v4 =	vmul.f32 v39, v36  }
0xba: {  	v43 =	vld [tilespmem:s31+$0xE0]  }
0xbb: {  	[tilespmem:s31+$0xB0] =	vst v4;
	v4 =	vmul.f32 v40, v41  }
0xbc: {  	v44 =	vld [tilespmem:s31+$0xF0]  }
0xbd: {  	[tilespmem:s31+$0xC0] =	vst v4;
	v4 =	vmul.f32 v42, v41  }
0xbe: {  	v45 =	vld [tilespmem:s31+$0x100]  }
0xbf: {  	[tilespmem:s31+$0xD0] =	vst v4;
	v4 =	vmul.f32 v43, v41  }
0xc0: {  	v47 =	vld [tilespmem:s31+$0x110]  }
0xc1: {  	v46 =	vbroadcast v3, $0xC;
	[tilespmem:s31+$0xE0] =	vst v4;
	v4 =	vmul.f32 v44, v41  }
0xc2: {  	v48 =	vld [tilespmem:s31+$0x120]  }
0xc3: {  	[tilespmem:s31+$0xF0] =	vst v4;
	v4 =	vmul.f32 v45, v46  }
0xc4: {  	v49 =	vld [tilespmem:s31+$0x130]  }
0xc5: {  	[tilespmem:s31+$0x100] =	vst v4;
	v4 =	vmul.f32 v47, v46  }
0xc6: {  	v50 =	vld [tilespmem:s31+$0x140]  }
0xc7: {  	[tilespmem:s31+$0x110] =	vst v4;
	v4 =	vmul.f32 v48, v46  }
0xc8: {  	v52 =	vld [tilespmem:s31+$0x150]  }
0xc9: {  	v51 =	vbroadcast v3, $0xD;
	[tilespmem:s31+$0x120] =	vst v4;
	v4 =	vmul.f32 v49, v46  }
0xca: {  	v53 =	vld [tilespmem:s31+$0x160]  }
0xcb: {  	[tilespmem:s31+$0x130] =	vst v4;
	v4 =	vmul.f32 v50, v51  }
0xcc: {  	v54 =	vld [tilespmem:s31+$0x170]  }
0xcd: {  	[tilespmem:s31+$0x140] =	vst v4;
	v4 =	vmul.f32 v52, v51  }
0xce: {  	v55 =	vld [tilespmem:s31+$0x180]  }
0xcf: {  	[tilespmem:s31+$0x150] =	vst v4;
	v4 =	vmul.f32 v53, v51  }
0xd0: {  	v57 =	vld [tilespmem:s31+$0x190]  }
0xd1: {  	v56 =	vbroadcast v3, $0xE;
	[tilespmem:s31+$0x160] =	vst v4;
	v4 =	vmul.f32 v54, v51  }
0xd2: {  	v58 =	vld [tilespmem:s31+$0x1A0]  }
0xd3: {  	[tilespmem:s31+$0x170] =	vst v4;
	v4 =	vmul.f32 v55, v56  }
0xd4: {  	v59 =	vld [tilespmem:s31+$0x1B0]  }
0xd5: {  	[tilespmem:s31+$0x180] =	vst v4;
	v4 =	vmul.f32 v57, v56  }
0xd6: {  	v60 =	vld [tilespmem:s31+$0x1C0]  }
0xd7: {  	[tilespmem:s31+$0x190] =	vst v4;
	v4 =	vmul.f32 v58, v56  }
0xd8: {  	v61 =	vld [tilespmem:s31+$0x1D0]  }
0xd9: {  	v3 =	vbroadcast v3, $0xF;
	[tilespmem:s31+$0x1A0] =	vst v4;
	v4 =	vmul.f32 v59, v56  }
0xda: {  	v62 =	vld [tilespmem:s31+$0x1E0]  }
0xdb: {  	v63 =	vld [tilespmem:s31+$0x1F0];
	[tilespmem:s31+$0x1B0] =	vst v4;
	v4 =	vmul.f32 v60, v3;
	_ =	sdelay $0x1  }
0xdc: {  	p1 =	sne.s32 s0, $0x100;
	[tilespmem:s31+$0x1C0] =	vst v4;
	v4 =	vmul.f32 v61, v3  }
.Ltmp1:
0xdd: {  	_ = 	snop;
	(pc) =	sbr.rel @p1 .LBB2_5-.Ltmp1, $4  }
0xde: {  	[tilespmem:s31+$0x1D0] =	vst v4;
	v4 =	vmul.f32 v62, v3  }
0xdf: {  	v3 =	vmul.f32 v63, v3  }
0xe0: {  	[tilespmem:s31+$0x1E0] =	vst v4  }
0xe1: {  	s0 =	sadd.s32 $0x40, s0;
	[tilespmem:s31+$0x1F0] =	vst v3;
	s31 =	sadd.s32 $0x400, s31  }
0xe2: {  	s30 =	sadd.s32 $0x1, s30  }
0xe3: {  	p1 =	sne.s32 s30, $0x271  }
.Ltmp2:
0xe4: {  	_ = 	snop;
	(pc) =	sbr.rel @p1 .LBB2_4-.Ltmp2, $4  }
0xe5: {  	[spmem:s2] =	stream.indirect.scatter.add.f32 [tilespmem:s24], [sflag:$0x2], $0x40, s28, s21, $0xb8;
	[tilespmem:$0x1D540] =	vst v63  }
0xe6: {  	_ =	swait.ge [sflag:s20], $0x1400  }
0xe7: {  	[sflag:s20] =	ssyncset.done $0x0  }
0xe8: {  	[sflag:s20] =	ssyncadd.s32 $0xFFFFEC00  }
0xe9: {  	s0 =	stileid.u32  }
0xea: {  	s0 =	sshll.u32 s0, $0x6  }
0xeb: {  	[bflag:$0x0] =	sbarrier.arrive $0xFFFF;
	s0 =	sor.u32 $0x1C02, s0  }
0xec: {  	[hbm:s16], [sflag:s0] =	dma.local [spmem:s22], $0x30C0  }
0xed: {  	_ =	swait.ge [sflag:s20], $0x30C0  }
0xee: {  	s3 =	sadd.s32 $0x1, s3;
	[sflag:s20] =	ssyncset.done $0x0  }
0xef: {  	p1 =	sne.s32 s3, s18;
	[sflag:s20] =	ssyncadd.s32 $0xFFFFCF40  }
0xf0: {  	[hbm:s17], [sflag:s0] =	dma.local @!p0 [spmem:s25], $0x140  }
.Ltmp3:
0xf1: {  	_ = 	snop;
	(pc) =	sbr.rel @p1 .LBB2_1-.Ltmp3, $4  }
0xf2: {  	s0 =	simm.s32 @!p0 $0x2  }
0xf3: {  	_ =	swait.ge @!p0 [sflag:s0], $0x140  }
0xf4: {  	[sflag:s0] =	ssyncset.done @!p0 $0x0  }
0xf5: {  	[sflag:s0] =	ssyncadd.s32 @!p0 $0xFFFFFEC0  }
0xf6: {  	_ =	sfence.sel $0x180000  }
0xf7: {  	[bflag:$0x0] =	sbarrier.arrive $0xFFFF  }
0xf8: {  	_ =	strace $0x90000047  }
0xf9: {  	[bflag:$0x2] =	sbarrier.arrive $0xFFFF  }
0xfa: {  	s0 =	rddreg [dreg:$0x3]  }
0xfb: {  	s0 =	sadd.s32 @!p0 $0x100000, s0  }
0xfc: {  	[sflag:s0] =	ssyncadd.tile.s32 @!p0 $0x1;
	_ =	shalt  }
.Lfunc_end2:
_tile_overlayer_lowered:
.L_overlay_start_2:
0xfd: {  	(tag) =	ssettag $0x2  }
0xfe: {  	s0 =	rddreg [dreg:$0x0];
	s2 =	stileid.u32  }
0xff: {  	s1 =	rddreg [dreg:$0x1];
	p0 =	sne.s32 s2, $0x0  }
0x100: {  	s3 =	rddreg [dreg:$0x2];
	[bflag:$0x3] =	sbarrier.arrive $0xFFFF;
	s2 =	simm.s32 @!p0 $0x1C02  }
0x101: {  	[timem:s3], [sflag:s2] =	dma.local @!p0 [hbm:s0], s1  }
0x102: {  	s0 =	simm.s32 @!p0 $0x2  }
0x103: {  	_ =	swait.ge @!p0 [sflag:s0], s1  }
0x104: {  	s1 =	ssub.s32 @!p0 $0x0, s1;
	[sflag:s0] =	ssyncset.done @!p0 $0x0  }
0x105: {  	[sflag:s0] =	ssyncadd.s32 @!p0 s1  }
0x106: {  	[bflag:$0x3] =	sbarrier.arrive $0xFFFF  }
0x107: {  	_ =	shalt  }

// kernel: lightgcn_layer.8.cloned.1.call-start
scs
__scs_entry_jumppad:
0x0: {  	(pc) =	sbr.rel $0x88, $3  }
0x1: {  	(tag) =	ssettag $0x0;
	lr =	simm.s32 $0x1  }
0x2: {  	[smem:$0x3F9C] =	sst lr;
	_ =	strace $0xD0000000  }
0x3: {  	_ = 	snop  }
0x4: {  	_ = 	snop  }
0x5: {  	_ = 	snop  }
0x6: {  	_ = 	snop  }
0x7: {  	_ = 	snop  }
__scs_overlays_trampoline_lowered:
0x8: {  	[smem:$0x3FAB] =	sst s0  }
0x9: {  	[smem:$0x3FAC] =	sst s1  }
0xa: {  	[smem:$0x3FAD] =	sst s2  }
0xb: {  	[smem:$0x3FAE] =	sst s3  }
0xc: {  	[smem:$0x3FAF] =	sst s4  }
0xd: {  	[smem:$0x3FB0] =	sst s5  }
0xe: {  	[smem:$0x3FB1] =	sst s6  }
0xf: {  	[smem:$0x3FB2] =	sst s7  }
0x10: {  	[smem:$0x3FB3] =	sst s8  }
0x11: {  	[smem:$0x3FB4] =	sst s9;
	s0 =	simm.s32 @!p0 $0x0  }
0x12: {  	s1 =	sld [smem:$0x3F9A];
	s0 =	simm.s32 @p0 $0x1  }
0x13: {  	[smem:$0x3FB5] =	sst s0;
	s0 =	simm.s32 @!p1 $0x0  }
0x14: {  	s2 =	sld [smem:$0x3F99];
	s0 =	simm.s32 @p1 $0x1  }
0x15: {  	[smem:$0x3FB6] =	sst s0;
	s0 =	simm.s32 @!p2 $0x0  }
0x16: {  	s3 =	sld [smem:$0x3FDB];
	s0 =	simm.s32 @p2 $0x1  }
0x17: {  	s4 =	simm.s32 $0x1BF5;
	[smem:$0x3FB8] =	sst s0  }
0x18: {  	s0 =	sld [smem:$0x3F9B];
	_ =	swait.ge [sflag:s4], $0x0  }
0x19: {  	s7 =	sld [smem:$0x3F9C]  }
0x1a: {  	s8 =	sadd.s32 $0xFFFFE003, lr  }
0x1b: {  	s9 =	sadd.s32 $0xFFFFFEF7, lr;
	s5 =	simm.s32 $0xFFFFFFFF;
	p2 =	slt.u32 s8, $0xFFFFF086  }
0x1c: {  	p1 =	slt.u32 s9, $0xF7A;
	s5 =	simm.s32 @!p2 $0x0  }
0x1d: {  	s5 =	simm.s32 @p1 $0x1;
	p0 =	seq.s32 s7, s2  }
0x1e: {  	s7 =	smul.u32 @!p0 $0xF7A, s2;
	p2 =	seq.s32 @!p0 s5, $0x0  }
0x1f: {  	s9 =	smul.u32 $0xF7A, s1;
	s8 =	simm.s32 @!p0 $0x1BF5;
	p2 =	por !p2, p0  }
0x20: {  	[sflag:s8] =	ssyncset.s32 @!p0 $0xFFFFF086;
	s6 =	sadd.s32 @!p0 s3, s7;
	s7 =	simm.s32 @!p0 $0x108  }
0x21: {  	s3 =	sadd.s32 s3, s9;
	s6 =	sadd.s32 @!p0 $0x88, s6;
	s7 =	simm.s32 @p2 $0x1082  }
0x22: {  	[simem:s7], [sflag:s8] =	dma.local @!p0 [hbm:s6], $0xF7A  }
0x23: {  	s9 =	sor.u32 $0xD0000000, s2;
	s6 =	simm.s32 $0x108;
	_ =	swait.ge @!p0 [sflag:s8], $0x0  }
0x24: {  	s3 =	sadd.s32 $0x88, s3;
	s6 =	simm.s32 @!p1 $0x1082;
	[sflag:s4] =	ssyncset.s32 $0xFFFFF086  }
0x25: {  	[simem:s6], [sflag:s4] =	dma.local [hbm:s3], $0xF7A  }
0x26: {  	[smem:$0x3F9C] =	sst s1;
	(tag) =	ssettag s2;
	_ =	strace s9  }
0x27: {  	s1 =	sld [smem:$0x3FAC]  }
0x28: {  	s2 =	sld [smem:$0x3FAD]  }
0x29: {  	s4 =	sld [smem:$0x3FAF]  }
0x2a: {  	p0 =	seq.s32 s5, $0x0;
	s5 =	sld [smem:$0x3FB0]  }
0x2b: {  	s6 =	sld [smem:$0x3FB1]  }
0x2c: {  	s7 =	sld [smem:$0x3FB2]  }
0x2d: {  	s3 =	simm.s32 $0x108;
	s8 =	sld [smem:$0x3FB3]  }
0x2e: {  	s3 =	simm.s32 @!p0 $0x1082;
	s9 =	sld [smem:$0x3FB4]  }
0x2f: {  	lr =	sadd.s32 s0, s3;
	s0 =	sld [smem:$0x3FAB]  }
0x30: {  	s3 =	sld [smem:$0x3FAE]  }
0x31: {  	[smem:$0x3FB7] =	sst s10  }
0x32: {  	s10 =	sld [smem:$0x3FB5];
	_ =	sdelay $0x3  }
0x33: {  	p0 =	seq.s32 s10, $0x1;
	s10 =	sld [smem:$0x3FB7];
	_ =	sdelay $0x3  }
0x34: {  	[smem:$0x3FB7] =	sst s10  }
0x35: {  	s10 =	sld [smem:$0x3FB6];
	_ =	sdelay $0x3  }
0x36: {  	p1 =	seq.s32 s10, $0x1;
	s10 =	sld [smem:$0x3FB7];
	_ =	sdelay $0x3  }
0x37: {  	[smem:$0x3FB7] =	sst s10  }
0x38: {  	s10 =	sld [smem:$0x3FB8]  }
0x39: {  	_ = 	snop;
	(pc) =	sbr.ind lr, $3  }
0x3a: {  	_ = 	snop  }
0x3b: {  	_ = 	snop  }
0x3c: {  	p2 =	seq.s32 s10, $0x1;
	s10 =	sld [smem:$0x3FB7]  }
0x3d: {  	_ =	shalt  }
0x3e: {  	_ =	shalt  }
0x3f: {  	_ =	shalt  }
0x40: {  	_ =	shalt  }
0x41: {  	_ =	shalt  }
0x42: {  	_ =	shalt  }
0x43: {  	_ =	shalt  }
0x44: {  	_ =	shalt  }
0x45: {  	_ =	shalt  }
0x46: {  	_ =	shalt  }
0x47: {  	_ =	shalt  }
0x48: {  	_ =	shalt  }
0x49: {  	_ =	shalt  }
0x4a: {  	_ =	shalt  }
0x4b: {  	_ =	shalt  }
0x4c: {  	_ =	shalt  }
0x4d: {  	_ =	shalt  }
0x4e: {  	_ =	shalt  }
0x4f: {  	_ =	shalt  }
0x50: {  	_ =	shalt  }
0x51: {  	_ =	shalt  }
0x52: {  	_ =	shalt  }
0x53: {  	_ =	shalt  }
0x54: {  	_ =	shalt  }
0x55: {  	_ =	shalt  }
0x56: {  	_ =	shalt  }
0x57: {  	_ =	shalt  }
0x58: {  	_ =	shalt  }
0x59: {  	_ =	shalt  }
0x5a: {  	_ =	shalt  }
0x5b: {  	_ =	shalt  }
0x5c: {  	_ =	shalt  }
0x5d: {  	_ =	shalt  }
0x5e: {  	_ =	shalt  }
0x5f: {  	_ =	shalt  }
0x60: {  	_ =	shalt  }
0x61: {  	_ =	shalt  }
0x62: {  	_ =	shalt  }
0x63: {  	_ =	shalt  }
0x64: {  	_ =	shalt  }
0x65: {  	_ =	shalt  }
0x66: {  	_ =	shalt  }
0x67: {  	_ =	shalt  }
0x68: {  	_ =	shalt  }
0x69: {  	_ =	shalt  }
0x6a: {  	_ =	shalt  }
0x6b: {  	_ =	shalt  }
0x6c: {  	_ =	shalt  }
0x6d: {  	_ =	shalt  }
0x6e: {  	_ =	shalt  }
0x6f: {  	_ =	shalt  }
0x70: {  	_ =	shalt  }
0x71: {  	_ =	shalt  }
0x72: {  	_ =	shalt  }
0x73: {  	_ =	shalt  }
0x74: {  	_ =	shalt  }
0x75: {  	_ =	shalt  }
0x76: {  	_ =	shalt  }
0x77: {  	_ =	shalt  }
0x78: {  	_ =	shalt  }
0x79: {  	_ =	shalt  }
0x7a: {  	_ =	shalt  }
0x7b: {  	_ =	shalt  }
0x7c: {  	_ =	shalt  }
0x7d: {  	_ =	shalt  }
0x7e: {  	_ =	shalt  }
0x7f: {  	_ =	shalt  }
0x80: {  	_ =	shalt  }
0x81: {  	_ =	shalt  }
0x82: {  	_ =	shalt  }
0x83: {  	_ =	shalt  }
0x84: {  	_ =	shalt  }
0x85: {  	_ =	shalt  }
0x86: {  	_ =	shalt  }
0x87: {  	_ =	shalt  }
.Lfunc_end0:
.L_simem_size_0:
called_computation.1_lowered:
.L_overlay_start_0:
0x88: {  	s2 =	sld [smem:$0x3FD9]  }
0x89: {  	s3 =	sld [smem:$0x3FFE];
	_ =	sdelay $0x1  }
0x8a: {  	s1 =	srdreg.scid  }
0x8b: {  	s0 =	sand.u32 $0x1, s1  }
0x8c: {  	s17 =	sshll.u32 s0, $0xA;
	s2 =	sadd.s32 s3, s2  }
0x8d: {  	s2 =	sadd.s32 s2, s17  }
0x8e: {  	[smem:$0x3FC3] =	sst s2  }
0x8f: {  	_ = 	snop  }
0x90: {  	s2 =	sld [smem:$0x3FC6];
	(tm) =	ssettm $0x1  }
0x91: {  	s18 =	sld [smem:$0x3FFB];
	_ =	sdelay $0x3  }
0x92: {  	_ =	strace s18  }
0x93: {  	s3 =	sld [smem:$0x3FFC];
	_ =	sdelay $0x3  }
0x94: {  	_ =	strace s3  }
0x95: {  	s3 =	sld [smem:$0x3FFD];
	_ =	sdelay $0x3  }
0x96: {  	_ =	strace s3  }
0x97: {  	_ =	strace $0x8FFFFFFF  }
0x98: {  	s19 =	sld [smem:$0x3FDB];
	_ =	sdelay $0x1  }
0x99: {  	s4 =	simm.s32 $_scs_section_size  }
0x9a: {  	s5 =	simm.s32 $_size__tile_overlayer_lowered;
	s6 =	simm.s32 $_tile_overlayer_lowered  }
0x9b: {  	s22 =	simm.s32 $0x1BFF;
	s21 =	sshll.u32 s6, $0x1;
	s3 =	sadd.s32 s4, s19  }
0x9c: {  	s7 =	simm.s32 $0x0;
	s20 =	sshll.u32 s5, $0x1;
	s5 =	sadd.s32 s21, s3  }
0x9d: {  	[timem:s7], [sflag:s22] =	dma.local [hbm:s5], s20  }
0x9e: {  	_ =	swait.ge [sflag:s22], s20  }
0x9f: {  	s4 =	ssub.s32 $0x0, s20;
	[sflag:s22] =	ssyncset.done $0x0  }
0xa0: {  	[sflag:s22] =	ssyncadd.s32 s4;
	_ =	sdelay $0x1  }
0xa1: {  	s23 =	simm.s32 $0x1B8B  }
0xa2: {  	_ =	swait.ge [sflag:s23], $0x1  }
0xa3: {  	[sflag:s23] =	ssyncset.done $0x0  }
0xa4: {  	s25 =	simm.s32 $0x1B8E;
	s24 =	sld [smem:$0x3FFE];
	[sflag:s23] =	ssyncadd.s32 $0xFFFFFFFF  }
0xa5: {  	s26 =	simm.s32 $execute0_lowered;
	[smem:$0x3FD2] =	sst s25  }
0xa6: {  	s5 =	sshll.u32 s26, $0x1;
	_ =	strace $0x80000049;
	[dreg:$0x1] =	wrdreg $0xFFFFFFFF  }
0xa7: {  	s28 =	simm.s32 $_size_execute0_lowered;
	s3 =	sadd.s32 s3, s5;
	[dreg:$0x0] =	wrdreg $0x0  }
0xa8: {  	s5 =	sshll.u32 s28, $0x1;
	[dreg:$0x2] =	wrdreg s3  }
0xa9: {  	[dreg:$0x3] =	wrdreg s5  }
0xaa: {  	[dreg:$0x4] =	wrdreg $0xC0  }
0xab: {  	_ =	task [dreg:s7], $0x5FFFF  }
0xac: {  	[dreg:$0x1] =	wrdreg $0xFFFFFFFF  }
0xad: {  	[dreg:$0x0] =	wrdreg $0x60  }
0xae: {  	[dreg:$0x2] =	wrdreg s24  }
0xaf: {  	[dreg:$0x3] =	wrdreg s2  }
0xb0: {  	[dreg:$0x4] =	wrdreg $0x4D400  }
0xb1: {  	[dreg:$0x5] =	wrdreg $0x9  }
0xb2: {  	_ =	task.clear_ibuf [dreg:s7], $0x6FFFF;
	_ =	strace $0x90000049  }
0xb3: {  	s29 =	simm.s32 $0x9;
	_ =	strace $0x8000004B  }
0xb4: {  	_ =	swait.ge [sflag:s29], $0x1  }
0xb5: {  	[sflag:s29] =	ssyncadd.s32 $0xFFFFFFFF  }
0xb6: {  	_ =	strace $0x9000004B  }
0xb7: {  	_ =	sfence  }
0xb8: {  	s30 =	sld [smem:$0x0];
	_ =	sdelay $0x2  }
0xb9: {  	s31 =	sshll.u32 s1, $0xD;
	s1 =	sshrl.u32 s1, $0x2  }
0xba: {  	s3 =	sand.u32 $0x4000, s31;
	s1 =	sadd.s32 s1, s30  }
0xbb: {  	s0 =	sor.u32 s3, s0;
	s1 =	sshll.u32 s1, $0x11  }
0xbc: {  	s0 =	sor.u32 s1, s0  }
0xbd: {  	s0 =	sadd.s32 $0x8F2B, s0  }
0xbe: {  	[sflag:s0] =	ssyncadd.remote.s32 $0x1  }
0xbf: {  	_ =	sfence.sel $0xFFFF  }
0xc0: {  	[dreg:$0x0] =	wrdreg $0xFFFFFFFF;
	(pc) =	sbr.abs _section_cstart, $3  }
0xc1: {  	[dreg:$0x1] =	wrdreg $0xFFFFFFFF  }
0xc2: {  	_ =	task.clear_ibuf [dreg:s7], $0x2FFFF;
	_ =	strace $0x9FFFFFFF  }
0xc3: {  	(tm) =	ssettm $0x7FFFFFFF  }
tec
execute0_lowered:
.L_overlay_start_1:
0x0: {  	(tag) =	ssettag $0x1  }
0x1: {  	s0 =	rddreg [dreg:$0x0]  }
0x2: {  	s1 =	rddreg [dreg:$0x1]  }
0x3: {  	s2 =	rddreg [dreg:$0x2]  }
0x4: {  	s3 =	simm.s32 $0x0;
	s7 =	srdreg.scid;
	s5 =	stileid.u32  }
0x5: {  	s20 =	simm.s32 $0x2;
	s21 =	simm.s32 $0x50;
	s23 =	simm.s32 $0xA0  }
0x6: {  	s24 =	simm.s32 $0x140;
	[smem:$0x7FF] =	sst s3;
	s4 =	sadd.s32 $0xF7800, s0  }
0x7: {  	s6 =	sadd.s32 $0x1B800, s0;
	s14 =	sand.u32 $0x1, s7;
	s8 =	smul.u32 $0x62000, s5  }
0x8: {  	s7 =	sadd.s32 $0x3000, s0;
	s0 =	sadd.s32 $0x159400, s0;
	s16 =	smul.u32 $0x618, s5  }
0x9: {  	s19 =	smul.u32 $0x61800, s5;
	s28 =	sadd.s32 $0x186000, s2;
	p0 =	sne.s32 s5, $0x0  }
0xa: {  	_ =	strace $0x8000004A;
	s9 =	ssub.s32 $0x2, s14;
	s25 =	smul.u32 $0x61A8, s14  }
0xb: {  	s17 =	smul.u32 $0x186A00, s14;
	s10 =	sshrl.u32 s9, $0x1;
	s8 =	sshrl.u32 s8, $0x2  }
0xc: {  	s19 =	sshrl.u32 s19, $0x2;
	s18 =	ssub.s32 s9, s10;
	s8 =	sadd.s32 s8, s2  }
0xd: {  	s9 =	smul.u32 $0xC350, s5;
	s26 =	sadd.s32 $0x61A8, s25;
	s16 =	sadd.s32 s16, s25  }
0xe: {  	s17 =	sshrl.u32 s17, $0x3;
	s31 =	sadd.s32 s19, s2;
	s19 =	simm.s32 $0x1540  }
0xf: {  	v0 =	vmov s25;
	s25 =	sshrl.u32 @!p0 s28, $0x3;
	s28 =	simm.s32 $0xF0;
	s10 =	sadd.s32 $0x3800, s8  }
0x10: {  	s11 =	sadd.s32 $0x7000, s8;
	s12 =	sadd.s32 $0xA800, s8;
	s13 =	sadd.s32 $0xE000, s8  }
0x11: {  	s14 =	sadd.s32 $0x11800, s8;
	s15 =	sadd.s32 $0x15000, s8;
	s16 =	sshll.u32 s16, $0x3  }
0x12: {  	s17 =	sadd.s32 s0, s17;
	s18 =	smax.u32 s18, $0x1;
	s22 =	sshrl.u32 s31, $0x3  }
0x13: {  	v2 =	vimm.f32 $0.0e+00;
	v1 =	vmov s26;
	s26 =	simm.s32 $0x1;
	s16 =	sadd.s32 s0, s16;
	s17 =	sadd.s32 $0x30C00, s17  }
.LBB2_1:
0x14: {  	s29 =	simm.s32 $0x100;
	s0 =	simm.s32 $0x0  }
.LBB2_2:
0x15: {  	p1 =	sne.s32 s29, $0xDF00;
	[tilespmem:s0+$0x1570] =	vst v2;
	s30 =	smov.u32 s29;
	s29 =	sadd.s32 $0x100, s29  }
.Ltmp0:
0x16: {  	[tilespmem:s0+$0x1560] =	vst v2;
	(pc) =	sbr.rel @p1 .LBB2_2-.Ltmp0, $3  }
0x17: {  	[tilespmem:s0+$0x1540] =	vst v2  }
0x18: {  	[tilespmem:s0+$0x1550] =	vst v2;
	_ =	sdelay $0x1  }
0x19: {  	s0 =	sshra.s32 s30, $0x2  }
0x1a: {  	[tilespmem:s0+$0x1570] =	vst v2  }
0x1b: {  	[tilespmem:s0+$0x1560] =	vst v2  }
0x1c: {  	[tilespmem:s0+$0x1540] =	vst v2  }
0x1d: {  	[tilespmem:s0+$0x1550] =	vst v2  }
0x1e: {  	[spmem:s8] =	stream.linear.scatter [tilespmem:s19], [sflag:$0x2], $0x3800, $0x38;
	[tilespmem:$0x1D540] =	vst v63  }
0x1f: {  	_ =	swait.ge [sflag:s20], $0x3800  }
0x20: {  	[sflag:s20] =	ssyncset.done $0x0  }
0x21: {  	[sflag:s20] =	ssyncadd.s32 $0xFFFFC800  }
0x22: {  	[spmem:s10] =	stream.linear.scatter [tilespmem:s19], [sflag:$0x2], $0x3800, $0x38;
	[tilespmem:$0x1D540] =	vst v63  }
0x23: {  	_ =	swait.ge [sflag:s20], $0x3800  }
0x24: {  	[sflag:s20] =	ssyncset.done $0x0  }
0x25: {  	[sflag:s20] =	ssyncadd.s32 $0xFFFFC800  }
0x26: {  	[spmem:s11] =	stream.linear.scatter [tilespmem:s19], [sflag:$0x2], $0x3800, $0x38;
	[tilespmem:$0x1D540] =	vst v63  }
0x27: {  	_ =	swait.ge [sflag:s20], $0x3800  }
0x28: {  	[sflag:s20] =	ssyncset.done $0x0  }
0x29: {  	[sflag:s20] =	ssyncadd.s32 $0xFFFFC800  }
0x2a: {  	[spmem:s12] =	stream.linear.scatter [tilespmem:s19], [sflag:$0x2], $0x3800, $0x38;
	[tilespmem:$0x1D540] =	vst v63  }
0x2b: {  	_ =	swait.ge [sflag:s20], $0x3800  }
0x2c: {  	[sflag:s20] =	ssyncset.done $0x0  }
0x2d: {  	[sflag:s20] =	ssyncadd.s32 $0xFFFFC800  }
0x2e: {  	[spmem:s13] =	stream.linear.scatter [tilespmem:s19], [sflag:$0x2], $0x3800, $0x38;
	[tilespmem:$0x1D540] =	vst v63  }
0x2f: {  	_ =	swait.ge [sflag:s20], $0x3800  }
0x30: {  	[sflag:s20] =	ssyncset.done $0x0  }
0x31: {  	[sflag:s20] =	ssyncadd.s32 $0xFFFFC800  }
0x32: {  	[spmem:s14] =	stream.linear.scatter [tilespmem:s19], [sflag:$0x2], $0x3800, $0x38;
	[tilespmem:$0x1D540] =	vst v63  }
0x33: {  	_ =	swait.ge [sflag:s20], $0x3800  }
0x34: {  	[sflag:s20] =	ssyncset.done $0x0  }
0x35: {  	[sflag:s20] =	ssyncadd.s32 $0xFFFFC800  }
0x36: {  	[spmem:s15] =	stream.linear.scatter [tilespmem:s19], [sflag:$0x2], $0x3800, $0x38;
	[tilespmem:$0x1D540] =	vst v63  }
0x37: {  	_ =	swait.ge [sflag:s20], $0x3800  }
0x38: {  	[sflag:s20] =	ssyncset.done $0x0  }
0x39: {  	[sflag:s20] =	ssyncadd.s32 $0xFFFFC800  }
0x3a: {  	s29 =	simm.s32 $0x0;
	s30 =	simm.s32 $0x0;
	[bflag:$0x0] =	sbarrier.arrive $0xFFFF  }
.LBB2_4:
0x3b: {  	s0 =	smul.u32 $0x50, s30;
	_ =	sdelay $0x1  }
0x3c: {  	s0 =	sadd.s32 s9, s0  }
0x3d: {  	s0 =	sshrl.u32 s0, $0x3  }
0x3e: {  	s31 =	sadd.s32 s6, s0  }
0x3f: {  	[tilespmem:s29], [sflag:$0x2] =	stream.linear.gather [hbm4b:s31+s29], $0x50, $0x38;
	[tilespmem:$0x1D540] =	vst v63  }
0x40: {  	_ =	swait.ge [sflag:s20], $0x50  }
0x41: {  	[sflag:s20] =	ssyncset.done $0x0  }
0x42: {  	s31 =	sadd.s32 s7, s0;
	[sflag:s20] =	ssyncadd.s32 $0xFFFFFFB0  }
0x43: {  	[tilespmem:s21], [sflag:$0x2] =	stream.linear.gather [hbm4b:s31+s29], $0x50, $0x38;
	[tilespmem:$0x1D540] =	vst v63  }
0x44: {  	_ =	swait.ge [sflag:s20], $0x50  }
0x45: {  	[sflag:s20] =	ssyncset.done $0x0  }
0x46: {  	s0 =	sadd.s32 s1, s0;
	[sflag:s20] =	ssyncadd.s32 $0xFFFFFFB0  }
0x47: {  	[tilespmem:s23], [sflag:$0x2] =	stream.linear.gather [hbm4b:s0+s29], $0x50, $0x38;
	[tilespmem:$0x1D540] =	vst v63  }
0x48: {  	_ =	swait.ge [sflag:s20], $0x50  }
0x49: {  	[sflag:s20] =	ssyncset.done $0x0  }
0x4a: {  	[sflag:s20] =	ssyncadd.s32 $0xFFFFFFB0  }
0x4b: {  	v3 =	vld [tilespmem:$0x0]  }
0x4c: {  	v4 =	vld [tilespmem:$0x10]  }
0x4d: {  	v5 =	vld [tilespmem:$0x20];
	_ =	sdelay $0x1  }
0x4e: {  	v6 =	vld [tilespmem:$0x30];
	_ =	sdelay $0x1  }
0x4f: {  	v7 =	vld [tilespmem:$0x40];
	vm0 =	vge.s32 v3, v0;
	vm1 =	vlt.s32 v3, v1;
	v3 =	vsub.s32 v3, v0  }
0x50: {  	vm7 =	vge.s32 v4, v0;
	vm8 =	vlt.s32 v4, v1;
	vm2 =	vge.s32 v5, v0  }
0x51: {  	vm3 =	vlt.s32 v5, v1;
	v4 =	vsub.s32 v4, v0;
	v5 =	vsub.s32 v5, v0  }
0x52: {  	vm10 =	vge.s32 v6, v0;
	vm11 =	vlt.s32 v6, v1;
	vm0 =	vmand vm0, vm1  }
0x53: {  	v63 =	vsub.s32 v6, v0;
	v3 =	vnsel vm0, $0x61A8, v3;
	vm0 =	vmand vm7, vm8  }
0x54: {  	vm13 =	vge.s32 v7, v0;
	vm9 =	vmand vm2, vm3;
	v4 =	vnsel vm0, $0x61A8, v4;
	[tilespmem:$0xF0] =	vst v3  }
0x55: {  	vm14 =	vlt.s32 v7, v1;
	vm12 =	vmand vm10, vm11;
	v3 =	vnsel vm9, $0x61A8, v5;
	[tilespmem:$0x100] =	vst v4  }
0x56: {  	vm15 =	vmand vm13, vm14;
	v4 =	vnsel vm12, $0x61A8, v63;
	[tilespmem:$0x110] =	vst v3;
	v3 =	vsub.s32 v7, v0  }
0x57: {  	[tilespmem:$0x120] =	vst v4;
	v3 =	vnsel vm15, $0x61A8, v3  }
0x58: {  	[tilespmem:$0x130] =	vst v3  }
0x59: {  	[tilespmem:s24], [sflag:$0x1] =	stream.indirect.gather [hbm4b:s4+s21], $0x40, s21, s21, $0xb8;
	[tilespmem:$0x1D540] =	vst v63  }
0x5a: {  	_ =	swait.ge [sflag:s26], $0x1400  }
0x5b: {  	[sflag:s26] =	ssyncset.done $0x0  }
0x5c: {  	s31 =	simm.s32 $0x340;
	s0 =	simm.s32 $0x0;
	[sflag:s26] =	ssyncadd.s32 $0xFFFFEC00  }
.LBB2_5:
0x5d: {  	s5 =	sshra.s32 s0, $0x2  }
0x5e: {  	v3 =	vld [tilespmem:s5+$0xA0];
	_ =	sdelay $0x1  }
0x5f: {  	v4 =	vld [tilespmem:s31+$0xFFFFFE00];
	_ =	sdelay $0x1  }
0x60: {  	v43 =	vld [tilespmem:s31+$0xFFFFFE10]  }
0x61: {  	v5 =	vbroadcast v3, $0x0  }
0x62: {  	v44 =	vld [tilespmem:s31+$0xFFFFFE20]  }
0x63: {  	v4 =	vmul.f32 v5, v4  }
0x64: {  	v45 =	vld [tilespmem:s31+$0xFFFFFE30]  }
0x65: {  	[tilespmem:s31+$0xFFFFFE00] =	vst v4;
	v4 =	vmul.f32 v43, v5  }
0x66: {  	v46 =	vld [tilespmem:s31+$0xFFFFFE40]  }
0x67: {  	[tilespmem:s31+$0xFFFFFE10] =	vst v4;
	v4 =	vmul.f32 v44, v5  }
0x68: {  	v48 =	vld [tilespmem:s31+$0xFFFFFE50]  }
0x69: {  	v47 =	vbroadcast v3, $0x1;
	[tilespmem:s31+$0xFFFFFE20] =	vst v4;
	v4 =	vmul.f32 v45, v5  }
0x6a: {  	v49 =	vld [tilespmem:s31+$0xFFFFFE60]  }
0x6b: {  	[tilespmem:s31+$0xFFFFFE30] =	vst v4;
	v4 =	vmul.f32 v46, v47  }
0x6c: {  	v50 =	vld [tilespmem:s31+$0xFFFFFE70]  }
0x6d: {  	[tilespmem:s31+$0xFFFFFE40] =	vst v4;
	v4 =	vmul.f32 v48, v47  }
0x6e: {  	v51 =	vld [tilespmem:s31+$0xFFFFFE80]  }
0x6f: {  	[tilespmem:s31+$0xFFFFFE50] =	vst v4;
	v4 =	vmul.f32 v49, v47  }
0x70: {  	v53 =	vld [tilespmem:s31+$0xFFFFFE90]  }
0x71: {  	v52 =	vbroadcast v3, $0x2;
	[tilespmem:s31+$0xFFFFFE60] =	vst v4;
	v4 =	vmul.f32 v50, v47  }
0x72: {  	v54 =	vld [tilespmem:s31+$0xFFFFFEA0]  }
0x73: {  	[tilespmem:s31+$0xFFFFFE70] =	vst v4;
	v4 =	vmul.f32 v51, v52  }
0x74: {  	v55 =	vld [tilespmem:s31+$0xFFFFFEB0]  }
0x75: {  	[tilespmem:s31+$0xFFFFFE80] =	vst v4;
	v4 =	vmul.f32 v53, v52  }
0x76: {  	v56 =	vld [tilespmem:s31+$0xFFFFFEC0]  }
0x77: {  	[tilespmem:s31+$0xFFFFFE90] =	vst v4;
	v4 =	vmul.f32 v54, v52  }
0x78: {  	v58 =	vld [tilespmem:s31+$0xFFFFFED0]  }
0x79: {  	v57 =	vbroadcast v3, $0x3;
	[tilespmem:s31+$0xFFFFFEA0] =	vst v4;
	v4 =	vmul.f32 v55, v52  }
0x7a: {  	v59 =	vld [tilespmem:s31+$0xFFFFFEE0]  }
0x7b: {  	[tilespmem:s31+$0xFFFFFEB0] =	vst v4;
	v4 =	vmul.f32 v56, v57  }
0x7c: {  	v60 =	vld [tilespmem:s31+$0xFFFFFEF0]  }
0x7d: {  	[tilespmem:s31+$0xFFFFFEC0] =	vst v4;
	v4 =	vmul.f32 v58, v57  }
0x7e: {  	v61 =	vld [tilespmem:s31+$0xFFFFFF00]  }
0x7f: {  	[tilespmem:s31+$0xFFFFFED0] =	vst v4;
	v4 =	vmul.f32 v59, v57  }
0x80: {  	v63 =	vld [tilespmem:s31+$0xFFFFFF10]  }
0x81: {  	v62 =	vbroadcast v3, $0x4;
	[tilespmem:s31+$0xFFFFFEE0] =	vst v4;
	v4 =	vmul.f32 v60, v57  }
0x82: {  	v8 =	vld [tilespmem:s31+$0xFFFFFF20]  }
0x83: {  	[tilespmem:s31+$0xFFFFFEF0] =	vst v4;
	v4 =	vmul.f32 v61, v62  }
0x84: {  	v9 =	vld [tilespmem:s31+$0xFFFFFF30]  }
0x85: {  	[tilespmem:s31+$0xFFFFFF00] =	vst v4;
	v4 =	vmul.f32 v63, v62  }
0x86: {  	v10 =	vld [tilespmem:s31+$0xFFFFFF40]  }
0x87: {  	[tilespmem:s31+$0xFFFFFF10] =	vst v4;
	v4 =	vmul.f32 v8, v62  }
0x88: {  	v12 =	vld [tilespmem:s31+$0xFFFFFF50]  }
0x89: {  	v11 =	vbroadcast v3, $0x5;
	[tilespmem:s31+$0xFFFFFF20] =	vst v4;
	v4 =	vmul.f32 v9, v62  }
0x8a: {  	v13 =	vld [tilespmem:s31+$0xFFFFFF60]  }
0x8b: {  	[tilespmem:s31+$0xFFFFFF30] =	vst v4;
	v4 =	vmul.f32 v10, v11  }
0x8c: {  	v14 =	vld [tilespmem:s31+$0xFFFFFF70]  }
0x8d: {  	[tilespmem:s31+$0xFFFFFF40] =	vst v4;
	v4 =	vmul.f32 v12, v11  }
0x8e: {  	v15 =	vld [tilespmem:s31+$0xFFFFFF80]  }
0x8f: {  	[tilespmem:s31+$0xFFFFFF50] =	vst v4;
	v4 =	vmul.f32 v13, v11  }
0x90: {  	v17 =	vld [tilespmem:s31+$0xFFFFFF90]  }
0x91: {  	v16 =	vbroadcast v3, $0x6;
	[tilespmem:s31+$0xFFFFFF60] =	vst v4;
	v4 =	vmul.f32 v14, v11  }
0x92: {  	v18 =	vld [tilespmem:s31+$0xFFFFFFA0]  }
0x93: {  	[tilespmem:s31+$0xFFFFFF70] =	vst v4;
	v4 =	vmul.f32 v15, v16  }
0x94: {  	v19 =	vld [tilespmem:s31+$0xFFFFFFB0]  }
0x95: {  	[tilespmem:s31+$0xFFFFFF80] =	vst v4;
	v4 =	vmul.f32 v17, v16  }
0x96: {  	v20 =	vld [tilespmem:s31+$0xFFFFFFC0]  }
0x97: {  	[tilespmem:s31+$0xFFFFFF90] =	vst v4;
	v4 =	vmul.f32 v18, v16  }
0x98: {  	v22 =	vld [tilespmem:s31+$0xFFFFFFD0]  }
0x99: {  	v21 =	vbroadcast v3, $0x7;
	[tilespmem:s31+$0xFFFFFFA0] =	vst v4;
	v4 =	vmul.f32 v19, v16  }
0x9a: {  	v23 =	vld [tilespmem:s31+$0xFFFFFFE0]  }
0x9b: {  	[tilespmem:s31+$0xFFFFFFB0] =	vst v4;
	v4 =	vmul.f32 v20, v21  }
0x9c: {  	v24 =	vld [tilespmem:s31+$0xFFFFFFF0]  }
0x9d: {  	[tilespmem:s31+$0xFFFFFFC0] =	vst v4;
	v4 =	vmul.f32 v22, v21  }
0x9e: {  	v25 =	vld [tilespmem:s31+$0x0]  }
0x9f: {  	[tilespmem:s31+$0xFFFFFFD0] =	vst v4;
	v4 =	vmul.f32 v23, v21  }
0xa0: {  	v27 =	vld [tilespmem:s31+$0x10]  }
0xa1: {  	v26 =	vbroadcast v3, $0x8;
	[tilespmem:s31+$0xFFFFFFE0] =	vst v4;
	v4 =	vmul.f32 v24, v21  }
0xa2: {  	v28 =	vld [tilespmem:s31+$0x20]  }
0xa3: {  	[tilespmem:s31+$0xFFFFFFF0] =	vst v4;
	v4 =	vmul.f32 v25, v26  }
0xa4: {  	v29 =	vld [tilespmem:s31+$0x30]  }
0xa5: {  	[tilespmem:s31+$0x0] =	vst v4;
	v4 =	vmul.f32 v27, v26  }
0xa6: {  	v30 =	vld [tilespmem:s31+$0x40]  }
0xa7: {  	[tilespmem:s31+$0x10] =	vst v4;
	v4 =	vmul.f32 v28, v26  }
0xa8: {  	v32 =	vld [tilespmem:s31+$0x50]  }
0xa9: {  	v31 =	vbroadcast v3, $0x9;
	[tilespmem:s31+$0x20] =	vst v4;
	v4 =	vmul.f32 v29, v26  }
0xaa: {  	v33 =	vld [tilespmem:s31+$0x60]  }
0xab: {  	[tilespmem:s31+$0x30] =	vst v4;
	v4 =	vmul.f32 v30, v31  }
0xac: {  	v34 =	vld [tilespmem:s31+$0x70]  }
0xad: {  	[tilespmem:s31+$0x40] =	vst v4;
	v4 =	vmul.f32 v32, v31  }
0xae: {  	v35 =	vld [tilespmem:s31+$0x80]  }
0xaf: {  	[tilespmem:s31+$0x50] =	vst v4;
	v4 =	vmul.f32 v33, v31  }
0xb0: {  	v37 =	vld [tilespmem:s31+$0x90]  }
0xb1: {  	v36 =	vbroadcast v3, $0xA;
	[tilespmem:s31+$0x60] =	vst v4;
	v4 =	vmul.f32 v34, v31  }
0xb2: {  	v38 =	vld [tilespmem:s31+$0xA0]  }
0xb3: {  	[tilespmem:s31+$0x70] =	vst v4;
	v4 =	vmul.f32 v35, v36  }
0xb4: {  	v39 =	vld [tilespmem:s31+$0xB0]  }
0xb5: {  	[tilespmem:s31+$0x80] =	vst v4;
	v4 =	vmul.f32 v37, v36  }
0xb6: {  	v40 =	vld [tilespmem:s31+$0xC0]  }
0xb7: {  	[tilespmem:s31+$0x90] =	vst v4;
	v4 =	vmul.f32 v38, v36  }
0xb8: {  	v42 =	vld [tilespmem:s31+$0xD0]  }
0xb9: {  	v41 =	vbroadcast v3, $0xB;
	[tilespmem:s31+$0xA0] =	vst v4;
	v4 =	vmul.f32 v39, v36  }
0xba: {  	v43 =	vld [tilespmem:s31+$0xE0]  }
0xbb: {  	[tilespmem:s31+$0xB0] =	vst v4;
	v4 =	vmul.f32 v40, v41  }
0xbc: {  	v44 =	vld [tilespmem:s31+$0xF0]  }
0xbd: {  	[tilespmem:s31+$0xC0] =	vst v4;
	v4 =	vmul.f32 v42, v41  }
0xbe: {  	v45 =	vld [tilespmem:s31+$0x100]  }
0xbf: {  	[tilespmem:s31+$0xD0] =	vst v4;
	v4 =	vmul.f32 v43, v41  }
0xc0: {  	v47 =	vld [tilespmem:s31+$0x110]  }
0xc1: {  	v46 =	vbroadcast v3, $0xC;
	[tilespmem:s31+$0xE0] =	vst v4;
	v4 =	vmul.f32 v44, v41  }
0xc2: {  	v48 =	vld [tilespmem:s31+$0x120]  }
0xc3: {  	[tilespmem:s31+$0xF0] =	vst v4;
	v4 =	vmul.f32 v45, v46  }
0xc4: {  	v49 =	vld [tilespmem:s31+$0x130]  }
0xc5: {  	[tilespmem:s31+$0x100] =	vst v4;
	v4 =	vmul.f32 v47, v46  }
0xc6: {  	v50 =	vld [tilespmem:s31+$0x140]  }
0xc7: {  	[tilespmem:s31+$0x110] =	vst v4;
	v4 =	vmul.f32 v48, v46  }
0xc8: {  	v52 =	vld [tilespmem:s31+$0x150]  }
0xc9: {  	v51 =	vbroadcast v3, $0xD;
	[tilespmem:s31+$0x120] =	vst v4;
	v4 =	vmul.f32 v49, v46  }
0xca: {  	v53 =	vld [tilespmem:s31+$0x160]  }
0xcb: {  	[tilespmem:s31+$0x130] =	vst v4;
	v4 =	vmul.f32 v50, v51  }
0xcc: {  	v54 =	vld [tilespmem:s31+$0x170]  }
0xcd: {  	[tilespmem:s31+$0x140] =	vst v4;
	v4 =	vmul.f32 v52, v51  }
0xce: {  	v55 =	vld [tilespmem:s31+$0x180]  }
0xcf: {  	[tilespmem:s31+$0x150] =	vst v4;
	v4 =	vmul.f32 v53, v51  }
0xd0: {  	v57 =	vld [tilespmem:s31+$0x190]  }
0xd1: {  	v56 =	vbroadcast v3, $0xE;
	[tilespmem:s31+$0x160] =	vst v4;
	v4 =	vmul.f32 v54, v51  }
0xd2: {  	v58 =	vld [tilespmem:s31+$0x1A0]  }
0xd3: {  	[tilespmem:s31+$0x170] =	vst v4;
	v4 =	vmul.f32 v55, v56  }
0xd4: {  	v59 =	vld [tilespmem:s31+$0x1B0]  }
0xd5: {  	[tilespmem:s31+$0x180] =	vst v4;
	v4 =	vmul.f32 v57, v56  }
0xd6: {  	v60 =	vld [tilespmem:s31+$0x1C0]  }
0xd7: {  	[tilespmem:s31+$0x190] =	vst v4;
	v4 =	vmul.f32 v58, v56  }
0xd8: {  	v61 =	vld [tilespmem:s31+$0x1D0]  }
0xd9: {  	v3 =	vbroadcast v3, $0xF;
	[tilespmem:s31+$0x1A0] =	vst v4;
	v4 =	vmul.f32 v59, v56  }
0xda: {  	v62 =	vld [tilespmem:s31+$0x1E0]  }
0xdb: {  	v63 =	vld [tilespmem:s31+$0x1F0];
	[tilespmem:s31+$0x1B0] =	vst v4;
	v4 =	vmul.f32 v60, v3;
	_ =	sdelay $0x1  }
0xdc: {  	p1 =	sne.s32 s0, $0x100;
	[tilespmem:s31+$0x1C0] =	vst v4;
	v4 =	vmul.f32 v61, v3  }
.Ltmp1:
0xdd: {  	_ = 	snop;
	(pc) =	sbr.rel @p1 .LBB2_5-.Ltmp1, $4  }
0xde: {  	[tilespmem:s31+$0x1D0] =	vst v4;
	v4 =	vmul.f32 v62, v3  }
0xdf: {  	v3 =	vmul.f32 v63, v3  }
0xe0: {  	[tilespmem:s31+$0x1E0] =	vst v4  }
0xe1: {  	s0 =	sadd.s32 $0x40, s0;
	[tilespmem:s31+$0x1F0] =	vst v3;
	s31 =	sadd.s32 $0x400, s31  }
0xe2: {  	s30 =	sadd.s32 $0x1, s30  }
0xe3: {  	p1 =	sne.s32 s30, $0x271  }
.Ltmp2:
0xe4: {  	_ = 	snop;
	(pc) =	sbr.rel @p1 .LBB2_4-.Ltmp2, $4  }
0xe5: {  	[spmem:s2] =	stream.indirect.scatter.add.f32 [tilespmem:s24], [sflag:$0x2], $0x40, s28, s21, $0xb8;
	[tilespmem:$0x1D540] =	vst v63  }
0xe6: {  	_ =	swait.ge [sflag:s20], $0x1400  }
0xe7: {  	[sflag:s20] =	ssyncset.done $0x0  }
0xe8: {  	[sflag:s20] =	ssyncadd.s32 $0xFFFFEC00  }
0xe9: {  	s0 =	stileid.u32  }
0xea: {  	s0 =	sshll.u32 s0, $0x6  }
0xeb: {  	[bflag:$0x0] =	sbarrier.arrive $0xFFFF;
	s0 =	sor.u32 $0x1C02, s0  }
0xec: {  	[hbm:s16], [sflag:s0] =	dma.local [spmem:s22], $0x30C0  }
0xed: {  	_ =	swait.ge [sflag:s20], $0x30C0  }
0xee: {  	s3 =	sadd.s32 $0x1, s3;
	[sflag:s20] =	ssyncset.done $0x0  }
0xef: {  	p1 =	sne.s32 s3, s18;
	[sflag:s20] =	ssyncadd.s32 $0xFFFFCF40  }
0xf0: {  	[hbm:s17], [sflag:s0] =	dma.local @!p0 [spmem:s25], $0x140  }
.Ltmp3:
0xf1: {  	_ = 	snop;
	(pc) =	sbr.rel @p1 .LBB2_1-.Ltmp3, $4  }
0xf2: {  	s0 =	simm.s32 @!p0 $0x2  }
0xf3: {  	_ =	swait.ge @!p0 [sflag:s0], $0x140  }
0xf4: {  	[sflag:s0] =	ssyncset.done @!p0 $0x0  }
0xf5: {  	[sflag:s0] =	ssyncadd.s32 @!p0 $0xFFFFFEC0  }
0xf6: {  	_ =	sfence.sel $0x180000  }
0xf7: {  	[bflag:$0x0] =	sbarrier.arrive $0xFFFF  }
0xf8: {  	_ =	strace $0x9000004A  }
0xf9: {  	[bflag:$0x2] =	sbarrier.arrive $0xFFFF  }
0xfa: {  	s0 =	rddreg [dreg:$0x3]  }
0xfb: {  	s0 =	sadd.s32 @!p0 $0x100000, s0  }
0xfc: {  	[sflag:s0] =	ssyncadd.tile.s32 @!p0 $0x1;
	_ =	shalt  }
.Lfunc_end2:
_tile_overlayer_lowered:
.L_overlay_start_2:
0xfd: {  	(tag) =	ssettag $0x2  }
0xfe: {  	s0 =	rddreg [dreg:$0x0];
	s2 =	stileid.u32  }
0xff: {  	s1 =	rddreg [dreg:$0x1];
	p0 =	sne.s32 s2, $0x0  }
0x100: {  	s3 =	rddreg [dreg:$0x2];
	[bflag:$0x3] =	sbarrier.arrive $0xFFFF;
	s2 =	simm.s32 @!p0 $0x1C02  }
0x101: {  	[timem:s3], [sflag:s2] =	dma.local @!p0 [hbm:s0], s1  }
0x102: {  	s0 =	simm.s32 @!p0 $0x2  }
0x103: {  	_ =	swait.ge @!p0 [sflag:s0], s1  }
0x104: {  	s1 =	ssub.s32 @!p0 $0x0, s1;
	[sflag:s0] =	ssyncset.done @!p0 $0x0  }
0x105: {  	[sflag:s0] =	ssyncadd.s32 @!p0 s1  }
0x106: {  	[bflag:$0x3] =	sbarrier.arrive $0xFFFF  }
0x107: {  	_ =	shalt  }

// kernel: lightgcn_user_gather.3.cloned.1.call-start
scs
__scs_entry_jumppad:
0x0: {  	(pc) =	sbr.rel $0x88, $3  }
0x1: {  	(tag) =	ssettag $0x0;
	lr =	simm.s32 $0x1  }
0x2: {  	[smem:$0x3F9C] =	sst lr;
	_ =	strace $0xD0000000  }
0x3: {  	_ = 	snop  }
0x4: {  	_ = 	snop  }
0x5: {  	_ = 	snop  }
0x6: {  	_ = 	snop  }
0x7: {  	_ = 	snop  }
__scs_overlays_trampoline_lowered:
0x8: {  	[smem:$0x3FAB] =	sst s0  }
0x9: {  	[smem:$0x3FAC] =	sst s1  }
0xa: {  	[smem:$0x3FAD] =	sst s2  }
0xb: {  	[smem:$0x3FAE] =	sst s3  }
0xc: {  	[smem:$0x3FAF] =	sst s4  }
0xd: {  	[smem:$0x3FB0] =	sst s5  }
0xe: {  	[smem:$0x3FB1] =	sst s6  }
0xf: {  	[smem:$0x3FB2] =	sst s7  }
0x10: {  	[smem:$0x3FB3] =	sst s8  }
0x11: {  	[smem:$0x3FB4] =	sst s9;
	s0 =	simm.s32 @!p0 $0x0  }
0x12: {  	s1 =	sld [smem:$0x3F9A];
	s0 =	simm.s32 @p0 $0x1  }
0x13: {  	[smem:$0x3FB5] =	sst s0;
	s0 =	simm.s32 @!p1 $0x0  }
0x14: {  	s2 =	sld [smem:$0x3F99];
	s0 =	simm.s32 @p1 $0x1  }
0x15: {  	[smem:$0x3FB6] =	sst s0;
	s0 =	simm.s32 @!p2 $0x0  }
0x16: {  	s3 =	sld [smem:$0x3FDB];
	s0 =	simm.s32 @p2 $0x1  }
0x17: {  	s4 =	simm.s32 $0x1BF5;
	[smem:$0x3FB8] =	sst s0  }
0x18: {  	s0 =	sld [smem:$0x3F9B];
	_ =	swait.ge [sflag:s4], $0x0  }
0x19: {  	s7 =	sld [smem:$0x3F9C]  }
0x1a: {  	s8 =	sadd.s32 $0xFFFFE003, lr  }
0x1b: {  	s9 =	sadd.s32 $0xFFFFFEF7, lr;
	s5 =	simm.s32 $0xFFFFFFFF;
	p2 =	slt.u32 s8, $0xFFFFF086  }
0x1c: {  	p1 =	slt.u32 s9, $0xF7A;
	s5 =	simm.s32 @!p2 $0x0  }
0x1d: {  	s5 =	simm.s32 @p1 $0x1;
	p0 =	seq.s32 s7, s2  }
0x1e: {  	s7 =	smul.u32 @!p0 $0xF7A, s2;
	p2 =	seq.s32 @!p0 s5, $0x0  }
0x1f: {  	s9 =	smul.u32 $0xF7A, s1;
	s8 =	simm.s32 @!p0 $0x1BF5;
	p2 =	por !p2, p0  }
0x20: {  	[sflag:s8] =	ssyncset.s32 @!p0 $0xFFFFF086;
	s6 =	sadd.s32 @!p0 s3, s7;
	s7 =	simm.s32 @!p0 $0x108  }
0x21: {  	s3 =	sadd.s32 s3, s9;
	s6 =	sadd.s32 @!p0 $0x88, s6;
	s7 =	simm.s32 @p2 $0x1082  }
0x22: {  	[simem:s7], [sflag:s8] =	dma.local @!p0 [hbm:s6], $0xF7A  }
0x23: {  	s9 =	sor.u32 $0xD0000000, s2;
	s6 =	simm.s32 $0x108;
	_ =	swait.ge @!p0 [sflag:s8], $0x0  }
0x24: {  	s3 =	sadd.s32 $0x88, s3;
	s6 =	simm.s32 @!p1 $0x1082;
	[sflag:s4] =	ssyncset.s32 $0xFFFFF086  }
0x25: {  	[simem:s6], [sflag:s4] =	dma.local [hbm:s3], $0xF7A  }
0x26: {  	[smem:$0x3F9C] =	sst s1;
	(tag) =	ssettag s2;
	_ =	strace s9  }
0x27: {  	s1 =	sld [smem:$0x3FAC]  }
0x28: {  	s2 =	sld [smem:$0x3FAD]  }
0x29: {  	s4 =	sld [smem:$0x3FAF]  }
0x2a: {  	p0 =	seq.s32 s5, $0x0;
	s5 =	sld [smem:$0x3FB0]  }
0x2b: {  	s6 =	sld [smem:$0x3FB1]  }
0x2c: {  	s7 =	sld [smem:$0x3FB2]  }
0x2d: {  	s3 =	simm.s32 $0x108;
	s8 =	sld [smem:$0x3FB3]  }
0x2e: {  	s3 =	simm.s32 @!p0 $0x1082;
	s9 =	sld [smem:$0x3FB4]  }
0x2f: {  	lr =	sadd.s32 s0, s3;
	s0 =	sld [smem:$0x3FAB]  }
0x30: {  	s3 =	sld [smem:$0x3FAE]  }
0x31: {  	[smem:$0x3FB7] =	sst s10  }
0x32: {  	s10 =	sld [smem:$0x3FB5];
	_ =	sdelay $0x3  }
0x33: {  	p0 =	seq.s32 s10, $0x1;
	s10 =	sld [smem:$0x3FB7];
	_ =	sdelay $0x3  }
0x34: {  	[smem:$0x3FB7] =	sst s10  }
0x35: {  	s10 =	sld [smem:$0x3FB6];
	_ =	sdelay $0x3  }
0x36: {  	p1 =	seq.s32 s10, $0x1;
	s10 =	sld [smem:$0x3FB7];
	_ =	sdelay $0x3  }
0x37: {  	[smem:$0x3FB7] =	sst s10  }
0x38: {  	s10 =	sld [smem:$0x3FB8]  }
0x39: {  	_ = 	snop;
	(pc) =	sbr.ind lr, $3  }
0x3a: {  	_ = 	snop  }
0x3b: {  	_ = 	snop  }
0x3c: {  	p2 =	seq.s32 s10, $0x1;
	s10 =	sld [smem:$0x3FB7]  }
0x3d: {  	_ =	shalt  }
0x3e: {  	_ =	shalt  }
0x3f: {  	_ =	shalt  }
0x40: {  	_ =	shalt  }
0x41: {  	_ =	shalt  }
0x42: {  	_ =	shalt  }
0x43: {  	_ =	shalt  }
0x44: {  	_ =	shalt  }
0x45: {  	_ =	shalt  }
0x46: {  	_ =	shalt  }
0x47: {  	_ =	shalt  }
0x48: {  	_ =	shalt  }
0x49: {  	_ =	shalt  }
0x4a: {  	_ =	shalt  }
0x4b: {  	_ =	shalt  }
0x4c: {  	_ =	shalt  }
0x4d: {  	_ =	shalt  }
0x4e: {  	_ =	shalt  }
0x4f: {  	_ =	shalt  }
0x50: {  	_ =	shalt  }
0x51: {  	_ =	shalt  }
0x52: {  	_ =	shalt  }
0x53: {  	_ =	shalt  }
0x54: {  	_ =	shalt  }
0x55: {  	_ =	shalt  }
0x56: {  	_ =	shalt  }
0x57: {  	_ =	shalt  }
0x58: {  	_ =	shalt  }
0x59: {  	_ =	shalt  }
0x5a: {  	_ =	shalt  }
0x5b: {  	_ =	shalt  }
0x5c: {  	_ =	shalt  }
0x5d: {  	_ =	shalt  }
0x5e: {  	_ =	shalt  }
0x5f: {  	_ =	shalt  }
0x60: {  	_ =	shalt  }
0x61: {  	_ =	shalt  }
0x62: {  	_ =	shalt  }
0x63: {  	_ =	shalt  }
0x64: {  	_ =	shalt  }
0x65: {  	_ =	shalt  }
0x66: {  	_ =	shalt  }
0x67: {  	_ =	shalt  }
0x68: {  	_ =	shalt  }
0x69: {  	_ =	shalt  }
0x6a: {  	_ =	shalt  }
0x6b: {  	_ =	shalt  }
0x6c: {  	_ =	shalt  }
0x6d: {  	_ =	shalt  }
0x6e: {  	_ =	shalt  }
0x6f: {  	_ =	shalt  }
0x70: {  	_ =	shalt  }
0x71: {  	_ =	shalt  }
0x72: {  	_ =	shalt  }
0x73: {  	_ =	shalt  }
0x74: {  	_ =	shalt  }
0x75: {  	_ =	shalt  }
0x76: {  	_ =	shalt  }
0x77: {  	_ =	shalt  }
0x78: {  	_ =	shalt  }
0x79: {  	_ =	shalt  }
0x7a: {  	_ =	shalt  }
0x7b: {  	_ =	shalt  }
0x7c: {  	_ =	shalt  }
0x7d: {  	_ =	shalt  }
0x7e: {  	_ =	shalt  }
0x7f: {  	_ =	shalt  }
0x80: {  	_ =	shalt  }
0x81: {  	_ =	shalt  }
0x82: {  	_ =	shalt  }
0x83: {  	_ =	shalt  }
0x84: {  	_ =	shalt  }
0x85: {  	_ =	shalt  }
0x86: {  	_ =	shalt  }
0x87: {  	_ =	shalt  }
.Lfunc_end0:
.L_simem_size_0:
called_computation.3_lowered:
.L_overlay_start_0:
0x88: {  	s2 =	sld [smem:$0x3FD9]  }
0x89: {  	s3 =	sld [smem:$0x3FFE];
	_ =	sdelay $0x1  }
0x8a: {  	s1 =	srdreg.scid  }
0x8b: {  	s0 =	sand.u32 $0x1, s1  }
0x8c: {  	s17 =	sshll.u32 s0, $0xA;
	s2 =	sadd.s32 s3, s2  }
0x8d: {  	s2 =	sadd.s32 s2, s17  }
0x8e: {  	[smem:$0x3FC3] =	sst s2  }
0x8f: {  	_ = 	snop  }
0x90: {  	s2 =	sld [smem:$0x3FC5];
	(tm) =	ssettm $0x1  }
0x91: {  	s18 =	sld [smem:$0x3FFB];
	_ =	sdelay $0x3  }
0x92: {  	_ =	strace s18  }
0x93: {  	s3 =	sld [smem:$0x3FFC];
	_ =	sdelay $0x3  }
0x94: {  	_ =	strace s3  }
0x95: {  	s3 =	sld [smem:$0x3FFD];
	_ =	sdelay $0x3  }
0x96: {  	_ =	strace s3  }
0x97: {  	_ =	strace $0x8FFFFFFF  }
0x98: {  	s19 =	sld [smem:$0x3FDB];
	_ =	sdelay $0x1  }
0x99: {  	s4 =	simm.s32 $_scs_section_size  }
0x9a: {  	s5 =	simm.s32 $_size__tile_overlayer_lowered;
	s6 =	simm.s32 $_tile_overlayer_lowered  }
0x9b: {  	s22 =	simm.s32 $0x1BFF;
	s21 =	sshll.u32 s6, $0x1;
	s3 =	sadd.s32 s4, s19  }
0x9c: {  	s7 =	simm.s32 $0x0;
	s20 =	sshll.u32 s5, $0x1;
	s5 =	sadd.s32 s21, s3  }
0x9d: {  	[timem:s7], [sflag:s22] =	dma.local [hbm:s5], s20  }
0x9e: {  	_ =	swait.ge [sflag:s22], s20  }
0x9f: {  	s4 =	ssub.s32 $0x0, s20;
	[sflag:s22] =	ssyncset.done $0x0  }
0xa0: {  	[sflag:s22] =	ssyncadd.s32 s4;
	_ =	sdelay $0x1  }
0xa1: {  	s23 =	simm.s32 $0x1B8B  }
0xa2: {  	_ =	swait.ge [sflag:s23], $0x1  }
0xa3: {  	[sflag:s23] =	ssyncset.done $0x0  }
0xa4: {  	s25 =	simm.s32 $0x1B8E;
	s24 =	sld [smem:$0x3FFE];
	[sflag:s23] =	ssyncadd.s32 $0xFFFFFFFF  }
0xa5: {  	s26 =	simm.s32 $execute0_lowered;
	[smem:$0x3FD2] =	sst s25  }
0xa6: {  	s5 =	sshll.u32 s26, $0x1;
	_ =	strace $0x8000004F;
	[dreg:$0x1] =	wrdreg $0xFFFFFFFF  }
0xa7: {  	s28 =	simm.s32 $_size_execute0_lowered;
	s3 =	sadd.s32 s3, s5;
	[dreg:$0x0] =	wrdreg $0x0  }
0xa8: {  	s5 =	sshll.u32 s28, $0x1;
	[dreg:$0x2] =	wrdreg s3  }
0xa9: {  	[dreg:$0x3] =	wrdreg s5  }
0xaa: {  	[dreg:$0x4] =	wrdreg $0xC0  }
0xab: {  	_ =	task [dreg:s7], $0x5FFFF  }
0xac: {  	[dreg:$0x1] =	wrdreg $0xFFFFFFFF  }
0xad: {  	[dreg:$0x0] =	wrdreg $0x60  }
0xae: {  	[dreg:$0x2] =	wrdreg s24  }
0xaf: {  	[dreg:$0x3] =	wrdreg s2  }
0xb0: {  	[dreg:$0x4] =	wrdreg $0x9  }
0xb1: {  	_ =	task.clear_ibuf [dreg:s7], $0x5FFFF;
	_ =	strace $0x9000004F  }
0xb2: {  	s29 =	simm.s32 $0x9;
	_ =	strace $0x80000051  }
0xb3: {  	_ =	swait.ge [sflag:s29], $0x1  }
0xb4: {  	[sflag:s29] =	ssyncadd.s32 $0xFFFFFFFF  }
0xb5: {  	_ =	strace $0x90000051  }
0xb6: {  	_ =	sfence  }
0xb7: {  	s30 =	sld [smem:$0x0];
	_ =	sdelay $0x2  }
0xb8: {  	s31 =	sshll.u32 s1, $0xD;
	s1 =	sshrl.u32 s1, $0x2  }
0xb9: {  	s3 =	sand.u32 $0x4000, s31;
	s1 =	sadd.s32 s1, s30  }
0xba: {  	s0 =	sor.u32 s3, s0;
	s1 =	sshll.u32 s1, $0x11  }
0xbb: {  	s0 =	sor.u32 s1, s0  }
0xbc: {  	s0 =	sadd.s32 $0x8F2B, s0  }
0xbd: {  	[sflag:s0] =	ssyncadd.remote.s32 $0x1  }
0xbe: {  	_ =	sfence.sel $0xFFFF  }
0xbf: {  	[dreg:$0x0] =	wrdreg $0xFFFFFFFF;
	(pc) =	sbr.abs _section_cstart, $3  }
0xc0: {  	[dreg:$0x1] =	wrdreg $0xFFFFFFFF  }
0xc1: {  	_ =	task.clear_ibuf [dreg:s7], $0x2FFFF;
	_ =	strace $0x9FFFFFFF  }
0xc2: {  	(tm) =	ssettm $0x7FFFFFFF  }
0xc3: {  	_ =	shalt  }
tec
execute0_lowered:
.L_overlay_start_1:
0x0: {  	(tag) =	ssettag $0x1  }
0x1: {  	s7 =	rddreg [dreg:$0x0]  }
0x2: {  	s8 =	rddreg [dreg:$0x1]  }
0x3: {  	s0 =	rddreg [dreg:$0x2];
	s1 =	simm.s32 $0x0  }
0x4: {  	s4 =	srdreg.scid;
	s2 =	stileid.u32;
	s13 =	simm.s32 $0x1  }
0x5: {  	s14 =	simm.s32 $0x820;
	s15 =	simm.s32 $0x0;
	[smem:$0x7FF] =	sst s1  }
0x6: {  	s3 =	sadd.s32 $0x95C00, s7;
	s6 =	sand.u32 $0x1, s4;
	s4 =	sadd.s32 $0xF7800, s7  }
0x7: {  	s9 =	sshll.u32 s2, $0x6;
	s5 =	sadd.s32 $0x159400, s7;
	s10 =	sshll.u32 s6, $0x5  }
0x8: {  	_ =	strace $0x80000050;
	s30 =	ssub.s32 $0x2, s6;
	s9 =	sor.u32 s10, s9  }
0x9: {  	s6 =	sadd.s32 $0x1BB000, s7;
	s12 =	sshrl.u32 s30, $0x1;
	s11 =	sshll.u32 s9, $0x3  }
0xa: {  	s10 =	ssub.s32 s30, s12;
	s31 =	sshrl.u32 s9, $0x3;
	s12 =	simm.s32 $0x1020  }
0xb: {  	s11 =	sadd.s32 s11, s7;
	s7 =	sadd.s32 s8, s31;
	s9 =	smax.u32 s10, $0x1  }
0xc: {  	s10 =	simm.s32 $0x2;
	s8 =	sadd.s32 $0x3000, s11;
	s11 =	simm.s32 $0x20  }
.LBB2_1:
0xd: {  	[tilespmem:s1], [sflag:$0x2] =	stream.linear.gather [hbm4b:s7+s1], $0x20, $0x38;
	[tilespmem:$0x1820] =	vst v63  }
0xe: {  	_ =	swait.ge [sflag:s10], $0x20  }
0xf: {  	[sflag:s10] =	ssyncset.done $0x0  }
0x10: {  	[sflag:s10] =	ssyncadd.s32 $0xFFFFFFE0  }
0x11: {  	[tilespmem:s12], [sflag:$0x1] =	stream.indirect.gather [hbm4b:s3+s11], $0x40, s1, s11, $0xb8;
	[tilespmem:$0x1820] =	vst v63  }
0x12: {  	_ =	swait.ge [sflag:s13], $0x800  }
0x13: {  	[sflag:s13] =	ssyncset.done $0x0  }
0x14: {  	[sflag:s13] =	ssyncadd.s32 $0xFFFFF800  }
0x15: {  	[tilespmem:s11], [sflag:$0x1] =	stream.indirect.gather [hbm4b:s4+s11], $0x40, s1, s11, $0xb8;
	[tilespmem:$0x1820] =	vst v63  }
0x16: {  	_ =	swait.ge [sflag:s13], $0x800  }
0x17: {  	[sflag:s13] =	ssyncset.done $0x0  }
0x18: {  	[sflag:s13] =	ssyncadd.s32 $0xFFFFF800  }
0x19: {  	[tilespmem:s14], [sflag:$0x1] =	stream.indirect.gather [hbm4b:s5+s11], $0x40, s1, s11, $0xb8;
	[tilespmem:$0x1820] =	vst v63  }
0x1a: {  	_ =	swait.ge [sflag:s13], $0x800  }
0x1b: {  	[sflag:s13] =	ssyncset.done $0x0  }
0x1c: {  	s16 =	simm.s32 $0x0;
	[sflag:s13] =	ssyncadd.s32 $0xFFFFF800  }
0x1d: {  	v5 =	vld [tilespmem:s16+$0x820]  }
0x1e: {  	v4 =	vld [tilespmem:s16+$0x830]  }
0x1f: {  	v3 =	vld [tilespmem:s16+$0x20]  }
0x20: {  	v2 =	vld [tilespmem:s16+$0x30]  }
0x21: {  	v1 =	vld [tilespmem:s16+$0x40]  }
0x22: {  	v0 =	vld [tilespmem:s16+$0x50]  }
0x23: {  	v7 =	vld [tilespmem:s16+$0x1020]  }
0x24: {  	v8 =	vld [tilespmem:s16+$0x1030]  }
0x25: {  	s17 =	simm.s32 $0x100;
	v6 =	vld [tilespmem:s16+$0x1040]  }
.LBB2_2:
0x26: {  	p0 =	sne.s32 s17, $0x1F00;
	v9 =	vld [tilespmem:s16+$0x1050]  }
0x27: {  	v10 =	vld [tilespmem:s16+$0x840]  }
0x28: {  	s18 =	sshra.s32 s17, $0x2;
	v3 =	vadd.f32 v3, v7;
	v7 =	vld [tilespmem:s16+$0x850]  }
0x29: {  	v11 =	vld [tilespmem:s18+$0x820];
	v2 =	vadd.f32 v2, v8  }
0x2a: {  	v8 =	vld [tilespmem:s18+$0x830];
	v5 =	vadd.f32 v5, v3;
	v1 =	vadd.f32 v1, v6  }
0x2b: {  	v3 =	vld [tilespmem:s18+$0x20];
	v4 =	vadd.f32 v4, v2;
	v0 =	vadd.f32 v0, v9  }
0x2c: {  	v2 =	vld [tilespmem:s18+$0x30];
	[tilespmem:s16+$0x1020] =	vst v5;
	v6 =	vadd.f32 v10, v1  }
.Ltmp0:
0x2d: {  	v1 =	vld [tilespmem:s18+$0x40];
	[tilespmem:s16+$0x1030] =	vst v4;
	v9 =	vadd.f32 v7, v0;
	(pc) =	sbr.rel @p0 .LBB2_2-.Ltmp0, $4  }
0x2e: {  	v0 =	vld [tilespmem:s18+$0x50];
	[tilespmem:s16+$0x1040] =	vst v6;
	v5 =	vmov v11  }
0x2f: {  	v7 =	vld [tilespmem:s18+$0x1020];
	[tilespmem:s16+$0x1050] =	vst v9;
	v4 =	vmov v8;
	s16 =	smov.u32 s18  }
0x30: {  	v8 =	vld [tilespmem:s16+$0x1030]  }
0x31: {  	s17 =	sadd.s32 $0x100, s17;
	v6 =	vld [tilespmem:s16+$0x1040]  }
0x32: {  	v9 =	vld [tilespmem:s16+$0x1050]  }
0x33: {  	v10 =	vld [tilespmem:s16+$0x840]  }
0x34: {  	v3 =	vadd.f32 v3, v7;
	v7 =	vld [tilespmem:s16+$0x850]  }
0x35: {  	v2 =	vadd.f32 v2, v8  }
0x36: {  	v3 =	vadd.f32 v5, v3;
	v1 =	vadd.f32 v1, v6  }
0x37: {  	v2 =	vadd.f32 v4, v2;
	v0 =	vadd.f32 v0, v9  }
0x38: {  	[tilespmem:s16+$0x1020] =	vst v3;
	v1 =	vadd.f32 v10, v1  }
0x39: {  	[tilespmem:s16+$0x1030] =	vst v2;
	v0 =	vadd.f32 v7, v0  }
0x3a: {  	[tilespmem:s16+$0x1040] =	vst v1  }
0x3b: {  	s31 =	simm.s32 $0x0;
	[tilespmem:s16+$0x1050] =	vst v0  }
0x3c: {  	[tilespmem:s11], [sflag:$0x1] =	stream.indirect.gather [hbm4b:s6+s11], $0x40, s31, s11, $0xb8;
	[tilespmem:$0x1820] =	vst v63  }
0x3d: {  	_ =	swait.ge [sflag:s13], $0x800  }
0x3e: {  	[sflag:s13] =	ssyncset.done $0x0  }
0x3f: {  	s16 =	simm.s32 $0x0;
	[sflag:s13] =	ssyncadd.s32 $0xFFFFF800  }
0x40: {  	v5 =	vld [tilespmem:s16+$0x20]  }
0x41: {  	v6 =	vld [tilespmem:s16+$0x30]  }
0x42: {  	v1 =	vld [tilespmem:s16+$0x40]  }
0x43: {  	v0 =	vld [tilespmem:s16+$0x50]  }
0x44: {  	v2 =	vld [tilespmem:s16+$0x1020]  }
0x45: {  	v4 =	vld [tilespmem:s16+$0x1030]  }
0x46: {  	s17 =	simm.s32 $0x100;
	v3 =	vld [tilespmem:s16+$0x1040]  }
.LBB2_4:
0x47: {  	s18 =	sshra.s32 s17, $0x2;
	p0 =	sne.s32 s17, $0x1F00;
	v7 =	vld [tilespmem:s16+$0x1050];
	v8 =	vmov v1  }
0x48: {  	v9 =	vld [tilespmem:s18+$0x20];
	v10 =	vmov v0  }
0x49: {  	v11 =	vld [tilespmem:s18+$0x30];
	v2 =	vadd.f32 v5, v2  }
.Ltmp1:
0x4a: {  	v1 =	vld [tilespmem:s18+$0x40];
	v4 =	vadd.f32 v6, v4;
	(pc) =	sbr.rel @p0 .LBB2_4-.Ltmp1, $4  }
0x4b: {  	v0 =	vld [tilespmem:s18+$0x50];
	[tilespmem:s16+$0x1020] =	vst v2;
	v3 =	vadd.f32 v8, v3  }
0x4c: {  	v2 =	vld [tilespmem:s18+$0x1020];
	[tilespmem:s16+$0x1030] =	vst v4;
	v7 =	vadd.f32 v10, v7  }
0x4d: {  	v4 =	vld [tilespmem:s18+$0x1030];
	[tilespmem:s16+$0x1040] =	vst v3;
	v5 =	vmov v9  }
0x4e: {  	s17 =	sadd.s32 $0x100, s17;
	v3 =	vld [tilespmem:s18+$0x1040];
	[tilespmem:s16+$0x1050] =	vst v7;
	v6 =	vmov v11;
	s16 =	smov.u32 s18  }
0x4f: {  	v7 =	vld [tilespmem:s16+$0x1050];
	_ =	sdelay $0x1  }
0x50: {  	v2 =	vadd.f32 v5, v2  }
0x51: {  	v4 =	vadd.f32 v6, v4  }
0x52: {  	[tilespmem:s16+$0x1020] =	vst v2;
	v1 =	vadd.f32 v1, v3  }
0x53: {  	s15 =	sadd.s32 $0x1, s15;
	[tilespmem:s16+$0x1030] =	vst v4;
	v0 =	vadd.f32 v0, v7  }
0x54: {  	p0 =	sne.s32 s15, s9;
	[tilespmem:s16+$0x1040] =	vst v1  }
.Ltmp2:
0x55: {  	[tilespmem:s16+$0x1050] =	vst v0;
	(pc) =	sbr.rel @p0 .LBB2_1-.Ltmp2, $4  }
0x56: {  	[hbm4b:s8+s1] =	stream.linear.scatter [tilespmem:s12], [sflag:$0x2], $0x800, $0x38;
	[tilespmem:$0x1820] =	vst v63  }
0x57: {  	_ =	swait.ge [sflag:s10], $0x800  }
0x58: {  	[sflag:s10] =	ssyncset.done $0x0  }
0x59: {  	[sflag:s10] =	ssyncadd.s32 $0xFFFFF800  }
0x5a: {  	_ =	sfence.sel $0x180000  }
0x5b: {  	[bflag:$0x0] =	sbarrier.arrive $0xFFFF  }
0x5c: {  	p0 =	sne.s32 s2, $0x0;
	_ =	strace $0x90000050  }
0x5d: {  	s0 =	sadd.s32 @!p0 $0x100000, s0;
	[bflag:$0x2] =	sbarrier.arrive $0xFFFF  }
0x5e: {  	[sflag:s0] =	ssyncadd.tile.s32 @!p0 $0x1;
	_ =	shalt  }
.Lfunc_end2:
_tile_overlayer_lowered:
.L_overlay_start_2:
0x5f: {  	(tag) =	ssettag $0x2  }
0x60: {  	s0 =	rddreg [dreg:$0x0];
	s2 =	stileid.u32  }
0x61: {  	s1 =	rddreg [dreg:$0x1];
	p0 =	sne.s32 s2, $0x0  }
0x62: {  	s3 =	rddreg [dreg:$0x2];
	[bflag:$0x3] =	sbarrier.arrive $0xFFFF;
	s2 =	simm.s32 @!p0 $0x1C02  }
0x63: {  	[timem:s3], [sflag:s2] =	dma.local @!p0 [hbm:s0], s1  }
0x64: {  	s0 =	simm.s32 @!p0 $0x2  }
0x65: {  	_ =	swait.ge @!p0 [sflag:s0], s1  }
0x66: {  	s1 =	ssub.s32 @!p0 $0x0, s1;
	[sflag:s0] =	ssyncset.done @!p0 $0x0  }
0x67: {  	[sflag:s0] =	ssyncadd.s32 @!p0 s1  }
0x68: {  	[bflag:$0x3] =	sbarrier.arrive $0xFFFF  }
0x69: {  	_ =	shalt  }

</sc_bundles>
